<compile_context>
chip_gen: v7x
topology: tpu7x:2x2x1
jax: 0.10.2.dev20260603
libtpu: 0.0.44.dev20260713+nightly
codegen_flags: <defaults>
</compile_context>

<pallas_src>
import functools

import jax
import jax.numpy as jnp
from jax import lax
from jax.experimental import pallas as pl
from jax.experimental.pallas import tpu as pltpu
from jax.experimental.pallas import tpu_sc as plsc

N_MET = 2534
N_RXN = 4881
N_GENE = 6607
H = 128
N_NZ = 50000
N_PAIR = 20000

NC = 2
NS = 16
NW = NC * NS

METP = 2560
RXNP = 4992
GENEP = 6656
TOTC = RXNP + METP + GENEP
TOTCP = 16384

CH_E = 13
CH_G = 5
CH_C = 30


def _mesh():
    return plsc.VectorSubcoreMesh(core_axis_name="c", subcore_axis_name="s",
                                  num_cores=NC, num_subcores=NS)


def _sc_scatter(table, gidx, sidx, w, zeros2d, *, chunks, nout):
    rp = nout // NS
    weighted = w is not None

    scratch = [
        pltpu.VMEM((chunks, 128), jnp.int32),
        pltpu.VMEM((chunks, 128), jnp.int32),
        pltpu.VMEM((2, 128, H), jnp.float32),
        pltpu.VMEM_SHARED((nout, H), jnp.float32),
        pltpu.SemaphoreType.DMA,
    ]
    if weighted:
        scratch.insert(2, pltpu.VMEM((chunks, 128), jnp.float32))

    @functools.partial(
        pl.kernel,
        out_type=jax.ShapeDtypeStruct((NC, nout, H), jnp.float32),
        mesh=_mesh(),
        scratch_types=scratch,
        compiler_params=pltpu.CompilerParams(needs_layout_passes=False),
    )
    def k(*refs):
        if weighted:
            (table_hbm, gidx_hbm, sidx_hbm, w_hbm, z_hbm, out_hbm,
             gidx_v, sidx_v, w_v, rows_v, acc, sem) = refs
        else:
            (table_hbm, gidx_hbm, sidx_hbm, z_hbm, out_hbm,
             gidx_v, sidx_v, rows_v, acc, sem) = refs
        c = lax.axis_index("c")
        s = lax.axis_index("s")
        wid = s * NC + c
        pltpu.sync_copy(gidx_hbm.at[wid], gidx_v)
        pltpu.async_copy(table_hbm.at[gidx_v.at[0]], rows_v.at[0], sem)
        pltpu.sync_copy(sidx_hbm.at[wid], sidx_v)
        if weighted:
            pltpu.sync_copy(w_hbm.at[wid], w_v)
        pltpu.sync_copy(z_hbm.at[pl.ds(0, rp)], acc.at[pl.ds(s * rp, rp)])
        plsc.subcore_barrier()

        def chunk_body(j, _):
            p = lax.rem(j, 2)
            pltpu.make_async_copy(table_hbm.at[gidx_v.at[j]], rows_v.at[p],
                                  sem).wait()

            @pl.when(j + 1 < chunks)
            def _():
                pltpu.async_copy(table_hbm.at[gidx_v.at[j + 1]],
                                 rows_v.at[1 - p], sem)

            if weighted:
                def row_body(i, _):
                    sc_ = plsc.load_gather(
                        w_v, [jnp.full((16,), j, jnp.int32),
                              jnp.full((16,), i, jnp.int32)])
                    for cc in range(H // 16):
                        sl = pl.ds(cc * 16, 16)
                        rows_v[p, i, sl] = rows_v[p, i, sl] * sc_
                    return 0

                lax.fori_loop(0, 128, row_body, 0)

            pltpu.sync_copy(rows_v.at[p], acc.at[sidx_v.at[j]], add=True)
            return 0

        lax.fori_loop(0, chunks, chunk_body, 0)
        plsc.subcore_barrier()
        pltpu.sync_copy(acc.at[pl.ds(s * rp, rp)],
                        out_hbm.at[c, pl.ds(s * rp, rp)])

    if weighted:
        return k(table, gidx, sidx, w, zeros2d)
    return k(table, gidx, sidx, zeros2d)


def _sc_counts(cidx, cw):

    @functools.partial(
        pl.kernel,
        out_type=jax.ShapeDtypeStruct((NW, TOTCP), jnp.float32),
        mesh=_mesh(),
        scratch_types=[
            pltpu.VMEM((CH_C, 128), jnp.int32),
            pltpu.VMEM((CH_C, 128), jnp.float32),
            pltpu.VMEM((TOTCP,), jnp.float32),
        ],
        compiler_params=pltpu.CompilerParams(needs_layout_passes=False),
    )
    def k(cidx_hbm, cw_hbm, out_hbm, idx_v, w_v, hist):
        c = lax.axis_index("c")
        s = lax.axis_index("s")
        wid = s * NC + c
        pltpu.sync_copy(cidx_hbm.at[wid], idx_v)
        pltpu.sync_copy(cw_hbm.at[wid], w_v)

        def zb(i, _):
            hist[pl.ds(i * 16, 16)] = jnp.zeros((16,), jnp.float32)
            return 0

        lax.fori_loop(0, TOTCP // 16, zb, 0)

        def cb(j, _):
            for q in range(8):
                sl = pl.ds(q * 16, 16)
                plsc.addupdate_scatter(hist, [idx_v[j, sl]], w_v[j, sl])
            return 0

        lax.fori_loop(0, CH_C, cb, 0)
        pltpu.sync_copy(hist, out_hbm.at[wid])

    return k(cidx, cw)



def _pre_body(emb_ref, w_ref, out_ref):
    x = emb_ref[...]
    norm = jnp.sqrt(jnp.sum(x * x, axis=1, keepdims=True))
    scale = jnp.minimum(1.0, 1.0 / jnp.maximum(norm, 1e-7))
    out_ref[...] = jnp.dot(x * scale, w_ref[...],
                           preferred_element_type=jnp.float32)


def _tc_pre(emb_p, w0):
    return pl.pallas_call(
        _pre_body,
        out_shape=jax.ShapeDtypeStruct((METP, H), jnp.float32),
    )(emb_p, w0)


def _comb_body(p_ref, c_ref, out_ref):
    inv = 1.0 / jnp.clip(jnp.sum(c_ref[...], axis=0), 1.0, None)
    out_ref[...] = (p_ref[0] + p_ref[1]) * inv[:, None]


def _tc_combine(p, cnt):
    n = p.shape[1]
    return pl.pallas_call(
        _comb_body,
        out_shape=jax.ShapeDtypeStruct((n, H), jnp.float32),
    )(p, cnt)


def _l0_body(q_ref, c_ref, b_ref, w_ref, h_ref, xw_ref):
    inv = 1.0 / jnp.clip(jnp.sum(c_ref[...], axis=0), 1.0, None)
    h = jnp.tanh((q_ref[0] + q_ref[1]) * inv[:, None] + b_ref[...][None, :])
    h_ref[...] = h
    xw_ref[...] = jnp.dot(h, w_ref[...], preferred_element_type=jnp.float32)


def _tc_layer0(q, cnt, b0, w1):
    return pl.pallas_call(
        _l0_body,
        out_shape=[jax.ShapeDtypeStruct((METP, H), jnp.float32),
                   jax.ShapeDtypeStruct((METP, H), jnp.float32)],
    )(q, cnt, b0, w1)


def _l1_body(q_ref, c_ref, b_ref, h_ref, g_ref, be_ref, out_ref):
    inv = 1.0 / jnp.clip(jnp.sum(c_ref[...], axis=0), 1.0, None)
    t = jnp.tanh((q_ref[0] + q_ref[1]) * inv[:, None] + b_ref[...][None, :])
    y = t + h_ref[...]
    mu = jnp.mean(y, axis=1, keepdims=True)
    var = jnp.mean((y - mu) * (y - mu), axis=1, keepdims=True)
    out_ref[...] = ((y - mu) / jnp.sqrt(var + 1e-5) * g_ref[...][None, :]
                    + be_ref[...][None, :])


def _tc_layer1(q, cnt, b1, h, g, be):
    return pl.pallas_call(
        _l1_body,
        out_shape=jax.ShapeDtypeStruct((METP, H), jnp.float32),
    )(q, cnt, b1, h, g, be)


def _padto(x, tot, fill):
    return jnp.pad(x, (0, tot - x.shape[0]), constant_values=fill)


def kernel(hyperedge_index, stoichiometry, gene_x, rxn_gene_rxn_idx,
           rxn_gene_gene_idx, emb_table, W0, b0, W1, b1, ln_gamma, ln_beta):
    del gene_x
    node_idx = hyperedge_index[0].astype(jnp.int32)
    edge_idx = hyperedge_index[1].astype(jnp.int32)
    gr = rxn_gene_rxn_idx.astype(jnp.int32)
    gg = rxn_gene_gene_idx.astype(jnp.int32)

    tot_e = NW * CH_E * 128
    tot_g = NW * CH_G * 128
    sh_e = (NW, CH_E, 128)
    sh_g = (NW, CH_G, 128)
    gA = _padto(node_idx, tot_e, 0).reshape(sh_e)
    sA = _padto(edge_idx, tot_e, 0).reshape(sh_e)
    wA = _padto(stoichiometry, tot_e, 0.0).reshape(sh_e)
    gB = _padto(edge_idx, tot_e, 0).reshape(sh_e)
    sB = _padto(node_idx, tot_e, 0).reshape(sh_e)
    sC = _padto(edge_idx, tot_e, RXNP - 1).reshape(sh_e)
    gD = _padto(gr, tot_g, 0).reshape(sh_g)
    sD = _padto(gg, tot_g, GENEP - 1).reshape(sh_g)

    cidx = jnp.concatenate([edge_idx, node_idx + RXNP, gg + (RXNP + METP)])
    cw = jnp.ones((cidx.shape[0],), jnp.float32)
    tot_c = NW * CH_C * 128
    cidx = _padto(cidx, tot_c, 0).reshape((NW, CH_C, 128))
    cw = _padto(cw, tot_c, 0.0).reshape((NW, CH_C, 128))
    zeros2d = jnp.zeros((512, H), jnp.float32)

    cpart = _sc_counts(cidx, cw)
    cnt_rxn = cpart[:, :RXNP]
    cnt_met = cpart[:, RXNP:RXNP + METP]
    cnt_gene = cpart[:, RXNP + METP:RXNP + METP + GENEP]

    emb_p = jnp.pad(emb_table, ((0, METP - N_MET), (0, 0)))

    xw0 = _tc_pre(emb_p, W0)
    pe0 = _sc_scatter(xw0, gA, sA, wA, zeros2d, chunks=CH_E, nout=RXNP)
    ef0 = _tc_combine(pe0, cnt_rxn)
    pm0 = _sc_scatter(ef0, gB, sB, wA, zeros2d, chunks=CH_E, nout=METP)
    h, xw1 = _tc_layer0(pm0, cnt_met, b0, W1)
    pe1 = _sc_scatter(xw1, gA, sA, wA, zeros2d, chunks=CH_E, nout=RXNP)
    ef1 = _tc_combine(pe1, cnt_rxn)
    pm1 = _sc_scatter(ef1, gB, sB, wA, zeros2d, chunks=CH_E, nout=METP)
    cur = _tc_layer1(pm1, cnt_met, b1, h, ln_gamma, ln_beta)
    pr = _sc_scatter(cur, gA, sC, None, zeros2d, chunks=CH_E, nout=RXNP)
    re = _tc_combine(pr, cnt_rxn)
    pg = _sc_scatter(re, gD, sD, None, zeros2d, chunks=CH_G, nout=GENEP)
    ge = _tc_combine(pg, cnt_gene)
    return ge[:N_GENE]

# --- scband reference (transcript-rebuilt; emitter-appended) ---
"""Pipeline reference for scband-metabolism-processor-61899068670355 (READ-ONLY COPY).

The authoritative reference and input builder live on the scoring server;
editing this copy changes nothing except your own understanding.
"""

import jax, jax.numpy as jnp
import numpy as np

NUM_MET = 2534
NUM_RXN = 4881
NUM_GENES = 6607
HIDDEN = 128
NNZ = 50000
M = 20000


def setup_inputs(seed: int = 0) -> dict:
    key = jax.random.key(seed)
    ks = jax.random.split(key, 12)
    met_idx = jax.random.randint(ks[0], (NNZ,), 0, NUM_MET)
    rxn_idx = jax.random.randint(ks[1], (NNZ,), 0, NUM_RXN)
    hyperedge_index = jnp.stack([met_idx, rxn_idx], axis=0)
    stoichiometry = jax.random.normal(ks[2], (NNZ,), dtype=jnp.float32)
    gene_x = jax.random.normal(ks[3], (NUM_GENES, HIDDEN), dtype=jnp.float32) * 0.1
    rxn_gene_rxn_idx = jax.random.randint(ks[4], (M,), 0, NUM_RXN)
    rxn_gene_gene_idx = jax.random.randint(ks[5], (M,), 0, NUM_GENES)
    emb_table = jax.random.normal(ks[6], (NUM_MET, HIDDEN), dtype=jnp.float32) * 0.1
    s = 1.0 / np.sqrt(HIDDEN)
    W0 = jax.random.normal(ks[7], (HIDDEN, HIDDEN), dtype=jnp.float32) * s
    b0 = jnp.zeros((HIDDEN,), dtype=jnp.float32)
    W1 = jax.random.normal(ks[8], (HIDDEN, HIDDEN), dtype=jnp.float32) * s
    b1 = jnp.zeros((HIDDEN,), dtype=jnp.float32)
    ln_gamma = jnp.ones((HIDDEN,), dtype=jnp.float32)
    ln_beta = jnp.zeros((HIDDEN,), dtype=jnp.float32)
    return {
        'hyperedge_index': hyperedge_index,
        'stoichiometry': stoichiometry,
        'gene_x': gene_x,
        'rxn_gene_rxn_idx': rxn_gene_rxn_idx,
        'rxn_gene_gene_idx': rxn_gene_gene_idx,
        'emb_table': emb_table,
        'W0': W0, 'b0': b0, 'W1': W1, 'b1': b1,
        'ln_gamma': ln_gamma, 'ln_beta': ln_beta,
    }


def _scatter_mean(feat, idx, size):
    s = jax.ops.segment_sum(feat, idx, num_segments=size)
    c = jax.ops.segment_sum(jnp.ones((idx.shape[0], 1), feat.dtype), idx, num_segments=size)
    return s / jnp.clip(c, 1.0)


def _layer_norm(x, g, b):
    mu = jnp.mean(x, axis=-1, keepdims=True)
    var = jnp.var(x, axis=-1, keepdims=True)
    return (x - mu) / jnp.sqrt(var + 1e-5) * g + b


def _hyperconv(x, node_idx, edge_idx, stoich, W, b):
    # stoichiometry-weighted hypergraph conv: node -> hyperedge mean, hyperedge -> node mean
    xw = x @ W
    edge_feat = _scatter_mean(stoich[:, None] * xw[node_idx], edge_idx, NUM_RXN)
    out = _scatter_mean(stoich[:, None] * edge_feat[edge_idx], node_idx, NUM_MET)
    return out + b


def reference(hyperedge_index, stoichiometry, gene_x, rxn_gene_rxn_idx, rxn_gene_gene_idx,
              emb_table, W0, b0, W1, b1, ln_gamma, ln_beta):
    node_idx = hyperedge_index[0]
    edge_idx = hyperedge_index[1]
    # nn.Embedding(max_norm=1.0): renormalize rows to max L2 norm 1
    norms = jnp.linalg.norm(emb_table, axis=-1, keepdims=True)
    met_emb = emb_table * jnp.minimum(1.0, 1.0 / jnp.maximum(norms, 1e-7))
    # reaction embeddings aggregated from gene features (hyperedge_attr; unused by conv when use_attention=False)
    reaction_attr = _scatter_mean(gene_x[rxn_gene_gene_idx], rxn_gene_rxn_idx, NUM_RXN)
    del reaction_attr
    # layer 0 (no skip)
    cur = met_emb
    h = jnp.tanh(_hyperconv(cur, node_idx, edge_idx, stoichiometry, W0, b0))
    cur = h
    # layer 1 (skip + layer norm)
    h = jnp.tanh(_hyperconv(cur, node_idx, edge_idx, stoichiometry, W1, b1))
    cur = _layer_norm(h + cur, ln_gamma, ln_beta)
    # metabolite -> reaction mean pooling
    reaction_emb = _scatter_mean(cur[node_idx], edge_idx, NUM_RXN)
    # reaction -> gene mean pooling
    gene_emb = _scatter_mean(reaction_emb[rxn_gene_rxn_idx], rxn_gene_gene_idx, NUM_GENES)
    return gene_emb

if __name__ == "__main__":
    import jax
    _d = setup_inputs()
    print(jax.jit(kernel)(*tuple(_d.values())))

</pallas_src>

<mosaic_0001>
#map = affine_map<(d0, d1) -> (0, 0, 0)>
#map1 = affine_map<(d0, d1) -> (0, 0)>
module attributes {stable_mosaic.version = 14 : i64} {
  func.func @k(%arg0: i32, %arg1: i32, %arg2: memref<32x30x128xi32, #tpu.memory_space<hbm>>, %arg3: memref<32x30x128xf32, #tpu.memory_space<hbm>>, %arg4: memref<32x16384xf32, #tpu.memory_space<hbm>>, %arg5: memref<30x128xi32, #tpu.memory_space<vmem>>, %arg6: memref<30x128xf32, #tpu.memory_space<vmem>>, %arg7: memref<16384xf32, #tpu.memory_space<vmem>>) attributes {dimension_semantics = [#tpu.dimension_semantics<core_parallel>, #tpu.dimension_semantics<subcore_parallel>], iteration_bounds = array<i64: 2, 16>, scalar_prefetch = 0 : i64, scratch_operands = 3 : i64, tpu.core_type = #tpu.core_type<sc_vector_subcore>, window_params = [{transform_indices = #map}, {transform_indices = #map}, {transform_indices = #map1}]} {
    %mul3A = arith.constant 2 : i32
    %mul3A_0 = arith.muli %arg1, %mul3A : i32
    %add3A = arith.addi %mul3A_0, %arg0 : i32
    "tpu.region"() ({
      %run_scoped3A = tpu.sem_alloc : memref<!tpu.dma_semaphore, #tpu.memory_space<semaphore_mem>>
      %dma_start3A = arith.constant 0 : i32
      %dma_start3A_14 = arith.constant 0 : i32
      %dma_start3A_15 = tpu.memref_slice %arg2[%add3A, %dma_start3A, %dma_start3A_14] : memref<32x30x128xi32, #tpu.memory_space<hbm>> -> memref<1x30x128xi32, #tpu.memory_space<hbm>>
      %dma_start3A_16 = tpu.memref_squeeze %dma_start3A_15 : memref<1x30x128xi32, #tpu.memory_space<hbm>> -> memref<30x128xi32, #tpu.memory_space<hbm>>
      %dma_start3A_17 = arith.constant 0 : i32
      %dma_start3A_18 = arith.constant 0 : i32
      %dma_start3A_19 = tpu.memref_slice %arg2[%add3A, %dma_start3A_17, %dma_start3A_18] : memref<32x30x128xi32, #tpu.memory_space<hbm>> -> memref<1x30x128xi32, #tpu.memory_space<hbm>>
      %dma_start3A_20 = tpu.memref_squeeze %dma_start3A_19 : memref<1x30x128xi32, #tpu.memory_space<hbm>> -> memref<30x128xi32, #tpu.memory_space<hbm>>
      tpu.enqueue_dma source(%dma_start3A_20 : memref<30x128xi32, #tpu.memory_space<hbm>>) target(%arg5 : memref<30x128xi32, #tpu.memory_space<vmem>>) target_semaphore(%run_scoped3A : memref<!tpu.dma_semaphore, #tpu.memory_space<semaphore_mem>>)
      %dma_wait3A = arith.constant 0 : i32
      %dma_wait3A_21 = arith.constant 0 : i32
      %dma_wait3A_22 = tpu.memref_slice %arg2[%add3A, %dma_wait3A, %dma_wait3A_21] : memref<32x30x128xi32, #tpu.memory_space<hbm>> -> memref<1x30x128xi32, #tpu.memory_space<hbm>>
      %dma_wait3A_23 = tpu.memref_squeeze %dma_wait3A_22 : memref<1x30x128xi32, #tpu.memory_space<hbm>> -> memref<30x128xi32, #tpu.memory_space<hbm>>
      %dma_wait3A_24 = arith.constant 0 : i32
      %dma_wait3A_25 = arith.constant 0 : i32
      %dma_wait3A_26 = tpu.memref_slice %arg2[%add3A, %dma_wait3A_24, %dma_wait3A_25] : memref<32x30x128xi32, #tpu.memory_space<hbm>> -> memref<1x30x128xi32, #tpu.memory_space<hbm>>
      %dma_wait3A_27 = tpu.memref_squeeze %dma_wait3A_26 : memref<1x30x128xi32, #tpu.memory_space<hbm>> -> memref<30x128xi32, #tpu.memory_space<hbm>>
      tpu.wait_dma2 semaphore(%run_scoped3A : memref<!tpu.dma_semaphore, #tpu.memory_space<semaphore_mem>>) src(%dma_wait3A_27 : memref<30x128xi32, #tpu.memory_space<hbm>>) dst(%arg5 : memref<30x128xi32, #tpu.memory_space<vmem>>)
      tpu.yield
    }) : () -> ()
    "tpu.region"() ({
      %run_scoped3A = tpu.sem_alloc : memref<!tpu.dma_semaphore, #tpu.memory_space<semaphore_mem>>
      %dma_start3A = arith.constant 0 : i32
      %dma_start3A_14 = arith.constant 0 : i32
      %dma_start3A_15 = tpu.memref_slice %arg3[%add3A, %dma_start3A, %dma_start3A_14] : memref<32x30x128xf32, #tpu.memory_space<hbm>> -> memref<1x30x128xf32, #tpu.memory_space<hbm>>
      %dma_start3A_16 = tpu.memref_squeeze %dma_start3A_15 : memref<1x30x128xf32, #tpu.memory_space<hbm>> -> memref<30x128xf32, #tpu.memory_space<hbm>>
      %dma_start3A_17 = arith.constant 0 : i32
      %dma_start3A_18 = arith.constant 0 : i32
      %dma_start3A_19 = tpu.memref_slice %arg3[%add3A, %dma_start3A_17, %dma_start3A_18] : memref<32x30x128xf32, #tpu.memory_space<hbm>> -> memref<1x30x128xf32, #tpu.memory_space<hbm>>
      %dma_start3A_20 = tpu.memref_squeeze %dma_start3A_19 : memref<1x30x128xf32, #tpu.memory_space<hbm>> -> memref<30x128xf32, #tpu.memory_space<hbm>>
      tpu.enqueue_dma source(%dma_start3A_20 : memref<30x128xf32, #tpu.memory_space<hbm>>) target(%arg6 : memref<30x128xf32, #tpu.memory_space<vmem>>) target_semaphore(%run_scoped3A : memref<!tpu.dma_semaphore, #tpu.memory_space<semaphore_mem>>)
      %dma_wait3A = arith.constant 0 : i32
      %dma_wait3A_21 = arith.constant 0 : i32
      %dma_wait3A_22 = tpu.memref_slice %arg3[%add3A, %dma_wait3A, %dma_wait3A_21] : memref<32x30x128xf32, #tpu.memory_space<hbm>> -> memref<1x30x128xf32, #tpu.memory_space<hbm>>
      %dma_wait3A_23 = tpu.memref_squeeze %dma_wait3A_22 : memref<1x30x128xf32, #tpu.memory_space<hbm>> -> memref<30x128xf32, #tpu.memory_space<hbm>>
      %dma_wait3A_24 = arith.constant 0 : i32
      %dma_wait3A_25 = arith.constant 0 : i32
      %dma_wait3A_26 = tpu.memref_slice %arg3[%add3A, %dma_wait3A_24, %dma_wait3A_25] : memref<32x30x128xf32, #tpu.memory_space<hbm>> -> memref<1x30x128xf32, #tpu.memory_space<hbm>>
      %dma_wait3A_27 = tpu.memref_squeeze %dma_wait3A_26 : memref<1x30x128xf32, #tpu.memory_space<hbm>> -> memref<30x128xf32, #tpu.memory_space<hbm>>
      tpu.wait_dma2 semaphore(%run_scoped3A : memref<!tpu.dma_semaphore, #tpu.memory_space<semaphore_mem>>) src(%dma_wait3A_27 : memref<30x128xf32, #tpu.memory_space<hbm>>) dst(%arg6 : memref<30x128xf32, #tpu.memory_space<vmem>>)
      tpu.yield
    }) : () -> ()
    %scan3A = arith.constant 0 : i32
    %scan3A_1 = arith.constant 0 : i32
    %scan3A_2 = arith.constant 1024 : i32
    %scan3A_3 = arith.addi %scan3A_1, %scan3A_2 : i32
    %scan3A_4 = arith.constant 1 : i32
    %scan3A_5 = scf.for %scan3A_14 = %scan3A_1 to %scan3A_3 step %scan3A_4 iter_args(%scan3A_15 = %scan3A) -> (i32)  : i32 {
      %broadcast_in_dim3A = arith.constant 0.000000e+00 : f32
      %broadcast_in_dim3A_16 = vector.broadcast %broadcast_in_dim3A : f32 to vector<16xf32>
      %mul3A_17 = arith.constant 16 : i32
      %mul3A_18 = arith.muli %scan3A_14, %mul3A_17 : i32
      %swap3A = arith.index_cast %mul3A_18 : i32 to index
      %swap3A_19 = tpu.vector_load %arg7[%swap3A] {strides = array<i32>} : memref<16384xf32, #tpu.memory_space<vmem>>, vector<16xf32>,
      tpu.vector_store %arg7[%swap3A], %broadcast_in_dim3A_16 {strides = array<i32>} : memref<16384xf32, #tpu.memory_space<vmem>>, vector<16xf32>,
      %scan3A_20 = arith.constant 0 : i32
      scf.yield %scan3A_20 : i32
    }
    %scan3A_6 = arith.constant 1024 : i32
    %scan3A_7 = arith.constant 0 : i32
    %scan3A_8 = arith.constant 0 : i32
    %scan3A_9 = arith.constant 30 : i32
    %scan3A_10 = arith.addi %scan3A_8, %scan3A_9 : i32
    %scan3A_11 = arith.constant 1 : i32
    %scan3A_12 = scf.for %scan3A_14 = %scan3A_8 to %scan3A_10 step %scan3A_11 iter_args(%scan3A_15 = %scan3A_7) -> (i32)  : i32 {
      %get3A = arith.index_cast %scan3A_14 : i32 to index
      %get3A_16 = arith.constant 0 : index
      %get3A_17 = tpu.vector_load %arg5[%get3A, %get3A_16] {strides = array<i32>} : memref<30x128xi32, #tpu.memory_space<vmem>>, vector<16xi32>,
      %get3A_18 = arith.index_cast %scan3A_14 : i32 to index
      %get3A_19 = arith.constant 0 : index
      %get3A_20 = tpu.vector_load %arg6[%get3A_18, %get3A_19] {strides = array<i32>} : memref<30x128xf32, #tpu.memory_space<vmem>>, vector<16xf32>,
      tpu.vector_store_idx %arg7[%get3A_17], %get3A_20 {add = true} : memref<16384xf32, #tpu.memory_space<vmem>>[vector<16xi32>], vector<16xf32>,
      %get3A_21 = arith.index_cast %scan3A_14 : i32 to index
      %get3A_22 = arith.constant 16 : index
      %get3A_23 = tpu.vector_load %arg5[%get3A_21, %get3A_22] {strides = array<i32>} : memref<30x128xi32, #tpu.memory_space<vmem>>, vector<16xi32>,
      %get3A_24 = arith.index_cast %scan3A_14 : i32 to index
      %get3A_25 = arith.constant 16 : index
      %get3A_26 = tpu.vector_load %arg6[%get3A_24, %get3A_25] {strides = array<i32>} : memref<30x128xf32, #tpu.memory_space<vmem>>, vector<16xf32>,
      tpu.vector_store_idx %arg7[%get3A_23], %get3A_26 {add = true} : memref<16384xf32, #tpu.memory_space<vmem>>[vector<16xi32>], vector<16xf32>,
      %get3A_27 = arith.index_cast %scan3A_14 : i32 to index
      %get3A_28 = arith.constant 32 : index
      %get3A_29 = tpu.vector_load %arg5[%get3A_27, %get3A_28] {strides = array<i32>} : memref<30x128xi32, #tpu.memory_space<vmem>>, vector<16xi32>,
      %get3A_30 = arith.index_cast %scan3A_14 : i32 to index
      %get3A_31 = arith.constant 32 : index
      %get3A_32 = tpu.vector_load %arg6[%get3A_30, %get3A_31] {strides = array<i32>} : memref<30x128xf32, #tpu.memory_space<vmem>>, vector<16xf32>,
      tpu.vector_store_idx %arg7[%get3A_29], %get3A_32 {add = true} : memref<16384xf32, #tpu.memory_space<vmem>>[vector<16xi32>], vector<16xf32>,
      %get3A_33 = arith.index_cast %scan3A_14 : i32 to index
      %get3A_34 = arith.constant 48 : index
      %get3A_35 = tpu.vector_load %arg5[%get3A_33, %get3A_34] {strides = array<i32>} : memref<30x128xi32, #tpu.memory_space<vmem>>, vector<16xi32>,
      %get3A_36 = arith.index_cast %scan3A_14 : i32 to index
      %get3A_37 = arith.constant 48 : index
      %get3A_38 = tpu.vector_load %arg6[%get3A_36, %get3A_37] {strides = array<i32>} : memref<30x128xf32, #tpu.memory_space<vmem>>, vector<16xf32>,
      tpu.vector_store_idx %arg7[%get3A_35], %get3A_38 {add = true} : memref<16384xf32, #tpu.memory_space<vmem>>[vector<16xi32>], vector<16xf32>,
      %get3A_39 = arith.index_cast %scan3A_14 : i32 to index
      %get3A_40 = arith.constant 64 : index
      %get3A_41 = tpu.vector_load %arg5[%get3A_39, %get3A_40] {strides = array<i32>} : memref<30x128xi32, #tpu.memory_space<vmem>>, vector<16xi32>,
      %get3A_42 = arith.index_cast %scan3A_14 : i32 to index
      %get3A_43 = arith.constant 64 : index
      %get3A_44 = tpu.vector_load %arg6[%get3A_42, %get3A_43] {strides = array<i32>} : memref<30x128xf32, #tpu.memory_space<vmem>>, vector<16xf32>,
      tpu.vector_store_idx %arg7[%get3A_41], %get3A_44 {add = true} : memref<16384xf32, #tpu.memory_space<vmem>>[vector<16xi32>], vector<16xf32>,
      %get3A_45 = arith.index_cast %scan3A_14 : i32 to index
      %get3A_46 = arith.constant 80 : index
      %get3A_47 = tpu.vector_load %arg5[%get3A_45, %get3A_46] {strides = array<i32>} : memref<30x128xi32, #tpu.memory_space<vmem>>, vector<16xi32>,
      %get3A_48 = arith.index_cast %scan3A_14 : i32 to index
      %get3A_49 = arith.constant 80 : index
      %get3A_50 = tpu.vector_load %arg6[%get3A_48, %get3A_49] {strides = array<i32>} : memref<30x128xf32, #tpu.memory_space<vmem>>, vector<16xf32>,
      tpu.vector_store_idx %arg7[%get3A_47], %get3A_50 {add = true} : memref<16384xf32, #tpu.memory_space<vmem>>[vector<16xi32>], vector<16xf32>,
      %get3A_51 = arith.index_cast %scan3A_14 : i32 to index
      %get3A_52 = arith.constant 96 : index
      %get3A_53 = tpu.vector_load %arg5[%get3A_51, %get3A_52] {strides = array<i32>} : memref<30x128xi32, #tpu.memory_space<vmem>>, vector<16xi32>,
      %get3A_54 = arith.index_cast %scan3A_14 : i32 to index
      %get3A_55 = arith.constant 96 : index
      %get3A_56 = tpu.vector_load %arg6[%get3A_54, %get3A_55] {strides = array<i32>} : memref<30x128xf32, #tpu.memory_space<vmem>>, vector<16xf32>,
      tpu.vector_store_idx %arg7[%get3A_53], %get3A_56 {add = true} : memref<16384xf32, #tpu.memory_space<vmem>>[vector<16xi32>], vector<16xf32>,
      %get3A_57 = arith.index_cast %scan3A_14 : i32 to index
      %get3A_58 = arith.constant 112 : index
      %get3A_59 = tpu.vector_load %arg5[%get3A_57, %get3A_58] {strides = array<i32>} : memref<30x128xi32, #tpu.memory_space<vmem>>, vector<16xi32>,
      %get3A_60 = arith.index_cast %scan3A_14 : i32 to index
      %get3A_61 = arith.constant 112 : index
      %get3A_62 = tpu.vector_load %arg6[%get3A_60, %get3A_61] {strides = array<i32>} : memref<30x128xf32, #tpu.memory_space<vmem>>, vector<16xf32>,
      tpu.vector_store_idx %arg7[%get3A_59], %get3A_62 {add = true} : memref<16384xf32, #tpu.memory_space<vmem>>[vector<16xi32>], vector<16xf32>,
      %scan3A_63 = arith.constant 0 : i32
      scf.yield %scan3A_63 : i32
    }
    %scan3A_13 = arith.constant 30 : i32
    "tpu.region"() ({
      %run_scoped3A = tpu.sem_alloc : memref<!tpu.dma_semaphore, #tpu.memory_space<semaphore_mem>>
      %dma_start3A = arith.constant 0 : i32
      %dma_start3A_14 = tpu.memref_slice %arg4[%add3A, %dma_start3A] : memref<32x16384xf32, #tpu.memory_space<hbm>> -> memref<1x16384xf32, #tpu.memory_space<hbm>>
      %dma_start3A_15 = tpu.memref_squeeze %dma_start3A_14 : memref<1x16384xf32, #tpu.memory_space<hbm>> -> memref<16384xf32, #tpu.memory_space<hbm>>
      %dma_start3A_16 = arith.constant 0 : i32
      %dma_start3A_17 = tpu.memref_slice %arg4[%add3A, %dma_start3A_16] : memref<32x16384xf32, #tpu.memory_space<hbm>> -> memref<1x16384xf32, #tpu.memory_space<hbm>>
      %dma_start3A_18 = tpu.memref_squeeze %dma_start3A_17 : memref<1x16384xf32, #tpu.memory_space<hbm>> -> memref<16384xf32, #tpu.memory_space<hbm>>
      tpu.enqueue_dma source(%arg7 : memref<16384xf32, #tpu.memory_space<vmem>>) target(%dma_start3A_18 : memref<16384xf32, #tpu.memory_space<hbm>>) target_semaphore(%run_scoped3A : memref<!tpu.dma_semaphore, #tpu.memory_space<semaphore_mem>>)
      %dma_wait3A = arith.constant 0 : i32
      %dma_wait3A_19 = tpu.memref_slice %arg4[%add3A, %dma_wait3A] : memref<32x16384xf32, #tpu.memory_space<hbm>> -> memref<1x16384xf32, #tpu.memory_space<hbm>>
      %dma_wait3A_20 = tpu.memref_squeeze %dma_wait3A_19 : memref<1x16384xf32, #tpu.memory_space<hbm>> -> memref<16384xf32, #tpu.memory_space<hbm>>
      %dma_wait3A_21 = arith.constant 0 : i32
      %dma_wait3A_22 = tpu.memref_slice %arg4[%add3A, %dma_wait3A_21] : memref<32x16384xf32, #tpu.memory_space<hbm>> -> memref<1x16384xf32, #tpu.memory_space<hbm>>
      %dma_wait3A_23 = tpu.memref_squeeze %dma_wait3A_22 : memref<1x16384xf32, #tpu.memory_space<hbm>> -> memref<16384xf32, #tpu.memory_space<hbm>>
      tpu.wait_dma2 semaphore(%run_scoped3A : memref<!tpu.dma_semaphore, #tpu.memory_space<semaphore_mem>>) src(%arg7 : memref<16384xf32, #tpu.memory_space<vmem>>) dst(%dma_wait3A_23 : memref<16384xf32, #tpu.memory_space<hbm>>)
      tpu.yield
    }) : () -> ()
    return
  }
}

#map = affine_map<(d0, d1) -> (0, 0)>
#map1 = affine_map<(d0, d1) -> (0, 0, 0)>
module attributes {stable_mosaic.version = 14 : i64} {
  func.func @k(%arg0: i32, %arg1: i32, %arg2: memref<4992x128xf32, #tpu.memory_space<hbm>>, %arg3: memref<32x13x128xi32, #tpu.memory_space<hbm>>, %arg4: memref<32x13x128xi32, #tpu.memory_space<hbm>>, %arg5: memref<32x13x128xf32, #tpu.memory_space<hbm>>, %arg6: memref<512x128xf32, #tpu.memory_space<hbm>>, %arg7: memref<2x2560x128xf32, #tpu.memory_space<hbm>>, %arg8: memref<13x128xi32, #tpu.memory_space<vmem>>, %arg9: memref<13x128xi32, #tpu.memory_space<vmem>>, %arg10: memref<13x128xf32, #tpu.memory_space<vmem>>, %arg11: memref<2x128x128xf32, #tpu.memory_space<vmem>>, %arg12: memref<2560x128xf32, #tpu.memory_space<vmem_shared>>, %arg13: memref<!tpu.dma_semaphore, #tpu.memory_space<semaphore_mem>>) attributes {dimension_semantics = [#tpu.dimension_semantics<core_parallel>, #tpu.dimension_semantics<subcore_parallel>], iteration_bounds = array<i64: 2, 16>, scalar_prefetch = 0 : i64, scratch_operands = 6 : i64, tpu.core_type = #tpu.core_type<sc_vector_subcore>, window_params = [{transform_indices = #map}, {transform_indices = #map1}, {transform_indices = #map1}, {transform_indices = #map1}, {transform_indices = #map}, {transform_indices = #map1}]} {
    %mul3A = arith.constant 2 : i32
    %mul3A_0 = arith.muli %arg1, %mul3A : i32
    %add3A = arith.addi %mul3A_0, %arg0 : i32
    "tpu.region"() ({
      %run_scoped3A = tpu.sem_alloc : memref<!tpu.dma_semaphore, #tpu.memory_space<semaphore_mem>>
      %dma_start3A_25 = arith.constant 0 : i32
      %dma_start3A_26 = arith.constant 0 : i32
      %dma_start3A_27 = tpu.memref_slice %arg3[%add3A, %dma_start3A_25, %dma_start3A_26] : memref<32x13x128xi32, #tpu.memory_space<hbm>> -> memref<1x13x128xi32, #tpu.memory_space<hbm>>
      %dma_start3A_28 = tpu.memref_squeeze %dma_start3A_27 : memref<1x13x128xi32, #tpu.memory_space<hbm>> -> memref<13x128xi32, #tpu.memory_space<hbm>>
      %dma_start3A_29 = arith.constant 0 : i32
      %dma_start3A_30 = arith.constant 0 : i32
      %dma_start3A_31 = tpu.memref_slice %arg3[%add3A, %dma_start3A_29, %dma_start3A_30] : memref<32x13x128xi32, #tpu.memory_space<hbm>> -> memref<1x13x128xi32, #tpu.memory_space<hbm>>
      %dma_start3A_32 = tpu.memref_squeeze %dma_start3A_31 : memref<1x13x128xi32, #tpu.memory_space<hbm>> -> memref<13x128xi32, #tpu.memory_space<hbm>>
      tpu.enqueue_dma source(%dma_start3A_32 : memref<13x128xi32, #tpu.memory_space<hbm>>) target(%arg8 : memref<13x128xi32, #tpu.memory_space<vmem>>) target_semaphore(%run_scoped3A : memref<!tpu.dma_semaphore, #tpu.memory_space<semaphore_mem>>)
      %dma_wait3A = arith.constant 0 : i32
      %dma_wait3A_33 = arith.constant 0 : i32
      %dma_wait3A_34 = tpu.memref_slice %arg3[%add3A, %dma_wait3A, %dma_wait3A_33] : memref<32x13x128xi32, #tpu.memory_space<hbm>> -> memref<1x13x128xi32, #tpu.memory_space<hbm>>
      %dma_wait3A_35 = tpu.memref_squeeze %dma_wait3A_34 : memref<1x13x128xi32, #tpu.memory_space<hbm>> -> memref<13x128xi32, #tpu.memory_space<hbm>>
      %dma_wait3A_36 = arith.constant 0 : i32
      %dma_wait3A_37 = arith.constant 0 : i32
      %dma_wait3A_38 = tpu.memref_slice %arg3[%add3A, %dma_wait3A_36, %dma_wait3A_37] : memref<32x13x128xi32, #tpu.memory_space<hbm>> -> memref<1x13x128xi32, #tpu.memory_space<hbm>>
      %dma_wait3A_39 = tpu.memref_squeeze %dma_wait3A_38 : memref<1x13x128xi32, #tpu.memory_space<hbm>> -> memref<13x128xi32, #tpu.memory_space<hbm>>
      tpu.wait_dma2 semaphore(%run_scoped3A : memref<!tpu.dma_semaphore, #tpu.memory_space<semaphore_mem>>) src(%dma_wait3A_39 : memref<13x128xi32, #tpu.memory_space<hbm>>) dst(%arg8 : memref<13x128xi32, #tpu.memory_space<vmem>>)
      tpu.yield
    }) : () -> ()
    %dma_start3A = arith.constant 0 : i32
    %dma_start3A_1 = arith.constant 0 : i32
    %dma_start3A_2 = arith.constant 0 : i32
    %dma_start3A_3 = arith.constant 0 : i32
    %dma_start3A_4 = tpu.memref_slice %arg11[%dma_start3A_1, %dma_start3A_2, %dma_start3A_3] : memref<2x128x128xf32, #tpu.memory_space<vmem>> -> memref<1x128x128xf32, #tpu.memory_space<vmem>>
    %dma_start3A_5 = tpu.memref_squeeze %dma_start3A_4 : memref<1x128x128xf32, #tpu.memory_space<vmem>> -> memref<128x128xf32, #tpu.memory_space<vmem>>
    %dma_start3A_6 = arith.constant 0 : i32
    %dma_start3A_7 = tpu.memref_slice %arg8[%dma_start3A, %dma_start3A_6] : memref<13x128xi32, #tpu.memory_space<vmem>> -> memref<1x128xi32, #tpu.memory_space<vmem>>
    %dma_start3A_8 = tpu.memref_squeeze %dma_start3A_7 : memref<1x128xi32, #tpu.memory_space<vmem>> -> memref<128xi32, #tpu.memory_space<vmem>>
    %dma_start3A_9 = arith.constant 0 : i32
    %dma_start3A_10 = arith.constant 0 : i32
    %dma_start3A_11 = tpu.memref_slice %arg2[%dma_start3A_9, %dma_start3A_10] : memref<4992x128xf32, #tpu.memory_space<hbm>> -> memref<4992x128xf32, #tpu.memory_space<hbm>>
    tpu.enqueue_indirect_dma source(%dma_start3A_11 : memref<4992x128xf32, #tpu.memory_space<hbm>>) target(%dma_start3A_5 : memref<128x128xf32, #tpu.memory_space<vmem>>) offsets(%dma_start3A_8 : memref<128xi32, #tpu.memory_space<vmem>>) semaphore(%arg13 : memref<!tpu.dma_semaphore, #tpu.memory_space<semaphore_mem>>)
    "tpu.region"() ({
      %run_scoped3A = tpu.sem_alloc : memref<!tpu.dma_semaphore, #tpu.memory_space<semaphore_mem>>
      %dma_start3A_25 = arith.constant 0 : i32
      %dma_start3A_26 = arith.constant 0 : i32
      %dma_start3A_27 = tpu.memref_slice %arg4[%add3A, %dma_start3A_25, %dma_start3A_26] : memref<32x13x128xi32, #tpu.memory_space<hbm>> -> memref<1x13x128xi32, #tpu.memory_space<hbm>>
      %dma_start3A_28 = tpu.memref_squeeze %dma_start3A_27 : memref<1x13x128xi32, #tpu.memory_space<hbm>> -> memref<13x128xi32, #tpu.memory_space<hbm>>
      %dma_start3A_29 = arith.constant 0 : i32
      %dma_start3A_30 = arith.constant 0 : i32
      %dma_start3A_31 = tpu.memref_slice %arg4[%add3A, %dma_start3A_29, %dma_start3A_30] : memref<32x13x128xi32, #tpu.memory_space<hbm>> -> memref<1x13x128xi32, #tpu.memory_space<hbm>>
      %dma_start3A_32 = tpu.memref_squeeze %dma_start3A_31 : memref<1x13x128xi32, #tpu.memory_space<hbm>> -> memref<13x128xi32, #tpu.memory_space<hbm>>
      tpu.enqueue_dma source(%dma_start3A_32 : memref<13x128xi32, #tpu.memory_space<hbm>>) target(%arg9 : memref<13x128xi32, #tpu.memory_space<vmem>>) target_semaphore(%run_scoped3A : memref<!tpu.dma_semaphore, #tpu.memory_space<semaphore_mem>>)
      %dma_wait3A = arith.constant 0 : i32
      %dma_wait3A_33 = arith.constant 0 : i32
      %dma_wait3A_34 = tpu.memref_slice %arg4[%add3A, %dma_wait3A, %dma_wait3A_33] : memref<32x13x128xi32, #tpu.memory_space<hbm>> -> memref<1x13x128xi32, #tpu.memory_space<hbm>>
      %dma_wait3A_35 = tpu.memref_squeeze %dma_wait3A_34 : memref<1x13x128xi32, #tpu.memory_space<hbm>> -> memref<13x128xi32, #tpu.memory_space<hbm>>
      %dma_wait3A_36 = arith.constant 0 : i32
      %dma_wait3A_37 = arith.constant 0 : i32
      %dma_wait3A_38 = tpu.memref_slice %arg4[%add3A, %dma_wait3A_36, %dma_wait3A_37] : memref<32x13x128xi32, #tpu.memory_space<hbm>> -> memref<1x13x128xi32, #tpu.memory_space<hbm>>
      %dma_wait3A_39 = tpu.memref_squeeze %dma_wait3A_38 : memref<1x13x128xi32, #tpu.memory_space<hbm>> -> memref<13x128xi32, #tpu.memory_space<hbm>>
      tpu.wait_dma2 semaphore(%run_scoped3A : memref<!tpu.dma_semaphore, #tpu.memory_space<semaphore_mem>>) src(%dma_wait3A_39 : memref<13x128xi32, #tpu.memory_space<hbm>>) dst(%arg9 : memref<13x128xi32, #tpu.memory_space<vmem>>)
      tpu.yield
    }) : () -> ()
    "tpu.region"() ({
      %run_scoped3A = tpu.sem_alloc : memref<!tpu.dma_semaphore, #tpu.memory_space<semaphore_mem>>
      %dma_start3A_25 = arith.constant 0 : i32
      %dma_start3A_26 = arith.constant 0 : i32
      %dma_start3A_27 = tpu.memref_slice %arg5[%add3A, %dma_start3A_25, %dma_start3A_26] : memref<32x13x128xf32, #tpu.memory_space<hbm>> -> memref<1x13x128xf32, #tpu.memory_space<hbm>>
      %dma_start3A_28 = tpu.memref_squeeze %dma_start3A_27 : memref<1x13x128xf32, #tpu.memory_space<hbm>> -> memref<13x128xf32, #tpu.memory_space<hbm>>
      %dma_start3A_29 = arith.constant 0 : i32
      %dma_start3A_30 = arith.constant 0 : i32
      %dma_start3A_31 = tpu.memref_slice %arg5[%add3A, %dma_start3A_29, %dma_start3A_30] : memref<32x13x128xf32, #tpu.memory_space<hbm>> -> memref<1x13x128xf32, #tpu.memory_space<hbm>>
      %dma_start3A_32 = tpu.memref_squeeze %dma_start3A_31 : memref<1x13x128xf32, #tpu.memory_space<hbm>> -> memref<13x128xf32, #tpu.memory_space<hbm>>
      tpu.enqueue_dma source(%dma_start3A_32 : memref<13x128xf32, #tpu.memory_space<hbm>>) target(%arg10 : memref<13x128xf32, #tpu.memory_space<vmem>>) target_semaphore(%run_scoped3A : memref<!tpu.dma_semaphore, #tpu.memory_space<semaphore_mem>>)
      %dma_wait3A = arith.constant 0 : i32
      %dma_wait3A_33 = arith.constant 0 : i32
      %dma_wait3A_34 = tpu.memref_slice %arg5[%add3A, %dma_wait3A, %dma_wait3A_33] : memref<32x13x128xf32, #tpu.memory_space<hbm>> -> memref<1x13x128xf32, #tpu.memory_space<hbm>>
      %dma_wait3A_35 = tpu.memref_squeeze %dma_wait3A_34 : memref<1x13x128xf32, #tpu.memory_space<hbm>> -> memref<13x128xf32, #tpu.memory_space<hbm>>
      %dma_wait3A_36 = arith.constant 0 : i32
      %dma_wait3A_37 = arith.constant 0 : i32
      %dma_wait3A_38 = tpu.memref_slice %arg5[%add3A, %dma_wait3A_36, %dma_wait3A_37] : memref<32x13x128xf32, #tpu.memory_space<hbm>> -> memref<1x13x128xf32, #tpu.memory_space<hbm>>
      %dma_wait3A_39 = tpu.memref_squeeze %dma_wait3A_38 : memref<1x13x128xf32, #tpu.memory_space<hbm>> -> memref<13x128xf32, #tpu.memory_space<hbm>>
      tpu.wait_dma2 semaphore(%run_scoped3A : memref<!tpu.dma_semaphore, #tpu.memory_space<semaphore_mem>>) src(%dma_wait3A_39 : memref<13x128xf32, #tpu.memory_space<hbm>>) dst(%arg10 : memref<13x128xf32, #tpu.memory_space<vmem>>)
      tpu.yield
    }) : () -> ()
    %mul3A_12 = arith.constant 160 : i32
    %mul3A_13 = arith.muli %arg1, %mul3A_12 : i32
    "tpu.region"() ({
      %run_scoped3A = tpu.sem_alloc : memref<!tpu.dma_semaphore, #tpu.memory_space<semaphore_mem>>
      %dma_start3A_25 = arith.constant 0 : i32
      %dma_start3A_26 = tpu.memref_slice %arg12[%mul3A_13, %dma_start3A_25] : memref<2560x128xf32, #tpu.memory_space<vmem_shared>> -> memref<160x128xf32, #tpu.memory_space<vmem_shared>>
      %dma_start3A_27 = arith.constant 0 : i32
      %dma_start3A_28 = arith.constant 0 : i32
      %dma_start3A_29 = tpu.memref_slice %arg6[%dma_start3A_27, %dma_start3A_28] : memref<512x128xf32, #tpu.memory_space<hbm>> -> memref<160x128xf32, #tpu.memory_space<hbm>>
      tpu.enqueue_dma source(%dma_start3A_29 : memref<160x128xf32, #tpu.memory_space<hbm>>) target(%dma_start3A_26 : memref<160x128xf32, #tpu.memory_space<vmem_shared>>) target_semaphore(%run_scoped3A : memref<!tpu.dma_semaphore, #tpu.memory_space<semaphore_mem>>)
      %dma_wait3A = arith.constant 0 : i32
      %dma_wait3A_30 = tpu.memref_slice %arg12[%mul3A_13, %dma_wait3A] : memref<2560x128xf32, #tpu.memory_space<vmem_shared>> -> memref<160x128xf32, #tpu.memory_space<vmem_shared>>
      %dma_wait3A_31 = arith.constant 0 : i32
      %dma_wait3A_32 = arith.constant 0 : i32
      %dma_wait3A_33 = tpu.memref_slice %arg6[%dma_wait3A_31, %dma_wait3A_32] : memref<512x128xf32, #tpu.memory_space<hbm>> -> memref<160x128xf32, #tpu.memory_space<hbm>>
      tpu.wait_dma2 semaphore(%run_scoped3A : memref<!tpu.dma_semaphore, #tpu.memory_space<semaphore_mem>>) src(%dma_wait3A_33 : memref<160x128xf32, #tpu.memory_space<hbm>>) dst(%dma_wait3A_30 : memref<160x128xf32, #tpu.memory_space<vmem_shared>>)
      tpu.yield
    }) : () -> ()
    %barrier3A = arith.constant 0 : index
    tpu.barrier barrier_id(%barrier3A)
    %scan3A = arith.constant 0 : i32
    %scan3A_14 = arith.constant 0 : i32
    %scan3A_15 = arith.constant 13 : i32
    %scan3A_16 = arith.addi %scan3A_14, %scan3A_15 : i32
    %scan3A_17 = arith.constant 1 : i32
    %scan3A_18 = scf.for %scan3A_25 = %scan3A_14 to %scan3A_16 step %scan3A_17 iter_args(%scan3A_26 = %scan3A) -> (i32)  : i32 {
      %rem3A = arith.constant 2 : i32
      %rem3A_27 = arith.remsi %scan3A_25, %rem3A : i32
      %dma_wait3A = arith.constant 0 : i32
      %dma_wait3A_28 = arith.constant 0 : i32
      %dma_wait3A_29 = tpu.memref_slice %arg11[%rem3A_27, %dma_wait3A, %dma_wait3A_28] : memref<2x128x128xf32, #tpu.memory_space<vmem>> -> memref<1x128x128xf32, #tpu.memory_space<vmem>>
      %dma_wait3A_30 = tpu.memref_squeeze %dma_wait3A_29 : memref<1x128x128xf32, #tpu.memory_space<vmem>> -> memref<128x128xf32, #tpu.memory_space<vmem>>
      %dma_wait3A_31 = arith.constant 0 : i32
      %dma_wait3A_32 = tpu.memref_slice %arg8[%scan3A_25, %dma_wait3A_31] : memref<13x128xi32, #tpu.memory_space<vmem>> -> memref<1x128xi32, #tpu.memory_space<vmem>>
      %dma_wait3A_33 = tpu.memref_squeeze %dma_wait3A_32 : memref<1x128xi32, #tpu.memory_space<vmem>> -> memref<128xi32, #tpu.memory_space<vmem>>
      %dma_wait3A_34 = arith.constant 0 : i32
      %dma_wait3A_35 = arith.constant 0 : i32
      %dma_wait3A_36 = tpu.memref_slice %arg2[%dma_wait3A_34, %dma_wait3A_35] : memref<4992x128xf32, #tpu.memory_space<hbm>> -> memref<4992x128xf32, #tpu.memory_space<hbm>>
      tpu.wait_indirect_dma semaphore(%arg13 : memref<!tpu.dma_semaphore, #tpu.memory_space<semaphore_mem>>) src(%dma_wait3A_36 : memref<4992x128xf32, #tpu.memory_space<hbm>>) dst(%dma_wait3A_30 : memref<128x128xf32, #tpu.memory_space<vmem>>)
      %add3A_37 = arith.constant 1 : i32
      %add3A_38 = arith.addi %scan3A_25, %add3A_37 : i32
      %lt3A = arith.constant 13 : i32
      %lt3A_39 = arith.cmpi slt, %add3A_38, %lt3A : i32
      %convert_element_type3A = arith.extui %lt3A_39 : i1 to i32
      %cond3A = arith.constant 0 : i32
      %cond3A_40 = arith.cmpi ne, %convert_element_type3A, %cond3A : i32
      scf.if %cond3A_40 {
        %add3A_49 = arith.constant 1 : i32
        %add3A_50 = arith.addi %scan3A_25, %add3A_49 : i32
        %sub3A = arith.constant 1 : i32
        %sub3A_51 = arith.subi %sub3A, %rem3A_27 : i32
        %dma_start3A_52 = arith.constant 0 : i32
        %dma_start3A_53 = arith.constant 0 : i32
        %dma_start3A_54 = tpu.memref_slice %arg11[%sub3A_51, %dma_start3A_52, %dma_start3A_53] : memref<2x128x128xf32, #tpu.memory_space<vmem>> -> memref<1x128x128xf32, #tpu.memory_space<vmem>>
        %dma_start3A_55 = tpu.memref_squeeze %dma_start3A_54 : memref<1x128x128xf32, #tpu.memory_space<vmem>> -> memref<128x128xf32, #tpu.memory_space<vmem>>
        %dma_start3A_56 = arith.constant 0 : i32
        %dma_start3A_57 = tpu.memref_slice %arg8[%add3A_50, %dma_start3A_56] : memref<13x128xi32, #tpu.memory_space<vmem>> -> memref<1x128xi32, #tpu.memory_space<vmem>>
        %dma_start3A_58 = tpu.memref_squeeze %dma_start3A_57 : memref<1x128xi32, #tpu.memory_space<vmem>> -> memref<128xi32, #tpu.memory_space<vmem>>
        %dma_start3A_59 = arith.constant 0 : i32
        %dma_start3A_60 = arith.constant 0 : i32
        %dma_start3A_61 = tpu.memref_slice %arg2[%dma_start3A_59, %dma_start3A_60] : memref<4992x128xf32, #tpu.memory_space<hbm>> -> memref<4992x128xf32, #tpu.memory_space<hbm>>
        tpu.enqueue_indirect_dma source(%dma_start3A_61 : memref<4992x128xf32, #tpu.memory_space<hbm>>) target(%dma_start3A_55 : memref<128x128xf32, #tpu.memory_space<vmem>>) offsets(%dma_start3A_58 : memref<128xi32, #tpu.memory_space<vmem>>) semaphore(%arg13 : memref<!tpu.dma_semaphore, #tpu.memory_space<semaphore_mem>>)
      } else {
      }
      %scan3A_41 = arith.constant 0 : i32
      %scan3A_42 = arith.constant 0 : i32
      %scan3A_43 = arith.constant 128 : i32
      %scan3A_44 = arith.addi %scan3A_42, %scan3A_43 : i32
      %scan3A_45 = arith.constant 1 : i32
      %scan3A_46 = scf.for %scan3A_49 = %scan3A_42 to %scan3A_44 step %scan3A_45 iter_args(%scan3A_50 = %scan3A_41) -> (i32)  : i32 {
        %broadcast_in_dim3A = vector.broadcast %scan3A_25 : i32 to vector<16xi32>
        %broadcast_in_dim3A_51 = vector.broadcast %scan3A_49 : i32 to vector<16xi32>
        %gather3A = tpu.vector_load_idx %arg10[%broadcast_in_dim3A, %broadcast_in_dim3A_51] : memref<13x128xf32, #tpu.memory_space<vmem>>[vector<16xi32>, vector<16xi32>], vector<16xf32>,
        %get3A = arith.index_cast %rem3A_27 : i32 to index
        %get3A_52 = arith.index_cast %scan3A_49 : i32 to index
        %get3A_53 = arith.constant 0 : index
        %get3A_54 = tpu.vector_load %arg11[%get3A, %get3A_52, %get3A_53] {strides = array<i32>} : memref<2x128x128xf32, #tpu.memory_space<vmem>>, vector<16xf32>,
        %mul3A_55 = arith.mulf %get3A_54, %gather3A : vector<16xf32>
        %swap3A = arith.index_cast %rem3A_27 : i32 to index
        %swap3A_56 = arith.index_cast %scan3A_49 : i32 to index
        %swap3A_57 = arith.constant 0 : index
        %swap3A_58 = tpu.vector_load %arg11[%swap3A, %swap3A_56, %swap3A_57] {strides = array<i32>} : memref<2x128x128xf32, #tpu.memory_space<vmem>>, vector<16xf32>,
        tpu.vector_store %arg11[%swap3A, %swap3A_56, %swap3A_57], %mul3A_55 {strides = array<i32>} : memref<2x128x128xf32, #tpu.memory_space<vmem>>, vector<16xf32>,
        %get3A_59 = arith.index_cast %rem3A_27 : i32 to index
        %get3A_60 = arith.index_cast %scan3A_49 : i32 to index
        %get3A_61 = arith.constant 16 : index
        %get3A_62 = tpu.vector_load %arg11[%get3A_59, %get3A_60, %get3A_61] {strides = array<i32>} : memref<2x128x128xf32, #tpu.memory_space<vmem>>, vector<16xf32>,
        %mul3A_63 = arith.mulf %get3A_62, %gather3A : vector<16xf32>
        %swap3A_64 = arith.index_cast %rem3A_27 : i32 to index
        %swap3A_65 = arith.index_cast %scan3A_49 : i32 to index
        %swap3A_66 = arith.constant 16 : index
        %swap3A_67 = tpu.vector_load %arg11[%swap3A_64, %swap3A_65, %swap3A_66] {strides = array<i32>} : memref<2x128x128xf32, #tpu.memory_space<vmem>>, vector<16xf32>,
        tpu.vector_store %arg11[%swap3A_64, %swap3A_65, %swap3A_66], %mul3A_63 {strides = array<i32>} : memref<2x128x128xf32, #tpu.memory_space<vmem>>, vector<16xf32>,
        %get3A_68 = arith.index_cast %rem3A_27 : i32 to index
        %get3A_69 = arith.index_cast %scan3A_49 : i32 to index
        %get3A_70 = arith.constant 32 : index
        %get3A_71 = tpu.vector_load %arg11[%get3A_68, %get3A_69, %get3A_70] {strides = array<i32>} : memref<2x128x128xf32, #tpu.memory_space<vmem>>, vector<16xf32>,
        %mul3A_72 = arith.mulf %get3A_71, %gather3A : vector<16xf32>
        %swap3A_73 = arith.index_cast %rem3A_27 : i32 to index
        %swap3A_74 = arith.index_cast %scan3A_49 : i32 to index
        %swap3A_75 = arith.constant 32 : index
        %swap3A_76 = tpu.vector_load %arg11[%swap3A_73, %swap3A_74, %swap3A_75] {strides = array<i32>} : memref<2x128x128xf32, #tpu.memory_space<vmem>>, vector<16xf32>,
        tpu.vector_store %arg11[%swap3A_73, %swap3A_74, %swap3A_75], %mul3A_72 {strides = array<i32>} : memref<2x128x128xf32, #tpu.memory_space<vmem>>, vector<16xf32>,
        %get3A_77 = arith.index_cast %rem3A_27 : i32 to index
        %get3A_78 = arith.index_cast %scan3A_49 : i32 to index
        %get3A_79 = arith.constant 48 : index
        %get3A_80 = tpu.vector_load %arg11[%get3A_77, %get3A_78, %get3A_79] {strides = array<i32>} : memref<2x128x128xf32, #tpu.memory_space<vmem>>, vector<16xf32>,
        %mul3A_81 = arith.mulf %get3A_80, %gather3A : vector<16xf32>
        %swap3A_82 = arith.index_cast %rem3A_27 : i32 to index
        %swap3A_83 = arith.index_cast %scan3A_49 : i32 to index
        %swap3A_84 = arith.constant 48 : index
        %swap3A_85 = tpu.vector_load %arg11[%swap3A_82, %swap3A_83, %swap3A_84] {strides = array<i32>} : memref<2x128x128xf32, #tpu.memory_space<vmem>>, vector<16xf32>,
        tpu.vector_store %arg11[%swap3A_82, %swap3A_83, %swap3A_84], %mul3A_81 {strides = array<i32>} : memref<2x128x128xf32, #tpu.memory_space<vmem>>, vector<16xf32>,
        %get3A_86 = arith.index_cast %rem3A_27 : i32 to index
        %get3A_87 = arith.index_cast %scan3A_49 : i32 to index
        %get3A_88 = arith.constant 64 : index
        %get3A_89 = tpu.vector_load %arg11[%get3A_86, %get3A_87, %get3A_88] {strides = array<i32>} : memref<2x128x128xf32, #tpu.memory_space<vmem>>, vector<16xf32>,
        %mul3A_90 = arith.mulf %get3A_89, %gather3A : vector<16xf32>
        %swap3A_91 = arith.index_cast %rem3A_27 : i32 to index
        %swap3A_92 = arith.index_cast %scan3A_49 : i32 to index
        %swap3A_93 = arith.constant 64 : index
        %swap3A_94 = tpu.vector_load %arg11[%swap3A_91, %swap3A_92, %swap3A_93] {strides = array<i32>} : memref<2x128x128xf32, #tpu.memory_space<vmem>>, vector<16xf32>,
        tpu.vector_store %arg11[%swap3A_91, %swap3A_92, %swap3A_93], %mul3A_90 {strides = array<i32>} : memref<2x128x128xf32, #tpu.memory_space<vmem>>, vector<16xf32>,
        %get3A_95 = arith.index_cast %rem3A_27 : i32 to index
        %get3A_96 = arith.index_cast %scan3A_49 : i32 to index
        %get3A_97 = arith.constant 80 : index
        %get3A_98 = tpu.vector_load %arg11[%get3A_95, %get3A_96, %get3A_97] {strides = array<i32>} : memref<2x128x128xf32, #tpu.memory_space<vmem>>, vector<16xf32>,
        %mul3A_99 = arith.mulf %get3A_98, %gather3A : vector<16xf32>
        %swap3A_100 = arith.index_cast %rem3A_27 : i32 to index
        %swap3A_101 = arith.index_cast %scan3A_49 : i32 to index
        %swap3A_102 = arith.constant 80 : index
        %swap3A_103 = tpu.vector_load %arg11[%swap3A_100, %swap3A_101, %swap3A_102] {strides = array<i32>} : memref<2x128x128xf32, #tpu.memory_space<vmem>>, vector<16xf32>,
        tpu.vector_store %arg11[%swap3A_100, %swap3A_101, %swap3A_102], %mul3A_99 {strides = array<i32>} : memref<2x128x128xf32, #tpu.memory_space<vmem>>, vector<16xf32>,
        %get3A_104 = arith.index_cast %rem3A_27 : i32 to index
        %get3A_105 = arith.index_cast %scan3A_49 : i32 to index
        %get3A_106 = arith.constant 96 : index
        %get3A_107 = tpu.vector_load %arg11[%get3A_104, %get3A_105, %get3A_106] {strides = array<i32>} : memref<2x128x128xf32, #tpu.memory_space<vmem>>, vector<16xf32>,
        %mul3A_108 = arith.mulf %get3A_107, %gather3A : vector<16xf32>
        %swap3A_109 = arith.index_cast %rem3A_27 : i32 to index
        %swap3A_110 = arith.index_cast %scan3A_49 : i32 to index
        %swap3A_111 = arith.constant 96 : index
        %swap3A_112 = tpu.vector_load %arg11[%swap3A_109, %swap3A_110, %swap3A_111] {strides = array<i32>} : memref<2x128x128xf32, #tpu.memory_space<vmem>>, vector<16xf32>,
        tpu.vector_store %arg11[%swap3A_109, %swap3A_110, %swap3A_111], %mul3A_108 {strides = array<i32>} : memref<2x128x128xf32, #tpu.memory_space<vmem>>, vector<16xf32>,
        %get3A_113 = arith.index_cast %rem3A_27 : i32 to index
        %get3A_114 = arith.index_cast %scan3A_49 : i32 to index
        %get3A_115 = arith.constant 112 : index
        %get3A_116 = tpu.vector_load %arg11[%get3A_113, %get3A_114, %get3A_115] {strides = array<i32>} : memref<2x128x128xf32, #tpu.memory_space<vmem>>, vector<16xf32>,
        %mul3A_117 = arith.mulf %get3A_116, %gather3A : vector<16xf32>
        %swap3A_118 = arith.index_cast %rem3A_27 : i32 to index
        %swap3A_119 = arith.index_cast %scan3A_49 : i32 to index
        %swap3A_120 = arith.constant 112 : index
        %swap3A_121 = tpu.vector_load %arg11[%swap3A_118, %swap3A_119, %swap3A_120] {strides = array<i32>} : memref<2x128x128xf32, #tpu.memory_space<vmem>>, vector<16xf32>,
        tpu.vector_store %arg11[%swap3A_118, %swap3A_119, %swap3A_120], %mul3A_117 {strides = array<i32>} : memref<2x128x128xf32, #tpu.memory_space<vmem>>, vector<16xf32>,
        %scan3A_122 = arith.constant 0 : i32
        scf.yield %scan3A_122 : i32
      }
      %scan3A_47 = arith.constant 128 : i32
      "tpu.region"() ({
        %run_scoped3A = tpu.sem_alloc : memref<!tpu.dma_semaphore, #tpu.memory_space<semaphore_mem>>
        %dma_start3A_49 = arith.constant 0 : i32
        %dma_start3A_50 = arith.constant 0 : i32
        %dma_start3A_51 = tpu.memref_slice %arg11[%rem3A_27, %dma_start3A_49, %dma_start3A_50] : memref<2x128x128xf32, #tpu.memory_space<vmem>> -> memref<1x128x128xf32, #tpu.memory_space<vmem>>
        %dma_start3A_52 = tpu.memref_squeeze %dma_start3A_51 : memref<1x128x128xf32, #tpu.memory_space<vmem>> -> memref<128x128xf32, #tpu.memory_space<vmem>>
        %dma_start3A_53 = arith.constant 0 : i32
        %dma_start3A_54 = tpu.memref_slice %arg9[%scan3A_25, %dma_start3A_53] : memref<13x128xi32, #tpu.memory_space<vmem>> -> memref<1x128xi32, #tpu.memory_space<vmem>>
        %dma_start3A_55 = tpu.memref_squeeze %dma_start3A_54 : memref<1x128xi32, #tpu.memory_space<vmem>> -> memref<128xi32, #tpu.memory_space<vmem>>
        %dma_start3A_56 = arith.constant 0 : i32
        %dma_start3A_57 = arith.constant 0 : i32
        %dma_start3A_58 = tpu.memref_slice %arg12[%dma_start3A_56, %dma_start3A_57] : memref<2560x128xf32, #tpu.memory_space<vmem_shared>> -> memref<2560x128xf32, #tpu.memory_space<vmem_shared>>
        tpu.enqueue_indirect_dma source(%dma_start3A_52 : memref<128x128xf32, #tpu.memory_space<vmem>>) target(%dma_start3A_58 : memref<2560x128xf32, #tpu.memory_space<vmem_shared>>) offsets(%dma_start3A_55 : memref<128xi32, #tpu.memory_space<vmem>>) semaphore(%run_scoped3A : memref<!tpu.dma_semaphore, #tpu.memory_space<semaphore_mem>>) {add = true}
        %dma_wait3A_59 = arith.constant 0 : i32
        %dma_wait3A_60 = arith.constant 0 : i32
        %dma_wait3A_61 = tpu.memref_slice %arg11[%rem3A_27, %dma_wait3A_59, %dma_wait3A_60] : memref<2x128x128xf32, #tpu.memory_space<vmem>> -> memref<1x128x128xf32, #tpu.memory_space<vmem>>
        %dma_wait3A_62 = tpu.memref_squeeze %dma_wait3A_61 : memref<1x128x128xf32, #tpu.memory_space<vmem>> -> memref<128x128xf32, #tpu.memory_space<vmem>>
        %dma_wait3A_63 = arith.constant 0 : i32
        %dma_wait3A_64 = tpu.memref_slice %arg9[%scan3A_25, %dma_wait3A_63] : memref<13x128xi32, #tpu.memory_space<vmem>> -> memref<1x128xi32, #tpu.memory_space<vmem>>
        %dma_wait3A_65 = tpu.memref_squeeze %dma_wait3A_64 : memref<1x128xi32, #tpu.memory_space<vmem>> -> memref<128xi32, #tpu.memory_space<vmem>>
        %dma_wait3A_66 = arith.constant 0 : i32
        %dma_wait3A_67 = arith.constant 0 : i32
        %dma_wait3A_68 = tpu.memref_slice %arg12[%dma_wait3A_66, %dma_wait3A_67] : memref<2560x128xf32, #tpu.memory_space<vmem_shared>> -> memref<2560x128xf32, #tpu.memory_space<vmem_shared>>
        tpu.wait_indirect_dma semaphore(%run_scoped3A : memref<!tpu.dma_semaphore, #tpu.memory_space<semaphore_mem>>) src(%dma_wait3A_62 : memref<128x128xf32, #tpu.memory_space<vmem>>) dst(%dma_wait3A_68 : memref<2560x128xf32, #tpu.memory_space<vmem_shared>>)
        tpu.yield
      }) : () -> ()
      %scan3A_48 = arith.constant 0 : i32
      scf.yield %scan3A_48 : i32
    }
    %scan3A_19 = arith.constant 13 : i32
    %barrier3A_20 = arith.constant 0 : index
    tpu.barrier barrier_id(%barrier3A_20)
    %mul3A_21 = arith.constant 160 : i32
    %mul3A_22 = arith.muli %arg1, %mul3A_21 : i32
    %mul3A_23 = arith.constant 160 : i32
    %mul3A_24 = arith.muli %arg1, %mul3A_23 : i32
    "tpu.region"() ({
      %run_scoped3A = tpu.sem_alloc : memref<!tpu.dma_semaphore, #tpu.memory_space<semaphore_mem>>
      %dma_start3A_25 = arith.constant 0 : i32
      %dma_start3A_26 = tpu.memref_slice %arg7[%arg0, %mul3A_24, %dma_start3A_25] : memref<2x2560x128xf32, #tpu.memory_space<hbm>> -> memref<1x160x128xf32, #tpu.memory_space<hbm>>
      %dma_start3A_27 = tpu.memref_squeeze %dma_start3A_26 : memref<1x160x128xf32, #tpu.memory_space<hbm>> -> memref<160x128xf32, #tpu.memory_space<hbm>>
      %dma_start3A_28 = arith.constant 0 : i32
      %dma_start3A_29 = tpu.memref_slice %arg12[%mul3A_22, %dma_start3A_28] : memref<2560x128xf32, #tpu.memory_space<vmem_shared>> -> memref<160x128xf32, #tpu.memory_space<vmem_shared>>
      tpu.enqueue_dma source(%dma_start3A_29 : memref<160x128xf32, #tpu.memory_space<vmem_shared>>) target(%dma_start3A_27 : memref<160x128xf32, #tpu.memory_space<hbm>>) target_semaphore(%run_scoped3A : memref<!tpu.dma_semaphore, #tpu.memory_space<semaphore_mem>>)
      %dma_wait3A = arith.constant 0 : i32
      %dma_wait3A_30 = tpu.memref_slice %arg7[%arg0, %mul3A_24, %dma_wait3A] : memref<2x2560x128xf32, #tpu.memory_space<hbm>> -> memref<1x160x128xf32, #tpu.memory_space<hbm>>
      %dma_wait3A_31 = tpu.memref_squeeze %dma_wait3A_30 : memref<1x160x128xf32, #tpu.memory_space<hbm>> -> memref<160x128xf32, #tpu.memory_space<hbm>>
      %dma_wait3A_32 = arith.constant 0 : i32
      %dma_wait3A_33 = tpu.memref_slice %arg12[%mul3A_22, %dma_wait3A_32] : memref<2560x128xf32, #tpu.memory_space<vmem_shared>> -> memref<160x128xf32, #tpu.memory_space<vmem_shared>>
      tpu.wait_dma2 semaphore(%run_scoped3A : memref<!tpu.dma_semaphore, #tpu.memory_space<semaphore_mem>>) src(%dma_wait3A_33 : memref<160x128xf32, #tpu.memory_space<vmem_shared>>) dst(%dma_wait3A_31 : memref<160x128xf32, #tpu.memory_space<hbm>>)
      tpu.yield
    }) : () -> ()
    return
  }
}

#map = affine_map<(d0, d1) -> (0, 0)>
#map1 = affine_map<(d0, d1) -> (0, 0, 0)>
module attributes {stable_mosaic.version = 14 : i64} {
  func.func @k(%arg0: i32, %arg1: i32, %arg2: memref<2560x128xf32, #tpu.memory_space<hbm>>, %arg3: memref<32x13x128xi32, #tpu.memory_space<hbm>>, %arg4: memref<32x13x128xi32, #tpu.memory_space<hbm>>, %arg5: memref<32x13x128xf32, #tpu.memory_space<hbm>>, %arg6: memref<512x128xf32, #tpu.memory_space<hbm>>, %arg7: memref<2x4992x128xf32, #tpu.memory_space<hbm>>, %arg8: memref<13x128xi32, #tpu.memory_space<vmem>>, %arg9: memref<13x128xi32, #tpu.memory_space<vmem>>, %arg10: memref<13x128xf32, #tpu.memory_space<vmem>>, %arg11: memref<2x128x128xf32, #tpu.memory_space<vmem>>, %arg12: memref<4992x128xf32, #tpu.memory_space<vmem_shared>>, %arg13: memref<!tpu.dma_semaphore, #tpu.memory_space<semaphore_mem>>) attributes {dimension_semantics = [#tpu.dimension_semantics<core_parallel>, #tpu.dimension_semantics<subcore_parallel>], iteration_bounds = array<i64: 2, 16>, scalar_prefetch = 0 : i64, scratch_operands = 6 : i64, tpu.core_type = #tpu.core_type<sc_vector_subcore>, window_params = [{transform_indices = #map}, {transform_indices = #map1}, {transform_indices = #map1}, {transform_indices = #map1}, {transform_indices = #map}, {transform_indices = #map1}]} {
    %mul3A = arith.constant 2 : i32
    %mul3A_0 = arith.muli %arg1, %mul3A : i32
    %add3A = arith.addi %mul3A_0, %arg0 : i32
    "tpu.region"() ({
      %run_scoped3A = tpu.sem_alloc : memref<!tpu.dma_semaphore, #tpu.memory_space<semaphore_mem>>
      %dma_start3A_25 = arith.constant 0 : i32
      %dma_start3A_26 = arith.constant 0 : i32
      %dma_start3A_27 = tpu.memref_slice %arg3[%add3A, %dma_start3A_25, %dma_start3A_26] : memref<32x13x128xi32, #tpu.memory_space<hbm>> -> memref<1x13x128xi32, #tpu.memory_space<hbm>>
      %dma_start3A_28 = tpu.memref_squeeze %dma_start3A_27 : memref<1x13x128xi32, #tpu.memory_space<hbm>> -> memref<13x128xi32, #tpu.memory_space<hbm>>
      %dma_start3A_29 = arith.constant 0 : i32
      %dma_start3A_30 = arith.constant 0 : i32
      %dma_start3A_31 = tpu.memref_slice %arg3[%add3A, %dma_start3A_29, %dma_start3A_30] : memref<32x13x128xi32, #tpu.memory_space<hbm>> -> memref<1x13x128xi32, #tpu.memory_space<hbm>>
      %dma_start3A_32 = tpu.memref_squeeze %dma_start3A_31 : memref<1x13x128xi32, #tpu.memory_space<hbm>> -> memref<13x128xi32, #tpu.memory_space<hbm>>
      tpu.enqueue_dma source(%dma_start3A_32 : memref<13x128xi32, #tpu.memory_space<hbm>>) target(%arg8 : memref<13x128xi32, #tpu.memory_space<vmem>>) target_semaphore(%run_scoped3A : memref<!tpu.dma_semaphore, #tpu.memory_space<semaphore_mem>>)
      %dma_wait3A = arith.constant 0 : i32
      %dma_wait3A_33 = arith.constant 0 : i32
      %dma_wait3A_34 = tpu.memref_slice %arg3[%add3A, %dma_wait3A, %dma_wait3A_33] : memref<32x13x128xi32, #tpu.memory_space<hbm>> -> memref<1x13x128xi32, #tpu.memory_space<hbm>>
      %dma_wait3A_35 = tpu.memref_squeeze %dma_wait3A_34 : memref<1x13x128xi32, #tpu.memory_space<hbm>> -> memref<13x128xi32, #tpu.memory_space<hbm>>
      %dma_wait3A_36 = arith.constant 0 : i32
      %dma_wait3A_37 = arith.constant 0 : i32
      %dma_wait3A_38 = tpu.memref_slice %arg3[%add3A, %dma_wait3A_36, %dma_wait3A_37] : memref<32x13x128xi32, #tpu.memory_space<hbm>> -> memref<1x13x128xi32, #tpu.memory_space<hbm>>
      %dma_wait3A_39 = tpu.memref_squeeze %dma_wait3A_38 : memref<1x13x128xi32, #tpu.memory_space<hbm>> -> memref<13x128xi32, #tpu.memory_space<hbm>>
      tpu.wait_dma2 semaphore(%run_scoped3A : memref<!tpu.dma_semaphore, #tpu.memory_space<semaphore_mem>>) src(%dma_wait3A_39 : memref<13x128xi32, #tpu.memory_space<hbm>>) dst(%arg8 : memref<13x128xi32, #tpu.memory_space<vmem>>)
      tpu.yield
    }) : () -> ()
    %dma_start3A = arith.constant 0 : i32
    %dma_start3A_1 = arith.constant 0 : i32
    %dma_start3A_2 = arith.constant 0 : i32
    %dma_start3A_3 = arith.constant 0 : i32
    %dma_start3A_4 = tpu.memref_slice %arg11[%dma_start3A_1, %dma_start3A_2, %dma_start3A_3] : memref<2x128x128xf32, #tpu.memory_space<vmem>> -> memref<1x128x128xf32, #tpu.memory_space<vmem>>
    %dma_start3A_5 = tpu.memref_squeeze %dma_start3A_4 : memref<1x128x128xf32, #tpu.memory_space<vmem>> -> memref<128x128xf32, #tpu.memory_space<vmem>>
    %dma_start3A_6 = arith.constant 0 : i32
    %dma_start3A_7 = tpu.memref_slice %arg8[%dma_start3A, %dma_start3A_6] : memref<13x128xi32, #tpu.memory_space<vmem>> -> memref<1x128xi32, #tpu.memory_space<vmem>>
    %dma_start3A_8 = tpu.memref_squeeze %dma_start3A_7 : memref<1x128xi32, #tpu.memory_space<vmem>> -> memref<128xi32, #tpu.memory_space<vmem>>
    %dma_start3A_9 = arith.constant 0 : i32
    %dma_start3A_10 = arith.constant 0 : i32
    %dma_start3A_11 = tpu.memref_slice %arg2[%dma_start3A_9, %dma_start3A_10] : memref<2560x128xf32, #tpu.memory_space<hbm>> -> memref<2560x128xf32, #tpu.memory_space<hbm>>
    tpu.enqueue_indirect_dma source(%dma_start3A_11 : memref<2560x128xf32, #tpu.memory_space<hbm>>) target(%dma_start3A_5 : memref<128x128xf32, #tpu.memory_space<vmem>>) offsets(%dma_start3A_8 : memref<128xi32, #tpu.memory_space<vmem>>) semaphore(%arg13 : memref<!tpu.dma_semaphore, #tpu.memory_space<semaphore_mem>>)
    "tpu.region"() ({
      %run_scoped3A = tpu.sem_alloc : memref<!tpu.dma_semaphore, #tpu.memory_space<semaphore_mem>>
      %dma_start3A_25 = arith.constant 0 : i32
      %dma_start3A_26 = arith.constant 0 : i32
      %dma_start3A_27 = tpu.memref_slice %arg4[%add3A, %dma_start3A_25, %dma_start3A_26] : memref<32x13x128xi32, #tpu.memory_space<hbm>> -> memref<1x13x128xi32, #tpu.memory_space<hbm>>
      %dma_start3A_28 = tpu.memref_squeeze %dma_start3A_27 : memref<1x13x128xi32, #tpu.memory_space<hbm>> -> memref<13x128xi32, #tpu.memory_space<hbm>>
      %dma_start3A_29 = arith.constant 0 : i32
      %dma_start3A_30 = arith.constant 0 : i32
      %dma_start3A_31 = tpu.memref_slice %arg4[%add3A, %dma_start3A_29, %dma_start3A_30] : memref<32x13x128xi32, #tpu.memory_space<hbm>> -> memref<1x13x128xi32, #tpu.memory_space<hbm>>
      %dma_start3A_32 = tpu.memref_squeeze %dma_start3A_31 : memref<1x13x128xi32, #tpu.memory_space<hbm>> -> memref<13x128xi32, #tpu.memory_space<hbm>>
      tpu.enqueue_dma source(%dma_start3A_32 : memref<13x128xi32, #tpu.memory_space<hbm>>) target(%arg9 : memref<13x128xi32, #tpu.memory_space<vmem>>) target_semaphore(%run_scoped3A : memref<!tpu.dma_semaphore, #tpu.memory_space<semaphore_mem>>)
      %dma_wait3A = arith.constant 0 : i32
      %dma_wait3A_33 = arith.constant 0 : i32
      %dma_wait3A_34 = tpu.memref_slice %arg4[%add3A, %dma_wait3A, %dma_wait3A_33] : memref<32x13x128xi32, #tpu.memory_space<hbm>> -> memref<1x13x128xi32, #tpu.memory_space<hbm>>
      %dma_wait3A_35 = tpu.memref_squeeze %dma_wait3A_34 : memref<1x13x128xi32, #tpu.memory_space<hbm>> -> memref<13x128xi32, #tpu.memory_space<hbm>>
      %dma_wait3A_36 = arith.constant 0 : i32
      %dma_wait3A_37 = arith.constant 0 : i32
      %dma_wait3A_38 = tpu.memref_slice %arg4[%add3A, %dma_wait3A_36, %dma_wait3A_37] : memref<32x13x128xi32, #tpu.memory_space<hbm>> -> memref<1x13x128xi32, #tpu.memory_space<hbm>>
      %dma_wait3A_39 = tpu.memref_squeeze %dma_wait3A_38 : memref<1x13x128xi32, #tpu.memory_space<hbm>> -> memref<13x128xi32, #tpu.memory_space<hbm>>
      tpu.wait_dma2 semaphore(%run_scoped3A : memref<!tpu.dma_semaphore, #tpu.memory_space<semaphore_mem>>) src(%dma_wait3A_39 : memref<13x128xi32, #tpu.memory_space<hbm>>) dst(%arg9 : memref<13x128xi32, #tpu.memory_space<vmem>>)
      tpu.yield
    }) : () -> ()
    "tpu.region"() ({
      %run_scoped3A = tpu.sem_alloc : memref<!tpu.dma_semaphore, #tpu.memory_space<semaphore_mem>>
      %dma_start3A_25 = arith.constant 0 : i32
      %dma_start3A_26 = arith.constant 0 : i32
      %dma_start3A_27 = tpu.memref_slice %arg5[%add3A, %dma_start3A_25, %dma_start3A_26] : memref<32x13x128xf32, #tpu.memory_space<hbm>> -> memref<1x13x128xf32, #tpu.memory_space<hbm>>
      %dma_start3A_28 = tpu.memref_squeeze %dma_start3A_27 : memref<1x13x128xf32, #tpu.memory_space<hbm>> -> memref<13x128xf32, #tpu.memory_space<hbm>>
      %dma_start3A_29 = arith.constant 0 : i32
      %dma_start3A_30 = arith.constant 0 : i32
      %dma_start3A_31 = tpu.memref_slice %arg5[%add3A, %dma_start3A_29, %dma_start3A_30] : memref<32x13x128xf32, #tpu.memory_space<hbm>> -> memref<1x13x128xf32, #tpu.memory_space<hbm>>
      %dma_start3A_32 = tpu.memref_squeeze %dma_start3A_31 : memref<1x13x128xf32, #tpu.memory_space<hbm>> -> memref<13x128xf32, #tpu.memory_space<hbm>>
      tpu.enqueue_dma source(%dma_start3A_32 : memref<13x128xf32, #tpu.memory_space<hbm>>) target(%arg10 : memref<13x128xf32, #tpu.memory_space<vmem>>) target_semaphore(%run_scoped3A : memref<!tpu.dma_semaphore, #tpu.memory_space<semaphore_mem>>)
      %dma_wait3A = arith.constant 0 : i32
      %dma_wait3A_33 = arith.constant 0 : i32
      %dma_wait3A_34 = tpu.memref_slice %arg5[%add3A, %dma_wait3A, %dma_wait3A_33] : memref<32x13x128xf32, #tpu.memory_space<hbm>> -> memref<1x13x128xf32, #tpu.memory_space<hbm>>
      %dma_wait3A_35 = tpu.memref_squeeze %dma_wait3A_34 : memref<1x13x128xf32, #tpu.memory_space<hbm>> -> memref<13x128xf32, #tpu.memory_space<hbm>>
      %dma_wait3A_36 = arith.constant 0 : i32
      %dma_wait3A_37 = arith.constant 0 : i32
      %dma_wait3A_38 = tpu.memref_slice %arg5[%add3A, %dma_wait3A_36, %dma_wait3A_37] : memref<32x13x128xf32, #tpu.memory_space<hbm>> -> memref<1x13x128xf32, #tpu.memory_space<hbm>>
      %dma_wait3A_39 = tpu.memref_squeeze %dma_wait3A_38 : memref<1x13x128xf32, #tpu.memory_space<hbm>> -> memref<13x128xf32, #tpu.memory_space<hbm>>
      tpu.wait_dma2 semaphore(%run_scoped3A : memref<!tpu.dma_semaphore, #tpu.memory_space<semaphore_mem>>) src(%dma_wait3A_39 : memref<13x128xf32, #tpu.memory_space<hbm>>) dst(%arg10 : memref<13x128xf32, #tpu.memory_space<vmem>>)
      tpu.yield
    }) : () -> ()
    %mul3A_12 = arith.constant 312 : i32
    %mul3A_13 = arith.muli %arg1, %mul3A_12 : i32
    "tpu.region"() ({
      %run_scoped3A = tpu.sem_alloc : memref<!tpu.dma_semaphore, #tpu.memory_space<semaphore_mem>>
      %dma_start3A_25 = arith.constant 0 : i32
      %dma_start3A_26 = tpu.memref_slice %arg12[%mul3A_13, %dma_start3A_25] : memref<4992x128xf32, #tpu.memory_space<vmem_shared>> -> memref<312x128xf32, #tpu.memory_space<vmem_shared>>
      %dma_start3A_27 = arith.constant 0 : i32
      %dma_start3A_28 = arith.constant 0 : i32
      %dma_start3A_29 = tpu.memref_slice %arg6[%dma_start3A_27, %dma_start3A_28] : memref<512x128xf32, #tpu.memory_space<hbm>> -> memref<312x128xf32, #tpu.memory_space<hbm>>
      tpu.enqueue_dma source(%dma_start3A_29 : memref<312x128xf32, #tpu.memory_space<hbm>>) target(%dma_start3A_26 : memref<312x128xf32, #tpu.memory_space<vmem_shared>>) target_semaphore(%run_scoped3A : memref<!tpu.dma_semaphore, #tpu.memory_space<semaphore_mem>>)
      %dma_wait3A = arith.constant 0 : i32
      %dma_wait3A_30 = tpu.memref_slice %arg12[%mul3A_13, %dma_wait3A] : memref<4992x128xf32, #tpu.memory_space<vmem_shared>> -> memref<312x128xf32, #tpu.memory_space<vmem_shared>>
      %dma_wait3A_31 = arith.constant 0 : i32
      %dma_wait3A_32 = arith.constant 0 : i32
      %dma_wait3A_33 = tpu.memref_slice %arg6[%dma_wait3A_31, %dma_wait3A_32] : memref<512x128xf32, #tpu.memory_space<hbm>> -> memref<312x128xf32, #tpu.memory_space<hbm>>
      tpu.wait_dma2 semaphore(%run_scoped3A : memref<!tpu.dma_semaphore, #tpu.memory_space<semaphore_mem>>) src(%dma_wait3A_33 : memref<312x128xf32, #tpu.memory_space<hbm>>) dst(%dma_wait3A_30 : memref<312x128xf32, #tpu.memory_space<vmem_shared>>)
      tpu.yield
    }) : () -> ()
    %barrier3A = arith.constant 0 : index
    tpu.barrier barrier_id(%barrier3A)
    %scan3A = arith.constant 0 : i32
    %scan3A_14 = arith.constant 0 : i32
    %scan3A_15 = arith.constant 13 : i32
    %scan3A_16 = arith.addi %scan3A_14, %scan3A_15 : i32
    %scan3A_17 = arith.constant 1 : i32
    %scan3A_18 = scf.for %scan3A_25 = %scan3A_14 to %scan3A_16 step %scan3A_17 iter_args(%scan3A_26 = %scan3A) -> (i32)  : i32 {
      %rem3A = arith.constant 2 : i32
      %rem3A_27 = arith.remsi %scan3A_25, %rem3A : i32
      %dma_wait3A = arith.constant 0 : i32
      %dma_wait3A_28 = arith.constant 0 : i32
      %dma_wait3A_29 = tpu.memref_slice %arg11[%rem3A_27, %dma_wait3A, %dma_wait3A_28] : memref<2x128x128xf32, #tpu.memory_space<vmem>> -> memref<1x128x128xf32, #tpu.memory_space<vmem>>
      %dma_wait3A_30 = tpu.memref_squeeze %dma_wait3A_29 : memref<1x128x128xf32, #tpu.memory_space<vmem>> -> memref<128x128xf32, #tpu.memory_space<vmem>>
      %dma_wait3A_31 = arith.constant 0 : i32
      %dma_wait3A_32 = tpu.memref_slice %arg8[%scan3A_25, %dma_wait3A_31] : memref<13x128xi32, #tpu.memory_space<vmem>> -> memref<1x128xi32, #tpu.memory_space<vmem>>
      %dma_wait3A_33 = tpu.memref_squeeze %dma_wait3A_32 : memref<1x128xi32, #tpu.memory_space<vmem>> -> memref<128xi32, #tpu.memory_space<vmem>>
      %dma_wait3A_34 = arith.constant 0 : i32
      %dma_wait3A_35 = arith.constant 0 : i32
      %dma_wait3A_36 = tpu.memref_slice %arg2[%dma_wait3A_34, %dma_wait3A_35] : memref<2560x128xf32, #tpu.memory_space<hbm>> -> memref<2560x128xf32, #tpu.memory_space<hbm>>
      tpu.wait_indirect_dma semaphore(%arg13 : memref<!tpu.dma_semaphore, #tpu.memory_space<semaphore_mem>>) src(%dma_wait3A_36 : memref<2560x128xf32, #tpu.memory_space<hbm>>) dst(%dma_wait3A_30 : memref<128x128xf32, #tpu.memory_space<vmem>>)
      %add3A_37 = arith.constant 1 : i32
      %add3A_38 = arith.addi %scan3A_25, %add3A_37 : i32
      %lt3A = arith.constant 13 : i32
      %lt3A_39 = arith.cmpi slt, %add3A_38, %lt3A : i32
      %convert_element_type3A = arith.extui %lt3A_39 : i1 to i32
      %cond3A = arith.constant 0 : i32
      %cond3A_40 = arith.cmpi ne, %convert_element_type3A, %cond3A : i32
      scf.if %cond3A_40 {
        %add3A_49 = arith.constant 1 : i32
        %add3A_50 = arith.addi %scan3A_25, %add3A_49 : i32
        %sub3A = arith.constant 1 : i32
        %sub3A_51 = arith.subi %sub3A, %rem3A_27 : i32
        %dma_start3A_52 = arith.constant 0 : i32
        %dma_start3A_53 = arith.constant 0 : i32
        %dma_start3A_54 = tpu.memref_slice %arg11[%sub3A_51, %dma_start3A_52, %dma_start3A_53] : memref<2x128x128xf32, #tpu.memory_space<vmem>> -> memref<1x128x128xf32, #tpu.memory_space<vmem>>
        %dma_start3A_55 = tpu.memref_squeeze %dma_start3A_54 : memref<1x128x128xf32, #tpu.memory_space<vmem>> -> memref<128x128xf32, #tpu.memory_space<vmem>>
        %dma_start3A_56 = arith.constant 0 : i32
        %dma_start3A_57 = tpu.memref_slice %arg8[%add3A_50, %dma_start3A_56] : memref<13x128xi32, #tpu.memory_space<vmem>> -> memref<1x128xi32, #tpu.memory_space<vmem>>
        %dma_start3A_58 = tpu.memref_squeeze %dma_start3A_57 : memref<1x128xi32, #tpu.memory_space<vmem>> -> memref<128xi32, #tpu.memory_space<vmem>>
        %dma_start3A_59 = arith.constant 0 : i32
        %dma_start3A_60 = arith.constant 0 : i32
        %dma_start3A_61 = tpu.memref_slice %arg2[%dma_start3A_59, %dma_start3A_60] : memref<2560x128xf32, #tpu.memory_space<hbm>> -> memref<2560x128xf32, #tpu.memory_space<hbm>>
        tpu.enqueue_indirect_dma source(%dma_start3A_61 : memref<2560x128xf32, #tpu.memory_space<hbm>>) target(%dma_start3A_55 : memref<128x128xf32, #tpu.memory_space<vmem>>) offsets(%dma_start3A_58 : memref<128xi32, #tpu.memory_space<vmem>>) semaphore(%arg13 : memref<!tpu.dma_semaphore, #tpu.memory_space<semaphore_mem>>)
      } else {
      }
      %scan3A_41 = arith.constant 0 : i32
      %scan3A_42 = arith.constant 0 : i32
      %scan3A_43 = arith.constant 128 : i32
      %scan3A_44 = arith.addi %scan3A_42, %scan3A_43 : i32
      %scan3A_45 = arith.constant 1 : i32
      %scan3A_46 = scf.for %scan3A_49 = %scan3A_42 to %scan3A_44 step %scan3A_45 iter_args(%scan3A_50 = %scan3A_41) -> (i32)  : i32 {
        %broadcast_in_dim3A = vector.broadcast %scan3A_25 : i32 to vector<16xi32>
        %broadcast_in_dim3A_51 = vector.broadcast %scan3A_49 : i32 to vector<16xi32>
        %gather3A = tpu.vector_load_idx %arg10[%broadcast_in_dim3A, %broadcast_in_dim3A_51] : memref<13x128xf32, #tpu.memory_space<vmem>>[vector<16xi32>, vector<16xi32>], vector<16xf32>,
        %get3A = arith.index_cast %rem3A_27 : i32 to index
        %get3A_52 = arith.index_cast %scan3A_49 : i32 to index
        %get3A_53 = arith.constant 0 : index
        %get3A_54 = tpu.vector_load %arg11[%get3A, %get3A_52, %get3A_53] {strides = array<i32>} : memref<2x128x128xf32, #tpu.memory_space<vmem>>, vector<16xf32>,
        %mul3A_55 = arith.mulf %get3A_54, %gather3A : vector<16xf32>
        %swap3A = arith.index_cast %rem3A_27 : i32 to index
        %swap3A_56 = arith.index_cast %scan3A_49 : i32 to index
        %swap3A_57 = arith.constant 0 : index
        %swap3A_58 = tpu.vector_load %arg11[%swap3A, %swap3A_56, %swap3A_57] {strides = array<i32>} : memref<2x128x128xf32, #tpu.memory_space<vmem>>, vector<16xf32>,
        tpu.vector_store %arg11[%swap3A, %swap3A_56, %swap3A_57], %mul3A_55 {strides = array<i32>} : memref<2x128x128xf32, #tpu.memory_space<vmem>>, vector<16xf32>,
        %get3A_59 = arith.index_cast %rem3A_27 : i32 to index
        %get3A_60 = arith.index_cast %scan3A_49 : i32 to index
        %get3A_61 = arith.constant 16 : index
        %get3A_62 = tpu.vector_load %arg11[%get3A_59, %get3A_60, %get3A_61] {strides = array<i32>} : memref<2x128x128xf32, #tpu.memory_space<vmem>>, vector<16xf32>,
        %mul3A_63 = arith.mulf %get3A_62, %gather3A : vector<16xf32>
        %swap3A_64 = arith.index_cast %rem3A_27 : i32 to index
        %swap3A_65 = arith.index_cast %scan3A_49 : i32 to index
        %swap3A_66 = arith.constant 16 : index
        %swap3A_67 = tpu.vector_load %arg11[%swap3A_64, %swap3A_65, %swap3A_66] {strides = array<i32>} : memref<2x128x128xf32, #tpu.memory_space<vmem>>, vector<16xf32>,
        tpu.vector_store %arg11[%swap3A_64, %swap3A_65, %swap3A_66], %mul3A_63 {strides = array<i32>} : memref<2x128x128xf32, #tpu.memory_space<vmem>>, vector<16xf32>,
        %get3A_68 = arith.index_cast %rem3A_27 : i32 to index
        %get3A_69 = arith.index_cast %scan3A_49 : i32 to index
        %get3A_70 = arith.constant 32 : index
        %get3A_71 = tpu.vector_load %arg11[%get3A_68, %get3A_69, %get3A_70] {strides = array<i32>} : memref<2x128x128xf32, #tpu.memory_space<vmem>>, vector<16xf32>,
        %mul3A_72 = arith.mulf %get3A_71, %gather3A : vector<16xf32>
        %swap3A_73 = arith.index_cast %rem3A_27 : i32 to index
        %swap3A_74 = arith.index_cast %scan3A_49 : i32 to index
        %swap3A_75 = arith.constant 32 : index
        %swap3A_76 = tpu.vector_load %arg11[%swap3A_73, %swap3A_74, %swap3A_75] {strides = array<i32>} : memref<2x128x128xf32, #tpu.memory_space<vmem>>, vector<16xf32>,
        tpu.vector_store %arg11[%swap3A_73, %swap3A_74, %swap3A_75], %mul3A_72 {strides = array<i32>} : memref<2x128x128xf32, #tpu.memory_space<vmem>>, vector<16xf32>,
        %get3A_77 = arith.index_cast %rem3A_27 : i32 to index
        %get3A_78 = arith.index_cast %scan3A_49 : i32 to index
        %get3A_79 = arith.constant 48 : index
        %get3A_80 = tpu.vector_load %arg11[%get3A_77, %get3A_78, %get3A_79] {strides = array<i32>} : memref<2x128x128xf32, #tpu.memory_space<vmem>>, vector<16xf32>,
        %mul3A_81 = arith.mulf %get3A_80, %gather3A : vector<16xf32>
        %swap3A_82 = arith.index_cast %rem3A_27 : i32 to index
        %swap3A_83 = arith.index_cast %scan3A_49 : i32 to index
        %swap3A_84 = arith.constant 48 : index
        %swap3A_85 = tpu.vector_load %arg11[%swap3A_82, %swap3A_83, %swap3A_84] {strides = array<i32>} : memref<2x128x128xf32, #tpu.memory_space<vmem>>, vector<16xf32>,
        tpu.vector_store %arg11[%swap3A_82, %swap3A_83, %swap3A_84], %mul3A_81 {strides = array<i32>} : memref<2x128x128xf32, #tpu.memory_space<vmem>>, vector<16xf32>,
        %get3A_86 = arith.index_cast %rem3A_27 : i32 to index
        %get3A_87 = arith.index_cast %scan3A_49 : i32 to index
        %get3A_88 = arith.constant 64 : index
        %get3A_89 = tpu.vector_load %arg11[%get3A_86, %get3A_87, %get3A_88] {strides = array<i32>} : memref<2x128x128xf32, #tpu.memory_space<vmem>>, vector<16xf32>,
        %mul3A_90 = arith.mulf %get3A_89, %gather3A : vector<16xf32>
        %swap3A_91 = arith.index_cast %rem3A_27 : i32 to index
        %swap3A_92 = arith.index_cast %scan3A_49 : i32 to index
        %swap3A_93 = arith.constant 64 : index
        %swap3A_94 = tpu.vector_load %arg11[%swap3A_91, %swap3A_92, %swap3A_93] {strides = array<i32>} : memref<2x128x128xf32, #tpu.memory_space<vmem>>, vector<16xf32>,
        tpu.vector_store %arg11[%swap3A_91, %swap3A_92, %swap3A_93], %mul3A_90 {strides = array<i32>} : memref<2x128x128xf32, #tpu.memory_space<vmem>>, vector<16xf32>,
        %get3A_95 = arith.index_cast %rem3A_27 : i32 to index
        %get3A_96 = arith.index_cast %scan3A_49 : i32 to index
        %get3A_97 = arith.constant 80 : index
        %get3A_98 = tpu.vector_load %arg11[%get3A_95, %get3A_96, %get3A_97] {strides = array<i32>} : memref<2x128x128xf32, #tpu.memory_space<vmem>>, vector<16xf32>,
        %mul3A_99 = arith.mulf %get3A_98, %gather3A : vector<16xf32>
        %swap3A_100 = arith.index_cast %rem3A_27 : i32 to index
        %swap3A_101 = arith.index_cast %scan3A_49 : i32 to index
        %swap3A_102 = arith.constant 80 : index
        %swap3A_103 = tpu.vector_load %arg11[%swap3A_100, %swap3A_101, %swap3A_102] {strides = array<i32>} : memref<2x128x128xf32, #tpu.memory_space<vmem>>, vector<16xf32>,
        tpu.vector_store %arg11[%swap3A_100, %swap3A_101, %swap3A_102], %mul3A_99 {strides = array<i32>} : memref<2x128x128xf32, #tpu.memory_space<vmem>>, vector<16xf32>,
        %get3A_104 = arith.index_cast %rem3A_27 : i32 to index
        %get3A_105 = arith.index_cast %scan3A_49 : i32 to index
        %get3A_106 = arith.constant 96 : index
        %get3A_107 = tpu.vector_load %arg11[%get3A_104, %get3A_105, %get3A_106] {strides = array<i32>} : memref<2x128x128xf32, #tpu.memory_space<vmem>>, vector<16xf32>,
        %mul3A_108 = arith.mulf %get3A_107, %gather3A : vector<16xf32>
        %swap3A_109 = arith.index_cast %rem3A_27 : i32 to index
        %swap3A_110 = arith.index_cast %scan3A_49 : i32 to index
        %swap3A_111 = arith.constant 96 : index
        %swap3A_112 = tpu.vector_load %arg11[%swap3A_109, %swap3A_110, %swap3A_111] {strides = array<i32>} : memref<2x128x128xf32, #tpu.memory_space<vmem>>, vector<16xf32>,
        tpu.vector_store %arg11[%swap3A_109, %swap3A_110, %swap3A_111], %mul3A_108 {strides = array<i32>} : memref<2x128x128xf32, #tpu.memory_space<vmem>>, vector<16xf32>,
        %get3A_113 = arith.index_cast %rem3A_27 : i32 to index
        %get3A_114 = arith.index_cast %scan3A_49 : i32 to index
        %get3A_115 = arith.constant 112 : index
        %get3A_116 = tpu.vector_load %arg11[%get3A_113, %get3A_114, %get3A_115] {strides = array<i32>} : memref<2x128x128xf32, #tpu.memory_space<vmem>>, vector<16xf32>,
        %mul3A_117 = arith.mulf %get3A_116, %gather3A : vector<16xf32>
        %swap3A_118 = arith.index_cast %rem3A_27 : i32 to index
        %swap3A_119 = arith.index_cast %scan3A_49 : i32 to index
        %swap3A_120 = arith.constant 112 : index
        %swap3A_121 = tpu.vector_load %arg11[%swap3A_118, %swap3A_119, %swap3A_120] {strides = array<i32>} : memref<2x128x128xf32, #tpu.memory_space<vmem>>, vector<16xf32>,
        tpu.vector_store %arg11[%swap3A_118, %swap3A_119, %swap3A_120], %mul3A_117 {strides = array<i32>} : memref<2x128x128xf32, #tpu.memory_space<vmem>>, vector<16xf32>,
        %scan3A_122 = arith.constant 0 : i32
        scf.yield %scan3A_122 : i32
      }
      %scan3A_47 = arith.constant 128 : i32
      "tpu.region"() ({
        %run_scoped3A = tpu.sem_alloc : memref<!tpu.dma_semaphore, #tpu.memory_space<semaphore_mem>>
        %dma_start3A_49 = arith.constant 0 : i32
        %dma_start3A_50 = arith.constant 0 : i32
        %dma_start3A_51 = tpu.memref_slice %arg11[%rem3A_27, %dma_start3A_49, %dma_start3A_50] : memref<2x128x128xf32, #tpu.memory_space<vmem>> -> memref<1x128x128xf32, #tpu.memory_space<vmem>>
        %dma_start3A_52 = tpu.memref_squeeze %dma_start3A_51 : memref<1x128x128xf32, #tpu.memory_space<vmem>> -> memref<128x128xf32, #tpu.memory_space<vmem>>
        %dma_start3A_53 = arith.constant 0 : i32
        %dma_start3A_54 = tpu.memref_slice %arg9[%scan3A_25, %dma_start3A_53] : memref<13x128xi32, #tpu.memory_space<vmem>> -> memref<1x128xi32, #tpu.memory_space<vmem>>
        %dma_start3A_55 = tpu.memref_squeeze %dma_start3A_54 : memref<1x128xi32, #tpu.memory_space<vmem>> -> memref<128xi32, #tpu.memory_space<vmem>>
        %dma_start3A_56 = arith.constant 0 : i32
        %dma_start3A_57 = arith.constant 0 : i32
        %dma_start3A_58 = tpu.memref_slice %arg12[%dma_start3A_56, %dma_start3A_57] : memref<4992x128xf32, #tpu.memory_space<vmem_shared>> -> memref<4992x128xf32, #tpu.memory_space<vmem_shared>>
        tpu.enqueue_indirect_dma source(%dma_start3A_52 : memref<128x128xf32, #tpu.memory_space<vmem>>) target(%dma_start3A_58 : memref<4992x128xf32, #tpu.memory_space<vmem_shared>>) offsets(%dma_start3A_55 : memref<128xi32, #tpu.memory_space<vmem>>) semaphore(%run_scoped3A : memref<!tpu.dma_semaphore, #tpu.memory_space<semaphore_mem>>) {add = true}
        %dma_wait3A_59 = arith.constant 0 : i32
        %dma_wait3A_60 = arith.constant 0 : i32
        %dma_wait3A_61 = tpu.memref_slice %arg11[%rem3A_27, %dma_wait3A_59, %dma_wait3A_60] : memref<2x128x128xf32, #tpu.memory_space<vmem>> -> memref<1x128x128xf32, #tpu.memory_space<vmem>>
        %dma_wait3A_62 = tpu.memref_squeeze %dma_wait3A_61 : memref<1x128x128xf32, #tpu.memory_space<vmem>> -> memref<128x128xf32, #tpu.memory_space<vmem>>
        %dma_wait3A_63 = arith.constant 0 : i32
        %dma_wait3A_64 = tpu.memref_slice %arg9[%scan3A_25, %dma_wait3A_63] : memref<13x128xi32, #tpu.memory_space<vmem>> -> memref<1x128xi32, #tpu.memory_space<vmem>>
        %dma_wait3A_65 = tpu.memref_squeeze %dma_wait3A_64 : memref<1x128xi32, #tpu.memory_space<vmem>> -> memref<128xi32, #tpu.memory_space<vmem>>
        %dma_wait3A_66 = arith.constant 0 : i32
        %dma_wait3A_67 = arith.constant 0 : i32
        %dma_wait3A_68 = tpu.memref_slice %arg12[%dma_wait3A_66, %dma_wait3A_67] : memref<4992x128xf32, #tpu.memory_space<vmem_shared>> -> memref<4992x128xf32, #tpu.memory_space<vmem_shared>>
        tpu.wait_indirect_dma semaphore(%run_scoped3A : memref<!tpu.dma_semaphore, #tpu.memory_space<semaphore_mem>>) src(%dma_wait3A_62 : memref<128x128xf32, #tpu.memory_space<vmem>>) dst(%dma_wait3A_68 : memref<4992x128xf32, #tpu.memory_space<vmem_shared>>)
        tpu.yield
      }) : () -> ()
      %scan3A_48 = arith.constant 0 : i32
      scf.yield %scan3A_48 : i32
    }
    %scan3A_19 = arith.constant 13 : i32
    %barrier3A_20 = arith.constant 0 : index
    tpu.barrier barrier_id(%barrier3A_20)
    %mul3A_21 = arith.constant 312 : i32
    %mul3A_22 = arith.muli %arg1, %mul3A_21 : i32
    %mul3A_23 = arith.constant 312 : i32
    %mul3A_24 = arith.muli %arg1, %mul3A_23 : i32
    "tpu.region"() ({
      %run_scoped3A = tpu.sem_alloc : memref<!tpu.dma_semaphore, #tpu.memory_space<semaphore_mem>>
      %dma_start3A_25 = arith.constant 0 : i32
      %dma_start3A_26 = tpu.memref_slice %arg7[%arg0, %mul3A_24, %dma_start3A_25] : memref<2x4992x128xf32, #tpu.memory_space<hbm>> -> memref<1x312x128xf32, #tpu.memory_space<hbm>>
      %dma_start3A_27 = tpu.memref_squeeze %dma_start3A_26 : memref<1x312x128xf32, #tpu.memory_space<hbm>> -> memref<312x128xf32, #tpu.memory_space<hbm>>
      %dma_start3A_28 = arith.constant 0 : i32
      %dma_start3A_29 = tpu.memref_slice %arg12[%mul3A_22, %dma_start3A_28] : memref<4992x128xf32, #tpu.memory_space<vmem_shared>> -> memref<312x128xf32, #tpu.memory_space<vmem_shared>>
      tpu.enqueue_dma source(%dma_start3A_29 : memref<312x128xf32, #tpu.memory_space<vmem_shared>>) target(%dma_start3A_27 : memref<312x128xf32, #tpu.memory_space<hbm>>) target_semaphore(%run_scoped3A : memref<!tpu.dma_semaphore, #tpu.memory_space<semaphore_mem>>)
      %dma_wait3A = arith.constant 0 : i32
      %dma_wait3A_30 = tpu.memref_slice %arg7[%arg0, %mul3A_24, %dma_wait3A] : memref<2x4992x128xf32, #tpu.memory_space<hbm>> -> memref<1x312x128xf32, #tpu.memory_space<hbm>>
      %dma_wait3A_31 = tpu.memref_squeeze %dma_wait3A_30 : memref<1x312x128xf32, #tpu.memory_space<hbm>> -> memref<312x128xf32, #tpu.memory_space<hbm>>
      %dma_wait3A_32 = arith.constant 0 : i32
      %dma_wait3A_33 = tpu.memref_slice %arg12[%mul3A_22, %dma_wait3A_32] : memref<4992x128xf32, #tpu.memory_space<vmem_shared>> -> memref<312x128xf32, #tpu.memory_space<vmem_shared>>
      tpu.wait_dma2 semaphore(%run_scoped3A : memref<!tpu.dma_semaphore, #tpu.memory_space<semaphore_mem>>) src(%dma_wait3A_33 : memref<312x128xf32, #tpu.memory_space<vmem_shared>>) dst(%dma_wait3A_31 : memref<312x128xf32, #tpu.memory_space<hbm>>)
      tpu.yield
    }) : () -> ()
    return
  }
}

#map = affine_map<(d0, d1) -> (0, 0)>
#map1 = affine_map<(d0, d1) -> (0, 0, 0)>
module attributes {stable_mosaic.version = 14 : i64} {
  func.func @k(%arg0: i32, %arg1: i32, %arg2: memref<2560x128xf32, #tpu.memory_space<hbm>>, %arg3: memref<32x13x128xi32, #tpu.memory_space<hbm>>, %arg4: memref<32x13x128xi32, #tpu.memory_space<hbm>>, %arg5: memref<32x13x128xf32, #tpu.memory_space<hbm>>, %arg6: memref<512x128xf32, #tpu.memory_space<hbm>>, %arg7: memref<2x4992x128xf32, #tpu.memory_space<hbm>>, %arg8: memref<13x128xi32, #tpu.memory_space<vmem>>, %arg9: memref<13x128xi32, #tpu.memory_space<vmem>>, %arg10: memref<13x128xf32, #tpu.memory_space<vmem>>, %arg11: memref<2x128x128xf32, #tpu.memory_space<vmem>>, %arg12: memref<4992x128xf32, #tpu.memory_space<vmem_shared>>, %arg13: memref<!tpu.dma_semaphore, #tpu.memory_space<semaphore_mem>>) attributes {dimension_semantics = [#tpu.dimension_semantics<core_parallel>, #tpu.dimension_semantics<subcore_parallel>], iteration_bounds = array<i64: 2, 16>, scalar_prefetch = 0 : i64, scratch_operands = 6 : i64, tpu.core_type = #tpu.core_type<sc_vector_subcore>, window_params = [{transform_indices = #map}, {transform_indices = #map1}, {transform_indices = #map1}, {transform_indices = #map1}, {transform_indices = #map}, {transform_indices = #map1}]} {
    %mul3A = arith.constant 2 : i32
    %mul3A_0 = arith.muli %arg1, %mul3A : i32
    %add3A = arith.addi %mul3A_0, %arg0 : i32
    "tpu.region"() ({
      %run_scoped3A = tpu.sem_alloc : memref<!tpu.dma_semaphore, #tpu.memory_space<semaphore_mem>>
      %dma_start3A_25 = arith.constant 0 : i32
      %dma_start3A_26 = arith.constant 0 : i32
      %dma_start3A_27 = tpu.memref_slice %arg3[%add3A, %dma_start3A_25, %dma_start3A_26] : memref<32x13x128xi32, #tpu.memory_space<hbm>> -> memref<1x13x128xi32, #tpu.memory_space<hbm>>
      %dma_start3A_28 = tpu.memref_squeeze %dma_start3A_27 : memref<1x13x128xi32, #tpu.memory_space<hbm>> -> memref<13x128xi32, #tpu.memory_space<hbm>>
      %dma_start3A_29 = arith.constant 0 : i32
      %dma_start3A_30 = arith.constant 0 : i32
      %dma_start3A_31 = tpu.memref_slice %arg3[%add3A, %dma_start3A_29, %dma_start3A_30] : memref<32x13x128xi32, #tpu.memory_space<hbm>> -> memref<1x13x128xi32, #tpu.memory_space<hbm>>
      %dma_start3A_32 = tpu.memref_squeeze %dma_start3A_31 : memref<1x13x128xi32, #tpu.memory_space<hbm>> -> memref<13x128xi32, #tpu.memory_space<hbm>>
      tpu.enqueue_dma source(%dma_start3A_32 : memref<13x128xi32, #tpu.memory_space<hbm>>) target(%arg8 : memref<13x128xi32, #tpu.memory_space<vmem>>) target_semaphore(%run_scoped3A : memref<!tpu.dma_semaphore, #tpu.memory_space<semaphore_mem>>)
      %dma_wait3A = arith.constant 0 : i32
      %dma_wait3A_33 = arith.constant 0 : i32
      %dma_wait3A_34 = tpu.memref_slice %arg3[%add3A, %dma_wait3A, %dma_wait3A_33] : memref<32x13x128xi32, #tpu.memory_space<hbm>> -> memref<1x13x128xi32, #tpu.memory_space<hbm>>
      %dma_wait3A_35 = tpu.memref_squeeze %dma_wait3A_34 : memref<1x13x128xi32, #tpu.memory_space<hbm>> -> memref<13x128xi32, #tpu.memory_space<hbm>>
      %dma_wait3A_36 = arith.constant 0 : i32
      %dma_wait3A_37 = arith.constant 0 : i32
      %dma_wait3A_38 = tpu.memref_slice %arg3[%add3A, %dma_wait3A_36, %dma_wait3A_37] : memref<32x13x128xi32, #tpu.memory_space<hbm>> -> memref<1x13x128xi32, #tpu.memory_space<hbm>>
      %dma_wait3A_39 = tpu.memref_squeeze %dma_wait3A_38 : memref<1x13x128xi32, #tpu.memory_space<hbm>> -> memref<13x128xi32, #tpu.memory_space<hbm>>
      tpu.wait_dma2 semaphore(%run_scoped3A : memref<!tpu.dma_semaphore, #tpu.memory_space<semaphore_mem>>) src(%dma_wait3A_39 : memref<13x128xi32, #tpu.memory_space<hbm>>) dst(%arg8 : memref<13x128xi32, #tpu.memory_space<vmem>>)
      tpu.yield
    }) : () -> ()
    %dma_start3A = arith.constant 0 : i32
    %dma_start3A_1 = arith.constant 0 : i32
    %dma_start3A_2 = arith.constant 0 : i32
    %dma_start3A_3 = arith.constant 0 : i32
    %dma_start3A_4 = tpu.memref_slice %arg11[%dma_start3A_1, %dma_start3A_2, %dma_start3A_3] : memref<2x128x128xf32, #tpu.memory_space<vmem>> -> memref<1x128x128xf32, #tpu.memory_space<vmem>>
    %dma_start3A_5 = tpu.memref_squeeze %dma_start3A_4 : memref<1x128x128xf32, #tpu.memory_space<vmem>> -> memref<128x128xf32, #tpu.memory_space<vmem>>
    %dma_start3A_6 = arith.constant 0 : i32
    %dma_start3A_7 = tpu.memref_slice %arg8[%dma_start3A, %dma_start3A_6] : memref<13x128xi32, #tpu.memory_space<vmem>> -> memref<1x128xi32, #tpu.memory_space<vmem>>
    %dma_start3A_8 = tpu.memref_squeeze %dma_start3A_7 : memref<1x128xi32, #tpu.memory_space<vmem>> -> memref<128xi32, #tpu.memory_space<vmem>>
    %dma_start3A_9 = arith.constant 0 : i32
    %dma_start3A_10 = arith.constant 0 : i32
    %dma_start3A_11 = tpu.memref_slice %arg2[%dma_start3A_9, %dma_start3A_10] : memref<2560x128xf32, #tpu.memory_space<hbm>> -> memref<2560x128xf32, #tpu.memory_space<hbm>>
    tpu.enqueue_indirect_dma source(%dma_start3A_11 : memref<2560x128xf32, #tpu.memory_space<hbm>>) target(%dma_start3A_5 : memref<128x128xf32, #tpu.memory_space<vmem>>) offsets(%dma_start3A_8 : memref<128xi32, #tpu.memory_space<vmem>>) semaphore(%arg13 : memref<!tpu.dma_semaphore, #tpu.memory_space<semaphore_mem>>)
    "tpu.region"() ({
      %run_scoped3A = tpu.sem_alloc : memref<!tpu.dma_semaphore, #tpu.memory_space<semaphore_mem>>
      %dma_start3A_25 = arith.constant 0 : i32
      %dma_start3A_26 = arith.constant 0 : i32
      %dma_start3A_27 = tpu.memref_slice %arg4[%add3A, %dma_start3A_25, %dma_start3A_26] : memref<32x13x128xi32, #tpu.memory_space<hbm>> -> memref<1x13x128xi32, #tpu.memory_space<hbm>>
      %dma_start3A_28 = tpu.memref_squeeze %dma_start3A_27 : memref<1x13x128xi32, #tpu.memory_space<hbm>> -> memref<13x128xi32, #tpu.memory_space<hbm>>
      %dma_start3A_29 = arith.constant 0 : i32
      %dma_start3A_30 = arith.constant 0 : i32
      %dma_start3A_31 = tpu.memref_slice %arg4[%add3A, %dma_start3A_29, %dma_start3A_30] : memref<32x13x128xi32, #tpu.memory_space<hbm>> -> memref<1x13x128xi32, #tpu.memory_space<hbm>>
      %dma_start3A_32 = tpu.memref_squeeze %dma_start3A_31 : memref<1x13x128xi32, #tpu.memory_space<hbm>> -> memref<13x128xi32, #tpu.memory_space<hbm>>
      tpu.enqueue_dma source(%dma_start3A_32 : memref<13x128xi32, #tpu.memory_space<hbm>>) target(%arg9 : memref<13x128xi32, #tpu.memory_space<vmem>>) target_semaphore(%run_scoped3A : memref<!tpu.dma_semaphore, #tpu.memory_space<semaphore_mem>>)
      %dma_wait3A = arith.constant 0 : i32
      %dma_wait3A_33 = arith.constant 0 : i32
      %dma_wait3A_34 = tpu.memref_slice %arg4[%add3A, %dma_wait3A, %dma_wait3A_33] : memref<32x13x128xi32, #tpu.memory_space<hbm>> -> memref<1x13x128xi32, #tpu.memory_space<hbm>>
      %dma_wait3A_35 = tpu.memref_squeeze %dma_wait3A_34 : memref<1x13x128xi32, #tpu.memory_space<hbm>> -> memref<13x128xi32, #tpu.memory_space<hbm>>
      %dma_wait3A_36 = arith.constant 0 : i32
      %dma_wait3A_37 = arith.constant 0 : i32
      %dma_wait3A_38 = tpu.memref_slice %arg4[%add3A, %dma_wait3A_36, %dma_wait3A_37] : memref<32x13x128xi32, #tpu.memory_space<hbm>> -> memref<1x13x128xi32, #tpu.memory_space<hbm>>
      %dma_wait3A_39 = tpu.memref_squeeze %dma_wait3A_38 : memref<1x13x128xi32, #tpu.memory_space<hbm>> -> memref<13x128xi32, #tpu.memory_space<hbm>>
      tpu.wait_dma2 semaphore(%run_scoped3A : memref<!tpu.dma_semaphore, #tpu.memory_space<semaphore_mem>>) src(%dma_wait3A_39 : memref<13x128xi32, #tpu.memory_space<hbm>>) dst(%arg9 : memref<13x128xi32, #tpu.memory_space<vmem>>)
      tpu.yield
    }) : () -> ()
    "tpu.region"() ({
      %run_scoped3A = tpu.sem_alloc : memref<!tpu.dma_semaphore, #tpu.memory_space<semaphore_mem>>
      %dma_start3A_25 = arith.constant 0 : i32
      %dma_start3A_26 = arith.constant 0 : i32
      %dma_start3A_27 = tpu.memref_slice %arg5[%add3A, %dma_start3A_25, %dma_start3A_26] : memref<32x13x128xf32, #tpu.memory_space<hbm>> -> memref<1x13x128xf32, #tpu.memory_space<hbm>>
      %dma_start3A_28 = tpu.memref_squeeze %dma_start3A_27 : memref<1x13x128xf32, #tpu.memory_space<hbm>> -> memref<13x128xf32, #tpu.memory_space<hbm>>
      %dma_start3A_29 = arith.constant 0 : i32
      %dma_start3A_30 = arith.constant 0 : i32
      %dma_start3A_31 = tpu.memref_slice %arg5[%add3A, %dma_start3A_29, %dma_start3A_30] : memref<32x13x128xf32, #tpu.memory_space<hbm>> -> memref<1x13x128xf32, #tpu.memory_space<hbm>>
      %dma_start3A_32 = tpu.memref_squeeze %dma_start3A_31 : memref<1x13x128xf32, #tpu.memory_space<hbm>> -> memref<13x128xf32, #tpu.memory_space<hbm>>
      tpu.enqueue_dma source(%dma_start3A_32 : memref<13x128xf32, #tpu.memory_space<hbm>>) target(%arg10 : memref<13x128xf32, #tpu.memory_space<vmem>>) target_semaphore(%run_scoped3A : memref<!tpu.dma_semaphore, #tpu.memory_space<semaphore_mem>>)
      %dma_wait3A = arith.constant 0 : i32
      %dma_wait3A_33 = arith.constant 0 : i32
      %dma_wait3A_34 = tpu.memref_slice %arg5[%add3A, %dma_wait3A, %dma_wait3A_33] : memref<32x13x128xf32, #tpu.memory_space<hbm>> -> memref<1x13x128xf32, #tpu.memory_space<hbm>>
      %dma_wait3A_35 = tpu.memref_squeeze %dma_wait3A_34 : memref<1x13x128xf32, #tpu.memory_space<hbm>> -> memref<13x128xf32, #tpu.memory_space<hbm>>
      %dma_wait3A_36 = arith.constant 0 : i32
      %dma_wait3A_37 = arith.constant 0 : i32
      %dma_wait3A_38 = tpu.memref_slice %arg5[%add3A, %dma_wait3A_36, %dma_wait3A_37] : memref<32x13x128xf32, #tpu.memory_space<hbm>> -> memref<1x13x128xf32, #tpu.memory_space<hbm>>
      %dma_wait3A_39 = tpu.memref_squeeze %dma_wait3A_38 : memref<1x13x128xf32, #tpu.memory_space<hbm>> -> memref<13x128xf32, #tpu.memory_space<hbm>>
      tpu.wait_dma2 semaphore(%run_scoped3A : memref<!tpu.dma_semaphore, #tpu.memory_space<semaphore_mem>>) src(%dma_wait3A_39 : memref<13x128xf32, #tpu.memory_space<hbm>>) dst(%arg10 : memref<13x128xf32, #tpu.memory_space<vmem>>)
      tpu.yield
    }) : () -> ()
    %mul3A_12 = arith.constant 312 : i32
    %mul3A_13 = arith.muli %arg1, %mul3A_12 : i32
    "tpu.region"() ({
      %run_scoped3A = tpu.sem_alloc : memref<!tpu.dma_semaphore, #tpu.memory_space<semaphore_mem>>
      %dma_start3A_25 = arith.constant 0 : i32
      %dma_start3A_26 = tpu.memref_slice %arg12[%mul3A_13, %dma_start3A_25] : memref<4992x128xf32, #tpu.memory_space<vmem_shared>> -> memref<312x128xf32, #tpu.memory_space<vmem_shared>>
      %dma_start3A_27 = arith.constant 0 : i32
      %dma_start3A_28 = arith.constant 0 : i32
      %dma_start3A_29 = tpu.memref_slice %arg6[%dma_start3A_27, %dma_start3A_28] : memref<512x128xf32, #tpu.memory_space<hbm>> -> memref<312x128xf32, #tpu.memory_space<hbm>>
      tpu.enqueue_dma source(%dma_start3A_29 : memref<312x128xf32, #tpu.memory_space<hbm>>) target(%dma_start3A_26 : memref<312x128xf32, #tpu.memory_space<vmem_shared>>) target_semaphore(%run_scoped3A : memref<!tpu.dma_semaphore, #tpu.memory_space<semaphore_mem>>)
      %dma_wait3A = arith.constant 0 : i32
      %dma_wait3A_30 = tpu.memref_slice %arg12[%mul3A_13, %dma_wait3A] : memref<4992x128xf32, #tpu.memory_space<vmem_shared>> -> memref<312x128xf32, #tpu.memory_space<vmem_shared>>
      %dma_wait3A_31 = arith.constant 0 : i32
      %dma_wait3A_32 = arith.constant 0 : i32
      %dma_wait3A_33 = tpu.memref_slice %arg6[%dma_wait3A_31, %dma_wait3A_32] : memref<512x128xf32, #tpu.memory_space<hbm>> -> memref<312x128xf32, #tpu.memory_space<hbm>>
      tpu.wait_dma2 semaphore(%run_scoped3A : memref<!tpu.dma_semaphore, #tpu.memory_space<semaphore_mem>>) src(%dma_wait3A_33 : memref<312x128xf32, #tpu.memory_space<hbm>>) dst(%dma_wait3A_30 : memref<312x128xf32, #tpu.memory_space<vmem_shared>>)
      tpu.yield
    }) : () -> ()
    %barrier3A = arith.constant 0 : index
    tpu.barrier barrier_id(%barrier3A)
    %scan3A = arith.constant 0 : i32
    %scan3A_14 = arith.constant 0 : i32
    %scan3A_15 = arith.constant 13 : i32
    %scan3A_16 = arith.addi %scan3A_14, %scan3A_15 : i32
    %scan3A_17 = arith.constant 1 : i32
    %scan3A_18 = scf.for %scan3A_25 = %scan3A_14 to %scan3A_16 step %scan3A_17 iter_args(%scan3A_26 = %scan3A) -> (i32)  : i32 {
      %rem3A = arith.constant 2 : i32
      %rem3A_27 = arith.remsi %scan3A_25, %rem3A : i32
      %dma_wait3A = arith.constant 0 : i32
      %dma_wait3A_28 = arith.constant 0 : i32
      %dma_wait3A_29 = tpu.memref_slice %arg11[%rem3A_27, %dma_wait3A, %dma_wait3A_28] : memref<2x128x128xf32, #tpu.memory_space<vmem>> -> memref<1x128x128xf32, #tpu.memory_space<vmem>>
      %dma_wait3A_30 = tpu.memref_squeeze %dma_wait3A_29 : memref<1x128x128xf32, #tpu.memory_space<vmem>> -> memref<128x128xf32, #tpu.memory_space<vmem>>
      %dma_wait3A_31 = arith.constant 0 : i32
      %dma_wait3A_32 = tpu.memref_slice %arg8[%scan3A_25, %dma_wait3A_31] : memref<13x128xi32, #tpu.memory_space<vmem>> -> memref<1x128xi32, #tpu.memory_space<vmem>>
      %dma_wait3A_33 = tpu.memref_squeeze %dma_wait3A_32 : memref<1x128xi32, #tpu.memory_space<vmem>> -> memref<128xi32, #tpu.memory_space<vmem>>
      %dma_wait3A_34 = arith.constant 0 : i32
      %dma_wait3A_35 = arith.constant 0 : i32
      %dma_wait3A_36 = tpu.memref_slice %arg2[%dma_wait3A_34, %dma_wait3A_35] : memref<2560x128xf32, #tpu.memory_space<hbm>> -> memref<2560x128xf32, #tpu.memory_space<hbm>>
      tpu.wait_indirect_dma semaphore(%arg13 : memref<!tpu.dma_semaphore, #tpu.memory_space<semaphore_mem>>) src(%dma_wait3A_36 : memref<2560x128xf32, #tpu.memory_space<hbm>>) dst(%dma_wait3A_30 : memref<128x128xf32, #tpu.memory_space<vmem>>)
      %add3A_37 = arith.constant 1 : i32
      %add3A_38 = arith.addi %scan3A_25, %add3A_37 : i32
      %lt3A = arith.constant 13 : i32
      %lt3A_39 = arith.cmpi slt, %add3A_38, %lt3A : i32
      %convert_element_type3A = arith.extui %lt3A_39 : i1 to i32
      %cond3A = arith.constant 0 : i32
      %cond3A_40 = arith.cmpi ne, %convert_element_type3A, %cond3A : i32
      scf.if %cond3A_40 {
        %add3A_49 = arith.constant 1 : i32
        %add3A_50 = arith.addi %scan3A_25, %add3A_49 : i32
        %sub3A = arith.constant 1 : i32
        %sub3A_51 = arith.subi %sub3A, %rem3A_27 : i32
        %dma_start3A_52 = arith.constant 0 : i32
        %dma_start3A_53 = arith.constant 0 : i32
        %dma_start3A_54 = tpu.memref_slice %arg11[%sub3A_51, %dma_start3A_52, %dma_start3A_53] : memref<2x128x128xf32, #tpu.memory_space<vmem>> -> memref<1x128x128xf32, #tpu.memory_space<vmem>>
        %dma_start3A_55 = tpu.memref_squeeze %dma_start3A_54 : memref<1x128x128xf32, #tpu.memory_space<vmem>> -> memref<128x128xf32, #tpu.memory_space<vmem>>
        %dma_start3A_56 = arith.constant 0 : i32
        %dma_start3A_57 = tpu.memref_slice %arg8[%add3A_50, %dma_start3A_56] : memref<13x128xi32, #tpu.memory_space<vmem>> -> memref<1x128xi32, #tpu.memory_space<vmem>>
        %dma_start3A_58 = tpu.memref_squeeze %dma_start3A_57 : memref<1x128xi32, #tpu.memory_space<vmem>> -> memref<128xi32, #tpu.memory_space<vmem>>
        %dma_start3A_59 = arith.constant 0 : i32
        %dma_start3A_60 = arith.constant 0 : i32
        %dma_start3A_61 = tpu.memref_slice %arg2[%dma_start3A_59, %dma_start3A_60] : memref<2560x128xf32, #tpu.memory_space<hbm>> -> memref<2560x128xf32, #tpu.memory_space<hbm>>
        tpu.enqueue_indirect_dma source(%dma_start3A_61 : memref<2560x128xf32, #tpu.memory_space<hbm>>) target(%dma_start3A_55 : memref<128x128xf32, #tpu.memory_space<vmem>>) offsets(%dma_start3A_58 : memref<128xi32, #tpu.memory_space<vmem>>) semaphore(%arg13 : memref<!tpu.dma_semaphore, #tpu.memory_space<semaphore_mem>>)
      } else {
      }
      %scan3A_41 = arith.constant 0 : i32
      %scan3A_42 = arith.constant 0 : i32
      %scan3A_43 = arith.constant 128 : i32
      %scan3A_44 = arith.addi %scan3A_42, %scan3A_43 : i32
      %scan3A_45 = arith.constant 1 : i32
      %scan3A_46 = scf.for %scan3A_49 = %scan3A_42 to %scan3A_44 step %scan3A_45 iter_args(%scan3A_50 = %scan3A_41) -> (i32)  : i32 {
        %broadcast_in_dim3A = vector.broadcast %scan3A_25 : i32 to vector<16xi32>
        %broadcast_in_dim3A_51 = vector.broadcast %scan3A_49 : i32 to vector<16xi32>
        %gather3A = tpu.vector_load_idx %arg10[%broadcast_in_dim3A, %broadcast_in_dim3A_51] : memref<13x128xf32, #tpu.memory_space<vmem>>[vector<16xi32>, vector<16xi32>], vector<16xf32>,
        %get3A = arith.index_cast %rem3A_27 : i32 to index
        %get3A_52 = arith.index_cast %scan3A_49 : i32 to index
        %get3A_53 = arith.constant 0 : index
        %get3A_54 = tpu.vector_load %arg11[%get3A, %get3A_52, %get3A_53] {strides = array<i32>} : memref<2x128x128xf32, #tpu.memory_space<vmem>>, vector<16xf32>,
        %mul3A_55 = arith.mulf %get3A_54, %gather3A : vector<16xf32>
        %swap3A = arith.index_cast %rem3A_27 : i32 to index
        %swap3A_56 = arith.index_cast %scan3A_49 : i32 to index
        %swap3A_57 = arith.constant 0 : index
        %swap3A_58 = tpu.vector_load %arg11[%swap3A, %swap3A_56, %swap3A_57] {strides = array<i32>} : memref<2x128x128xf32, #tpu.memory_space<vmem>>, vector<16xf32>,
        tpu.vector_store %arg11[%swap3A, %swap3A_56, %swap3A_57], %mul3A_55 {strides = array<i32>} : memref<2x128x128xf32, #tpu.memory_space<vmem>>, vector<16xf32>,
        %get3A_59 = arith.index_cast %rem3A_27 : i32 to index
        %get3A_60 = arith.index_cast %scan3A_49 : i32 to index
        %get3A_61 = arith.constant 16 : index
        %get3A_62 = tpu.vector_load %arg11[%get3A_59, %get3A_60, %get3A_61] {strides = array<i32>} : memref<2x128x128xf32, #tpu.memory_space<vmem>>, vector<16xf32>,
        %mul3A_63 = arith.mulf %get3A_62, %gather3A : vector<16xf32>
        %swap3A_64 = arith.index_cast %rem3A_27 : i32 to index
        %swap3A_65 = arith.index_cast %scan3A_49 : i32 to index
        %swap3A_66 = arith.constant 16 : index
        %swap3A_67 = tpu.vector_load %arg11[%swap3A_64, %swap3A_65, %swap3A_66] {strides = array<i32>} : memref<2x128x128xf32, #tpu.memory_space<vmem>>, vector<16xf32>,
        tpu.vector_store %arg11[%swap3A_64, %swap3A_65, %swap3A_66], %mul3A_63 {strides = array<i32>} : memref<2x128x128xf32, #tpu.memory_space<vmem>>, vector<16xf32>,
        %get3A_68 = arith.index_cast %rem3A_27 : i32 to index
        %get3A_69 = arith.index_cast %scan3A_49 : i32 to index
        %get3A_70 = arith.constant 32 : index
        %get3A_71 = tpu.vector_load %arg11[%get3A_68, %get3A_69, %get3A_70] {strides = array<i32>} : memref<2x128x128xf32, #tpu.memory_space<vmem>>, vector<16xf32>,
        %mul3A_72 = arith.mulf %get3A_71, %gather3A : vector<16xf32>
        %swap3A_73 = arith.index_cast %rem3A_27 : i32 to index
        %swap3A_74 = arith.index_cast %scan3A_49 : i32 to index
        %swap3A_75 = arith.constant 32 : index
        %swap3A_76 = tpu.vector_load %arg11[%swap3A_73, %swap3A_74, %swap3A_75] {strides = array<i32>} : memref<2x128x128xf32, #tpu.memory_space<vmem>>, vector<16xf32>,
        tpu.vector_store %arg11[%swap3A_73, %swap3A_74, %swap3A_75], %mul3A_72 {strides = array<i32>} : memref<2x128x128xf32, #tpu.memory_space<vmem>>, vector<16xf32>,
        %get3A_77 = arith.index_cast %rem3A_27 : i32 to index
        %get3A_78 = arith.index_cast %scan3A_49 : i32 to index
        %get3A_79 = arith.constant 48 : index
        %get3A_80 = tpu.vector_load %arg11[%get3A_77, %get3A_78, %get3A_79] {strides = array<i32>} : memref<2x128x128xf32, #tpu.memory_space<vmem>>, vector<16xf32>,
        %mul3A_81 = arith.mulf %get3A_80, %gather3A : vector<16xf32>
        %swap3A_82 = arith.index_cast %rem3A_27 : i32 to index
        %swap3A_83 = arith.index_cast %scan3A_49 : i32 to index
        %swap3A_84 = arith.constant 48 : index
        %swap3A_85 = tpu.vector_load %arg11[%swap3A_82, %swap3A_83, %swap3A_84] {strides = array<i32>} : memref<2x128x128xf32, #tpu.memory_space<vmem>>, vector<16xf32>,
        tpu.vector_store %arg11[%swap3A_82, %swap3A_83, %swap3A_84], %mul3A_81 {strides = array<i32>} : memref<2x128x128xf32, #tpu.memory_space<vmem>>, vector<16xf32>,
        %get3A_86 = arith.index_cast %rem3A_27 : i32 to index
        %get3A_87 = arith.index_cast %scan3A_49 : i32 to index
        %get3A_88 = arith.constant 64 : index
        %get3A_89 = tpu.vector_load %arg11[%get3A_86, %get3A_87, %get3A_88] {strides = array<i32>} : memref<2x128x128xf32, #tpu.memory_space<vmem>>, vector<16xf32>,
        %mul3A_90 = arith.mulf %get3A_89, %gather3A : vector<16xf32>
        %swap3A_91 = arith.index_cast %rem3A_27 : i32 to index
        %swap3A_92 = arith.index_cast %scan3A_49 : i32 to index
        %swap3A_93 = arith.constant 64 : index
        %swap3A_94 = tpu.vector_load %arg11[%swap3A_91, %swap3A_92, %swap3A_93] {strides = array<i32>} : memref<2x128x128xf32, #tpu.memory_space<vmem>>, vector<16xf32>,
        tpu.vector_store %arg11[%swap3A_91, %swap3A_92, %swap3A_93], %mul3A_90 {strides = array<i32>} : memref<2x128x128xf32, #tpu.memory_space<vmem>>, vector<16xf32>,
        %get3A_95 = arith.index_cast %rem3A_27 : i32 to index
        %get3A_96 = arith.index_cast %scan3A_49 : i32 to index
        %get3A_97 = arith.constant 80 : index
        %get3A_98 = tpu.vector_load %arg11[%get3A_95, %get3A_96, %get3A_97] {strides = array<i32>} : memref<2x128x128xf32, #tpu.memory_space<vmem>>, vector<16xf32>,
        %mul3A_99 = arith.mulf %get3A_98, %gather3A : vector<16xf32>
        %swap3A_100 = arith.index_cast %rem3A_27 : i32 to index
        %swap3A_101 = arith.index_cast %scan3A_49 : i32 to index
        %swap3A_102 = arith.constant 80 : index
        %swap3A_103 = tpu.vector_load %arg11[%swap3A_100, %swap3A_101, %swap3A_102] {strides = array<i32>} : memref<2x128x128xf32, #tpu.memory_space<vmem>>, vector<16xf32>,
        tpu.vector_store %arg11[%swap3A_100, %swap3A_101, %swap3A_102], %mul3A_99 {strides = array<i32>} : memref<2x128x128xf32, #tpu.memory_space<vmem>>, vector<16xf32>,
        %get3A_104 = arith.index_cast %rem3A_27 : i32 to index
        %get3A_105 = arith.index_cast %scan3A_49 : i32 to index
        %get3A_106 = arith.constant 96 : index
        %get3A_107 = tpu.vector_load %arg11[%get3A_104, %get3A_105, %get3A_106] {strides = array<i32>} : memref<2x128x128xf32, #tpu.memory_space<vmem>>, vector<16xf32>,
        %mul3A_108 = arith.mulf %get3A_107, %gather3A : vector<16xf32>
        %swap3A_109 = arith.index_cast %rem3A_27 : i32 to index
        %swap3A_110 = arith.index_cast %scan3A_49 : i32 to index
        %swap3A_111 = arith.constant 96 : index
        %swap3A_112 = tpu.vector_load %arg11[%swap3A_109, %swap3A_110, %swap3A_111] {strides = array<i32>} : memref<2x128x128xf32, #tpu.memory_space<vmem>>, vector<16xf32>,
        tpu.vector_store %arg11[%swap3A_109, %swap3A_110, %swap3A_111], %mul3A_108 {strides = array<i32>} : memref<2x128x128xf32, #tpu.memory_space<vmem>>, vector<16xf32>,
        %get3A_113 = arith.index_cast %rem3A_27 : i32 to index
        %get3A_114 = arith.index_cast %scan3A_49 : i32 to index
        %get3A_115 = arith.constant 112 : index
        %get3A_116 = tpu.vector_load %arg11[%get3A_113, %get3A_114, %get3A_115] {strides = array<i32>} : memref<2x128x128xf32, #tpu.memory_space<vmem>>, vector<16xf32>,
        %mul3A_117 = arith.mulf %get3A_116, %gather3A : vector<16xf32>
        %swap3A_118 = arith.index_cast %rem3A_27 : i32 to index
        %swap3A_119 = arith.index_cast %scan3A_49 : i32 to index
        %swap3A_120 = arith.constant 112 : index
        %swap3A_121 = tpu.vector_load %arg11[%swap3A_118, %swap3A_119, %swap3A_120] {strides = array<i32>} : memref<2x128x128xf32, #tpu.memory_space<vmem>>, vector<16xf32>,
        tpu.vector_store %arg11[%swap3A_118, %swap3A_119, %swap3A_120], %mul3A_117 {strides = array<i32>} : memref<2x128x128xf32, #tpu.memory_space<vmem>>, vector<16xf32>,
        %scan3A_122 = arith.constant 0 : i32
        scf.yield %scan3A_122 : i32
      }
      %scan3A_47 = arith.constant 128 : i32
      "tpu.region"() ({
        %run_scoped3A = tpu.sem_alloc : memref<!tpu.dma_semaphore, #tpu.memory_space<semaphore_mem>>
        %dma_start3A_49 = arith.constant 0 : i32
        %dma_start3A_50 = arith.constant 0 : i32
        %dma_start3A_51 = tpu.memref_slice %arg11[%rem3A_27, %dma_start3A_49, %dma_start3A_50] : memref<2x128x128xf32, #tpu.memory_space<vmem>> -> memref<1x128x128xf32, #tpu.memory_space<vmem>>
        %dma_start3A_52 = tpu.memref_squeeze %dma_start3A_51 : memref<1x128x128xf32, #tpu.memory_space<vmem>> -> memref<128x128xf32, #tpu.memory_space<vmem>>
        %dma_start3A_53 = arith.constant 0 : i32
        %dma_start3A_54 = tpu.memref_slice %arg9[%scan3A_25, %dma_start3A_53] : memref<13x128xi32, #tpu.memory_space<vmem>> -> memref<1x128xi32, #tpu.memory_space<vmem>>
        %dma_start3A_55 = tpu.memref_squeeze %dma_start3A_54 : memref<1x128xi32, #tpu.memory_space<vmem>> -> memref<128xi32, #tpu.memory_space<vmem>>
        %dma_start3A_56 = arith.constant 0 : i32
        %dma_start3A_57 = arith.constant 0 : i32
        %dma_start3A_58 = tpu.memref_slice %arg12[%dma_start3A_56, %dma_start3A_57] : memref<4992x128xf32, #tpu.memory_space<vmem_shared>> -> memref<4992x128xf32, #tpu.memory_space<vmem_shared>>
        tpu.enqueue_indirect_dma source(%dma_start3A_52 : memref<128x128xf32, #tpu.memory_space<vmem>>) target(%dma_start3A_58 : memref<4992x128xf32, #tpu.memory_space<vmem_shared>>) offsets(%dma_start3A_55 : memref<128xi32, #tpu.memory_space<vmem>>) semaphore(%run_scoped3A : memref<!tpu.dma_semaphore, #tpu.memory_space<semaphore_mem>>) {add = true}
        %dma_wait3A_59 = arith.constant 0 : i32
        %dma_wait3A_60 = arith.constant 0 : i32
        %dma_wait3A_61 = tpu.memref_slice %arg11[%rem3A_27, %dma_wait3A_59, %dma_wait3A_60] : memref<2x128x128xf32, #tpu.memory_space<vmem>> -> memref<1x128x128xf32, #tpu.memory_space<vmem>>
        %dma_wait3A_62 = tpu.memref_squeeze %dma_wait3A_61 : memref<1x128x128xf32, #tpu.memory_space<vmem>> -> memref<128x128xf32, #tpu.memory_space<vmem>>
        %dma_wait3A_63 = arith.constant 0 : i32
        %dma_wait3A_64 = tpu.memref_slice %arg9[%scan3A_25, %dma_wait3A_63] : memref<13x128xi32, #tpu.memory_space<vmem>> -> memref<1x128xi32, #tpu.memory_space<vmem>>
        %dma_wait3A_65 = tpu.memref_squeeze %dma_wait3A_64 : memref<1x128xi32, #tpu.memory_space<vmem>> -> memref<128xi32, #tpu.memory_space<vmem>>
        %dma_wait3A_66 = arith.constant 0 : i32
        %dma_wait3A_67 = arith.constant 0 : i32
        %dma_wait3A_68 = tpu.memref_slice %arg12[%dma_wait3A_66, %dma_wait3A_67] : memref<4992x128xf32, #tpu.memory_space<vmem_shared>> -> memref<4992x128xf32, #tpu.memory_space<vmem_shared>>
        tpu.wait_indirect_dma semaphore(%run_scoped3A : memref<!tpu.dma_semaphore, #tpu.memory_space<semaphore_mem>>) src(%dma_wait3A_62 : memref<128x128xf32, #tpu.memory_space<vmem>>) dst(%dma_wait3A_68 : memref<4992x128xf32, #tpu.memory_space<vmem_shared>>)
        tpu.yield
      }) : () -> ()
      %scan3A_48 = arith.constant 0 : i32
      scf.yield %scan3A_48 : i32
    }
    %scan3A_19 = arith.constant 13 : i32
    %barrier3A_20 = arith.constant 0 : index
    tpu.barrier barrier_id(%barrier3A_20)
    %mul3A_21 = arith.constant 312 : i32
    %mul3A_22 = arith.muli %arg1, %mul3A_21 : i32
    %mul3A_23 = arith.constant 312 : i32
    %mul3A_24 = arith.muli %arg1, %mul3A_23 : i32
    "tpu.region"() ({
      %run_scoped3A = tpu.sem_alloc : memref<!tpu.dma_semaphore, #tpu.memory_space<semaphore_mem>>
      %dma_start3A_25 = arith.constant 0 : i32
      %dma_start3A_26 = tpu.memref_slice %arg7[%arg0, %mul3A_24, %dma_start3A_25] : memref<2x4992x128xf32, #tpu.memory_space<hbm>> -> memref<1x312x128xf32, #tpu.memory_space<hbm>>
      %dma_start3A_27 = tpu.memref_squeeze %dma_start3A_26 : memref<1x312x128xf32, #tpu.memory_space<hbm>> -> memref<312x128xf32, #tpu.memory_space<hbm>>
      %dma_start3A_28 = arith.constant 0 : i32
      %dma_start3A_29 = tpu.memref_slice %arg12[%mul3A_22, %dma_start3A_28] : memref<4992x128xf32, #tpu.memory_space<vmem_shared>> -> memref<312x128xf32, #tpu.memory_space<vmem_shared>>
      tpu.enqueue_dma source(%dma_start3A_29 : memref<312x128xf32, #tpu.memory_space<vmem_shared>>) target(%dma_start3A_27 : memref<312x128xf32, #tpu.memory_space<hbm>>) target_semaphore(%run_scoped3A : memref<!tpu.dma_semaphore, #tpu.memory_space<semaphore_mem>>)
      %dma_wait3A = arith.constant 0 : i32
      %dma_wait3A_30 = tpu.memref_slice %arg7[%arg0, %mul3A_24, %dma_wait3A] : memref<2x4992x128xf32, #tpu.memory_space<hbm>> -> memref<1x312x128xf32, #tpu.memory_space<hbm>>
      %dma_wait3A_31 = tpu.memref_squeeze %dma_wait3A_30 : memref<1x312x128xf32, #tpu.memory_space<hbm>> -> memref<312x128xf32, #tpu.memory_space<hbm>>
      %dma_wait3A_32 = arith.constant 0 : i32
      %dma_wait3A_33 = tpu.memref_slice %arg12[%mul3A_22, %dma_wait3A_32] : memref<4992x128xf32, #tpu.memory_space<vmem_shared>> -> memref<312x128xf32, #tpu.memory_space<vmem_shared>>
      tpu.wait_dma2 semaphore(%run_scoped3A : memref<!tpu.dma_semaphore, #tpu.memory_space<semaphore_mem>>) src(%dma_wait3A_33 : memref<312x128xf32, #tpu.memory_space<vmem_shared>>) dst(%dma_wait3A_31 : memref<312x128xf32, #tpu.memory_space<hbm>>)
      tpu.yield
    }) : () -> ()
    return
  }
}

#map = affine_map<(d0, d1) -> (0, 0)>
#map1 = affine_map<(d0, d1) -> (0, 0, 0)>
module attributes {stable_mosaic.version = 14 : i64} {
  func.func @k(%arg0: i32, %arg1: i32, %arg2: memref<4992x128xf32, #tpu.memory_space<hbm>>, %arg3: memref<32x13x128xi32, #tpu.memory_space<hbm>>, %arg4: memref<32x13x128xi32, #tpu.memory_space<hbm>>, %arg5: memref<32x13x128xf32, #tpu.memory_space<hbm>>, %arg6: memref<512x128xf32, #tpu.memory_space<hbm>>, %arg7: memref<2x2560x128xf32, #tpu.memory_space<hbm>>, %arg8: memref<13x128xi32, #tpu.memory_space<vmem>>, %arg9: memref<13x128xi32, #tpu.memory_space<vmem>>, %arg10: memref<13x128xf32, #tpu.memory_space<vmem>>, %arg11: memref<2x128x128xf32, #tpu.memory_space<vmem>>, %arg12: memref<2560x128xf32, #tpu.memory_space<vmem_shared>>, %arg13: memref<!tpu.dma_semaphore, #tpu.memory_space<semaphore_mem>>) attributes {dimension_semantics = [#tpu.dimension_semantics<core_parallel>, #tpu.dimension_semantics<subcore_parallel>], iteration_bounds = array<i64: 2, 16>, scalar_prefetch = 0 : i64, scratch_operands = 6 : i64, tpu.core_type = #tpu.core_type<sc_vector_subcore>, window_params = [{transform_indices = #map}, {transform_indices = #map1}, {transform_indices = #map1}, {transform_indices = #map1}, {transform_indices = #map}, {transform_indices = #map1}]} {
    %mul3A = arith.constant 2 : i32
    %mul3A_0 = arith.muli %arg1, %mul3A : i32
    %add3A = arith.addi %mul3A_0, %arg0 : i32
    "tpu.region"() ({
      %run_scoped3A = tpu.sem_alloc : memref<!tpu.dma_semaphore, #tpu.memory_space<semaphore_mem>>
      %dma_start3A_25 = arith.constant 0 : i32
      %dma_start3A_26 = arith.constant 0 : i32
      %dma_start3A_27 = tpu.memref_slice %arg3[%add3A, %dma_start3A_25, %dma_start3A_26] : memref<32x13x128xi32, #tpu.memory_space<hbm>> -> memref<1x13x128xi32, #tpu.memory_space<hbm>>
      %dma_start3A_28 = tpu.memref_squeeze %dma_start3A_27 : memref<1x13x128xi32, #tpu.memory_space<hbm>> -> memref<13x128xi32, #tpu.memory_space<hbm>>
      %dma_start3A_29 = arith.constant 0 : i32
      %dma_start3A_30 = arith.constant 0 : i32
      %dma_start3A_31 = tpu.memref_slice %arg3[%add3A, %dma_start3A_29, %dma_start3A_30] : memref<32x13x128xi32, #tpu.memory_space<hbm>> -> memref<1x13x128xi32, #tpu.memory_space<hbm>>
      %dma_start3A_32 = tpu.memref_squeeze %dma_start3A_31 : memref<1x13x128xi32, #tpu.memory_space<hbm>> -> memref<13x128xi32, #tpu.memory_space<hbm>>
      tpu.enqueue_dma source(%dma_start3A_32 : memref<13x128xi32, #tpu.memory_space<hbm>>) target(%arg8 : memref<13x128xi32, #tpu.memory_space<vmem>>) target_semaphore(%run_scoped3A : memref<!tpu.dma_semaphore, #tpu.memory_space<semaphore_mem>>)
      %dma_wait3A = arith.constant 0 : i32
      %dma_wait3A_33 = arith.constant 0 : i32
      %dma_wait3A_34 = tpu.memref_slice %arg3[%add3A, %dma_wait3A, %dma_wait3A_33] : memref<32x13x128xi32, #tpu.memory_space<hbm>> -> memref<1x13x128xi32, #tpu.memory_space<hbm>>
      %dma_wait3A_35 = tpu.memref_squeeze %dma_wait3A_34 : memref<1x13x128xi32, #tpu.memory_space<hbm>> -> memref<13x128xi32, #tpu.memory_space<hbm>>
      %dma_wait3A_36 = arith.constant 0 : i32
      %dma_wait3A_37 = arith.constant 0 : i32
      %dma_wait3A_38 = tpu.memref_slice %arg3[%add3A, %dma_wait3A_36, %dma_wait3A_37] : memref<32x13x128xi32, #tpu.memory_space<hbm>> -> memref<1x13x128xi32, #tpu.memory_space<hbm>>
      %dma_wait3A_39 = tpu.memref_squeeze %dma_wait3A_38 : memref<1x13x128xi32, #tpu.memory_space<hbm>> -> memref<13x128xi32, #tpu.memory_space<hbm>>
      tpu.wait_dma2 semaphore(%run_scoped3A : memref<!tpu.dma_semaphore, #tpu.memory_space<semaphore_mem>>) src(%dma_wait3A_39 : memref<13x128xi32, #tpu.memory_space<hbm>>) dst(%arg8 : memref<13x128xi32, #tpu.memory_space<vmem>>)
      tpu.yield
    }) : () -> ()
    %dma_start3A = arith.constant 0 : i32
    %dma_start3A_1 = arith.constant 0 : i32
    %dma_start3A_2 = arith.constant 0 : i32
    %dma_start3A_3 = arith.constant 0 : i32
    %dma_start3A_4 = tpu.memref_slice %arg11[%dma_start3A_1, %dma_start3A_2, %dma_start3A_3] : memref<2x128x128xf32, #tpu.memory_space<vmem>> -> memref<1x128x128xf32, #tpu.memory_space<vmem>>
    %dma_start3A_5 = tpu.memref_squeeze %dma_start3A_4 : memref<1x128x128xf32, #tpu.memory_space<vmem>> -> memref<128x128xf32, #tpu.memory_space<vmem>>
    %dma_start3A_6 = arith.constant 0 : i32
    %dma_start3A_7 = tpu.memref_slice %arg8[%dma_start3A, %dma_start3A_6] : memref<13x128xi32, #tpu.memory_space<vmem>> -> memref<1x128xi32, #tpu.memory_space<vmem>>
    %dma_start3A_8 = tpu.memref_squeeze %dma_start3A_7 : memref<1x128xi32, #tpu.memory_space<vmem>> -> memref<128xi32, #tpu.memory_space<vmem>>
    %dma_start3A_9 = arith.constant 0 : i32
    %dma_start3A_10 = arith.constant 0 : i32
    %dma_start3A_11 = tpu.memref_slice %arg2[%dma_start3A_9, %dma_start3A_10] : memref<4992x128xf32, #tpu.memory_space<hbm>> -> memref<4992x128xf32, #tpu.memory_space<hbm>>
    tpu.enqueue_indirect_dma source(%dma_start3A_11 : memref<4992x128xf32, #tpu.memory_space<hbm>>) target(%dma_start3A_5 : memref<128x128xf32, #tpu.memory_space<vmem>>) offsets(%dma_start3A_8 : memref<128xi32, #tpu.memory_space<vmem>>) semaphore(%arg13 : memref<!tpu.dma_semaphore, #tpu.memory_space<semaphore_mem>>)
    "tpu.region"() ({
      %run_scoped3A = tpu.sem_alloc : memref<!tpu.dma_semaphore, #tpu.memory_space<semaphore_mem>>
      %dma_start3A_25 = arith.constant 0 : i32
      %dma_start3A_26 = arith.constant 0 : i32
      %dma_start3A_27 = tpu.memref_slice %arg4[%add3A, %dma_start3A_25, %dma_start3A_26] : memref<32x13x128xi32, #tpu.memory_space<hbm>> -> memref<1x13x128xi32, #tpu.memory_space<hbm>>
      %dma_start3A_28 = tpu.memref_squeeze %dma_start3A_27 : memref<1x13x128xi32, #tpu.memory_space<hbm>> -> memref<13x128xi32, #tpu.memory_space<hbm>>
      %dma_start3A_29 = arith.constant 0 : i32
      %dma_start3A_30 = arith.constant 0 : i32
      %dma_start3A_31 = tpu.memref_slice %arg4[%add3A, %dma_start3A_29, %dma_start3A_30] : memref<32x13x128xi32, #tpu.memory_space<hbm>> -> memref<1x13x128xi32, #tpu.memory_space<hbm>>
      %dma_start3A_32 = tpu.memref_squeeze %dma_start3A_31 : memref<1x13x128xi32, #tpu.memory_space<hbm>> -> memref<13x128xi32, #tpu.memory_space<hbm>>
      tpu.enqueue_dma source(%dma_start3A_32 : memref<13x128xi32, #tpu.memory_space<hbm>>) target(%arg9 : memref<13x128xi32, #tpu.memory_space<vmem>>) target_semaphore(%run_scoped3A : memref<!tpu.dma_semaphore, #tpu.memory_space<semaphore_mem>>)
      %dma_wait3A = arith.constant 0 : i32
      %dma_wait3A_33 = arith.constant 0 : i32
      %dma_wait3A_34 = tpu.memref_slice %arg4[%add3A, %dma_wait3A, %dma_wait3A_33] : memref<32x13x128xi32, #tpu.memory_space<hbm>> -> memref<1x13x128xi32, #tpu.memory_space<hbm>>
      %dma_wait3A_35 = tpu.memref_squeeze %dma_wait3A_34 : memref<1x13x128xi32, #tpu.memory_space<hbm>> -> memref<13x128xi32, #tpu.memory_space<hbm>>
      %dma_wait3A_36 = arith.constant 0 : i32
      %dma_wait3A_37 = arith.constant 0 : i32
      %dma_wait3A_38 = tpu.memref_slice %arg4[%add3A, %dma_wait3A_36, %dma_wait3A_37] : memref<32x13x128xi32, #tpu.memory_space<hbm>> -> memref<1x13x128xi32, #tpu.memory_space<hbm>>
      %dma_wait3A_39 = tpu.memref_squeeze %dma_wait3A_38 : memref<1x13x128xi32, #tpu.memory_space<hbm>> -> memref<13x128xi32, #tpu.memory_space<hbm>>
      tpu.wait_dma2 semaphore(%run_scoped3A : memref<!tpu.dma_semaphore, #tpu.memory_space<semaphore_mem>>) src(%dma_wait3A_39 : memref<13x128xi32, #tpu.memory_space<hbm>>) dst(%arg9 : memref<13x128xi32, #tpu.memory_space<vmem>>)
      tpu.yield
    }) : () -> ()
    "tpu.region"() ({
      %run_scoped3A = tpu.sem_alloc : memref<!tpu.dma_semaphore, #tpu.memory_space<semaphore_mem>>
      %dma_start3A_25 = arith.constant 0 : i32
      %dma_start3A_26 = arith.constant 0 : i32
      %dma_start3A_27 = tpu.memref_slice %arg5[%add3A, %dma_start3A_25, %dma_start3A_26] : memref<32x13x128xf32, #tpu.memory_space<hbm>> -> memref<1x13x128xf32, #tpu.memory_space<hbm>>
      %dma_start3A_28 = tpu.memref_squeeze %dma_start3A_27 : memref<1x13x128xf32, #tpu.memory_space<hbm>> -> memref<13x128xf32, #tpu.memory_space<hbm>>
      %dma_start3A_29 = arith.constant 0 : i32
      %dma_start3A_30 = arith.constant 0 : i32
      %dma_start3A_31 = tpu.memref_slice %arg5[%add3A, %dma_start3A_29, %dma_start3A_30] : memref<32x13x128xf32, #tpu.memory_space<hbm>> -> memref<1x13x128xf32, #tpu.memory_space<hbm>>
      %dma_start3A_32 = tpu.memref_squeeze %dma_start3A_31 : memref<1x13x128xf32, #tpu.memory_space<hbm>> -> memref<13x128xf32, #tpu.memory_space<hbm>>
      tpu.enqueue_dma source(%dma_start3A_32 : memref<13x128xf32, #tpu.memory_space<hbm>>) target(%arg10 : memref<13x128xf32, #tpu.memory_space<vmem>>) target_semaphore(%run_scoped3A : memref<!tpu.dma_semaphore, #tpu.memory_space<semaphore_mem>>)
      %dma_wait3A = arith.constant 0 : i32
      %dma_wait3A_33 = arith.constant 0 : i32
      %dma_wait3A_34 = tpu.memref_slice %arg5[%add3A, %dma_wait3A, %dma_wait3A_33] : memref<32x13x128xf32, #tpu.memory_space<hbm>> -> memref<1x13x128xf32, #tpu.memory_space<hbm>>
      %dma_wait3A_35 = tpu.memref_squeeze %dma_wait3A_34 : memref<1x13x128xf32, #tpu.memory_space<hbm>> -> memref<13x128xf32, #tpu.memory_space<hbm>>
      %dma_wait3A_36 = arith.constant 0 : i32
      %dma_wait3A_37 = arith.constant 0 : i32
      %dma_wait3A_38 = tpu.memref_slice %arg5[%add3A, %dma_wait3A_36, %dma_wait3A_37] : memref<32x13x128xf32, #tpu.memory_space<hbm>> -> memref<1x13x128xf32, #tpu.memory_space<hbm>>
      %dma_wait3A_39 = tpu.memref_squeeze %dma_wait3A_38 : memref<1x13x128xf32, #tpu.memory_space<hbm>> -> memref<13x128xf32, #tpu.memory_space<hbm>>
      tpu.wait_dma2 semaphore(%run_scoped3A : memref<!tpu.dma_semaphore, #tpu.memory_space<semaphore_mem>>) src(%dma_wait3A_39 : memref<13x128xf32, #tpu.memory_space<hbm>>) dst(%arg10 : memref<13x128xf32, #tpu.memory_space<vmem>>)
      tpu.yield
    }) : () -> ()
    %mul3A_12 = arith.constant 160 : i32
    %mul3A_13 = arith.muli %arg1, %mul3A_12 : i32
    "tpu.region"() ({
      %run_scoped3A = tpu.sem_alloc : memref<!tpu.dma_semaphore, #tpu.memory_space<semaphore_mem>>
      %dma_start3A_25 = arith.constant 0 : i32
      %dma_start3A_26 = tpu.memref_slice %arg12[%mul3A_13, %dma_start3A_25] : memref<2560x128xf32, #tpu.memory_space<vmem_shared>> -> memref<160x128xf32, #tpu.memory_space<vmem_shared>>
      %dma_start3A_27 = arith.constant 0 : i32
      %dma_start3A_28 = arith.constant 0 : i32
      %dma_start3A_29 = tpu.memref_slice %arg6[%dma_start3A_27, %dma_start3A_28] : memref<512x128xf32, #tpu.memory_space<hbm>> -> memref<160x128xf32, #tpu.memory_space<hbm>>
      tpu.enqueue_dma source(%dma_start3A_29 : memref<160x128xf32, #tpu.memory_space<hbm>>) target(%dma_start3A_26 : memref<160x128xf32, #tpu.memory_space<vmem_shared>>) target_semaphore(%run_scoped3A : memref<!tpu.dma_semaphore, #tpu.memory_space<semaphore_mem>>)
      %dma_wait3A = arith.constant 0 : i32
      %dma_wait3A_30 = tpu.memref_slice %arg12[%mul3A_13, %dma_wait3A] : memref<2560x128xf32, #tpu.memory_space<vmem_shared>> -> memref<160x128xf32, #tpu.memory_space<vmem_shared>>
      %dma_wait3A_31 = arith.constant 0 : i32
      %dma_wait3A_32 = arith.constant 0 : i32
      %dma_wait3A_33 = tpu.memref_slice %arg6[%dma_wait3A_31, %dma_wait3A_32] : memref<512x128xf32, #tpu.memory_space<hbm>> -> memref<160x128xf32, #tpu.memory_space<hbm>>
      tpu.wait_dma2 semaphore(%run_scoped3A : memref<!tpu.dma_semaphore, #tpu.memory_space<semaphore_mem>>) src(%dma_wait3A_33 : memref<160x128xf32, #tpu.memory_space<hbm>>) dst(%dma_wait3A_30 : memref<160x128xf32, #tpu.memory_space<vmem_shared>>)
      tpu.yield
    }) : () -> ()
    %barrier3A = arith.constant 0 : index
    tpu.barrier barrier_id(%barrier3A)
    %scan3A = arith.constant 0 : i32
    %scan3A_14 = arith.constant 0 : i32
    %scan3A_15 = arith.constant 13 : i32
    %scan3A_16 = arith.addi %scan3A_14, %scan3A_15 : i32
    %scan3A_17 = arith.constant 1 : i32
    %scan3A_18 = scf.for %scan3A_25 = %scan3A_14 to %scan3A_16 step %scan3A_17 iter_args(%scan3A_26 = %scan3A) -> (i32)  : i32 {
      %rem3A = arith.constant 2 : i32
      %rem3A_27 = arith.remsi %scan3A_25, %rem3A : i32
      %dma_wait3A = arith.constant 0 : i32
      %dma_wait3A_28 = arith.constant 0 : i32
      %dma_wait3A_29 = tpu.memref_slice %arg11[%rem3A_27, %dma_wait3A, %dma_wait3A_28] : memref<2x128x128xf32, #tpu.memory_space<vmem>> -> memref<1x128x128xf32, #tpu.memory_space<vmem>>
      %dma_wait3A_30 = tpu.memref_squeeze %dma_wait3A_29 : memref<1x128x128xf32, #tpu.memory_space<vmem>> -> memref<128x128xf32, #tpu.memory_space<vmem>>
      %dma_wait3A_31 = arith.constant 0 : i32
      %dma_wait3A_32 = tpu.memref_slice %arg8[%scan3A_25, %dma_wait3A_31] : memref<13x128xi32, #tpu.memory_space<vmem>> -> memref<1x128xi32, #tpu.memory_space<vmem>>
      %dma_wait3A_33 = tpu.memref_squeeze %dma_wait3A_32 : memref<1x128xi32, #tpu.memory_space<vmem>> -> memref<128xi32, #tpu.memory_space<vmem>>
      %dma_wait3A_34 = arith.constant 0 : i32
      %dma_wait3A_35 = arith.constant 0 : i32
      %dma_wait3A_36 = tpu.memref_slice %arg2[%dma_wait3A_34, %dma_wait3A_35] : memref<4992x128xf32, #tpu.memory_space<hbm>> -> memref<4992x128xf32, #tpu.memory_space<hbm>>
      tpu.wait_indirect_dma semaphore(%arg13 : memref<!tpu.dma_semaphore, #tpu.memory_space<semaphore_mem>>) src(%dma_wait3A_36 : memref<4992x128xf32, #tpu.memory_space<hbm>>) dst(%dma_wait3A_30 : memref<128x128xf32, #tpu.memory_space<vmem>>)
      %add3A_37 = arith.constant 1 : i32
      %add3A_38 = arith.addi %scan3A_25, %add3A_37 : i32
      %lt3A = arith.constant 13 : i32
      %lt3A_39 = arith.cmpi slt, %add3A_38, %lt3A : i32
      %convert_element_type3A = arith.extui %lt3A_39 : i1 to i32
      %cond3A = arith.constant 0 : i32
      %cond3A_40 = arith.cmpi ne, %convert_element_type3A, %cond3A : i32
      scf.if %cond3A_40 {
        %add3A_49 = arith.constant 1 : i32
        %add3A_50 = arith.addi %scan3A_25, %add3A_49 : i32
        %sub3A = arith.constant 1 : i32
        %sub3A_51 = arith.subi %sub3A, %rem3A_27 : i32
        %dma_start3A_52 = arith.constant 0 : i32
        %dma_start3A_53 = arith.constant 0 : i32
        %dma_start3A_54 = tpu.memref_slice %arg11[%sub3A_51, %dma_start3A_52, %dma_start3A_53] : memref<2x128x128xf32, #tpu.memory_space<vmem>> -> memref<1x128x128xf32, #tpu.memory_space<vmem>>
        %dma_start3A_55 = tpu.memref_squeeze %dma_start3A_54 : memref<1x128x128xf32, #tpu.memory_space<vmem>> -> memref<128x128xf32, #tpu.memory_space<vmem>>
        %dma_start3A_56 = arith.constant 0 : i32
        %dma_start3A_57 = tpu.memref_slice %arg8[%add3A_50, %dma_start3A_56] : memref<13x128xi32, #tpu.memory_space<vmem>> -> memref<1x128xi32, #tpu.memory_space<vmem>>
        %dma_start3A_58 = tpu.memref_squeeze %dma_start3A_57 : memref<1x128xi32, #tpu.memory_space<vmem>> -> memref<128xi32, #tpu.memory_space<vmem>>
        %dma_start3A_59 = arith.constant 0 : i32
        %dma_start3A_60 = arith.constant 0 : i32
        %dma_start3A_61 = tpu.memref_slice %arg2[%dma_start3A_59, %dma_start3A_60] : memref<4992x128xf32, #tpu.memory_space<hbm>> -> memref<4992x128xf32, #tpu.memory_space<hbm>>
        tpu.enqueue_indirect_dma source(%dma_start3A_61 : memref<4992x128xf32, #tpu.memory_space<hbm>>) target(%dma_start3A_55 : memref<128x128xf32, #tpu.memory_space<vmem>>) offsets(%dma_start3A_58 : memref<128xi32, #tpu.memory_space<vmem>>) semaphore(%arg13 : memref<!tpu.dma_semaphore, #tpu.memory_space<semaphore_mem>>)
      } else {
      }
      %scan3A_41 = arith.constant 0 : i32
      %scan3A_42 = arith.constant 0 : i32
      %scan3A_43 = arith.constant 128 : i32
      %scan3A_44 = arith.addi %scan3A_42, %scan3A_43 : i32
      %scan3A_45 = arith.constant 1 : i32
      %scan3A_46 = scf.for %scan3A_49 = %scan3A_42 to %scan3A_44 step %scan3A_45 iter_args(%scan3A_50 = %scan3A_41) -> (i32)  : i32 {
        %broadcast_in_dim3A = vector.broadcast %scan3A_25 : i32 to vector<16xi32>
        %broadcast_in_dim3A_51 = vector.broadcast %scan3A_49 : i32 to vector<16xi32>
        %gather3A = tpu.vector_load_idx %arg10[%broadcast_in_dim3A, %broadcast_in_dim3A_51] : memref<13x128xf32, #tpu.memory_space<vmem>>[vector<16xi32>, vector<16xi32>], vector<16xf32>,
        %get3A = arith.index_cast %rem3A_27 : i32 to index
        %get3A_52 = arith.index_cast %scan3A_49 : i32 to index
        %get3A_53 = arith.constant 0 : index
        %get3A_54 = tpu.vector_load %arg11[%get3A, %get3A_52, %get3A_53] {strides = array<i32>} : memref<2x128x128xf32, #tpu.memory_space<vmem>>, vector<16xf32>,
        %mul3A_55 = arith.mulf %get3A_54, %gather3A : vector<16xf32>
        %swap3A = arith.index_cast %rem3A_27 : i32 to index
        %swap3A_56 = arith.index_cast %scan3A_49 : i32 to index
        %swap3A_57 = arith.constant 0 : index
        %swap3A_58 = tpu.vector_load %arg11[%swap3A, %swap3A_56, %swap3A_57] {strides = array<i32>} : memref<2x128x128xf32, #tpu.memory_space<vmem>>, vector<16xf32>,
        tpu.vector_store %arg11[%swap3A, %swap3A_56, %swap3A_57], %mul3A_55 {strides = array<i32>} : memref<2x128x128xf32, #tpu.memory_space<vmem>>, vector<16xf32>,
        %get3A_59 = arith.index_cast %rem3A_27 : i32 to index
        %get3A_60 = arith.index_cast %scan3A_49 : i32 to index
        %get3A_61 = arith.constant 16 : index
        %get3A_62 = tpu.vector_load %arg11[%get3A_59, %get3A_60, %get3A_61] {strides = array<i32>} : memref<2x128x128xf32, #tpu.memory_space<vmem>>, vector<16xf32>,
        %mul3A_63 = arith.mulf %get3A_62, %gather3A : vector<16xf32>
        %swap3A_64 = arith.index_cast %rem3A_27 : i32 to index
        %swap3A_65 = arith.index_cast %scan3A_49 : i32 to index
        %swap3A_66 = arith.constant 16 : index
        %swap3A_67 = tpu.vector_load %arg11[%swap3A_64, %swap3A_65, %swap3A_66] {strides = array<i32>} : memref<2x128x128xf32, #tpu.memory_space<vmem>>, vector<16xf32>,
        tpu.vector_store %arg11[%swap3A_64, %swap3A_65, %swap3A_66], %mul3A_63 {strides = array<i32>} : memref<2x128x128xf32, #tpu.memory_space<vmem>>, vector<16xf32>,
        %get3A_68 = arith.index_cast %rem3A_27 : i32 to index
        %get3A_69 = arith.index_cast %scan3A_49 : i32 to index
        %get3A_70 = arith.constant 32 : index
        %get3A_71 = tpu.vector_load %arg11[%get3A_68, %get3A_69, %get3A_70] {strides = array<i32>} : memref<2x128x128xf32, #tpu.memory_space<vmem>>, vector<16xf32>,
        %mul3A_72 = arith.mulf %get3A_71, %gather3A : vector<16xf32>
        %swap3A_73 = arith.index_cast %rem3A_27 : i32 to index
        %swap3A_74 = arith.index_cast %scan3A_49 : i32 to index
        %swap3A_75 = arith.constant 32 : index
        %swap3A_76 = tpu.vector_load %arg11[%swap3A_73, %swap3A_74, %swap3A_75] {strides = array<i32>} : memref<2x128x128xf32, #tpu.memory_space<vmem>>, vector<16xf32>,
        tpu.vector_store %arg11[%swap3A_73, %swap3A_74, %swap3A_75], %mul3A_72 {strides = array<i32>} : memref<2x128x128xf32, #tpu.memory_space<vmem>>, vector<16xf32>,
        %get3A_77 = arith.index_cast %rem3A_27 : i32 to index
        %get3A_78 = arith.index_cast %scan3A_49 : i32 to index
        %get3A_79 = arith.constant 48 : index
        %get3A_80 = tpu.vector_load %arg11[%get3A_77, %get3A_78, %get3A_79] {strides = array<i32>} : memref<2x128x128xf32, #tpu.memory_space<vmem>>, vector<16xf32>,
        %mul3A_81 = arith.mulf %get3A_80, %gather3A : vector<16xf32>
        %swap3A_82 = arith.index_cast %rem3A_27 : i32 to index
        %swap3A_83 = arith.index_cast %scan3A_49 : i32 to index
        %swap3A_84 = arith.constant 48 : index
        %swap3A_85 = tpu.vector_load %arg11[%swap3A_82, %swap3A_83, %swap3A_84] {strides = array<i32>} : memref<2x128x128xf32, #tpu.memory_space<vmem>>, vector<16xf32>,
        tpu.vector_store %arg11[%swap3A_82, %swap3A_83, %swap3A_84], %mul3A_81 {strides = array<i32>} : memref<2x128x128xf32, #tpu.memory_space<vmem>>, vector<16xf32>,
        %get3A_86 = arith.index_cast %rem3A_27 : i32 to index
        %get3A_87 = arith.index_cast %scan3A_49 : i32 to index
        %get3A_88 = arith.constant 64 : index
        %get3A_89 = tpu.vector_load %arg11[%get3A_86, %get3A_87, %get3A_88] {strides = array<i32>} : memref<2x128x128xf32, #tpu.memory_space<vmem>>, vector<16xf32>,
        %mul3A_90 = arith.mulf %get3A_89, %gather3A : vector<16xf32>
        %swap3A_91 = arith.index_cast %rem3A_27 : i32 to index
        %swap3A_92 = arith.index_cast %scan3A_49 : i32 to index
        %swap3A_93 = arith.constant 64 : index
        %swap3A_94 = tpu.vector_load %arg11[%swap3A_91, %swap3A_92, %swap3A_93] {strides = array<i32>} : memref<2x128x128xf32, #tpu.memory_space<vmem>>, vector<16xf32>,
        tpu.vector_store %arg11[%swap3A_91, %swap3A_92, %swap3A_93], %mul3A_90 {strides = array<i32>} : memref<2x128x128xf32, #tpu.memory_space<vmem>>, vector<16xf32>,
        %get3A_95 = arith.index_cast %rem3A_27 : i32 to index
        %get3A_96 = arith.index_cast %scan3A_49 : i32 to index
        %get3A_97 = arith.constant 80 : index
        %get3A_98 = tpu.vector_load %arg11[%get3A_95, %get3A_96, %get3A_97] {strides = array<i32>} : memref<2x128x128xf32, #tpu.memory_space<vmem>>, vector<16xf32>,
        %mul3A_99 = arith.mulf %get3A_98, %gather3A : vector<16xf32>
        %swap3A_100 = arith.index_cast %rem3A_27 : i32 to index
        %swap3A_101 = arith.index_cast %scan3A_49 : i32 to index
        %swap3A_102 = arith.constant 80 : index
        %swap3A_103 = tpu.vector_load %arg11[%swap3A_100, %swap3A_101, %swap3A_102] {strides = array<i32>} : memref<2x128x128xf32, #tpu.memory_space<vmem>>, vector<16xf32>,
        tpu.vector_store %arg11[%swap3A_100, %swap3A_101, %swap3A_102], %mul3A_99 {strides = array<i32>} : memref<2x128x128xf32, #tpu.memory_space<vmem>>, vector<16xf32>,
        %get3A_104 = arith.index_cast %rem3A_27 : i32 to index
        %get3A_105 = arith.index_cast %scan3A_49 : i32 to index
        %get3A_106 = arith.constant 96 : index
        %get3A_107 = tpu.vector_load %arg11[%get3A_104, %get3A_105, %get3A_106] {strides = array<i32>} : memref<2x128x128xf32, #tpu.memory_space<vmem>>, vector<16xf32>,
        %mul3A_108 = arith.mulf %get3A_107, %gather3A : vector<16xf32>
        %swap3A_109 = arith.index_cast %rem3A_27 : i32 to index
        %swap3A_110 = arith.index_cast %scan3A_49 : i32 to index
        %swap3A_111 = arith.constant 96 : index
        %swap3A_112 = tpu.vector_load %arg11[%swap3A_109, %swap3A_110, %swap3A_111] {strides = array<i32>} : memref<2x128x128xf32, #tpu.memory_space<vmem>>, vector<16xf32>,
        tpu.vector_store %arg11[%swap3A_109, %swap3A_110, %swap3A_111], %mul3A_108 {strides = array<i32>} : memref<2x128x128xf32, #tpu.memory_space<vmem>>, vector<16xf32>,
        %get3A_113 = arith.index_cast %rem3A_27 : i32 to index
        %get3A_114 = arith.index_cast %scan3A_49 : i32 to index
        %get3A_115 = arith.constant 112 : index
        %get3A_116 = tpu.vector_load %arg11[%get3A_113, %get3A_114, %get3A_115] {strides = array<i32>} : memref<2x128x128xf32, #tpu.memory_space<vmem>>, vector<16xf32>,
        %mul3A_117 = arith.mulf %get3A_116, %gather3A : vector<16xf32>
        %swap3A_118 = arith.index_cast %rem3A_27 : i32 to index
        %swap3A_119 = arith.index_cast %scan3A_49 : i32 to index
        %swap3A_120 = arith.constant 112 : index
        %swap3A_121 = tpu.vector_load %arg11[%swap3A_118, %swap3A_119, %swap3A_120] {strides = array<i32>} : memref<2x128x128xf32, #tpu.memory_space<vmem>>, vector<16xf32>,
        tpu.vector_store %arg11[%swap3A_118, %swap3A_119, %swap3A_120], %mul3A_117 {strides = array<i32>} : memref<2x128x128xf32, #tpu.memory_space<vmem>>, vector<16xf32>,
        %scan3A_122 = arith.constant 0 : i32
        scf.yield %scan3A_122 : i32
      }
      %scan3A_47 = arith.constant 128 : i32
      "tpu.region"() ({
        %run_scoped3A = tpu.sem_alloc : memref<!tpu.dma_semaphore, #tpu.memory_space<semaphore_mem>>
        %dma_start3A_49 = arith.constant 0 : i32
        %dma_start3A_50 = arith.constant 0 : i32
        %dma_start3A_51 = tpu.memref_slice %arg11[%rem3A_27, %dma_start3A_49, %dma_start3A_50] : memref<2x128x128xf32, #tpu.memory_space<vmem>> -> memref<1x128x128xf32, #tpu.memory_space<vmem>>
        %dma_start3A_52 = tpu.memref_squeeze %dma_start3A_51 : memref<1x128x128xf32, #tpu.memory_space<vmem>> -> memref<128x128xf32, #tpu.memory_space<vmem>>
        %dma_start3A_53 = arith.constant 0 : i32
        %dma_start3A_54 = tpu.memref_slice %arg9[%scan3A_25, %dma_start3A_53] : memref<13x128xi32, #tpu.memory_space<vmem>> -> memref<1x128xi32, #tpu.memory_space<vmem>>
        %dma_start3A_55 = tpu.memref_squeeze %dma_start3A_54 : memref<1x128xi32, #tpu.memory_space<vmem>> -> memref<128xi32, #tpu.memory_space<vmem>>
        %dma_start3A_56 = arith.constant 0 : i32
        %dma_start3A_57 = arith.constant 0 : i32
        %dma_start3A_58 = tpu.memref_slice %arg12[%dma_start3A_56, %dma_start3A_57] : memref<2560x128xf32, #tpu.memory_space<vmem_shared>> -> memref<2560x128xf32, #tpu.memory_space<vmem_shared>>
        tpu.enqueue_indirect_dma source(%dma_start3A_52 : memref<128x128xf32, #tpu.memory_space<vmem>>) target(%dma_start3A_58 : memref<2560x128xf32, #tpu.memory_space<vmem_shared>>) offsets(%dma_start3A_55 : memref<128xi32, #tpu.memory_space<vmem>>) semaphore(%run_scoped3A : memref<!tpu.dma_semaphore, #tpu.memory_space<semaphore_mem>>) {add = true}
        %dma_wait3A_59 = arith.constant 0 : i32
        %dma_wait3A_60 = arith.constant 0 : i32
        %dma_wait3A_61 = tpu.memref_slice %arg11[%rem3A_27, %dma_wait3A_59, %dma_wait3A_60] : memref<2x128x128xf32, #tpu.memory_space<vmem>> -> memref<1x128x128xf32, #tpu.memory_space<vmem>>
        %dma_wait3A_62 = tpu.memref_squeeze %dma_wait3A_61 : memref<1x128x128xf32, #tpu.memory_space<vmem>> -> memref<128x128xf32, #tpu.memory_space<vmem>>
        %dma_wait3A_63 = arith.constant 0 : i32
        %dma_wait3A_64 = tpu.memref_slice %arg9[%scan3A_25, %dma_wait3A_63] : memref<13x128xi32, #tpu.memory_space<vmem>> -> memref<1x128xi32, #tpu.memory_space<vmem>>
        %dma_wait3A_65 = tpu.memref_squeeze %dma_wait3A_64 : memref<1x128xi32, #tpu.memory_space<vmem>> -> memref<128xi32, #tpu.memory_space<vmem>>
        %dma_wait3A_66 = arith.constant 0 : i32
        %dma_wait3A_67 = arith.constant 0 : i32
        %dma_wait3A_68 = tpu.memref_slice %arg12[%dma_wait3A_66, %dma_wait3A_67] : memref<2560x128xf32, #tpu.memory_space<vmem_shared>> -> memref<2560x128xf32, #tpu.memory_space<vmem_shared>>
        tpu.wait_indirect_dma semaphore(%run_scoped3A : memref<!tpu.dma_semaphore, #tpu.memory_space<semaphore_mem>>) src(%dma_wait3A_62 : memref<128x128xf32, #tpu.memory_space<vmem>>) dst(%dma_wait3A_68 : memref<2560x128xf32, #tpu.memory_space<vmem_shared>>)
        tpu.yield
      }) : () -> ()
      %scan3A_48 = arith.constant 0 : i32
      scf.yield %scan3A_48 : i32
    }
    %scan3A_19 = arith.constant 13 : i32
    %barrier3A_20 = arith.constant 0 : index
    tpu.barrier barrier_id(%barrier3A_20)
    %mul3A_21 = arith.constant 160 : i32
    %mul3A_22 = arith.muli %arg1, %mul3A_21 : i32
    %mul3A_23 = arith.constant 160 : i32
    %mul3A_24 = arith.muli %arg1, %mul3A_23 : i32
    "tpu.region"() ({
      %run_scoped3A = tpu.sem_alloc : memref<!tpu.dma_semaphore, #tpu.memory_space<semaphore_mem>>
      %dma_start3A_25 = arith.constant 0 : i32
      %dma_start3A_26 = tpu.memref_slice %arg7[%arg0, %mul3A_24, %dma_start3A_25] : memref<2x2560x128xf32, #tpu.memory_space<hbm>> -> memref<1x160x128xf32, #tpu.memory_space<hbm>>
      %dma_start3A_27 = tpu.memref_squeeze %dma_start3A_26 : memref<1x160x128xf32, #tpu.memory_space<hbm>> -> memref<160x128xf32, #tpu.memory_space<hbm>>
      %dma_start3A_28 = arith.constant 0 : i32
      %dma_start3A_29 = tpu.memref_slice %arg12[%mul3A_22, %dma_start3A_28] : memref<2560x128xf32, #tpu.memory_space<vmem_shared>> -> memref<160x128xf32, #tpu.memory_space<vmem_shared>>
      tpu.enqueue_dma source(%dma_start3A_29 : memref<160x128xf32, #tpu.memory_space<vmem_shared>>) target(%dma_start3A_27 : memref<160x128xf32, #tpu.memory_space<hbm>>) target_semaphore(%run_scoped3A : memref<!tpu.dma_semaphore, #tpu.memory_space<semaphore_mem>>)
      %dma_wait3A = arith.constant 0 : i32
      %dma_wait3A_30 = tpu.memref_slice %arg7[%arg0, %mul3A_24, %dma_wait3A] : memref<2x2560x128xf32, #tpu.memory_space<hbm>> -> memref<1x160x128xf32, #tpu.memory_space<hbm>>
      %dma_wait3A_31 = tpu.memref_squeeze %dma_wait3A_30 : memref<1x160x128xf32, #tpu.memory_space<hbm>> -> memref<160x128xf32, #tpu.memory_space<hbm>>
      %dma_wait3A_32 = arith.constant 0 : i32
      %dma_wait3A_33 = tpu.memref_slice %arg12[%mul3A_22, %dma_wait3A_32] : memref<2560x128xf32, #tpu.memory_space<vmem_shared>> -> memref<160x128xf32, #tpu.memory_space<vmem_shared>>
      tpu.wait_dma2 semaphore(%run_scoped3A : memref<!tpu.dma_semaphore, #tpu.memory_space<semaphore_mem>>) src(%dma_wait3A_33 : memref<160x128xf32, #tpu.memory_space<vmem_shared>>) dst(%dma_wait3A_31 : memref<160x128xf32, #tpu.memory_space<hbm>>)
      tpu.yield
    }) : () -> ()
    return
  }
}

#map = affine_map<(d0, d1) -> (0, 0)>
#map1 = affine_map<(d0, d1) -> (0, 0, 0)>
module attributes {stable_mosaic.version = 14 : i64} {
  func.func @k(%arg0: i32, %arg1: i32, %arg2: memref<4992x128xf32, #tpu.memory_space<hbm>>, %arg3: memref<32x5x128xi32, #tpu.memory_space<hbm>>, %arg4: memref<32x5x128xi32, #tpu.memory_space<hbm>>, %arg5: memref<512x128xf32, #tpu.memory_space<hbm>>, %arg6: memref<2x6656x128xf32, #tpu.memory_space<hbm>>, %arg7: memref<5x128xi32, #tpu.memory_space<vmem>>, %arg8: memref<5x128xi32, #tpu.memory_space<vmem>>, %arg9: memref<2x128x128xf32, #tpu.memory_space<vmem>>, %arg10: memref<6656x128xf32, #tpu.memory_space<vmem_shared>>, %arg11: memref<!tpu.dma_semaphore, #tpu.memory_space<semaphore_mem>>) attributes {dimension_semantics = [#tpu.dimension_semantics<core_parallel>, #tpu.dimension_semantics<subcore_parallel>], iteration_bounds = array<i64: 2, 16>, scalar_prefetch = 0 : i64, scratch_operands = 5 : i64, tpu.core_type = #tpu.core_type<sc_vector_subcore>, window_params = [{transform_indices = #map}, {transform_indices = #map1}, {transform_indices = #map1}, {transform_indices = #map}, {transform_indices = #map1}]} {
    %mul3A = arith.constant 2 : i32
    %mul3A_0 = arith.muli %arg1, %mul3A : i32
    %add3A = arith.addi %mul3A_0, %arg0 : i32
    "tpu.region"() ({
      %run_scoped3A = tpu.sem_alloc : memref<!tpu.dma_semaphore, #tpu.memory_space<semaphore_mem>>
      %dma_start3A_25 = arith.constant 0 : i32
      %dma_start3A_26 = arith.constant 0 : i32
      %dma_start3A_27 = tpu.memref_slice %arg3[%add3A, %dma_start3A_25, %dma_start3A_26] : memref<32x5x128xi32, #tpu.memory_space<hbm>> -> memref<1x5x128xi32, #tpu.memory_space<hbm>>
      %dma_start3A_28 = tpu.memref_squeeze %dma_start3A_27 : memref<1x5x128xi32, #tpu.memory_space<hbm>> -> memref<5x128xi32, #tpu.memory_space<hbm>>
      %dma_start3A_29 = arith.constant 0 : i32
      %dma_start3A_30 = arith.constant 0 : i32
      %dma_start3A_31 = tpu.memref_slice %arg3[%add3A, %dma_start3A_29, %dma_start3A_30] : memref<32x5x128xi32, #tpu.memory_space<hbm>> -> memref<1x5x128xi32, #tpu.memory_space<hbm>>
      %dma_start3A_32 = tpu.memref_squeeze %dma_start3A_31 : memref<1x5x128xi32, #tpu.memory_space<hbm>> -> memref<5x128xi32, #tpu.memory_space<hbm>>
      tpu.enqueue_dma source(%dma_start3A_32 : memref<5x128xi32, #tpu.memory_space<hbm>>) target(%arg7 : memref<5x128xi32, #tpu.memory_space<vmem>>) target_semaphore(%run_scoped3A : memref<!tpu.dma_semaphore, #tpu.memory_space<semaphore_mem>>)
      %dma_wait3A = arith.constant 0 : i32
      %dma_wait3A_33 = arith.constant 0 : i32
      %dma_wait3A_34 = tpu.memref_slice %arg3[%add3A, %dma_wait3A, %dma_wait3A_33] : memref<32x5x128xi32, #tpu.memory_space<hbm>> -> memref<1x5x128xi32, #tpu.memory_space<hbm>>
      %dma_wait3A_35 = tpu.memref_squeeze %dma_wait3A_34 : memref<1x5x128xi32, #tpu.memory_space<hbm>> -> memref<5x128xi32, #tpu.memory_space<hbm>>
      %dma_wait3A_36 = arith.constant 0 : i32
      %dma_wait3A_37 = arith.constant 0 : i32
      %dma_wait3A_38 = tpu.memref_slice %arg3[%add3A, %dma_wait3A_36, %dma_wait3A_37] : memref<32x5x128xi32, #tpu.memory_space<hbm>> -> memref<1x5x128xi32, #tpu.memory_space<hbm>>
      %dma_wait3A_39 = tpu.memref_squeeze %dma_wait3A_38 : memref<1x5x128xi32, #tpu.memory_space<hbm>> -> memref<5x128xi32, #tpu.memory_space<hbm>>
      tpu.wait_dma2 semaphore(%run_scoped3A : memref<!tpu.dma_semaphore, #tpu.memory_space<semaphore_mem>>) src(%dma_wait3A_39 : memref<5x128xi32, #tpu.memory_space<hbm>>) dst(%arg7 : memref<5x128xi32, #tpu.memory_space<vmem>>)
      tpu.yield
    }) : () -> ()
    %dma_start3A = arith.constant 0 : i32
    %dma_start3A_1 = arith.constant 0 : i32
    %dma_start3A_2 = arith.constant 0 : i32
    %dma_start3A_3 = arith.constant 0 : i32
    %dma_start3A_4 = tpu.memref_slice %arg9[%dma_start3A_1, %dma_start3A_2, %dma_start3A_3] : memref<2x128x128xf32, #tpu.memory_space<vmem>> -> memref<1x128x128xf32, #tpu.memory_space<vmem>>
    %dma_start3A_5 = tpu.memref_squeeze %dma_start3A_4 : memref<1x128x128xf32, #tpu.memory_space<vmem>> -> memref<128x128xf32, #tpu.memory_space<vmem>>
    %dma_start3A_6 = arith.constant 0 : i32
    %dma_start3A_7 = tpu.memref_slice %arg7[%dma_start3A, %dma_start3A_6] : memref<5x128xi32, #tpu.memory_space<vmem>> -> memref<1x128xi32, #tpu.memory_space<vmem>>
    %dma_start3A_8 = tpu.memref_squeeze %dma_start3A_7 : memref<1x128xi32, #tpu.memory_space<vmem>> -> memref<128xi32, #tpu.memory_space<vmem>>
    %dma_start3A_9 = arith.constant 0 : i32
    %dma_start3A_10 = arith.constant 0 : i32
    %dma_start3A_11 = tpu.memref_slice %arg2[%dma_start3A_9, %dma_start3A_10] : memref<4992x128xf32, #tpu.memory_space<hbm>> -> memref<4992x128xf32, #tpu.memory_space<hbm>>
    tpu.enqueue_indirect_dma source(%dma_start3A_11 : memref<4992x128xf32, #tpu.memory_space<hbm>>) target(%dma_start3A_5 : memref<128x128xf32, #tpu.memory_space<vmem>>) offsets(%dma_start3A_8 : memref<128xi32, #tpu.memory_space<vmem>>) semaphore(%arg11 : memref<!tpu.dma_semaphore, #tpu.memory_space<semaphore_mem>>)
    "tpu.region"() ({
      %run_scoped3A = tpu.sem_alloc : memref<!tpu.dma_semaphore, #tpu.memory_space<semaphore_mem>>
      %dma_start3A_25 = arith.constant 0 : i32
      %dma_start3A_26 = arith.constant 0 : i32
      %dma_start3A_27 = tpu.memref_slice %arg4[%add3A, %dma_start3A_25, %dma_start3A_26] : memref<32x5x128xi32, #tpu.memory_space<hbm>> -> memref<1x5x128xi32, #tpu.memory_space<hbm>>
      %dma_start3A_28 = tpu.memref_squeeze %dma_start3A_27 : memref<1x5x128xi32, #tpu.memory_space<hbm>> -> memref<5x128xi32, #tpu.memory_space<hbm>>
      %dma_start3A_29 = arith.constant 0 : i32
      %dma_start3A_30 = arith.constant 0 : i32
      %dma_start3A_31 = tpu.memref_slice %arg4[%add3A, %dma_start3A_29, %dma_start3A_30] : memref<32x5x128xi32, #tpu.memory_space<hbm>> -> memref<1x5x128xi32, #tpu.memory_space<hbm>>
      %dma_start3A_32 = tpu.memref_squeeze %dma_start3A_31 : memref<1x5x128xi32, #tpu.memory_space<hbm>> -> memref<5x128xi32, #tpu.memory_space<hbm>>
      tpu.enqueue_dma source(%dma_start3A_32 : memref<5x128xi32, #tpu.memory_space<hbm>>) target(%arg8 : memref<5x128xi32, #tpu.memory_space<vmem>>) target_semaphore(%run_scoped3A : memref<!tpu.dma_semaphore, #tpu.memory_space<semaphore_mem>>)
      %dma_wait3A = arith.constant 0 : i32
      %dma_wait3A_33 = arith.constant 0 : i32
      %dma_wait3A_34 = tpu.memref_slice %arg4[%add3A, %dma_wait3A, %dma_wait3A_33] : memref<32x5x128xi32, #tpu.memory_space<hbm>> -> memref<1x5x128xi32, #tpu.memory_space<hbm>>
      %dma_wait3A_35 = tpu.memref_squeeze %dma_wait3A_34 : memref<1x5x128xi32, #tpu.memory_space<hbm>> -> memref<5x128xi32, #tpu.memory_space<hbm>>
      %dma_wait3A_36 = arith.constant 0 : i32
      %dma_wait3A_37 = arith.constant 0 : i32
      %dma_wait3A_38 = tpu.memref_slice %arg4[%add3A, %dma_wait3A_36, %dma_wait3A_37] : memref<32x5x128xi32, #tpu.memory_space<hbm>> -> memref<1x5x128xi32, #tpu.memory_space<hbm>>
      %dma_wait3A_39 = tpu.memref_squeeze %dma_wait3A_38 : memref<1x5x128xi32, #tpu.memory_space<hbm>> -> memref<5x128xi32, #tpu.memory_space<hbm>>
      tpu.wait_dma2 semaphore(%run_scoped3A : memref<!tpu.dma_semaphore, #tpu.memory_space<semaphore_mem>>) src(%dma_wait3A_39 : memref<5x128xi32, #tpu.memory_space<hbm>>) dst(%arg8 : memref<5x128xi32, #tpu.memory_space<vmem>>)
      tpu.yield
    }) : () -> ()
    %mul3A_12 = arith.constant 416 : i32
    %mul3A_13 = arith.muli %arg1, %mul3A_12 : i32
    "tpu.region"() ({
      %run_scoped3A = tpu.sem_alloc : memref<!tpu.dma_semaphore, #tpu.memory_space<semaphore_mem>>
      %dma_start3A_25 = arith.constant 0 : i32
      %dma_start3A_26 = tpu.memref_slice %arg10[%mul3A_13, %dma_start3A_25] : memref<6656x128xf32, #tpu.memory_space<vmem_shared>> -> memref<416x128xf32, #tpu.memory_space<vmem_shared>>
      %dma_start3A_27 = arith.constant 0 : i32
      %dma_start3A_28 = arith.constant 0 : i32
      %dma_start3A_29 = tpu.memref_slice %arg5[%dma_start3A_27, %dma_start3A_28] : memref<512x128xf32, #tpu.memory_space<hbm>> -> memref<416x128xf32, #tpu.memory_space<hbm>>
      tpu.enqueue_dma source(%dma_start3A_29 : memref<416x128xf32, #tpu.memory_space<hbm>>) target(%dma_start3A_26 : memref<416x128xf32, #tpu.memory_space<vmem_shared>>) target_semaphore(%run_scoped3A : memref<!tpu.dma_semaphore, #tpu.memory_space<semaphore_mem>>)
      %dma_wait3A = arith.constant 0 : i32
      %dma_wait3A_30 = tpu.memref_slice %arg10[%mul3A_13, %dma_wait3A] : memref<6656x128xf32, #tpu.memory_space<vmem_shared>> -> memref<416x128xf32, #tpu.memory_space<vmem_shared>>
      %dma_wait3A_31 = arith.constant 0 : i32
      %dma_wait3A_32 = arith.constant 0 : i32
      %dma_wait3A_33 = tpu.memref_slice %arg5[%dma_wait3A_31, %dma_wait3A_32] : memref<512x128xf32, #tpu.memory_space<hbm>> -> memref<416x128xf32, #tpu.memory_space<hbm>>
      tpu.wait_dma2 semaphore(%run_scoped3A : memref<!tpu.dma_semaphore, #tpu.memory_space<semaphore_mem>>) src(%dma_wait3A_33 : memref<416x128xf32, #tpu.memory_space<hbm>>) dst(%dma_wait3A_30 : memref<416x128xf32, #tpu.memory_space<vmem_shared>>)
      tpu.yield
    }) : () -> ()
    %barrier3A = arith.constant 0 : index
    tpu.barrier barrier_id(%barrier3A)
    %scan3A = arith.constant 0 : i32
    %scan3A_14 = arith.constant 0 : i32
    %scan3A_15 = arith.constant 5 : i32
    %scan3A_16 = arith.addi %scan3A_14, %scan3A_15 : i32
    %scan3A_17 = arith.constant 1 : i32
    %scan3A_18 = scf.for %scan3A_25 = %scan3A_14 to %scan3A_16 step %scan3A_17 iter_args(%scan3A_26 = %scan3A) -> (i32)  : i32 {
      %rem3A = arith.constant 2 : i32
      %rem3A_27 = arith.remsi %scan3A_25, %rem3A : i32
      %dma_wait3A = arith.constant 0 : i32
      %dma_wait3A_28 = arith.constant 0 : i32
      %dma_wait3A_29 = tpu.memref_slice %arg9[%rem3A_27, %dma_wait3A, %dma_wait3A_28] : memref<2x128x128xf32, #tpu.memory_space<vmem>> -> memref<1x128x128xf32, #tpu.memory_space<vmem>>
      %dma_wait3A_30 = tpu.memref_squeeze %dma_wait3A_29 : memref<1x128x128xf32, #tpu.memory_space<vmem>> -> memref<128x128xf32, #tpu.memory_space<vmem>>
      %dma_wait3A_31 = arith.constant 0 : i32
      %dma_wait3A_32 = tpu.memref_slice %arg7[%scan3A_25, %dma_wait3A_31] : memref<5x128xi32, #tpu.memory_space<vmem>> -> memref<1x128xi32, #tpu.memory_space<vmem>>
      %dma_wait3A_33 = tpu.memref_squeeze %dma_wait3A_32 : memref<1x128xi32, #tpu.memory_space<vmem>> -> memref<128xi32, #tpu.memory_space<vmem>>
      %dma_wait3A_34 = arith.constant 0 : i32
      %dma_wait3A_35 = arith.constant 0 : i32
      %dma_wait3A_36 = tpu.memref_slice %arg2[%dma_wait3A_34, %dma_wait3A_35] : memref<4992x128xf32, #tpu.memory_space<hbm>> -> memref<4992x128xf32, #tpu.memory_space<hbm>>
      tpu.wait_indirect_dma semaphore(%arg11 : memref<!tpu.dma_semaphore, #tpu.memory_space<semaphore_mem>>) src(%dma_wait3A_36 : memref<4992x128xf32, #tpu.memory_space<hbm>>) dst(%dma_wait3A_30 : memref<128x128xf32, #tpu.memory_space<vmem>>)
      %add3A_37 = arith.constant 1 : i32
      %add3A_38 = arith.addi %scan3A_25, %add3A_37 : i32
      %lt3A = arith.constant 5 : i32
      %lt3A_39 = arith.cmpi slt, %add3A_38, %lt3A : i32
      %convert_element_type3A = arith.extui %lt3A_39 : i1 to i32
      %cond3A = arith.constant 0 : i32
      %cond3A_40 = arith.cmpi ne, %convert_element_type3A, %cond3A : i32
      scf.if %cond3A_40 {
        %add3A_42 = arith.constant 1 : i32
        %add3A_43 = arith.addi %scan3A_25, %add3A_42 : i32
        %sub3A = arith.constant 1 : i32
        %sub3A_44 = arith.subi %sub3A, %rem3A_27 : i32
        %dma_start3A_45 = arith.constant 0 : i32
        %dma_start3A_46 = arith.constant 0 : i32
        %dma_start3A_47 = tpu.memref_slice %arg9[%sub3A_44, %dma_start3A_45, %dma_start3A_46] : memref<2x128x128xf32, #tpu.memory_space<vmem>> -> memref<1x128x128xf32, #tpu.memory_space<vmem>>
        %dma_start3A_48 = tpu.memref_squeeze %dma_start3A_47 : memref<1x128x128xf32, #tpu.memory_space<vmem>> -> memref<128x128xf32, #tpu.memory_space<vmem>>
        %dma_start3A_49 = arith.constant 0 : i32
        %dma_start3A_50 = tpu.memref_slice %arg7[%add3A_43, %dma_start3A_49] : memref<5x128xi32, #tpu.memory_space<vmem>> -> memref<1x128xi32, #tpu.memory_space<vmem>>
        %dma_start3A_51 = tpu.memref_squeeze %dma_start3A_50 : memref<1x128xi32, #tpu.memory_space<vmem>> -> memref<128xi32, #tpu.memory_space<vmem>>
        %dma_start3A_52 = arith.constant 0 : i32
        %dma_start3A_53 = arith.constant 0 : i32
        %dma_start3A_54 = tpu.memref_slice %arg2[%dma_start3A_52, %dma_start3A_53] : memref<4992x128xf32, #tpu.memory_space<hbm>> -> memref<4992x128xf32, #tpu.memory_space<hbm>>
        tpu.enqueue_indirect_dma source(%dma_start3A_54 : memref<4992x128xf32, #tpu.memory_space<hbm>>) target(%dma_start3A_48 : memref<128x128xf32, #tpu.memory_space<vmem>>) offsets(%dma_start3A_51 : memref<128xi32, #tpu.memory_space<vmem>>) semaphore(%arg11 : memref<!tpu.dma_semaphore, #tpu.memory_space<semaphore_mem>>)
      } else {
      }
      "tpu.region"() ({
        %run_scoped3A = tpu.sem_alloc : memref<!tpu.dma_semaphore, #tpu.memory_space<semaphore_mem>>
        %dma_start3A_42 = arith.constant 0 : i32
        %dma_start3A_43 = arith.constant 0 : i32
        %dma_start3A_44 = tpu.memref_slice %arg9[%rem3A_27, %dma_start3A_42, %dma_start3A_43] : memref<2x128x128xf32, #tpu.memory_space<vmem>> -> memref<1x128x128xf32, #tpu.memory_space<vmem>>
        %dma_start3A_45 = tpu.memref_squeeze %dma_start3A_44 : memref<1x128x128xf32, #tpu.memory_space<vmem>> -> memref<128x128xf32, #tpu.memory_space<vmem>>
        %dma_start3A_46 = arith.constant 0 : i32
        %dma_start3A_47 = tpu.memref_slice %arg8[%scan3A_25, %dma_start3A_46] : memref<5x128xi32, #tpu.memory_space<vmem>> -> memref<1x128xi32, #tpu.memory_space<vmem>>
        %dma_start3A_48 = tpu.memref_squeeze %dma_start3A_47 : memref<1x128xi32, #tpu.memory_space<vmem>> -> memref<128xi32, #tpu.memory_space<vmem>>
        %dma_start3A_49 = arith.constant 0 : i32
        %dma_start3A_50 = arith.constant 0 : i32
        %dma_start3A_51 = tpu.memref_slice %arg10[%dma_start3A_49, %dma_start3A_50] : memref<6656x128xf32, #tpu.memory_space<vmem_shared>> -> memref<6656x128xf32, #tpu.memory_space<vmem_shared>>
        tpu.enqueue_indirect_dma source(%dma_start3A_45 : memref<128x128xf32, #tpu.memory_space<vmem>>) target(%dma_start3A_51 : memref<6656x128xf32, #tpu.memory_space<vmem_shared>>) offsets(%dma_start3A_48 : memref<128xi32, #tpu.memory_space<vmem>>) semaphore(%run_scoped3A : memref<!tpu.dma_semaphore, #tpu.memory_space<semaphore_mem>>) {add = true}
        %dma_wait3A_52 = arith.constant 0 : i32
        %dma_wait3A_53 = arith.constant 0 : i32
        %dma_wait3A_54 = tpu.memref_slice %arg9[%rem3A_27, %dma_wait3A_52, %dma_wait3A_53] : memref<2x128x128xf32, #tpu.memory_space<vmem>> -> memref<1x128x128xf32, #tpu.memory_space<vmem>>
        %dma_wait3A_55 = tpu.memref_squeeze %dma_wait3A_54 : memref<1x128x128xf32, #tpu.memory_space<vmem>> -> memref<128x128xf32, #tpu.memory_space<vmem>>
        %dma_wait3A_56 = arith.constant 0 : i32
        %dma_wait3A_57 = tpu.memref_slice %arg8[%scan3A_25, %dma_wait3A_56] : memref<5x128xi32, #tpu.memory_space<vmem>> -> memref<1x128xi32, #tpu.memory_space<vmem>>
        %dma_wait3A_58 = tpu.memref_squeeze %dma_wait3A_57 : memref<1x128xi32, #tpu.memory_space<vmem>> -> memref<128xi32, #tpu.memory_space<vmem>>
        %dma_wait3A_59 = arith.constant 0 : i32
        %dma_wait3A_60 = arith.constant 0 : i32
        %dma_wait3A_61 = tpu.memref_slice %arg10[%dma_wait3A_59, %dma_wait3A_60] : memref<6656x128xf32, #tpu.memory_space<vmem_shared>> -> memref<6656x128xf32, #tpu.memory_space<vmem_shared>>
        tpu.wait_indirect_dma semaphore(%run_scoped3A : memref<!tpu.dma_semaphore, #tpu.memory_space<semaphore_mem>>) src(%dma_wait3A_55 : memref<128x128xf32, #tpu.memory_space<vmem>>) dst(%dma_wait3A_61 : memref<6656x128xf32, #tpu.memory_space<vmem_shared>>)
        tpu.yield
      }) : () -> ()
      %scan3A_41 = arith.constant 0 : i32
      scf.yield %scan3A_41 : i32
    }
    %scan3A_19 = arith.constant 5 : i32
    %barrier3A_20 = arith.constant 0 : index
    tpu.barrier barrier_id(%barrier3A_20)
    %mul3A_21 = arith.constant 416 : i32
    %mul3A_22 = arith.muli %arg1, %mul3A_21 : i32
    %mul3A_23 = arith.constant 416 : i32
    %mul3A_24 = arith.muli %arg1, %mul3A_23 : i32
    "tpu.region"() ({
      %run_scoped3A = tpu.sem_alloc : memref<!tpu.dma_semaphore, #tpu.memory_space<semaphore_mem>>
      %dma_start3A_25 = arith.constant 0 : i32
      %dma_start3A_26 = tpu.memref_slice %arg6[%arg0, %mul3A_24, %dma_start3A_25] : memref<2x6656x128xf32, #tpu.memory_space<hbm>> -> memref<1x416x128xf32, #tpu.memory_space<hbm>>
      %dma_start3A_27 = tpu.memref_squeeze %dma_start3A_26 : memref<1x416x128xf32, #tpu.memory_space<hbm>> -> memref<416x128xf32, #tpu.memory_space<hbm>>
      %dma_start3A_28 = arith.constant 0 : i32
      %dma_start3A_29 = tpu.memref_slice %arg10[%mul3A_22, %dma_start3A_28] : memref<6656x128xf32, #tpu.memory_space<vmem_shared>> -> memref<416x128xf32, #tpu.memory_space<vmem_shared>>
      tpu.enqueue_dma source(%dma_start3A_29 : memref<416x128xf32, #tpu.memory_space<vmem_shared>>) target(%dma_start3A_27 : memref<416x128xf32, #tpu.memory_space<hbm>>) target_semaphore(%run_scoped3A : memref<!tpu.dma_semaphore, #tpu.memory_space<semaphore_mem>>)
      %dma_wait3A = arith.constant 0 : i32
      %dma_wait3A_30 = tpu.memref_slice %arg6[%arg0, %mul3A_24, %dma_wait3A] : memref<2x6656x128xf32, #tpu.memory_space<hbm>> -> memref<1x416x128xf32, #tpu.memory_space<hbm>>
      %dma_wait3A_31 = tpu.memref_squeeze %dma_wait3A_30 : memref<1x416x128xf32, #tpu.memory_space<hbm>> -> memref<416x128xf32, #tpu.memory_space<hbm>>
      %dma_wait3A_32 = arith.constant 0 : i32
      %dma_wait3A_33 = tpu.memref_slice %arg10[%mul3A_22, %dma_wait3A_32] : memref<6656x128xf32, #tpu.memory_space<vmem_shared>> -> memref<416x128xf32, #tpu.memory_space<vmem_shared>>
      tpu.wait_dma2 semaphore(%run_scoped3A : memref<!tpu.dma_semaphore, #tpu.memory_space<semaphore_mem>>) src(%dma_wait3A_33 : memref<416x128xf32, #tpu.memory_space<vmem_shared>>) dst(%dma_wait3A_31 : memref<416x128xf32, #tpu.memory_space<hbm>>)
      tpu.yield
    }) : () -> ()
    return
  }
}

#map = affine_map<(d0, d1) -> (0, 0)>
#map1 = affine_map<(d0, d1) -> (0, 0, 0)>
module attributes {stable_mosaic.version = 14 : i64} {
  func.func @k(%arg0: i32, %arg1: i32, %arg2: memref<2560x128xf32, #tpu.memory_space<hbm>>, %arg3: memref<32x13x128xi32, #tpu.memory_space<hbm>>, %arg4: memref<32x13x128xi32, #tpu.memory_space<hbm>>, %arg5: memref<512x128xf32, #tpu.memory_space<hbm>>, %arg6: memref<2x4992x128xf32, #tpu.memory_space<hbm>>, %arg7: memref<13x128xi32, #tpu.memory_space<vmem>>, %arg8: memref<13x128xi32, #tpu.memory_space<vmem>>, %arg9: memref<2x128x128xf32, #tpu.memory_space<vmem>>, %arg10: memref<4992x128xf32, #tpu.memory_space<vmem_shared>>, %arg11: memref<!tpu.dma_semaphore, #tpu.memory_space<semaphore_mem>>) attributes {dimension_semantics = [#tpu.dimension_semantics<core_parallel>, #tpu.dimension_semantics<subcore_parallel>], iteration_bounds = array<i64: 2, 16>, scalar_prefetch = 0 : i64, scratch_operands = 5 : i64, tpu.core_type = #tpu.core_type<sc_vector_subcore>, window_params = [{transform_indices = #map}, {transform_indices = #map1}, {transform_indices = #map1}, {transform_indices = #map}, {transform_indices = #map1}]} {
    %mul3A = arith.constant 2 : i32
    %mul3A_0 = arith.muli %arg1, %mul3A : i32
    %add3A = arith.addi %mul3A_0, %arg0 : i32
    "tpu.region"() ({
      %run_scoped3A = tpu.sem_alloc : memref<!tpu.dma_semaphore, #tpu.memory_space<semaphore_mem>>
      %dma_start3A_25 = arith.constant 0 : i32
      %dma_start3A_26 = arith.constant 0 : i32
      %dma_start3A_27 = tpu.memref_slice %arg3[%add3A, %dma_start3A_25, %dma_start3A_26] : memref<32x13x128xi32, #tpu.memory_space<hbm>> -> memref<1x13x128xi32, #tpu.memory_space<hbm>>
      %dma_start3A_28 = tpu.memref_squeeze %dma_start3A_27 : memref<1x13x128xi32, #tpu.memory_space<hbm>> -> memref<13x128xi32, #tpu.memory_space<hbm>>
      %dma_start3A_29 = arith.constant 0 : i32
      %dma_start3A_30 = arith.constant 0 : i32
      %dma_start3A_31 = tpu.memref_slice %arg3[%add3A, %dma_start3A_29, %dma_start3A_30] : memref<32x13x128xi32, #tpu.memory_space<hbm>> -> memref<1x13x128xi32, #tpu.memory_space<hbm>>
      %dma_start3A_32 = tpu.memref_squeeze %dma_start3A_31 : memref<1x13x128xi32, #tpu.memory_space<hbm>> -> memref<13x128xi32, #tpu.memory_space<hbm>>
      tpu.enqueue_dma source(%dma_start3A_32 : memref<13x128xi32, #tpu.memory_space<hbm>>) target(%arg7 : memref<13x128xi32, #tpu.memory_space<vmem>>) target_semaphore(%run_scoped3A : memref<!tpu.dma_semaphore, #tpu.memory_space<semaphore_mem>>)
      %dma_wait3A = arith.constant 0 : i32
      %dma_wait3A_33 = arith.constant 0 : i32
      %dma_wait3A_34 = tpu.memref_slice %arg3[%add3A, %dma_wait3A, %dma_wait3A_33] : memref<32x13x128xi32, #tpu.memory_space<hbm>> -> memref<1x13x128xi32, #tpu.memory_space<hbm>>
      %dma_wait3A_35 = tpu.memref_squeeze %dma_wait3A_34 : memref<1x13x128xi32, #tpu.memory_space<hbm>> -> memref<13x128xi32, #tpu.memory_space<hbm>>
      %dma_wait3A_36 = arith.constant 0 : i32
      %dma_wait3A_37 = arith.constant 0 : i32
      %dma_wait3A_38 = tpu.memref_slice %arg3[%add3A, %dma_wait3A_36, %dma_wait3A_37] : memref<32x13x128xi32, #tpu.memory_space<hbm>> -> memref<1x13x128xi32, #tpu.memory_space<hbm>>
      %dma_wait3A_39 = tpu.memref_squeeze %dma_wait3A_38 : memref<1x13x128xi32, #tpu.memory_space<hbm>> -> memref<13x128xi32, #tpu.memory_space<hbm>>
      tpu.wait_dma2 semaphore(%run_scoped3A : memref<!tpu.dma_semaphore, #tpu.memory_space<semaphore_mem>>) src(%dma_wait3A_39 : memref<13x128xi32, #tpu.memory_space<hbm>>) dst(%arg7 : memref<13x128xi32, #tpu.memory_space<vmem>>)
      tpu.yield
    }) : () -> ()
    %dma_start3A = arith.constant 0 : i32
    %dma_start3A_1 = arith.constant 0 : i32
    %dma_start3A_2 = arith.constant 0 : i32
    %dma_start3A_3 = arith.constant 0 : i32
    %dma_start3A_4 = tpu.memref_slice %arg9[%dma_start3A_1, %dma_start3A_2, %dma_start3A_3] : memref<2x128x128xf32, #tpu.memory_space<vmem>> -> memref<1x128x128xf32, #tpu.memory_space<vmem>>
    %dma_start3A_5 = tpu.memref_squeeze %dma_start3A_4 : memref<1x128x128xf32, #tpu.memory_space<vmem>> -> memref<128x128xf32, #tpu.memory_space<vmem>>
    %dma_start3A_6 = arith.constant 0 : i32
    %dma_start3A_7 = tpu.memref_slice %arg7[%dma_start3A, %dma_start3A_6] : memref<13x128xi32, #tpu.memory_space<vmem>> -> memref<1x128xi32, #tpu.memory_space<vmem>>
    %dma_start3A_8 = tpu.memref_squeeze %dma_start3A_7 : memref<1x128xi32, #tpu.memory_space<vmem>> -> memref<128xi32, #tpu.memory_space<vmem>>
    %dma_start3A_9 = arith.constant 0 : i32
    %dma_start3A_10 = arith.constant 0 : i32
    %dma_start3A_11 = tpu.memref_slice %arg2[%dma_start3A_9, %dma_start3A_10] : memref<2560x128xf32, #tpu.memory_space<hbm>> -> memref<2560x128xf32, #tpu.memory_space<hbm>>
    tpu.enqueue_indirect_dma source(%dma_start3A_11 : memref<2560x128xf32, #tpu.memory_space<hbm>>) target(%dma_start3A_5 : memref<128x128xf32, #tpu.memory_space<vmem>>) offsets(%dma_start3A_8 : memref<128xi32, #tpu.memory_space<vmem>>) semaphore(%arg11 : memref<!tpu.dma_semaphore, #tpu.memory_space<semaphore_mem>>)
    "tpu.region"() ({
      %run_scoped3A = tpu.sem_alloc : memref<!tpu.dma_semaphore, #tpu.memory_space<semaphore_mem>>
      %dma_start3A_25 = arith.constant 0 : i32
      %dma_start3A_26 = arith.constant 0 : i32
      %dma_start3A_27 = tpu.memref_slice %arg4[%add3A, %dma_start3A_25, %dma_start3A_26] : memref<32x13x128xi32, #tpu.memory_space<hbm>> -> memref<1x13x128xi32, #tpu.memory_space<hbm>>
      %dma_start3A_28 = tpu.memref_squeeze %dma_start3A_27 : memref<1x13x128xi32, #tpu.memory_space<hbm>> -> memref<13x128xi32, #tpu.memory_space<hbm>>
      %dma_start3A_29 = arith.constant 0 : i32
      %dma_start3A_30 = arith.constant 0 : i32
      %dma_start3A_31 = tpu.memref_slice %arg4[%add3A, %dma_start3A_29, %dma_start3A_30] : memref<32x13x128xi32, #tpu.memory_space<hbm>> -> memref<1x13x128xi32, #tpu.memory_space<hbm>>
      %dma_start3A_32 = tpu.memref_squeeze %dma_start3A_31 : memref<1x13x128xi32, #tpu.memory_space<hbm>> -> memref<13x128xi32, #tpu.memory_space<hbm>>
      tpu.enqueue_dma source(%dma_start3A_32 : memref<13x128xi32, #tpu.memory_space<hbm>>) target(%arg8 : memref<13x128xi32, #tpu.memory_space<vmem>>) target_semaphore(%run_scoped3A : memref<!tpu.dma_semaphore, #tpu.memory_space<semaphore_mem>>)
      %dma_wait3A = arith.constant 0 : i32
      %dma_wait3A_33 = arith.constant 0 : i32
      %dma_wait3A_34 = tpu.memref_slice %arg4[%add3A, %dma_wait3A, %dma_wait3A_33] : memref<32x13x128xi32, #tpu.memory_space<hbm>> -> memref<1x13x128xi32, #tpu.memory_space<hbm>>
      %dma_wait3A_35 = tpu.memref_squeeze %dma_wait3A_34 : memref<1x13x128xi32, #tpu.memory_space<hbm>> -> memref<13x128xi32, #tpu.memory_space<hbm>>
      %dma_wait3A_36 = arith.constant 0 : i32
      %dma_wait3A_37 = arith.constant 0 : i32
      %dma_wait3A_38 = tpu.memref_slice %arg4[%add3A, %dma_wait3A_36, %dma_wait3A_37] : memref<32x13x128xi32, #tpu.memory_space<hbm>> -> memref<1x13x128xi32, #tpu.memory_space<hbm>>
      %dma_wait3A_39 = tpu.memref_squeeze %dma_wait3A_38 : memref<1x13x128xi32, #tpu.memory_space<hbm>> -> memref<13x128xi32, #tpu.memory_space<hbm>>
      tpu.wait_dma2 semaphore(%run_scoped3A : memref<!tpu.dma_semaphore, #tpu.memory_space<semaphore_mem>>) src(%dma_wait3A_39 : memref<13x128xi32, #tpu.memory_space<hbm>>) dst(%arg8 : memref<13x128xi32, #tpu.memory_space<vmem>>)
      tpu.yield
    }) : () -> ()
    %mul3A_12 = arith.constant 312 : i32
    %mul3A_13 = arith.muli %arg1, %mul3A_12 : i32
    "tpu.region"() ({
      %run_scoped3A = tpu.sem_alloc : memref<!tpu.dma_semaphore, #tpu.memory_space<semaphore_mem>>
      %dma_start3A_25 = arith.constant 0 : i32
      %dma_start3A_26 = tpu.memref_slice %arg10[%mul3A_13, %dma_start3A_25] : memref<4992x128xf32, #tpu.memory_space<vmem_shared>> -> memref<312x128xf32, #tpu.memory_space<vmem_shared>>
      %dma_start3A_27 = arith.constant 0 : i32
      %dma_start3A_28 = arith.constant 0 : i32
      %dma_start3A_29 = tpu.memref_slice %arg5[%dma_start3A_27, %dma_start3A_28] : memref<512x128xf32, #tpu.memory_space<hbm>> -> memref<312x128xf32, #tpu.memory_space<hbm>>
      tpu.enqueue_dma source(%dma_start3A_29 : memref<312x128xf32, #tpu.memory_space<hbm>>) target(%dma_start3A_26 : memref<312x128xf32, #tpu.memory_space<vmem_shared>>) target_semaphore(%run_scoped3A : memref<!tpu.dma_semaphore, #tpu.memory_space<semaphore_mem>>)
      %dma_wait3A = arith.constant 0 : i32
      %dma_wait3A_30 = tpu.memref_slice %arg10[%mul3A_13, %dma_wait3A] : memref<4992x128xf32, #tpu.memory_space<vmem_shared>> -> memref<312x128xf32, #tpu.memory_space<vmem_shared>>
      %dma_wait3A_31 = arith.constant 0 : i32
      %dma_wait3A_32 = arith.constant 0 : i32
      %dma_wait3A_33 = tpu.memref_slice %arg5[%dma_wait3A_31, %dma_wait3A_32] : memref<512x128xf32, #tpu.memory_space<hbm>> -> memref<312x128xf32, #tpu.memory_space<hbm>>
      tpu.wait_dma2 semaphore(%run_scoped3A : memref<!tpu.dma_semaphore, #tpu.memory_space<semaphore_mem>>) src(%dma_wait3A_33 : memref<312x128xf32, #tpu.memory_space<hbm>>) dst(%dma_wait3A_30 : memref<312x128xf32, #tpu.memory_space<vmem_shared>>)
      tpu.yield
    }) : () -> ()
    %barrier3A = arith.constant 0 : index
    tpu.barrier barrier_id(%barrier3A)
    %scan3A = arith.constant 0 : i32
    %scan3A_14 = arith.constant 0 : i32
    %scan3A_15 = arith.constant 13 : i32
    %scan3A_16 = arith.addi %scan3A_14, %scan3A_15 : i32
    %scan3A_17 = arith.constant 1 : i32
    %scan3A_18 = scf.for %scan3A_25 = %scan3A_14 to %scan3A_16 step %scan3A_17 iter_args(%scan3A_26 = %scan3A) -> (i32)  : i32 {
      %rem3A = arith.constant 2 : i32
      %rem3A_27 = arith.remsi %scan3A_25, %rem3A : i32
      %dma_wait3A = arith.constant 0 : i32
      %dma_wait3A_28 = arith.constant 0 : i32
      %dma_wait3A_29 = tpu.memref_slice %arg9[%rem3A_27, %dma_wait3A, %dma_wait3A_28] : memref<2x128x128xf32, #tpu.memory_space<vmem>> -> memref<1x128x128xf32, #tpu.memory_space<vmem>>
      %dma_wait3A_30 = tpu.memref_squeeze %dma_wait3A_29 : memref<1x128x128xf32, #tpu.memory_space<vmem>> -> memref<128x128xf32, #tpu.memory_space<vmem>>
      %dma_wait3A_31 = arith.constant 0 : i32
      %dma_wait3A_32 = tpu.memref_slice %arg7[%scan3A_25, %dma_wait3A_31] : memref<13x128xi32, #tpu.memory_space<vmem>> -> memref<1x128xi32, #tpu.memory_space<vmem>>
      %dma_wait3A_33 = tpu.memref_squeeze %dma_wait3A_32 : memref<1x128xi32, #tpu.memory_space<vmem>> -> memref<128xi32, #tpu.memory_space<vmem>>
      %dma_wait3A_34 = arith.constant 0 : i32
      %dma_wait3A_35 = arith.constant 0 : i32
      %dma_wait3A_36 = tpu.memref_slice %arg2[%dma_wait3A_34, %dma_wait3A_35] : memref<2560x128xf32, #tpu.memory_space<hbm>> -> memref<2560x128xf32, #tpu.memory_space<hbm>>
      tpu.wait_indirect_dma semaphore(%arg11 : memref<!tpu.dma_semaphore, #tpu.memory_space<semaphore_mem>>) src(%dma_wait3A_36 : memref<2560x128xf32, #tpu.memory_space<hbm>>) dst(%dma_wait3A_30 : memref<128x128xf32, #tpu.memory_space<vmem>>)
      %add3A_37 = arith.constant 1 : i32
      %add3A_38 = arith.addi %scan3A_25, %add3A_37 : i32
      %lt3A = arith.constant 13 : i32
      %lt3A_39 = arith.cmpi slt, %add3A_38, %lt3A : i32
      %convert_element_type3A = arith.extui %lt3A_39 : i1 to i32
      %cond3A = arith.constant 0 : i32
      %cond3A_40 = arith.cmpi ne, %convert_element_type3A, %cond3A : i32
      scf.if %cond3A_40 {
        %add3A_42 = arith.constant 1 : i32
        %add3A_43 = arith.addi %scan3A_25, %add3A_42 : i32
        %sub3A = arith.constant 1 : i32
        %sub3A_44 = arith.subi %sub3A, %rem3A_27 : i32
        %dma_start3A_45 = arith.constant 0 : i32
        %dma_start3A_46 = arith.constant 0 : i32
        %dma_start3A_47 = tpu.memref_slice %arg9[%sub3A_44, %dma_start3A_45, %dma_start3A_46] : memref<2x128x128xf32, #tpu.memory_space<vmem>> -> memref<1x128x128xf32, #tpu.memory_space<vmem>>
        %dma_start3A_48 = tpu.memref_squeeze %dma_start3A_47 : memref<1x128x128xf32, #tpu.memory_space<vmem>> -> memref<128x128xf32, #tpu.memory_space<vmem>>
        %dma_start3A_49 = arith.constant 0 : i32
        %dma_start3A_50 = tpu.memref_slice %arg7[%add3A_43, %dma_start3A_49] : memref<13x128xi32, #tpu.memory_space<vmem>> -> memref<1x128xi32, #tpu.memory_space<vmem>>
        %dma_start3A_51 = tpu.memref_squeeze %dma_start3A_50 : memref<1x128xi32, #tpu.memory_space<vmem>> -> memref<128xi32, #tpu.memory_space<vmem>>
        %dma_start3A_52 = arith.constant 0 : i32
        %dma_start3A_53 = arith.constant 0 : i32
        %dma_start3A_54 = tpu.memref_slice %arg2[%dma_start3A_52, %dma_start3A_53] : memref<2560x128xf32, #tpu.memory_space<hbm>> -> memref<2560x128xf32, #tpu.memory_space<hbm>>
        tpu.enqueue_indirect_dma source(%dma_start3A_54 : memref<2560x128xf32, #tpu.memory_space<hbm>>) target(%dma_start3A_48 : memref<128x128xf32, #tpu.memory_space<vmem>>) offsets(%dma_start3A_51 : memref<128xi32, #tpu.memory_space<vmem>>) semaphore(%arg11 : memref<!tpu.dma_semaphore, #tpu.memory_space<semaphore_mem>>)
      } else {
      }
      "tpu.region"() ({
        %run_scoped3A = tpu.sem_alloc : memref<!tpu.dma_semaphore, #tpu.memory_space<semaphore_mem>>
        %dma_start3A_42 = arith.constant 0 : i32
        %dma_start3A_43 = arith.constant 0 : i32
        %dma_start3A_44 = tpu.memref_slice %arg9[%rem3A_27, %dma_start3A_42, %dma_start3A_43] : memref<2x128x128xf32, #tpu.memory_space<vmem>> -> memref<1x128x128xf32, #tpu.memory_space<vmem>>
        %dma_start3A_45 = tpu.memref_squeeze %dma_start3A_44 : memref<1x128x128xf32, #tpu.memory_space<vmem>> -> memref<128x128xf32, #tpu.memory_space<vmem>>
        %dma_start3A_46 = arith.constant 0 : i32
        %dma_start3A_47 = tpu.memref_slice %arg8[%scan3A_25, %dma_start3A_46] : memref<13x128xi32, #tpu.memory_space<vmem>> -> memref<1x128xi32, #tpu.memory_space<vmem>>
        %dma_start3A_48 = tpu.memref_squeeze %dma_start3A_47 : memref<1x128xi32, #tpu.memory_space<vmem>> -> memref<128xi32, #tpu.memory_space<vmem>>
        %dma_start3A_49 = arith.constant 0 : i32
        %dma_start3A_50 = arith.constant 0 : i32
        %dma_start3A_51 = tpu.memref_slice %arg10[%dma_start3A_49, %dma_start3A_50] : memref<4992x128xf32, #tpu.memory_space<vmem_shared>> -> memref<4992x128xf32, #tpu.memory_space<vmem_shared>>
        tpu.enqueue_indirect_dma source(%dma_start3A_45 : memref<128x128xf32, #tpu.memory_space<vmem>>) target(%dma_start3A_51 : memref<4992x128xf32, #tpu.memory_space<vmem_shared>>) offsets(%dma_start3A_48 : memref<128xi32, #tpu.memory_space<vmem>>) semaphore(%run_scoped3A : memref<!tpu.dma_semaphore, #tpu.memory_space<semaphore_mem>>) {add = true}
        %dma_wait3A_52 = arith.constant 0 : i32
        %dma_wait3A_53 = arith.constant 0 : i32
        %dma_wait3A_54 = tpu.memref_slice %arg9[%rem3A_27, %dma_wait3A_52, %dma_wait3A_53] : memref<2x128x128xf32, #tpu.memory_space<vmem>> -> memref<1x128x128xf32, #tpu.memory_space<vmem>>
        %dma_wait3A_55 = tpu.memref_squeeze %dma_wait3A_54 : memref<1x128x128xf32, #tpu.memory_space<vmem>> -> memref<128x128xf32, #tpu.memory_space<vmem>>
        %dma_wait3A_56 = arith.constant 0 : i32
        %dma_wait3A_57 = tpu.memref_slice %arg8[%scan3A_25, %dma_wait3A_56] : memref<13x128xi32, #tpu.memory_space<vmem>> -> memref<1x128xi32, #tpu.memory_space<vmem>>
        %dma_wait3A_58 = tpu.memref_squeeze %dma_wait3A_57 : memref<1x128xi32, #tpu.memory_space<vmem>> -> memref<128xi32, #tpu.memory_space<vmem>>
        %dma_wait3A_59 = arith.constant 0 : i32
        %dma_wait3A_60 = arith.constant 0 : i32
        %dma_wait3A_61 = tpu.memref_slice %arg10[%dma_wait3A_59, %dma_wait3A_60] : memref<4992x128xf32, #tpu.memory_space<vmem_shared>> -> memref<4992x128xf32, #tpu.memory_space<vmem_shared>>
        tpu.wait_indirect_dma semaphore(%run_scoped3A : memref<!tpu.dma_semaphore, #tpu.memory_space<semaphore_mem>>) src(%dma_wait3A_55 : memref<128x128xf32, #tpu.memory_space<vmem>>) dst(%dma_wait3A_61 : memref<4992x128xf32, #tpu.memory_space<vmem_shared>>)
        tpu.yield
      }) : () -> ()
      %scan3A_41 = arith.constant 0 : i32
      scf.yield %scan3A_41 : i32
    }
    %scan3A_19 = arith.constant 13 : i32
    %barrier3A_20 = arith.constant 0 : index
    tpu.barrier barrier_id(%barrier3A_20)
    %mul3A_21 = arith.constant 312 : i32
    %mul3A_22 = arith.muli %arg1, %mul3A_21 : i32
    %mul3A_23 = arith.constant 312 : i32
    %mul3A_24 = arith.muli %arg1, %mul3A_23 : i32
    "tpu.region"() ({
      %run_scoped3A = tpu.sem_alloc : memref<!tpu.dma_semaphore, #tpu.memory_space<semaphore_mem>>
      %dma_start3A_25 = arith.constant 0 : i32
      %dma_start3A_26 = tpu.memref_slice %arg6[%arg0, %mul3A_24, %dma_start3A_25] : memref<2x4992x128xf32, #tpu.memory_space<hbm>> -> memref<1x312x128xf32, #tpu.memory_space<hbm>>
      %dma_start3A_27 = tpu.memref_squeeze %dma_start3A_26 : memref<1x312x128xf32, #tpu.memory_space<hbm>> -> memref<312x128xf32, #tpu.memory_space<hbm>>
      %dma_start3A_28 = arith.constant 0 : i32
      %dma_start3A_29 = tpu.memref_slice %arg10[%mul3A_22, %dma_start3A_28] : memref<4992x128xf32, #tpu.memory_space<vmem_shared>> -> memref<312x128xf32, #tpu.memory_space<vmem_shared>>
      tpu.enqueue_dma source(%dma_start3A_29 : memref<312x128xf32, #tpu.memory_space<vmem_shared>>) target(%dma_start3A_27 : memref<312x128xf32, #tpu.memory_space<hbm>>) target_semaphore(%run_scoped3A : memref<!tpu.dma_semaphore, #tpu.memory_space<semaphore_mem>>)
      %dma_wait3A = arith.constant 0 : i32
      %dma_wait3A_30 = tpu.memref_slice %arg6[%arg0, %mul3A_24, %dma_wait3A] : memref<2x4992x128xf32, #tpu.memory_space<hbm>> -> memref<1x312x128xf32, #tpu.memory_space<hbm>>
      %dma_wait3A_31 = tpu.memref_squeeze %dma_wait3A_30 : memref<1x312x128xf32, #tpu.memory_space<hbm>> -> memref<312x128xf32, #tpu.memory_space<hbm>>
      %dma_wait3A_32 = arith.constant 0 : i32
      %dma_wait3A_33 = tpu.memref_slice %arg10[%mul3A_22, %dma_wait3A_32] : memref<4992x128xf32, #tpu.memory_space<vmem_shared>> -> memref<312x128xf32, #tpu.memory_space<vmem_shared>>
      tpu.wait_dma2 semaphore(%run_scoped3A : memref<!tpu.dma_semaphore, #tpu.memory_space<semaphore_mem>>) src(%dma_wait3A_33 : memref<312x128xf32, #tpu.memory_space<vmem_shared>>) dst(%dma_wait3A_31 : memref<312x128xf32, #tpu.memory_space<hbm>>)
      tpu.yield
    }) : () -> ()
    return
  }
}

module attributes {stable_mosaic.version = 14 : i64} {
  func.func @_pre_body(%arg0: memref<2560x128xf32, #tpu.memory_space<vmem>>, %arg1: memref<128x128xf32, #tpu.memory_space<vmem>>, %arg2: memref<2560x128xf32, #tpu.memory_space<vmem>>) attributes {dimension_semantics = [], scalar_prefetch = 0 : i64, scratch_operands = 0 : i64, tpu.core_type = #tpu.core_type<tc>} {
    %get3A = arith.constant 0 : index
    %get3A_0 = arith.constant 0 : index
    %get3A_1 = vector.load %arg0[%get3A, %get3A_0] : memref<2560x128xf32, #tpu.memory_space<vmem>>, vector<2560x128xf32>
    %mul3A = arith.mulf %get3A_1, %get3A_1 : vector<2560x128xf32>
    %reduce_sum3A = arith.constant dense<0.000000e+00> : vector<2560xf32>
    %reduce_sum3A_2 = vector.multi_reduction <add>, %mul3A, %reduce_sum3A [1] : vector<2560x128xf32> to vector<2560xf32>
    %broadcast_in_dim3A = vector.shape_cast %reduce_sum3A_2 : vector<2560xf32> to vector<2560x1xf32>
    %sqrt3A = math.sqrt %broadcast_in_dim3A : vector<2560x1xf32>
    %max3A = arith.constant 1.000000e-07 : f32
    %max3A_3 = vector.broadcast %max3A : f32 to vector<2560x1xf32>
    %max3A_4 = arith.maximumf %sqrt3A, %max3A_3 : vector<2560x1xf32>
    %div3A = arith.constant 1.000000e+00 : f32
    %div3A_5 = vector.broadcast %div3A : f32 to vector<2560x1xf32>
    %div3A_6 = arith.divf %div3A_5, %max3A_4 : vector<2560x1xf32>
    %min3A = arith.constant 1.000000e+00 : f32
    %min3A_7 = vector.broadcast %min3A : f32 to vector<2560x1xf32>
    %min3A_8 = arith.minimumf %min3A_7, %div3A_6 : vector<2560x1xf32>
    %mul3A_9 = vector.broadcast %min3A_8 : vector<2560x1xf32> to vector<2560x128xf32>
    %mul3A_10 = arith.mulf %get3A_1, %mul3A_9 : vector<2560x128xf32>
    %get3A_11 = arith.constant 0 : index
    %get3A_12 = arith.constant 0 : index
    %get3A_13 = vector.load %arg1[%get3A_11, %get3A_12] : memref<128x128xf32, #tpu.memory_space<vmem>>, vector<128x128xf32>
    %dot_general3A = arith.constant dense<0.000000e+00> : vector<2560x128xf32>
    %dot_general3A_14 = tpu.matmul %mul3A_10, %get3A_13, %dot_general3A {dimension_numbers = #tpu.dot_dimension_numbers<[1], [0], [0], [1], [0, 0, 1, 1], [], []>, transpose_lhs_hint = false} : vector<2560x128xf32>, vector<128x128xf32>, vector<2560x128xf32> -> vector<2560x128xf32>
    %swap3A = arith.constant 0 : index
    %swap3A_15 = arith.constant 0 : index
    %swap3A_16 = vector.load %arg2[%swap3A, %swap3A_15] : memref<2560x128xf32, #tpu.memory_space<vmem>>, vector<2560x128xf32>
    tpu.vector_store %arg2[%swap3A, %swap3A_15], %dot_general3A_14 {strides = array<i32>} : memref<2560x128xf32, #tpu.memory_space<vmem>>, vector<2560x128xf32>,
    return
  }
}

module attributes {stable_mosaic.version = 14 : i64} {
  func.func @_comb_body(%arg0: memref<2x4992x128xf32, #tpu.memory_space<vmem>>, %arg1: memref<32x4992xf32, #tpu.memory_space<vmem>>, %arg2: memref<4992x128xf32, #tpu.memory_space<vmem>>) attributes {dimension_semantics = [], scalar_prefetch = 0 : i64, scratch_operands = 0 : i64, tpu.core_type = #tpu.core_type<tc>} {
    %get3A = arith.constant 0 : index
    %get3A_0 = arith.constant 0 : index
    %get3A_1 = vector.load %arg1[%get3A, %get3A_0] : memref<32x4992xf32, #tpu.memory_space<vmem>>, vector<32x4992xf32>
    %reduce_sum3A = arith.constant dense<0.000000e+00> : vector<4992xf32>
    %reduce_sum3A_2 = vector.multi_reduction <add>, %get3A_1, %reduce_sum3A [0] : vector<32x4992xf32> to vector<4992xf32>
    %jit3A = arith.constant 1.000000e+00 : f32
    %max3A = vector.broadcast %jit3A : f32 to vector<4992xf32>
    %max3A_3 = arith.maximumf %max3A, %reduce_sum3A_2 : vector<4992xf32>
    %div3A = arith.constant 1.000000e+00 : f32
    %div3A_4 = vector.broadcast %div3A : f32 to vector<4992xf32>
    %div3A_5 = arith.divf %div3A_4, %max3A_3 : vector<4992xf32>
    %get3A_6 = arith.constant 0 : index
    %get3A_7 = arith.constant 0 : index
    %get3A_8 = arith.constant 0 : index
    %get3A_9 = vector.load %arg0[%get3A_6, %get3A_7, %get3A_8] : memref<2x4992x128xf32, #tpu.memory_space<vmem>>, vector<1x4992x128xf32>
    %get3A_10 = vector.shape_cast %get3A_9 : vector<1x4992x128xf32> to vector<4992x128xf32>
    %get3A_11 = arith.constant 1 : index
    %get3A_12 = arith.constant 0 : index
    %get3A_13 = arith.constant 0 : index
    %get3A_14 = vector.load %arg0[%get3A_11, %get3A_12, %get3A_13] : memref<2x4992x128xf32, #tpu.memory_space<vmem>>, vector<1x4992x128xf32>
    %get3A_15 = vector.shape_cast %get3A_14 : vector<1x4992x128xf32> to vector<4992x128xf32>
    %add3A = arith.addf %get3A_10, %get3A_15 : vector<4992x128xf32>
    %broadcast_in_dim3A = vector.shape_cast %div3A_5 : vector<4992xf32> to vector<4992x1xf32>
    %mul3A = vector.broadcast %broadcast_in_dim3A : vector<4992x1xf32> to vector<4992x128xf32>
    %mul3A_16 = arith.mulf %add3A, %mul3A : vector<4992x128xf32>
    %swap3A = arith.constant 0 : index
    %swap3A_17 = arith.constant 0 : index
    %swap3A_18 = vector.load %arg2[%swap3A, %swap3A_17] : memref<4992x128xf32, #tpu.memory_space<vmem>>, vector<4992x128xf32>
    tpu.vector_store %arg2[%swap3A, %swap3A_17], %mul3A_16 {strides = array<i32>} : memref<4992x128xf32, #tpu.memory_space<vmem>>, vector<4992x128xf32>,
    return
  }
}

module attributes {stable_mosaic.version = 14 : i64} {
  func.func @_l0_body(%arg0: memref<2x2560x128xf32, #tpu.memory_space<vmem>>, %arg1: memref<32x2560xf32, #tpu.memory_space<vmem>>, %arg2: memref<128xf32, #tpu.memory_space<vmem>>, %arg3: memref<128x128xf32, #tpu.memory_space<vmem>>, %arg4: memref<2560x128xf32, #tpu.memory_space<vmem>>, %arg5: memref<2560x128xf32, #tpu.memory_space<vmem>>) attributes {dimension_semantics = [], scalar_prefetch = 0 : i64, scratch_operands = 0 : i64, tpu.core_type = #tpu.core_type<tc>} {
    %get3A = arith.constant 0 : index
    %get3A_0 = arith.constant 0 : index
    %get3A_1 = vector.load %arg1[%get3A, %get3A_0] : memref<32x2560xf32, #tpu.memory_space<vmem>>, vector<32x2560xf32>
    %reduce_sum3A = arith.constant dense<0.000000e+00> : vector<2560xf32>
    %reduce_sum3A_2 = vector.multi_reduction <add>, %get3A_1, %reduce_sum3A [0] : vector<32x2560xf32> to vector<2560xf32>
    %jit3A = arith.constant 1.000000e+00 : f32
    %max3A = vector.broadcast %jit3A : f32 to vector<2560xf32>
    %max3A_3 = arith.maximumf %max3A, %reduce_sum3A_2 : vector<2560xf32>
    %div3A = arith.constant 1.000000e+00 : f32
    %div3A_4 = vector.broadcast %div3A : f32 to vector<2560xf32>
    %div3A_5 = arith.divf %div3A_4, %max3A_3 : vector<2560xf32>
    %get3A_6 = arith.constant 0 : index
    %get3A_7 = arith.constant 0 : index
    %get3A_8 = arith.constant 0 : index
    %get3A_9 = vector.load %arg0[%get3A_6, %get3A_7, %get3A_8] : memref<2x2560x128xf32, #tpu.memory_space<vmem>>, vector<1x2560x128xf32>
    %get3A_10 = vector.shape_cast %get3A_9 : vector<1x2560x128xf32> to vector<2560x128xf32>
    %get3A_11 = arith.constant 1 : index
    %get3A_12 = arith.constant 0 : index
    %get3A_13 = arith.constant 0 : index
    %get3A_14 = vector.load %arg0[%get3A_11, %get3A_12, %get3A_13] : memref<2x2560x128xf32, #tpu.memory_space<vmem>>, vector<1x2560x128xf32>
    %get3A_15 = vector.shape_cast %get3A_14 : vector<1x2560x128xf32> to vector<2560x128xf32>
    %add3A = arith.addf %get3A_10, %get3A_15 : vector<2560x128xf32>
    %broadcast_in_dim3A = vector.shape_cast %div3A_5 : vector<2560xf32> to vector<2560x1xf32>
    %mul3A = vector.broadcast %broadcast_in_dim3A : vector<2560x1xf32> to vector<2560x128xf32>
    %mul3A_16 = arith.mulf %add3A, %mul3A : vector<2560x128xf32>
    %get3A_17 = arith.constant 0 : index
    %get3A_18 = vector.load %arg2[%get3A_17] : memref<128xf32, #tpu.memory_space<vmem>>, vector<128xf32>
    %broadcast_in_dim3A_19 = vector.shape_cast %get3A_18 : vector<128xf32> to vector<1x128xf32>
    %add3A_20 = vector.broadcast %broadcast_in_dim3A_19 : vector<1x128xf32> to vector<2560x128xf32>
    %add3A_21 = arith.addf %mul3A_16, %add3A_20 : vector<2560x128xf32>
    %tanh3A = math.tanh %add3A_21 : vector<2560x128xf32>
    %swap3A = arith.constant 0 : index
    %swap3A_22 = arith.constant 0 : index
    %swap3A_23 = vector.load %arg4[%swap3A, %swap3A_22] : memref<2560x128xf32, #tpu.memory_space<vmem>>, vector<2560x128xf32>
    tpu.vector_store %arg4[%swap3A, %swap3A_22], %tanh3A {strides = array<i32>} : memref<2560x128xf32, #tpu.memory_space<vmem>>, vector<2560x128xf32>,
    %get3A_24 = arith.constant 0 : index
    %get3A_25 = arith.constant 0 : index
    %get3A_26 = vector.load %arg3[%get3A_24, %get3A_25] : memref<128x128xf32, #tpu.memory_space<vmem>>, vector<128x128xf32>
    %dot_general3A = arith.constant dense<0.000000e+00> : vector<2560x128xf32>
    %dot_general3A_27 = tpu.matmul %tanh3A, %get3A_26, %dot_general3A {dimension_numbers = #tpu.dot_dimension_numbers<[1], [0], [0], [1], [0, 0, 1, 1], [], []>, transpose_lhs_hint = false} : vector<2560x128xf32>, vector<128x128xf32>, vector<2560x128xf32> -> vector<2560x128xf32>
    %swap3A_28 = arith.constant 0 : index
    %swap3A_29 = arith.constant 0 : index
    %swap3A_30 = vector.load %arg5[%swap3A_28, %swap3A_29] : memref<2560x128xf32, #tpu.memory_space<vmem>>, vector<2560x128xf32>
    tpu.vector_store %arg5[%swap3A_28, %swap3A_29], %dot_general3A_27 {strides = array<i32>} : memref<2560x128xf32, #tpu.memory_space<vmem>>, vector<2560x128xf32>,
    return
  }
}

module attributes {stable_mosaic.version = 14 : i64} {
  func.func @_l1_body(%arg0: memref<2x2560x128xf32, #tpu.memory_space<vmem>>, %arg1: memref<32x2560xf32, #tpu.memory_space<vmem>>, %arg2: memref<128xf32, #tpu.memory_space<vmem>>, %arg3: memref<2560x128xf32, #tpu.memory_space<vmem>>, %arg4: memref<128xf32, #tpu.memory_space<vmem>>, %arg5: memref<128xf32, #tpu.memory_space<vmem>>, %arg6: memref<2560x128xf32, #tpu.memory_space<vmem>>) attributes {dimension_semantics = [], scalar_prefetch = 0 : i64, scratch_operands = 0 : i64, tpu.core_type = #tpu.core_type<tc>} {
    %get3A = arith.constant 0 : index
    %get3A_0 = arith.constant 0 : index
    %get3A_1 = vector.load %arg1[%get3A, %get3A_0] : memref<32x2560xf32, #tpu.memory_space<vmem>>, vector<32x2560xf32>
    %reduce_sum3A = arith.constant dense<0.000000e+00> : vector<2560xf32>
    %reduce_sum3A_2 = vector.multi_reduction <add>, %get3A_1, %reduce_sum3A [0] : vector<32x2560xf32> to vector<2560xf32>
    %jit3A = arith.constant 1.000000e+00 : f32
    %max3A = vector.broadcast %jit3A : f32 to vector<2560xf32>
    %max3A_3 = arith.maximumf %max3A, %reduce_sum3A_2 : vector<2560xf32>
    %div3A = arith.constant 1.000000e+00 : f32
    %div3A_4 = vector.broadcast %div3A : f32 to vector<2560xf32>
    %div3A_5 = arith.divf %div3A_4, %max3A_3 : vector<2560xf32>
    %get3A_6 = arith.constant 0 : index
    %get3A_7 = arith.constant 0 : index
    %get3A_8 = arith.constant 0 : index
    %get3A_9 = vector.load %arg0[%get3A_6, %get3A_7, %get3A_8] : memref<2x2560x128xf32, #tpu.memory_space<vmem>>, vector<1x2560x128xf32>
    %get3A_10 = vector.shape_cast %get3A_9 : vector<1x2560x128xf32> to vector<2560x128xf32>
    %get3A_11 = arith.constant 1 : index
    %get3A_12 = arith.constant 0 : index
    %get3A_13 = arith.constant 0 : index
    %get3A_14 = vector.load %arg0[%get3A_11, %get3A_12, %get3A_13] : memref<2x2560x128xf32, #tpu.memory_space<vmem>>, vector<1x2560x128xf32>
    %get3A_15 = vector.shape_cast %get3A_14 : vector<1x2560x128xf32> to vector<2560x128xf32>
    %add3A = arith.addf %get3A_10, %get3A_15 : vector<2560x128xf32>
    %broadcast_in_dim3A = vector.shape_cast %div3A_5 : vector<2560xf32> to vector<2560x1xf32>
    %mul3A = vector.broadcast %broadcast_in_dim3A : vector<2560x1xf32> to vector<2560x128xf32>
    %mul3A_16 = arith.mulf %add3A, %mul3A : vector<2560x128xf32>
    %get3A_17 = arith.constant 0 : index
    %get3A_18 = vector.load %arg2[%get3A_17] : memref<128xf32, #tpu.memory_space<vmem>>, vector<128xf32>
    %broadcast_in_dim3A_19 = vector.shape_cast %get3A_18 : vector<128xf32> to vector<1x128xf32>
    %add3A_20 = vector.broadcast %broadcast_in_dim3A_19 : vector<1x128xf32> to vector<2560x128xf32>
    %add3A_21 = arith.addf %mul3A_16, %add3A_20 : vector<2560x128xf32>
    %tanh3A = math.tanh %add3A_21 : vector<2560x128xf32>
    %get3A_22 = arith.constant 0 : index
    %get3A_23 = arith.constant 0 : index
    %get3A_24 = vector.load %arg3[%get3A_22, %get3A_23] : memref<2560x128xf32, #tpu.memory_space<vmem>>, vector<2560x128xf32>
    %add3A_25 = arith.addf %tanh3A, %get3A_24 : vector<2560x128xf32>
    %reduce_sum3A_26 = arith.constant dense<0.000000e+00> : vector<2560xf32>
    %reduce_sum3A_27 = vector.multi_reduction <add>, %add3A_25, %reduce_sum3A_26 [1] : vector<2560x128xf32> to vector<2560xf32>
    %broadcast_in_dim3A_28 = vector.shape_cast %reduce_sum3A_27 : vector<2560xf32> to vector<2560x1xf32>
    %div3A_29 = arith.constant 1.280000e+02 : f32
    %div3A_30 = vector.broadcast %div3A_29 : f32 to vector<2560x1xf32>
    %div3A_31 = arith.divf %broadcast_in_dim3A_28, %div3A_30 : vector<2560x1xf32>
    %sub3A = vector.broadcast %div3A_31 : vector<2560x1xf32> to vector<2560x128xf32>
    %sub3A_32 = arith.subf %add3A_25, %sub3A : vector<2560x128xf32>
    %sub3A_33 = vector.broadcast %div3A_31 : vector<2560x1xf32> to vector<2560x128xf32>
    %sub3A_34 = arith.subf %add3A_25, %sub3A_33 : vector<2560x128xf32>
    %mul3A_35 = arith.mulf %sub3A_32, %sub3A_34 : vector<2560x128xf32>
    %reduce_sum3A_36 = arith.constant dense<0.000000e+00> : vector<2560xf32>
    %reduce_sum3A_37 = vector.multi_reduction <add>, %mul3A_35, %reduce_sum3A_36 [1] : vector<2560x128xf32> to vector<2560xf32>
    %broadcast_in_dim3A_38 = vector.shape_cast %reduce_sum3A_37 : vector<2560xf32> to vector<2560x1xf32>
    %div3A_39 = arith.constant 1.280000e+02 : f32
    %div3A_40 = vector.broadcast %div3A_39 : f32 to vector<2560x1xf32>
    %div3A_41 = arith.divf %broadcast_in_dim3A_38, %div3A_40 : vector<2560x1xf32>
    %sub3A_42 = vector.broadcast %div3A_31 : vector<2560x1xf32> to vector<2560x128xf32>
    %sub3A_43 = arith.subf %add3A_25, %sub3A_42 : vector<2560x128xf32>
    %add3A_44 = arith.constant 9.99999974E-6 : f32
    %add3A_45 = vector.broadcast %add3A_44 : f32 to vector<2560x1xf32>
    %add3A_46 = arith.addf %div3A_41, %add3A_45 : vector<2560x1xf32>
    %sqrt3A = math.sqrt %add3A_46 : vector<2560x1xf32>
    %div3A_47 = vector.broadcast %sqrt3A : vector<2560x1xf32> to vector<2560x128xf32>
    %div3A_48 = arith.divf %sub3A_43, %div3A_47 : vector<2560x128xf32>
    %get3A_49 = arith.constant 0 : index
    %get3A_50 = vector.load %arg4[%get3A_49] : memref<128xf32, #tpu.memory_space<vmem>>, vector<128xf32>
    %broadcast_in_dim3A_51 = vector.shape_cast %get3A_50 : vector<128xf32> to vector<1x128xf32>
    %mul3A_52 = vector.broadcast %broadcast_in_dim3A_51 : vector<1x128xf32> to vector<2560x128xf32>
    %mul3A_53 = arith.mulf %div3A_48, %mul3A_52 : vector<2560x128xf32>
    %get3A_54 = arith.constant 0 : index
    %get3A_55 = vector.load %arg5[%get3A_54] : memref<128xf32, #tpu.memory_space<vmem>>, vector<128xf32>
    %broadcast_in_dim3A_56 = vector.shape_cast %get3A_55 : vector<128xf32> to vector<1x128xf32>
    %add3A_57 = vector.broadcast %broadcast_in_dim3A_56 : vector<1x128xf32> to vector<2560x128xf32>
    %add3A_58 = arith.addf %mul3A_53, %add3A_57 : vector<2560x128xf32>
    %swap3A = arith.constant 0 : index
    %swap3A_59 = arith.constant 0 : index
    %swap3A_60 = vector.load %arg6[%swap3A, %swap3A_59] : memref<2560x128xf32, #tpu.memory_space<vmem>>, vector<2560x128xf32>
    tpu.vector_store %arg6[%swap3A, %swap3A_59], %add3A_58 {strides = array<i32>} : memref<2560x128xf32, #tpu.memory_space<vmem>>, vector<2560x128xf32>,
    return
  }
}

module attributes {stable_mosaic.version = 14 : i64} {
  func.func @_comb_body(%arg0: memref<2x6656x128xf32, #tpu.memory_space<vmem>>, %arg1: memref<32x6656xf32, #tpu.memory_space<vmem>>, %arg2: memref<6656x128xf32, #tpu.memory_space<vmem>>) attributes {dimension_semantics = [], scalar_prefetch = 0 : i64, scratch_operands = 0 : i64, tpu.core_type = #tpu.core_type<tc>} {
    %get3A = arith.constant 0 : index
    %get3A_0 = arith.constant 0 : index
    %get3A_1 = vector.load %arg1[%get3A, %get3A_0] : memref<32x6656xf32, #tpu.memory_space<vmem>>, vector<32x6656xf32>
    %reduce_sum3A = arith.constant dense<0.000000e+00> : vector<6656xf32>
    %reduce_sum3A_2 = vector.multi_reduction <add>, %get3A_1, %reduce_sum3A [0] : vector<32x6656xf32> to vector<6656xf32>
    %jit3A = arith.constant 1.000000e+00 : f32
    %max3A = vector.broadcast %jit3A : f32 to vector<6656xf32>
    %max3A_3 = arith.maximumf %max3A, %reduce_sum3A_2 : vector<6656xf32>
    %div3A = arith.constant 1.000000e+00 : f32
    %div3A_4 = vector.broadcast %div3A : f32 to vector<6656xf32>
    %div3A_5 = arith.divf %div3A_4, %max3A_3 : vector<6656xf32>
    %get3A_6 = arith.constant 0 : index
    %get3A_7 = arith.constant 0 : index
    %get3A_8 = arith.constant 0 : index
    %get3A_9 = vector.load %arg0[%get3A_6, %get3A_7, %get3A_8] : memref<2x6656x128xf32, #tpu.memory_space<vmem>>, vector<1x6656x128xf32>
    %get3A_10 = vector.shape_cast %get3A_9 : vector<1x6656x128xf32> to vector<6656x128xf32>
    %get3A_11 = arith.constant 1 : index
    %get3A_12 = arith.constant 0 : index
    %get3A_13 = arith.constant 0 : index
    %get3A_14 = vector.load %arg0[%get3A_11, %get3A_12, %get3A_13] : memref<2x6656x128xf32, #tpu.memory_space<vmem>>, vector<1x6656x128xf32>
    %get3A_15 = vector.shape_cast %get3A_14 : vector<1x6656x128xf32> to vector<6656x128xf32>
    %add3A = arith.addf %get3A_10, %get3A_15 : vector<6656x128xf32>
    %broadcast_in_dim3A = vector.shape_cast %div3A_5 : vector<6656xf32> to vector<6656x1xf32>
    %mul3A = vector.broadcast %broadcast_in_dim3A : vector<6656x1xf32> to vector<6656x128xf32>
    %mul3A_16 = arith.mulf %add3A, %mul3A : vector<6656x128xf32>
    %swap3A = arith.constant 0 : index
    %swap3A_17 = arith.constant 0 : index
    %swap3A_18 = vector.load %arg2[%swap3A, %swap3A_17] : memref<6656x128xf32, #tpu.memory_space<vmem>>, vector<6656x128xf32>
    tpu.vector_store %arg2[%swap3A, %swap3A_17], %mul3A_16 {strides = array<i32>} : memref<6656x128xf32, #tpu.memory_space<vmem>>, vector<6656x128xf32>,
    return
  }
}

</mosaic_0001>

<sc_bundles>
// kernel: kernel.16.cloned.1.call-start
scs
__scs_entry_jumppad:
0x0: {  	(pc) =	sbr.rel $0x88, $3  }
0x1: {  	(tag) =	ssettag $0x0;
	lr =	simm.s32 $0x1  }
0x2: {  	[smem:$0x3F96] =	sst lr;
	_ =	strace $0xD0000000  }
0x3: {  	_ = 	snop  }
0x4: {  	_ = 	snop  }
0x5: {  	_ = 	snop  }
0x6: {  	_ = 	snop  }
0x7: {  	_ = 	snop  }
__scs_overlays_trampoline_lowered:
0x8: {  	[smem:$0x3FA5] =	sst s0  }
0x9: {  	[smem:$0x3FA6] =	sst s1  }
0xa: {  	[smem:$0x3FA7] =	sst s2  }
0xb: {  	[smem:$0x3FA8] =	sst s3  }
0xc: {  	[smem:$0x3FA9] =	sst s4  }
0xd: {  	[smem:$0x3FAA] =	sst s5  }
0xe: {  	[smem:$0x3FAB] =	sst s6  }
0xf: {  	[smem:$0x3FAC] =	sst s7  }
0x10: {  	[smem:$0x3FAD] =	sst s8  }
0x11: {  	[smem:$0x3FAE] =	sst s9;
	s0 =	simm.s32 @!p0 $0x0  }
0x12: {  	s1 =	sld [smem:$0x3F94];
	s0 =	simm.s32 @p0 $0x1  }
0x13: {  	[smem:$0x3FAF] =	sst s0;
	s0 =	simm.s32 @!p1 $0x0  }
0x14: {  	s2 =	sld [smem:$0x3F93];
	s0 =	simm.s32 @p1 $0x1  }
0x15: {  	[smem:$0x3FB0] =	sst s0;
	s0 =	simm.s32 @!p2 $0x0  }
0x16: {  	s3 =	sld [smem:$0x3FDB];
	s0 =	simm.s32 @p2 $0x1  }
0x17: {  	s4 =	simm.s32 $0x1BF5;
	[smem:$0x3FB2] =	sst s0  }
0x18: {  	s0 =	sld [smem:$0x3F95];
	_ =	swait.ge [sflag:s4], $0x0  }
0x19: {  	s7 =	sld [smem:$0x3F96]  }
0x1a: {  	s8 =	sadd.s32 $0xFFFFE003, lr  }
0x1b: {  	s9 =	sadd.s32 $0xFFFFFEF7, lr;
	s5 =	simm.s32 $0xFFFFFFFF;
	p2 =	slt.u32 s8, $0xFFFFF086  }
0x1c: {  	p1 =	slt.u32 s9, $0xF7A;
	s5 =	simm.s32 @!p2 $0x0  }
0x1d: {  	s5 =	simm.s32 @p1 $0x1;
	p0 =	seq.s32 s7, s2  }
0x1e: {  	s7 =	smul.u32 @!p0 $0xF7A, s2;
	p2 =	seq.s32 @!p0 s5, $0x0  }
0x1f: {  	s9 =	smul.u32 $0xF7A, s1;
	s8 =	simm.s32 @!p0 $0x1BF5;
	p2 =	por !p2, p0  }
0x20: {  	[sflag:s8] =	ssyncset.s32 @!p0 $0xFFFFF086;
	s6 =	sadd.s32 @!p0 s3, s7;
	s7 =	simm.s32 @!p0 $0x108  }
0x21: {  	s3 =	sadd.s32 s3, s9;
	s6 =	sadd.s32 @!p0 $0x88, s6;
	s7 =	simm.s32 @p2 $0x1082  }
0x22: {  	[simem:s7], [sflag:s8] =	dma.local @!p0 [hbm:s6], $0xF7A  }
0x23: {  	s9 =	sor.u32 $0xD0000000, s2;
	s6 =	simm.s32 $0x108;
	_ =	swait.ge @!p0 [sflag:s8], $0x0  }
0x24: {  	s3 =	sadd.s32 $0x88, s3;
	s6 =	simm.s32 @!p1 $0x1082;
	[sflag:s4] =	ssyncset.s32 $0xFFFFF086  }
0x25: {  	[simem:s6], [sflag:s4] =	dma.local [hbm:s3], $0xF7A  }
0x26: {  	[smem:$0x3F96] =	sst s1;
	(tag) =	ssettag s2;
	_ =	strace s9  }
0x27: {  	s1 =	sld [smem:$0x3FA6]  }
0x28: {  	s2 =	sld [smem:$0x3FA7]  }
0x29: {  	s4 =	sld [smem:$0x3FA9]  }
0x2a: {  	p0 =	seq.s32 s5, $0x0;
	s5 =	sld [smem:$0x3FAA]  }
0x2b: {  	s6 =	sld [smem:$0x3FAB]  }
0x2c: {  	s7 =	sld [smem:$0x3FAC]  }
0x2d: {  	s3 =	simm.s32 $0x108;
	s8 =	sld [smem:$0x3FAD]  }
0x2e: {  	s3 =	simm.s32 @!p0 $0x1082;
	s9 =	sld [smem:$0x3FAE]  }
0x2f: {  	lr =	sadd.s32 s0, s3;
	s0 =	sld [smem:$0x3FA5]  }
0x30: {  	s3 =	sld [smem:$0x3FA8]  }
0x31: {  	[smem:$0x3FB1] =	sst s10  }
0x32: {  	s10 =	sld [smem:$0x3FAF];
	_ =	sdelay $0x3  }
0x33: {  	p0 =	seq.s32 s10, $0x1;
	s10 =	sld [smem:$0x3FB1];
	_ =	sdelay $0x3  }
0x34: {  	[smem:$0x3FB1] =	sst s10  }
0x35: {  	s10 =	sld [smem:$0x3FB0];
	_ =	sdelay $0x3  }
0x36: {  	p1 =	seq.s32 s10, $0x1;
	s10 =	sld [smem:$0x3FB1];
	_ =	sdelay $0x3  }
0x37: {  	[smem:$0x3FB1] =	sst s10  }
0x38: {  	s10 =	sld [smem:$0x3FB2]  }
0x39: {  	_ = 	snop;
	(pc) =	sbr.ind lr, $3  }
0x3a: {  	_ = 	snop  }
0x3b: {  	_ = 	snop  }
0x3c: {  	p2 =	seq.s32 s10, $0x1;
	s10 =	sld [smem:$0x3FB1]  }
0x3d: {  	_ =	shalt  }
0x3e: {  	_ =	shalt  }
0x3f: {  	_ =	shalt  }
0x40: {  	_ =	shalt  }
0x41: {  	_ =	shalt  }
0x42: {  	_ =	shalt  }
0x43: {  	_ =	shalt  }
0x44: {  	_ =	shalt  }
0x45: {  	_ =	shalt  }
0x46: {  	_ =	shalt  }
0x47: {  	_ =	shalt  }
0x48: {  	_ =	shalt  }
0x49: {  	_ =	shalt  }
0x4a: {  	_ =	shalt  }
0x4b: {  	_ =	shalt  }
0x4c: {  	_ =	shalt  }
0x4d: {  	_ =	shalt  }
0x4e: {  	_ =	shalt  }
0x4f: {  	_ =	shalt  }
0x50: {  	_ =	shalt  }
0x51: {  	_ =	shalt  }
0x52: {  	_ =	shalt  }
0x53: {  	_ =	shalt  }
0x54: {  	_ =	shalt  }
0x55: {  	_ =	shalt  }
0x56: {  	_ =	shalt  }
0x57: {  	_ =	shalt  }
0x58: {  	_ =	shalt  }
0x59: {  	_ =	shalt  }
0x5a: {  	_ =	shalt  }
0x5b: {  	_ =	shalt  }
0x5c: {  	_ =	shalt  }
0x5d: {  	_ =	shalt  }
0x5e: {  	_ =	shalt  }
0x5f: {  	_ =	shalt  }
0x60: {  	_ =	shalt  }
0x61: {  	_ =	shalt  }
0x62: {  	_ =	shalt  }
0x63: {  	_ =	shalt  }
0x64: {  	_ =	shalt  }
0x65: {  	_ =	shalt  }
0x66: {  	_ =	shalt  }
0x67: {  	_ =	shalt  }
0x68: {  	_ =	shalt  }
0x69: {  	_ =	shalt  }
0x6a: {  	_ =	shalt  }
0x6b: {  	_ =	shalt  }
0x6c: {  	_ =	shalt  }
0x6d: {  	_ =	shalt  }
0x6e: {  	_ =	shalt  }
0x6f: {  	_ =	shalt  }
0x70: {  	_ =	shalt  }
0x71: {  	_ =	shalt  }
0x72: {  	_ =	shalt  }
0x73: {  	_ =	shalt  }
0x74: {  	_ =	shalt  }
0x75: {  	_ =	shalt  }
0x76: {  	_ =	shalt  }
0x77: {  	_ =	shalt  }
0x78: {  	_ =	shalt  }
0x79: {  	_ =	shalt  }
0x7a: {  	_ =	shalt  }
0x7b: {  	_ =	shalt  }
0x7c: {  	_ =	shalt  }
0x7d: {  	_ =	shalt  }
0x7e: {  	_ =	shalt  }
0x7f: {  	_ =	shalt  }
0x80: {  	_ =	shalt  }
0x81: {  	_ =	shalt  }
0x82: {  	_ =	shalt  }
0x83: {  	_ =	shalt  }
0x84: {  	_ =	shalt  }
0x85: {  	_ =	shalt  }
0x86: {  	_ =	shalt  }
0x87: {  	_ =	shalt  }
.Lfunc_end0:
.L_simem_size_0:
called_computation_lowered:
.L_overlay_start_0:
0x88: {  	s2 =	sld [smem:$0x3FD9]  }
0x89: {  	s3 =	sld [smem:$0x3FFE];
	_ =	sdelay $0x1  }
0x8a: {  	s1 =	srdreg.scid  }
0x8b: {  	s0 =	sand.u32 $0x1, s1  }
0x8c: {  	s16 =	sshll.u32 s0, $0xA;
	s2 =	sadd.s32 s3, s2  }
0x8d: {  	s2 =	sadd.s32 s2, s16  }
0x8e: {  	[smem:$0x3FBD] =	sst s2  }
0x8f: {  	_ = 	snop  }
0x90: {  	(tm) =	ssettm $0x1  }
0x91: {  	s17 =	sld [smem:$0x3FFB];
	_ =	sdelay $0x3  }
0x92: {  	_ =	strace s17  }
0x93: {  	s2 =	sld [smem:$0x3FFC];
	_ =	sdelay $0x3  }
0x94: {  	_ =	strace s2  }
0x95: {  	s2 =	sld [smem:$0x3FFD];
	_ =	sdelay $0x3  }
0x96: {  	_ =	strace s2  }
0x97: {  	_ =	strace $0x8FFFFFFF  }
0x98: {  	s18 =	sld [smem:$0x3FDB];
	_ =	sdelay $0x1  }
0x99: {  	s19 =	simm.s32 $_scs_section_size  }
0x9a: {  	s4 =	simm.s32 $_size__tile_overlayer_lowered;
	s5 =	simm.s32 $_tile_overlayer_lowered  }
0x9b: {  	s22 =	simm.s32 $0x1BFF;
	s21 =	sshll.u32 s5, $0x1;
	s2 =	sadd.s32 s19, s18  }
0x9c: {  	s6 =	simm.s32 $0x0;
	s20 =	sshll.u32 s4, $0x1;
	s4 =	sadd.s32 s21, s2  }
0x9d: {  	[timem:s6], [sflag:s22] =	dma.local [hbm:s4], s20  }
0x9e: {  	_ =	swait.ge [sflag:s22], s20  }
0x9f: {  	s3 =	ssub.s32 $0x0, s20;
	[sflag:s22] =	ssyncset.done $0x0  }
0xa0: {  	[sflag:s22] =	ssyncadd.s32 s3;
	_ =	sdelay $0x1  }
0xa1: {  	s23 =	simm.s32 $0x1B8B  }
0xa2: {  	_ =	swait.ge [sflag:s23], $0x1  }
0xa3: {  	[sflag:s23] =	ssyncset.done $0x0  }
0xa4: {  	s25 =	simm.s32 $0x1B8E;
	s24 =	sld [smem:$0x3FFE];
	[sflag:s23] =	ssyncadd.s32 $0xFFFFFFFF  }
0xa5: {  	s26 =	simm.s32 $execute0_lowered;
	[smem:$0x3FD2] =	sst s25  }
0xa6: {  	s4 =	sshll.u32 s26, $0x1;
	_ =	strace $0x80000046;
	[dreg:$0x1] =	wrdreg $0xFFFFFFFF  }
0xa7: {  	s28 =	simm.s32 $_size_execute0_lowered;
	s2 =	sadd.s32 s2, s4;
	[dreg:$0x0] =	wrdreg $0x0  }
0xa8: {  	s4 =	sshll.u32 s28, $0x1;
	[dreg:$0x2] =	wrdreg s2  }
0xa9: {  	[dreg:$0x3] =	wrdreg s4  }
0xaa: {  	[dreg:$0x4] =	wrdreg $0xC0  }
0xab: {  	_ =	task [dreg:s6], $0x5FFFF  }
0xac: {  	[dreg:$0x1] =	wrdreg $0xFFFFFFFF  }
0xad: {  	[dreg:$0x0] =	wrdreg $0x60  }
0xae: {  	[dreg:$0x2] =	wrdreg s24  }
0xaf: {  	[dreg:$0x3] =	wrdreg $0x9  }
0xb0: {  	_ =	task.clear_ibuf [dreg:s6], $0x4FFFF;
	_ =	strace $0x90000046  }
0xb1: {  	s29 =	simm.s32 $0x9;
	_ =	strace $0x80000048  }
0xb2: {  	_ =	swait.ge [sflag:s29], $0x1  }
0xb3: {  	[sflag:s29] =	ssyncadd.s32 $0xFFFFFFFF  }
0xb4: {  	_ =	strace $0x90000048  }
0xb5: {  	_ =	sfence  }
0xb6: {  	s30 =	sld [smem:$0x0];
	_ =	sdelay $0x2  }
0xb7: {  	s31 =	sshll.u32 s1, $0xD;
	s1 =	sshrl.u32 s1, $0x2  }
0xb8: {  	s3 =	sand.u32 $0x4000, s31;
	s1 =	sadd.s32 s1, s30  }
0xb9: {  	s0 =	sor.u32 s3, s0;
	s1 =	sshll.u32 s1, $0x11  }
0xba: {  	s0 =	sor.u32 s1, s0  }
0xbb: {  	s0 =	sadd.s32 $0x8F2B, s0  }
0xbc: {  	[sflag:s0] =	ssyncadd.remote.s32 $0x1  }
0xbd: {  	_ =	sfence.sel $0xFFFF  }
0xbe: {  	[dreg:$0x0] =	wrdreg $0xFFFFFFFF;
	(pc) =	sbr.abs _section_cstart, $3  }
0xbf: {  	[dreg:$0x1] =	wrdreg $0xFFFFFFFF  }
0xc0: {  	_ =	task.clear_ibuf [dreg:s6], $0x2FFFF;
	_ =	strace $0x9FFFFFFF  }
0xc1: {  	(tm) =	ssettm $0x7FFFFFFF  }
tec
execute0_lowered:
.L_overlay_start_1:
0x0: {  	(tag) =	ssettag $0x1  }
0x1: {  	s1 =	srdreg.scid  }
0x2: {  	s0 =	stileid.u32;
	s3 =	rddreg [dreg:$0x0];
	s2 =	simm.s32 $0x0  }
0x3: {  	s9 =	simm.s32 $0x2000;
	s10 =	simm.s32 $0x80;
	s11 =	simm.s32 $0x400  }
0x4: {  	s12 =	simm.s32 $0x0;
	s4 =	sand.u32 $0x1, s1;
	s1 =	rddreg [dreg:$0x1]  }
0x5: {  	s5 =	sshll.u32 s0, $0x1;
	[smem:$0x7FF] =	sst s2;
	s7 =	sshll.u32 s0, $0xC  }
0x6: {  	s5 =	sor.u32 s4, s5;
	_ =	strace $0x80000047;
	s7 =	sand.u32 $0xC000, s7  }
0x7: {  	s4 =	ssub.s32 $0x2, s4;
	s6 =	sshll.u32 s5, $0x9;
	s5 =	sshll.u32 s5, $0x4  }
0x8: {  	s7 =	sadd.s32 s7, s3;
	s31 =	sshrl.u32 s4, $0x1;
	s6 =	sadd.s32 s6, s3  }
0x9: {  	s5 =	sand.u32 $0x70, s5;
	s8 =	ssub.s32 s4, s31;
	s3 =	sadd.s32 $0x4600, s6  }
0xa: {  	s5 =	sadd.s32 s5, s7;
	s4 =	sadd.s32 $0x8600, s6;
	s6 =	smax.u32 s8, $0x1  }
0xb: {  	v0 =	vimm.f32 $0.0e+00;
	s7 =	simm.s32 $0x1;
	s8 =	simm.s32 $0x1000;
	s5 =	sadd.s32 $0xC600, s5  }
.LBB2_1:
0xc: {  	[tilespmem:s2], [sflag:$0x1] =	stream.linear.gather [hbm4b:s3+s2], $0xF00, $0x38;
	[tilespmem:$0x6000] =	vst v63  }
0xd: {  	_ =	swait.ge [sflag:s7], $0xF00  }
0xe: {  	[sflag:s7] =	ssyncset.done $0x0  }
0xf: {  	[sflag:s7] =	ssyncadd.s32 $0xFFFFF100  }
0x10: {  	[tilespmem:s8], [sflag:$0x1] =	stream.linear.gather [hbm4b:s4+s2], $0xF00, $0x38;
	[tilespmem:$0x6000] =	vst v63  }
0x11: {  	_ =	swait.ge [sflag:s7], $0xF00  }
0x12: {  	[sflag:s7] =	ssyncset.done $0x0  }
0x13: {  	s13 =	simm.s32 $0x0;
	[sflag:s7] =	ssyncadd.s32 $0xFFFFF100  }
.LBB2_2:
0x14: {  	p0 =	sne.s32 s13, $0xFFC0  }
.Ltmp0:
0x15: {  	_ = 	snop;
	(pc) =	sbr.rel @p0 .LBB2_2-.Ltmp0, $3  }
0x16: {  	_ =	sdelay $0x1  }
0x17: {  	s14 =	sshra.s32 s13, $0x2  }
0x18: {  	s13 =	sadd.s32 $0x40, s13;
	[tilespmem:s14+$0x2000] =	vst v0  }
0x19: {  	s13 =	simm.s32 $0x0  }
.LBB2_4:
0x1a: {  	s14 =	sshra.s32 s13, $0x2  }
0x1b: {  	v1 =	vld [tilespmem:s14+$0x0];
	_ =	sdelay $0x2  }
0x1c: {  	v2 =	vld [tilespmem:s14+$0x1000];
	_ =	sdelay $0x4  }
0x1d: {  	[tilespmem:v1+s9+$0x0] =	vst.idx.add.f32.msk $0xffff, v2  }
0x1e: {  	v1 =	vld [tilespmem:s14+$0x10];
	_ =	sdelay $0x2  }
0x1f: {  	v2 =	vld [tilespmem:s14+$0x1010];
	_ =	sdelay $0x4  }
0x20: {  	[tilespmem:v1+s9+$0x0] =	vst.idx.add.f32.msk $0xffff, v2  }
0x21: {  	v1 =	vld [tilespmem:s14+$0x20];
	_ =	sdelay $0x2  }
0x22: {  	v2 =	vld [tilespmem:s14+$0x1020];
	_ =	sdelay $0x4  }
0x23: {  	[tilespmem:v1+s9+$0x0] =	vst.idx.add.f32.msk $0xffff, v2  }
0x24: {  	v1 =	vld [tilespmem:s14+$0x30];
	_ =	sdelay $0x2  }
0x25: {  	v2 =	vld [tilespmem:s14+$0x1030];
	_ =	sdelay $0x4  }
0x26: {  	[tilespmem:v1+s9+$0x0] =	vst.idx.add.f32.msk $0xffff, v2  }
0x27: {  	v1 =	vld [tilespmem:s14+$0x40];
	_ =	sdelay $0x2  }
0x28: {  	v2 =	vld [tilespmem:s14+$0x1040];
	_ =	sdelay $0x4  }
0x29: {  	[tilespmem:v1+s9+$0x0] =	vst.idx.add.f32.msk $0xffff, v2  }
0x2a: {  	v1 =	vld [tilespmem:s14+$0x50];
	_ =	sdelay $0x2  }
0x2b: {  	v2 =	vld [tilespmem:s14+$0x1050];
	_ =	sdelay $0x4  }
0x2c: {  	[tilespmem:v1+s9+$0x0] =	vst.idx.add.f32.msk $0xffff, v2  }
0x2d: {  	v1 =	vld [tilespmem:s14+$0x60];
	_ =	sdelay $0x2  }
0x2e: {  	v2 =	vld [tilespmem:s14+$0x1060];
	_ =	sdelay $0x4  }
0x2f: {  	[tilespmem:v1+s9+$0x0] =	vst.idx.add.f32.msk $0xffff, v2  }
0x30: {  	v1 =	vld [tilespmem:s14+$0x70];
	_ =	sdelay $0x2  }
0x31: {  	p0 =	sne.s32 s13, $0x3A00;
	v2 =	vld [tilespmem:s14+$0x1070]  }
.Ltmp1:
0x32: {  	_ = 	snop;
	(pc) =	sbr.rel @p0 .LBB2_4-.Ltmp1, $2  }
0x33: {  	_ =	sdelay $0x2  }
0x34: {  	s13 =	sadd.s32 $0x200, s13;
	[tilespmem:v1+s9+$0x0] =	vst.idx.add.f32.msk $0xffff, v2  }
0x35: {  	s12 =	sadd.s32 $0x1, s12  }
0x36: {  	p0 =	sne.s32 s12, s6  }
.Ltmp2:
0x37: {  	_ = 	snop;
	(pc) =	sbr.rel @p0 .LBB2_1-.Ltmp2, $4  }
0x38: {  	[hbm4b:s5+s10] =	stream.strided.scatter [tilespmem:s9], [sflag:$0x1], $0x4000, s11, s10, $0x38;
	[tilespmem:$0x6000] =	vst v63  }
0x39: {  	_ =	swait.ge [sflag:s7], $0x4000  }
0x3a: {  	[sflag:s7] =	ssyncset.done $0x0  }
0x3b: {  	[sflag:s7] =	ssyncadd.s32 $0xFFFFC000  }
0x3c: {  	_ =	sfence.sel $0x180000  }
0x3d: {  	[bflag:$0x0] =	sbarrier.arrive $0xFFFF  }
0x3e: {  	p0 =	sne.s32 s0, $0x0;
	_ =	strace $0x90000047  }
0x3f: {  	s0 =	sadd.s32 @!p0 $0x100000, s1;
	[bflag:$0x2] =	sbarrier.arrive $0xFFFF  }
0x40: {  	[sflag:s0] =	ssyncadd.tile.s32 @!p0 $0x1;
	_ =	shalt  }
.Lfunc_end2:
_tile_overlayer_lowered:
.L_overlay_start_2:
0x41: {  	(tag) =	ssettag $0x2  }
0x42: {  	s0 =	rddreg [dreg:$0x0];
	s2 =	stileid.u32  }
0x43: {  	s1 =	rddreg [dreg:$0x1];
	p0 =	sne.s32 s2, $0x0  }
0x44: {  	s3 =	rddreg [dreg:$0x2];
	[bflag:$0x3] =	sbarrier.arrive $0xFFFF;
	s2 =	simm.s32 @!p0 $0x1C01  }
0x45: {  	[timem:s3], [sflag:s2] =	dma.local @!p0 [hbm:s0], s1  }
0x46: {  	s0 =	simm.s32 @!p0 $0x1  }
0x47: {  	_ =	swait.ge @!p0 [sflag:s0], s1  }
0x48: {  	s1 =	ssub.s32 @!p0 $0x0, s1;
	[sflag:s0] =	ssyncset.done @!p0 $0x0  }
0x49: {  	[sflag:s0] =	ssyncadd.s32 @!p0 s1  }
0x4a: {  	[bflag:$0x3] =	sbarrier.arrive $0xFFFF  }
0x4b: {  	_ =	shalt  }

// kernel: kernel.19.cloned.1.call-start
scs
__scs_entry_jumppad:
0x0: {  	(pc) =	sbr.rel $0x88, $3  }
0x1: {  	(tag) =	ssettag $0x0;
	lr =	simm.s32 $0x1  }
0x2: {  	[smem:$0x3F96] =	sst lr;
	_ =	strace $0xD0000000  }
0x3: {  	_ = 	snop  }
0x4: {  	_ = 	snop  }
0x5: {  	_ = 	snop  }
0x6: {  	_ = 	snop  }
0x7: {  	_ = 	snop  }
__scs_overlays_trampoline_lowered:
0x8: {  	[smem:$0x3FA5] =	sst s0  }
0x9: {  	[smem:$0x3FA6] =	sst s1  }
0xa: {  	[smem:$0x3FA7] =	sst s2  }
0xb: {  	[smem:$0x3FA8] =	sst s3  }
0xc: {  	[smem:$0x3FA9] =	sst s4  }
0xd: {  	[smem:$0x3FAA] =	sst s5  }
0xe: {  	[smem:$0x3FAB] =	sst s6  }
0xf: {  	[smem:$0x3FAC] =	sst s7  }
0x10: {  	[smem:$0x3FAD] =	sst s8  }
0x11: {  	[smem:$0x3FAE] =	sst s9;
	s0 =	simm.s32 @!p0 $0x0  }
0x12: {  	s1 =	sld [smem:$0x3F94];
	s0 =	simm.s32 @p0 $0x1  }
0x13: {  	[smem:$0x3FAF] =	sst s0;
	s0 =	simm.s32 @!p1 $0x0  }
0x14: {  	s2 =	sld [smem:$0x3F93];
	s0 =	simm.s32 @p1 $0x1  }
0x15: {  	[smem:$0x3FB0] =	sst s0;
	s0 =	simm.s32 @!p2 $0x0  }
0x16: {  	s3 =	sld [smem:$0x3FDB];
	s0 =	simm.s32 @p2 $0x1  }
0x17: {  	s4 =	simm.s32 $0x1BF5;
	[smem:$0x3FB2] =	sst s0  }
0x18: {  	s0 =	sld [smem:$0x3F95];
	_ =	swait.ge [sflag:s4], $0x0  }
0x19: {  	s7 =	sld [smem:$0x3F96]  }
0x1a: {  	s8 =	sadd.s32 $0xFFFFE003, lr  }
0x1b: {  	s9 =	sadd.s32 $0xFFFFFEF7, lr;
	s5 =	simm.s32 $0xFFFFFFFF;
	p2 =	slt.u32 s8, $0xFFFFF086  }
0x1c: {  	p1 =	slt.u32 s9, $0xF7A;
	s5 =	simm.s32 @!p2 $0x0  }
0x1d: {  	s5 =	simm.s32 @p1 $0x1;
	p0 =	seq.s32 s7, s2  }
0x1e: {  	s7 =	smul.u32 @!p0 $0xF7A, s2;
	p2 =	seq.s32 @!p0 s5, $0x0  }
0x1f: {  	s9 =	smul.u32 $0xF7A, s1;
	s8 =	simm.s32 @!p0 $0x1BF5;
	p2 =	por !p2, p0  }
0x20: {  	[sflag:s8] =	ssyncset.s32 @!p0 $0xFFFFF086;
	s6 =	sadd.s32 @!p0 s3, s7;
	s7 =	simm.s32 @!p0 $0x108  }
0x21: {  	s3 =	sadd.s32 s3, s9;
	s6 =	sadd.s32 @!p0 $0x88, s6;
	s7 =	simm.s32 @p2 $0x1082  }
0x22: {  	[simem:s7], [sflag:s8] =	dma.local @!p0 [hbm:s6], $0xF7A  }
0x23: {  	s9 =	sor.u32 $0xD0000000, s2;
	s6 =	simm.s32 $0x108;
	_ =	swait.ge @!p0 [sflag:s8], $0x0  }
0x24: {  	s3 =	sadd.s32 $0x88, s3;
	s6 =	simm.s32 @!p1 $0x1082;
	[sflag:s4] =	ssyncset.s32 $0xFFFFF086  }
0x25: {  	[simem:s6], [sflag:s4] =	dma.local [hbm:s3], $0xF7A  }
0x26: {  	[smem:$0x3F96] =	sst s1;
	(tag) =	ssettag s2;
	_ =	strace s9  }
0x27: {  	s1 =	sld [smem:$0x3FA6]  }
0x28: {  	s2 =	sld [smem:$0x3FA7]  }
0x29: {  	s4 =	sld [smem:$0x3FA9]  }
0x2a: {  	p0 =	seq.s32 s5, $0x0;
	s5 =	sld [smem:$0x3FAA]  }
0x2b: {  	s6 =	sld [smem:$0x3FAB]  }
0x2c: {  	s7 =	sld [smem:$0x3FAC]  }
0x2d: {  	s3 =	simm.s32 $0x108;
	s8 =	sld [smem:$0x3FAD]  }
0x2e: {  	s3 =	simm.s32 @!p0 $0x1082;
	s9 =	sld [smem:$0x3FAE]  }
0x2f: {  	lr =	sadd.s32 s0, s3;
	s0 =	sld [smem:$0x3FA5]  }
0x30: {  	s3 =	sld [smem:$0x3FA8]  }
0x31: {  	[smem:$0x3FB1] =	sst s10  }
0x32: {  	s10 =	sld [smem:$0x3FAF];
	_ =	sdelay $0x3  }
0x33: {  	p0 =	seq.s32 s10, $0x1;
	s10 =	sld [smem:$0x3FB1];
	_ =	sdelay $0x3  }
0x34: {  	[smem:$0x3FB1] =	sst s10  }
0x35: {  	s10 =	sld [smem:$0x3FB0];
	_ =	sdelay $0x3  }
0x36: {  	p1 =	seq.s32 s10, $0x1;
	s10 =	sld [smem:$0x3FB1];
	_ =	sdelay $0x3  }
0x37: {  	[smem:$0x3FB1] =	sst s10  }
0x38: {  	s10 =	sld [smem:$0x3FB2]  }
0x39: {  	_ = 	snop;
	(pc) =	sbr.ind lr, $3  }
0x3a: {  	_ = 	snop  }
0x3b: {  	_ = 	snop  }
0x3c: {  	p2 =	seq.s32 s10, $0x1;
	s10 =	sld [smem:$0x3FB1]  }
0x3d: {  	_ =	shalt  }
0x3e: {  	_ =	shalt  }
0x3f: {  	_ =	shalt  }
0x40: {  	_ =	shalt  }
0x41: {  	_ =	shalt  }
0x42: {  	_ =	shalt  }
0x43: {  	_ =	shalt  }
0x44: {  	_ =	shalt  }
0x45: {  	_ =	shalt  }
0x46: {  	_ =	shalt  }
0x47: {  	_ =	shalt  }
0x48: {  	_ =	shalt  }
0x49: {  	_ =	shalt  }
0x4a: {  	_ =	shalt  }
0x4b: {  	_ =	shalt  }
0x4c: {  	_ =	shalt  }
0x4d: {  	_ =	shalt  }
0x4e: {  	_ =	shalt  }
0x4f: {  	_ =	shalt  }
0x50: {  	_ =	shalt  }
0x51: {  	_ =	shalt  }
0x52: {  	_ =	shalt  }
0x53: {  	_ =	shalt  }
0x54: {  	_ =	shalt  }
0x55: {  	_ =	shalt  }
0x56: {  	_ =	shalt  }
0x57: {  	_ =	shalt  }
0x58: {  	_ =	shalt  }
0x59: {  	_ =	shalt  }
0x5a: {  	_ =	shalt  }
0x5b: {  	_ =	shalt  }
0x5c: {  	_ =	shalt  }
0x5d: {  	_ =	shalt  }
0x5e: {  	_ =	shalt  }
0x5f: {  	_ =	shalt  }
0x60: {  	_ =	shalt  }
0x61: {  	_ =	shalt  }
0x62: {  	_ =	shalt  }
0x63: {  	_ =	shalt  }
0x64: {  	_ =	shalt  }
0x65: {  	_ =	shalt  }
0x66: {  	_ =	shalt  }
0x67: {  	_ =	shalt  }
0x68: {  	_ =	shalt  }
0x69: {  	_ =	shalt  }
0x6a: {  	_ =	shalt  }
0x6b: {  	_ =	shalt  }
0x6c: {  	_ =	shalt  }
0x6d: {  	_ =	shalt  }
0x6e: {  	_ =	shalt  }
0x6f: {  	_ =	shalt  }
0x70: {  	_ =	shalt  }
0x71: {  	_ =	shalt  }
0x72: {  	_ =	shalt  }
0x73: {  	_ =	shalt  }
0x74: {  	_ =	shalt  }
0x75: {  	_ =	shalt  }
0x76: {  	_ =	shalt  }
0x77: {  	_ =	shalt  }
0x78: {  	_ =	shalt  }
0x79: {  	_ =	shalt  }
0x7a: {  	_ =	shalt  }
0x7b: {  	_ =	shalt  }
0x7c: {  	_ =	shalt  }
0x7d: {  	_ =	shalt  }
0x7e: {  	_ =	shalt  }
0x7f: {  	_ =	shalt  }
0x80: {  	_ =	shalt  }
0x81: {  	_ =	shalt  }
0x82: {  	_ =	shalt  }
0x83: {  	_ =	shalt  }
0x84: {  	_ =	shalt  }
0x85: {  	_ =	shalt  }
0x86: {  	_ =	shalt  }
0x87: {  	_ =	shalt  }
.Lfunc_end0:
.L_simem_size_0:
called_computation.1_lowered:
.L_overlay_start_0:
0x88: {  	s2 =	sld [smem:$0x3FD9]  }
0x89: {  	s3 =	sld [smem:$0x3FFE];
	_ =	sdelay $0x1  }
0x8a: {  	s1 =	srdreg.scid  }
0x8b: {  	s0 =	sand.u32 $0x1, s1  }
0x8c: {  	s17 =	sshll.u32 s0, $0xA;
	s2 =	sadd.s32 s3, s2  }
0x8d: {  	s2 =	sadd.s32 s2, s17  }
0x8e: {  	[smem:$0x3FBD] =	sst s2  }
0x8f: {  	_ = 	snop  }
0x90: {  	s18 =	sld [smem:$0x3FD0];
	(tm) =	ssettm $0x1  }
0x91: {  	s19 =	sld [smem:$0x3FFB];
	_ =	sdelay $0x3  }
0x92: {  	_ =	strace s19  }
0x93: {  	s2 =	sld [smem:$0x3FFC];
	_ =	sdelay $0x3  }
0x94: {  	_ =	strace s2  }
0x95: {  	s2 =	sld [smem:$0x3FFD];
	_ =	sdelay $0x3  }
0x96: {  	_ =	strace s2  }
0x97: {  	_ =	strace $0x8FFFFFFF  }
0x98: {  	s20 =	sld [smem:$0x3FDB];
	_ =	sdelay $0x1  }
0x99: {  	s4 =	simm.s32 $_scs_section_size  }
0x9a: {  	s5 =	simm.s32 $_size__tile_overlayer_lowered;
	s6 =	simm.s32 $_tile_overlayer_lowered  }
0x9b: {  	s7 =	simm.s32 $0x1BFF;
	s21 =	sshll.u32 s6, $0x1;
	s4 =	sadd.s32 s4, s20  }
0x9c: {  	s22 =	simm.s32 $0x0;
	s5 =	sshll.u32 s5, $0x1;
	s6 =	sadd.s32 s21, s4  }
0x9d: {  	[timem:s22], [sflag:s7] =	dma.local [hbm:s6], s5  }
0x9e: {  	_ =	swait.ge [sflag:s7], s5  }
0x9f: {  	s5 =	ssub.s32 $0x0, s5;
	[sflag:s7] =	ssyncset.done $0x0  }
0xa0: {  	[sflag:s7] =	ssyncadd.s32 s5;
	_ =	sdelay $0x1  }
0xa1: {  	s23 =	simm.s32 $0x1B8B  }
0xa2: {  	_ =	swait.ge [sflag:s23], $0x1  }
0xa3: {  	[sflag:s23] =	ssyncset.done $0x0  }
0xa4: {  	[sflag:s23] =	ssyncadd.s32 $0xFFFFFFFF  }
0xa5: {  	s5 =	sld [smem:$0x0]  }
0xa6: {  	s6 =	sand.u32 $0xFFFFFFFE, s1  }
0xa7: {  	p0 =	sne.s32 s1, s6  }
0xa8: {  	s6 =	sshll.u32 @p0 s6, $0xE  }
0xa9: {  	s6 =	sadd.s32 @p0 $0x11B8D, s6;
	s7 =	sshll.u32 @p0 s5, $0x11  }
0xaa: {  	s6 =	sor.u32 @p0 s7, s6  }
0xab: {  	[sflag:s6] =	ssyncadd.remote.s32 @p0 $0x1;
	_ =	sdelay $0x1  }
0xac: {  	s6 =	simm.s32 @p0 $0x1B8D  }
0xad: {  	_ =	swait.eq @p0 [sflag:s6], $0x1  }
0xae: {  	[sflag:s6] =	ssyncadd.s32 @p0 $0xFFFFFFFF  }
0xaf: {  	s7 =	sshll.u32 @!p0 s1, $0xE  }
0xb0: {  	s7 =	sor.u32 @!p0 $0x4000, s7;
	s6 =	simm.s32 @!p0 $0x1B8D  }
0xb1: {  	s5 =	sshll.u32 @!p0 s5, $0x11;
	s7 =	sadd.s32 @!p0 $0x11B8D, s7;
	_ =	swait.eq @!p0 [sflag:s6], $0x1  }
0xb2: {  	s5 =	sor.u32 @!p0 s5, s7;
	[sflag:s6] =	ssyncadd.s32 @!p0 $0xFFFFFFFF  }
0xb3: {  	s25 =	simm.s32 $0x1B8E;
	s24 =	sld [smem:$0x3FFE];
	[sflag:s5] =	ssyncadd.remote.s32 @!p0 $0x1  }
0xb4: {  	s26 =	simm.s32 $execute0_lowered;
	[smem:$0x3FD2] =	sst s25  }
0xb5: {  	s6 =	sshll.u32 s26, $0x1;
	_ =	strace $0x80000049;
	[dreg:$0x1] =	wrdreg $0xFFFFFFFF  }
0xb6: {  	s28 =	simm.s32 $_size_execute0_lowered;
	s4 =	sadd.s32 s4, s6;
	[dreg:$0x0] =	wrdreg $0x0  }
0xb7: {  	s6 =	sshll.u32 s28, $0x1;
	[dreg:$0x2] =	wrdreg s4  }
0xb8: {  	[dreg:$0x3] =	wrdreg s6  }
0xb9: {  	[dreg:$0x4] =	wrdreg $0xC0  }
0xba: {  	_ =	task [dreg:s22], $0x5FFFF  }
0xbb: {  	[dreg:$0x1] =	wrdreg $0xFFFFFFFF  }
0xbc: {  	[dreg:$0x0] =	wrdreg $0x60  }
0xbd: {  	[dreg:$0x2] =	wrdreg s18  }
0xbe: {  	[dreg:$0x3] =	wrdreg s24  }
0xbf: {  	[dreg:$0x4] =	wrdreg $0x98000  }
0xc0: {  	[dreg:$0x5] =	wrdreg $0xA  }
0xc1: {  	_ =	task.clear_ibuf [dreg:s22], $0x6FFFF;
	_ =	strace $0x90000049  }
0xc2: {  	s29 =	simm.s32 $0xA;
	_ =	strace $0x8000004B  }
0xc3: {  	_ =	swait.ge [sflag:s29], $0x1  }
0xc4: {  	[sflag:s29] =	ssyncadd.s32 $0xFFFFFFFF  }
0xc5: {  	_ =	strace $0x9000004B  }
0xc6: {  	_ =	sfence  }
0xc7: {  	s30 =	sld [smem:$0x0];
	_ =	sdelay $0x2  }
0xc8: {  	s31 =	sshll.u32 s1, $0xD;
	s1 =	sshrl.u32 s1, $0x2  }
0xc9: {  	s4 =	sand.u32 $0x4000, s31;
	s1 =	sadd.s32 s1, s30  }
0xca: {  	s0 =	sor.u32 s4, s0;
	s1 =	sshll.u32 s1, $0x11  }
0xcb: {  	s0 =	sor.u32 s1, s0  }
0xcc: {  	s0 =	sadd.s32 $0x8F2B, s0  }
0xcd: {  	[sflag:s0] =	ssyncadd.remote.s32 $0x1  }
0xce: {  	_ =	sfence.sel $0xFFFF  }
0xcf: {  	[dreg:$0x0] =	wrdreg $0xFFFFFFFF;
	(pc) =	sbr.abs _section_cstart, $3  }
0xd0: {  	[dreg:$0x1] =	wrdreg $0xFFFFFFFF  }
0xd1: {  	_ =	task.clear_ibuf [dreg:s22], $0x2FFFF;
	_ =	strace $0x9FFFFFFF  }
0xd2: {  	(tm) =	ssettm $0x7FFFFFFF  }
0xd3: {  	_ =	shalt  }
tec
execute0_lowered:
.L_overlay_start_1:
0x0: {  	(tag) =	ssettag $0x1  }
0x1: {  	s1 =	rddreg [dreg:$0x0]  }
0x2: {  	s6 =	rddreg [dreg:$0x1]  }
0x3: {  	s2 =	rddreg [dreg:$0x2]  }
0x4: {  	s3 =	srdreg.scid;
	s0 =	rddreg [dreg:$0x3]  }
0x5: {  	s4 =	simm.s32 $0x0;
	s13 =	simm.s32 $0x1800;
	s14 =	simm.s32 $0x800  }
0x6: {  	s15 =	simm.s32 $0x1000;
	s18 =	simm.s32 $0x1;
	s19 =	simm.s32 $0x0  }
0x7: {  	s5 =	sand.u32 $0x1, s3;
	s3 =	stileid.u32;
	[smem:$0x7FF] =	sst s4  }
0x8: {  	s7 =	smul.u32 $0x9C000, s5;
	s8 =	sshll.u32 s3, $0x9;
	s9 =	sshll.u32 s5, $0x8  }
0x9: {  	s10 =	smul.u32 $0x9C00, s3;
	_ =	strace $0x8000004A;
	s28 =	ssub.s32 $0x2, s5  }
0xa: {  	s29 =	smul.u32 $0x27000, s3;
	s5 =	sadd.s32 $0x22600, s6;
	s16 =	sshll.u32 s3, $0x6  }
0xb: {  	s8 =	sor.u32 s9, s8;
	s30 =	sshrl.u32 s28, $0x1;
	s16 =	sor.u32 $0x1C02, s16  }
0xc: {  	s8 =	sadd.s32 s8, s6;
	s7 =	sadd.s32 s10, s7;
	s31 =	sshrl.u32 s29, $0x2  }
0xd: {  	s12 =	ssub.s32 s28, s30;
	s7 =	sshrl.u32 s7, $0x3;
	s17 =	sadd.s32 s31, s2  }
0xe: {  	s10 =	smax.u32 s12, $0x1;
	s12 =	simm.s32 $0x80;
	s11 =	sadd.s32 s7, s6  }
0xf: {  	s6 =	sadd.s32 $0x1E600, s8;
	s7 =	sadd.s32 $0x20600, s8;
	s8 =	sadd.s32 $0x1C600, s8  }
0x10: {  	s17 =	sshrl.u32 s17, $0x3;
	s9 =	sadd.s32 $0x24600, s11;
	s11 =	simm.s32 $0x2  }
.LBB2_1:
0x11: {  	[tilespmem:s4], [sflag:$0x2] =	stream.linear.gather [hbm4b:s6+s4], $0x680, $0x38;
	[tilespmem:$0x13400] =	vst v63  }
0x12: {  	_ =	swait.ge [sflag:s11], $0x680  }
0x13: {  	[sflag:s11] =	ssyncset.done $0x0  }
0x14: {  	[sflag:s11] =	ssyncadd.s32 $0xFFFFF980  }
0x15: {  	[tilespmem:s13], [sflag:$0x1] =	stream.indirect.gather [hbm4b:s1+s12], $0x80, s4, s12, $0xb8;
	[tilespmem:$0x13400] =	vst v63  }
0x16: {  	_ = 	snop  }
0x17: {  	[tilespmem:s14], [sflag:$0x2] =	stream.linear.gather [hbm4b:s7+s4], $0x680, $0x38;
	[tilespmem:$0x13400] =	vst v63  }
0x18: {  	_ =	swait.ge [sflag:s11], $0x680  }
0x19: {  	[sflag:s11] =	ssyncset.done $0x0  }
0x1a: {  	[sflag:s11] =	ssyncadd.s32 $0xFFFFF980  }
0x1b: {  	[tilespmem:s15], [sflag:$0x2] =	stream.linear.gather [hbm4b:s8+s4], $0x680, $0x38;
	[tilespmem:$0x13400] =	vst v63  }
0x1c: {  	_ =	swait.ge [sflag:s11], $0x680  }
0x1d: {  	[sflag:s11] =	ssyncset.done $0x0  }
0x1e: {  	[sflag:s11] =	ssyncadd.s32 $0xFFFFF980  }
0x1f: {  	[spmem:s17], [sflag:s16] =	dma.local [hbm:s5], $0x1380  }
0x20: {  	_ =	swait.ge [sflag:s11], $0x1380  }
0x21: {  	[sflag:s11] =	ssyncset.done $0x0  }
0x22: {  	[sflag:s11] =	ssyncadd.s32 $0xFFFFEC80  }
0x23: {  	p0 =	por $0x0, $0x0;
	s20 =	simm.s32 $0x0;
	[bflag:$0x0] =	sbarrier.arrive $0xFFFF  }
.LBB2_2:
0x24: {  	s21 =	simm.s32 $0x1  }
0x25: {  	s23 =	smov.u32 s20;
	s29 =	simm.s32 $0x0;
	s21 =	simm.s32 @!p0 $0x0  }
0x26: {  	_ =	swait.ge [sflag:s18], $0x4000;
	v1 =	vmov s29;
	s22 =	sshll.u32 s21, $0xE;
	s21 =	sshll.u32 s23, $0x7  }
0x27: {  	s24 =	sand.u32 $0x1, s23;
	[sflag:s18] =	ssyncset.done $0x0;
	v1 =	vand.u32 $0x7F, v1;
	v0 =	vmov s21  }
0x28: {  	s20 =	sadd.s32 $0x1, s23;
	p1 =	seq.s32 s23, $0xC;
	[sflag:s18] =	ssyncadd.s32 $0xFFFFC000;
	v1 =	vadd.s32 v0, v1  }
0x29: {  	s23 =	sshll.u32 @!p1 s24, $0xE;
	s25 =	sshll.u32 @!p1 s20, $0x7;
	s26 =	simm.s32 @!p1 $0x80;
	v1 =	vbroadcast v1, $0x0  }
0x2a: {  	s22 =	sor.u32 $0x1840, s22;
	s23 =	sxor.u32 @!p1 $0x5800, s23;
	s25 =	sand.u32 @!p1 $0x3FFFFF80, s25  }
0x2b: {  	[tilespmem:s23], [sflag:$0x1] =	stream.indirect.gather @!p1 [hbm4b:s1+s26], $0x80, s25, s26, $0xb8;
	[tilespmem:$0x13400] =	vst v63  }
0x2c: {  	v5 =	vld [tilespmem:s22+$0x30]  }
0x2d: {  	v8 =	vld [tilespmem:s22+$0x10]  }
0x2e: {  	v6 =	vld [tilespmem:s22+$0xFFFFFFC0]  }
0x2f: {  	v2 =	vld.idx.msk [tilespmem:v1+s15+$0x0], $0xffff  }
0x30: {  	v11 =	vld [tilespmem:s22+$0xFFFFFFE0]  }
0x31: {  	v3 =	vld [tilespmem:s22+$0x20]  }
0x32: {  	v4 =	vld [tilespmem:s22+$0xFFFFFFD0]  }
0x33: {  	v1 =	vld [tilespmem:s22+$0xFFFFFFF0]  }
0x34: {  	v9 =	vmul.f32 v5, v2;
	v5 =	vld [tilespmem:s22+$0x0]  }
0x35: {  	s31 =	simm.s32 $0x1;
	s30 =	sshll.u32 s24, $0xE;
	v7 =	vmul.f32 v6, v2  }
0x36: {  	v10 =	vmov s31;
	s23 =	sor.u32 $0x1800, s30;
	s25 =	simm.s32 $0x2;
	s24 =	smov.u32 s22;
	v6 =	vmul.f32 v11, v2;
	v8 =	vmul.f32 v8, v2  }
.LBB2_3:
0x37: {  	p1 =	sne.s32 s25, $0x7F  }
0x38: {  	v10 =	vand.u32 $0x7F, v10;
	v4 =	vmul.f32 v4, v2;
	v3 =	vmul.f32 v3, v2;
	[tilespmem:s22+$0x30] =	vst v9;
	s24 =	sadd.s32 $0x80, s24;
	s26 =	smov.u32 s25;
	s25 =	sadd.s32 $0x1, s25  }
0x39: {  	v9 =	vadd.s32 v0, v10;
	[tilespmem:s22+$0xFFFFFFC0] =	vst v7;
	v7 =	vmul.f32 v1, v2;
	v2 =	vmul.f32 v5, v2  }
0x3a: {  	v5 =	vbroadcast v9, $0x0;
	[tilespmem:s22+$0x10] =	vst v8  }
0x3b: {  	[tilespmem:s22+$0xFFFFFFE0] =	vst v6  }
0x3c: {  	v1 =	vld [tilespmem:s24+$0xFFFFFFF0];
	[tilespmem:s22+$0xFFFFFFF0] =	vst v7  }
0x3d: {  	v6 =	vld [tilespmem:s24+$0x30];
	[tilespmem:s22+$0x0] =	vst v2  }
0x3e: {  	v8 =	vld [tilespmem:s24+$0x10];
	[tilespmem:s22+$0x20] =	vst v3  }
0x3f: {  	v7 =	vld [tilespmem:s24+$0xFFFFFFC0];
	[tilespmem:s22+$0xFFFFFFD0] =	vst v4;
	s22 =	smov.u32 s24  }
0x40: {  	v2 =	vld.idx.msk [tilespmem:v5+s15+$0x0], $0xffff  }
0x41: {  	v11 =	vld [tilespmem:s24+$0xFFFFFFE0]  }
0x42: {  	v3 =	vld [tilespmem:s24+$0x20]  }
.Ltmp0:
0x43: {  	v4 =	vld [tilespmem:s24+$0xFFFFFFD0];
	(pc) =	sbr.rel @p1 .LBB2_3-.Ltmp0, $3  }
0x44: {  	v5 =	vld [tilespmem:s24+$0x0];
	_ =	sdelay $0x1  }
0x45: {  	v7 =	vmul.f32 v7, v2;
	v9 =	vmul.f32 v6, v2  }
0x46: {  	v10 =	vmov s26;
	v8 =	vmul.f32 v8, v2;
	v6 =	vmul.f32 v11, v2  }
0x47: {  	[tilespmem:s22+$0x30] =	vst v9;
	v53 =	vand.u32 $0x7F, v10  }
0x48: {  	[tilespmem:s22+$0xFFFFFFC0] =	vst v7;
	v0 =	vadd.s32 v0, v53  }
0x49: {  	v1 =	vmul.f32 v1, v2;
	[tilespmem:s22+$0x10] =	vst v8;
	v0 =	vbroadcast v0, $0x0  }
0x4a: {  	s24 =	sadd.s32 $0x80, s24;
	[tilespmem:s22+$0xFFFFFFE0] =	vst v6;
	v5 =	vmul.f32 v5, v2  }
0x4b: {  	v55 =	vmul.f32 v4, v2;
	v6 =	vld [tilespmem:s24+$0xFFFFFFF0];
	[tilespmem:s22+$0xFFFFFFF0] =	vst v1  }
0x4c: {  	v3 =	vmul.f32 v3, v2;
	v54 =	vld [tilespmem:s24+$0x30];
	[tilespmem:s22+$0x0] =	vst v5  }
0x4d: {  	v57 =	vld [tilespmem:s24+$0xFFFFFFC0];
	[tilespmem:s22+$0xFFFFFFD0] =	vst v55  }
0x4e: {  	v56 =	vld [tilespmem:s24+$0x10];
	[tilespmem:s22+$0x20] =	vst v3  }
0x4f: {  	v0 =	vld.idx.msk [tilespmem:v0+s15+$0x0], $0xffff;
	_ =	sdelay $0x2  }
0x50: {  	v2 =	vld [tilespmem:s24+$0xFFFFFFE0];
	_ =	sdelay $0x1  }
0x51: {  	v5 =	vld [tilespmem:s24+$0x0];
	v1 =	vmul.f32 v54, v0  }
0x52: {  	v58 =	vld [tilespmem:s24+$0x20];
	v3 =	vmul.f32 v57, v0  }
0x53: {  	v59 =	vld [tilespmem:s24+$0xFFFFFFD0];
	v4 =	vmul.f32 v56, v0;
	[tilespmem:s24+$0x30] =	vst v1  }
0x54: {  	v60 =	vmul.f32 v2, v0;
	[tilespmem:s24+$0xFFFFFFC0] =	vst v3  }
0x55: {  	v61 =	vmul.f32 v6, v0;
	[tilespmem:s24+$0x10] =	vst v4  }
0x56: {  	v62 =	vmul.f32 v5, v0;
	[tilespmem:s24+$0xFFFFFFE0] =	vst v60  }
0x57: {  	v63 =	vmul.f32 v58, v0;
	[tilespmem:s24+$0xFFFFFFF0] =	vst v61  }
0x58: {  	v0 =	vmul.f32 v59, v0;
	[tilespmem:s24+$0x0] =	vst v62  }
0x59: {  	s21 =	sand.u32 $0x3FFFFF80, s21;
	p1 =	sne.s32 s20, $0xD;
	[tilespmem:s24+$0x20] =	vst v63  }
.Ltmp1:
0x5a: {  	s21 =	sadd.s32 $0x800, s21;
	[tilespmem:s24+$0xFFFFFFD0] =	vst v0;
	(pc) =	sbr.rel @p1 .LBB2_2-.Ltmp1, $4  }
0x5b: {  	[spmem:s2] =	stream.indirect.scatter.add.f32 [tilespmem:s23], [sflag:$0x2], $0x80, s21, s12, $0xb8;
	[tilespmem:$0x13400] =	vst v63  }
0x5c: {  	_ =	swait.ge [sflag:s11], $0x4000  }
0x5d: {  	[sflag:s11] =	ssyncset.done $0x0  }
0x5e: {  	p0 =	por !p0, !p0;
	[sflag:s11] =	ssyncadd.s32 $0xFFFFC000  }
0x5f: {  	s19 =	sadd.s32 $0x1, s19  }
0x60: {  	p0 =	sne.s32 s19, s10  }
.Ltmp2:
0x61: {  	[bflag:$0x0] =	sbarrier.arrive $0xFFFF;
	(pc) =	sbr.rel @p0 .LBB2_1-.Ltmp2, $4  }
0x62: {  	[hbm:s9], [sflag:s16] =	dma.local [spmem:s17], $0x1380  }
0x63: {  	_ =	swait.ge [sflag:s11], $0x1380  }
0x64: {  	[sflag:s11] =	ssyncset.done $0x0  }
0x65: {  	[sflag:s11] =	ssyncadd.s32 $0xFFFFEC80  }
0x66: {  	_ =	sfence.sel $0x180000  }
0x67: {  	[bflag:$0x0] =	sbarrier.arrive $0xFFFF  }
0x68: {  	p0 =	sne.s32 s3, $0x0;
	_ =	strace $0x9000004A  }
0x69: {  	s0 =	sadd.s32 @!p0 $0x100000, s0;
	[bflag:$0x2] =	sbarrier.arrive $0xFFFF  }
0x6a: {  	[sflag:s0] =	ssyncadd.tile.s32 @!p0 $0x1;
	_ =	shalt  }
.Lfunc_end2:
_tile_overlayer_lowered:
.L_overlay_start_2:
0x6b: {  	(tag) =	ssettag $0x2  }
0x6c: {  	s0 =	rddreg [dreg:$0x0];
	s2 =	stileid.u32  }
0x6d: {  	s1 =	rddreg [dreg:$0x1];
	p0 =	sne.s32 s2, $0x0  }
0x6e: {  	s3 =	rddreg [dreg:$0x2];
	[bflag:$0x3] =	sbarrier.arrive $0xFFFF;
	s2 =	simm.s32 @!p0 $0x1C02  }
0x6f: {  	[timem:s3], [sflag:s2] =	dma.local @!p0 [hbm:s0], s1  }
0x70: {  	s0 =	simm.s32 @!p0 $0x2  }
0x71: {  	_ =	swait.ge @!p0 [sflag:s0], s1  }
0x72: {  	s1 =	ssub.s32 @!p0 $0x0, s1;
	[sflag:s0] =	ssyncset.done @!p0 $0x0  }
0x73: {  	[sflag:s0] =	ssyncadd.s32 @!p0 s1  }
0x74: {  	[bflag:$0x3] =	sbarrier.arrive $0xFFFF  }
0x75: {  	_ =	shalt  }

// kernel: kernel.22.cloned.1.call-start
scs
__scs_entry_jumppad:
0x0: {  	(pc) =	sbr.rel $0x88, $3  }
0x1: {  	(tag) =	ssettag $0x0;
	lr =	simm.s32 $0x1  }
0x2: {  	[smem:$0x3F96] =	sst lr;
	_ =	strace $0xD0000000  }
0x3: {  	_ = 	snop  }
0x4: {  	_ = 	snop  }
0x5: {  	_ = 	snop  }
0x6: {  	_ = 	snop  }
0x7: {  	_ = 	snop  }
__scs_overlays_trampoline_lowered:
0x8: {  	[smem:$0x3FA5] =	sst s0  }
0x9: {  	[smem:$0x3FA6] =	sst s1  }
0xa: {  	[smem:$0x3FA7] =	sst s2  }
0xb: {  	[smem:$0x3FA8] =	sst s3  }
0xc: {  	[smem:$0x3FA9] =	sst s4  }
0xd: {  	[smem:$0x3FAA] =	sst s5  }
0xe: {  	[smem:$0x3FAB] =	sst s6  }
0xf: {  	[smem:$0x3FAC] =	sst s7  }
0x10: {  	[smem:$0x3FAD] =	sst s8  }
0x11: {  	[smem:$0x3FAE] =	sst s9;
	s0 =	simm.s32 @!p0 $0x0  }
0x12: {  	s1 =	sld [smem:$0x3F94];
	s0 =	simm.s32 @p0 $0x1  }
0x13: {  	[smem:$0x3FAF] =	sst s0;
	s0 =	simm.s32 @!p1 $0x0  }
0x14: {  	s2 =	sld [smem:$0x3F93];
	s0 =	simm.s32 @p1 $0x1  }
0x15: {  	[smem:$0x3FB0] =	sst s0;
	s0 =	simm.s32 @!p2 $0x0  }
0x16: {  	s3 =	sld [smem:$0x3FDB];
	s0 =	simm.s32 @p2 $0x1  }
0x17: {  	s4 =	simm.s32 $0x1BF5;
	[smem:$0x3FB2] =	sst s0  }
0x18: {  	s0 =	sld [smem:$0x3F95];
	_ =	swait.ge [sflag:s4], $0x0  }
0x19: {  	s7 =	sld [smem:$0x3F96]  }
0x1a: {  	s8 =	sadd.s32 $0xFFFFE003, lr  }
0x1b: {  	s9 =	sadd.s32 $0xFFFFFEF7, lr;
	s5 =	simm.s32 $0xFFFFFFFF;
	p2 =	slt.u32 s8, $0xFFFFF086  }
0x1c: {  	p1 =	slt.u32 s9, $0xF7A;
	s5 =	simm.s32 @!p2 $0x0  }
0x1d: {  	s5 =	simm.s32 @p1 $0x1;
	p0 =	seq.s32 s7, s2  }
0x1e: {  	s7 =	smul.u32 @!p0 $0xF7A, s2;
	p2 =	seq.s32 @!p0 s5, $0x0  }
0x1f: {  	s9 =	smul.u32 $0xF7A, s1;
	s8 =	simm.s32 @!p0 $0x1BF5;
	p2 =	por !p2, p0  }
0x20: {  	[sflag:s8] =	ssyncset.s32 @!p0 $0xFFFFF086;
	s6 =	sadd.s32 @!p0 s3, s7;
	s7 =	simm.s32 @!p0 $0x108  }
0x21: {  	s3 =	sadd.s32 s3, s9;
	s6 =	sadd.s32 @!p0 $0x88, s6;
	s7 =	simm.s32 @p2 $0x1082  }
0x22: {  	[simem:s7], [sflag:s8] =	dma.local @!p0 [hbm:s6], $0xF7A  }
0x23: {  	s9 =	sor.u32 $0xD0000000, s2;
	s6 =	simm.s32 $0x108;
	_ =	swait.ge @!p0 [sflag:s8], $0x0  }
0x24: {  	s3 =	sadd.s32 $0x88, s3;
	s6 =	simm.s32 @!p1 $0x1082;
	[sflag:s4] =	ssyncset.s32 $0xFFFFF086  }
0x25: {  	[simem:s6], [sflag:s4] =	dma.local [hbm:s3], $0xF7A  }
0x26: {  	[smem:$0x3F96] =	sst s1;
	(tag) =	ssettag s2;
	_ =	strace s9  }
0x27: {  	s1 =	sld [smem:$0x3FA6]  }
0x28: {  	s2 =	sld [smem:$0x3FA7]  }
0x29: {  	s4 =	sld [smem:$0x3FA9]  }
0x2a: {  	p0 =	seq.s32 s5, $0x0;
	s5 =	sld [smem:$0x3FAA]  }
0x2b: {  	s6 =	sld [smem:$0x3FAB]  }
0x2c: {  	s7 =	sld [smem:$0x3FAC]  }
0x2d: {  	s3 =	simm.s32 $0x108;
	s8 =	sld [smem:$0x3FAD]  }
0x2e: {  	s3 =	simm.s32 @!p0 $0x1082;
	s9 =	sld [smem:$0x3FAE]  }
0x2f: {  	lr =	sadd.s32 s0, s3;
	s0 =	sld [smem:$0x3FA5]  }
0x30: {  	s3 =	sld [smem:$0x3FA8]  }
0x31: {  	[smem:$0x3FB1] =	sst s10  }
0x32: {  	s10 =	sld [smem:$0x3FAF];
	_ =	sdelay $0x3  }
0x33: {  	p0 =	seq.s32 s10, $0x1;
	s10 =	sld [smem:$0x3FB1];
	_ =	sdelay $0x3  }
0x34: {  	[smem:$0x3FB1] =	sst s10  }
0x35: {  	s10 =	sld [smem:$0x3FB0];
	_ =	sdelay $0x3  }
0x36: {  	p1 =	seq.s32 s10, $0x1;
	s10 =	sld [smem:$0x3FB1];
	_ =	sdelay $0x3  }
0x37: {  	[smem:$0x3FB1] =	sst s10  }
0x38: {  	s10 =	sld [smem:$0x3FB2]  }
0x39: {  	_ = 	snop;
	(pc) =	sbr.ind lr, $3  }
0x3a: {  	_ = 	snop  }
0x3b: {  	_ = 	snop  }
0x3c: {  	p2 =	seq.s32 s10, $0x1;
	s10 =	sld [smem:$0x3FB1]  }
0x3d: {  	_ =	shalt  }
0x3e: {  	_ =	shalt  }
0x3f: {  	_ =	shalt  }
0x40: {  	_ =	shalt  }
0x41: {  	_ =	shalt  }
0x42: {  	_ =	shalt  }
0x43: {  	_ =	shalt  }
0x44: {  	_ =	shalt  }
0x45: {  	_ =	shalt  }
0x46: {  	_ =	shalt  }
0x47: {  	_ =	shalt  }
0x48: {  	_ =	shalt  }
0x49: {  	_ =	shalt  }
0x4a: {  	_ =	shalt  }
0x4b: {  	_ =	shalt  }
0x4c: {  	_ =	shalt  }
0x4d: {  	_ =	shalt  }
0x4e: {  	_ =	shalt  }
0x4f: {  	_ =	shalt  }
0x50: {  	_ =	shalt  }
0x51: {  	_ =	shalt  }
0x52: {  	_ =	shalt  }
0x53: {  	_ =	shalt  }
0x54: {  	_ =	shalt  }
0x55: {  	_ =	shalt  }
0x56: {  	_ =	shalt  }
0x57: {  	_ =	shalt  }
0x58: {  	_ =	shalt  }
0x59: {  	_ =	shalt  }
0x5a: {  	_ =	shalt  }
0x5b: {  	_ =	shalt  }
0x5c: {  	_ =	shalt  }
0x5d: {  	_ =	shalt  }
0x5e: {  	_ =	shalt  }
0x5f: {  	_ =	shalt  }
0x60: {  	_ =	shalt  }
0x61: {  	_ =	shalt  }
0x62: {  	_ =	shalt  }
0x63: {  	_ =	shalt  }
0x64: {  	_ =	shalt  }
0x65: {  	_ =	shalt  }
0x66: {  	_ =	shalt  }
0x67: {  	_ =	shalt  }
0x68: {  	_ =	shalt  }
0x69: {  	_ =	shalt  }
0x6a: {  	_ =	shalt  }
0x6b: {  	_ =	shalt  }
0x6c: {  	_ =	shalt  }
0x6d: {  	_ =	shalt  }
0x6e: {  	_ =	shalt  }
0x6f: {  	_ =	shalt  }
0x70: {  	_ =	shalt  }
0x71: {  	_ =	shalt  }
0x72: {  	_ =	shalt  }
0x73: {  	_ =	shalt  }
0x74: {  	_ =	shalt  }
0x75: {  	_ =	shalt  }
0x76: {  	_ =	shalt  }
0x77: {  	_ =	shalt  }
0x78: {  	_ =	shalt  }
0x79: {  	_ =	shalt  }
0x7a: {  	_ =	shalt  }
0x7b: {  	_ =	shalt  }
0x7c: {  	_ =	shalt  }
0x7d: {  	_ =	shalt  }
0x7e: {  	_ =	shalt  }
0x7f: {  	_ =	shalt  }
0x80: {  	_ =	shalt  }
0x81: {  	_ =	shalt  }
0x82: {  	_ =	shalt  }
0x83: {  	_ =	shalt  }
0x84: {  	_ =	shalt  }
0x85: {  	_ =	shalt  }
0x86: {  	_ =	shalt  }
0x87: {  	_ =	shalt  }
.Lfunc_end0:
.L_simem_size_0:
called_computation.2_lowered:
.L_overlay_start_0:
0x88: {  	s2 =	sld [smem:$0x3FD9]  }
0x89: {  	s3 =	sld [smem:$0x3FFE];
	_ =	sdelay $0x1  }
0x8a: {  	s1 =	srdreg.scid  }
0x8b: {  	s0 =	sand.u32 $0x1, s1  }
0x8c: {  	s17 =	sshll.u32 s0, $0xA;
	s2 =	sadd.s32 s3, s2  }
0x8d: {  	s2 =	sadd.s32 s2, s17  }
0x8e: {  	[smem:$0x3FBD] =	sst s2  }
0x8f: {  	_ = 	snop  }
0x90: {  	s2 =	sld [smem:$0x3FD0];
	(tm) =	ssettm $0x1  }
0x91: {  	s18 =	sld [smem:$0x3FFB];
	_ =	sdelay $0x3  }
0x92: {  	_ =	strace s18  }
0x93: {  	s3 =	sld [smem:$0x3FFC];
	_ =	sdelay $0x3  }
0x94: {  	_ =	strace s3  }
0x95: {  	s3 =	sld [smem:$0x3FFD];
	_ =	sdelay $0x3  }
0x96: {  	_ =	strace s3  }
0x97: {  	_ =	strace $0x8FFFFFFF  }
0x98: {  	s19 =	sld [smem:$0x3FDB];
	_ =	sdelay $0x1  }
0x99: {  	s4 =	simm.s32 $_scs_section_size  }
0x9a: {  	s5 =	simm.s32 $_size__tile_overlayer_lowered;
	s6 =	simm.s32 $_tile_overlayer_lowered  }
0x9b: {  	s22 =	simm.s32 $0x1BFF;
	s21 =	sshll.u32 s6, $0x1;
	s3 =	sadd.s32 s4, s19  }
0x9c: {  	s7 =	simm.s32 $0x0;
	s20 =	sshll.u32 s5, $0x1;
	s5 =	sadd.s32 s21, s3  }
0x9d: {  	[timem:s7], [sflag:s22] =	dma.local [hbm:s5], s20  }
0x9e: {  	_ =	swait.ge [sflag:s22], s20  }
0x9f: {  	s4 =	ssub.s32 $0x0, s20;
	[sflag:s22] =	ssyncset.done $0x0  }
0xa0: {  	[sflag:s22] =	ssyncadd.s32 s4;
	_ =	sdelay $0x1  }
0xa1: {  	s23 =	simm.s32 $0x1B8B  }
0xa2: {  	_ =	swait.ge [sflag:s23], $0x1  }
0xa3: {  	[sflag:s23] =	ssyncset.done $0x0  }
0xa4: {  	s25 =	simm.s32 $0x1B8E;
	s24 =	sld [smem:$0x3FFE];
	[sflag:s23] =	ssyncadd.s32 $0xFFFFFFFF  }
0xa5: {  	s26 =	simm.s32 $execute0_lowered;
	[smem:$0x3FD2] =	sst s25  }
0xa6: {  	s5 =	sshll.u32 s26, $0x1;
	_ =	strace $0x8000004C;
	[dreg:$0x1] =	wrdreg $0xFFFFFFFF  }
0xa7: {  	s28 =	simm.s32 $_size_execute0_lowered;
	s3 =	sadd.s32 s3, s5;
	[dreg:$0x0] =	wrdreg $0x0  }
0xa8: {  	s5 =	sshll.u32 s28, $0x1;
	[dreg:$0x2] =	wrdreg s3  }
0xa9: {  	[dreg:$0x3] =	wrdreg s5  }
0xaa: {  	[dreg:$0x4] =	wrdreg $0xC0  }
0xab: {  	_ =	task [dreg:s7], $0x5FFFF  }
0xac: {  	[dreg:$0x1] =	wrdreg $0xFFFFFFFF  }
0xad: {  	[dreg:$0x0] =	wrdreg $0x60  }
0xae: {  	[dreg:$0x2] =	wrdreg s24  }
0xaf: {  	[dreg:$0x3] =	wrdreg s2  }
0xb0: {  	[dreg:$0x4] =	wrdreg $0x98000  }
0xb1: {  	[dreg:$0x5] =	wrdreg $0x9  }
0xb2: {  	_ =	task.clear_ibuf [dreg:s7], $0x6FFFF;
	_ =	strace $0x9000004C  }
0xb3: {  	s29 =	simm.s32 $0x9;
	_ =	strace $0x8000004E  }
0xb4: {  	_ =	swait.ge [sflag:s29], $0x1  }
0xb5: {  	[sflag:s29] =	ssyncadd.s32 $0xFFFFFFFF  }
0xb6: {  	_ =	strace $0x9000004E  }
0xb7: {  	_ =	sfence  }
0xb8: {  	s30 =	sld [smem:$0x0];
	_ =	sdelay $0x2  }
0xb9: {  	s31 =	sshll.u32 s1, $0xD;
	s1 =	sshrl.u32 s1, $0x2  }
0xba: {  	s3 =	sand.u32 $0x4000, s31;
	s1 =	sadd.s32 s1, s30  }
0xbb: {  	s0 =	sor.u32 s3, s0;
	s1 =	sshll.u32 s1, $0x11  }
0xbc: {  	s0 =	sor.u32 s1, s0  }
0xbd: {  	s0 =	sadd.s32 $0x8F2B, s0  }
0xbe: {  	[sflag:s0] =	ssyncadd.remote.s32 $0x1  }
0xbf: {  	_ =	sfence.sel $0xFFFF  }
0xc0: {  	[dreg:$0x0] =	wrdreg $0xFFFFFFFF;
	(pc) =	sbr.abs _section_cstart, $3  }
0xc1: {  	[dreg:$0x1] =	wrdreg $0xFFFFFFFF  }
0xc2: {  	_ =	task.clear_ibuf [dreg:s7], $0x2FFFF;
	_ =	strace $0x9FFFFFFF  }
0xc3: {  	(tm) =	ssettm $0x7FFFFFFF  }
tec
execute0_lowered:
.L_overlay_start_1:
0x0: {  	(tag) =	ssettag $0x1  }
0x1: {  	s5 =	rddreg [dreg:$0x0]  }
0x2: {  	s9 =	rddreg [dreg:$0x1]  }
0x3: {  	s1 =	rddreg [dreg:$0x2]  }
0x4: {  	s0 =	rddreg [dreg:$0x3];
	s2 =	simm.s32 $0x0  }
0x5: {  	s6 =	srdreg.scid;
	s3 =	stileid.u32;
	s15 =	simm.s32 $0x1000  }
0x6: {  	s18 =	simm.s32 $0x1;
	s19 =	simm.s32 $0x0;
	[smem:$0x7FF] =	sst s2  }
0x7: {  	s4 =	sadd.s32 $0x24600, s5;
	s6 =	sand.u32 $0x1, s6;
	s10 =	smul.u32 $0x14000, s3  }
0x8: {  	s7 =	sshll.u32 s3, $0x9;
	s13 =	smul.u32 $0x5000, s3;
	s16 =	sshll.u32 s3, $0x6  }
0x9: {  	_ =	strace $0x8000004D;
	s8 =	sshll.u32 s6, $0x8;
	s29 =	ssub.s32 $0x2, s6  }
0xa: {  	s11 =	smul.u32 $0x50000, s6;
	s16 =	sor.u32 $0x1C02, s16;
	s7 =	sor.u32 s8, s7  }
0xb: {  	s30 =	sshrl.u32 s29, $0x1;
	s10 =	sshrl.u32 s10, $0x2;
	s12 =	sadd.s32 s7, s5  }
0xc: {  	s5 =	sadd.s32 $0x22600, s5;
	s14 =	ssub.s32 s29, s30;
	s11 =	sadd.s32 s13, s11  }
0xd: {  	s17 =	sadd.s32 s10, s1;
	s13 =	simm.s32 $0x1800;
	s6 =	sadd.s32 $0x20600, s12  }
0xe: {  	s7 =	sadd.s32 $0x1E600, s12;
	s8 =	sadd.s32 $0x1C600, s12;
	s31 =	sshrl.u32 s11, $0x3  }
0xf: {  	s10 =	smax.u32 s14, $0x1;
	s11 =	simm.s32 $0x2;
	s12 =	simm.s32 $0x80  }
0x10: {  	s14 =	simm.s32 $0x800;
	s17 =	sshrl.u32 s17, $0x3;
	s9 =	sadd.s32 s9, s31  }
.LBB2_1:
0x11: {  	[tilespmem:s2], [sflag:$0x2] =	stream.linear.gather [hbm4b:s6+s2], $0x680, $0x38;
	[tilespmem:$0xE800] =	vst v63  }
0x12: {  	_ =	swait.ge [sflag:s11], $0x680  }
0x13: {  	[sflag:s11] =	ssyncset.done $0x0  }
0x14: {  	[sflag:s11] =	ssyncadd.s32 $0xFFFFF980  }
0x15: {  	[tilespmem:s13], [sflag:$0x1] =	stream.indirect.gather [hbm4b:s4+s12], $0x80, s2, s12, $0xb8;
	[tilespmem:$0xE800] =	vst v63  }
0x16: {  	_ = 	snop  }
0x17: {  	[tilespmem:s14], [sflag:$0x2] =	stream.linear.gather [hbm4b:s7+s2], $0x680, $0x38;
	[tilespmem:$0xE800] =	vst v63  }
0x18: {  	_ =	swait.ge [sflag:s11], $0x680  }
0x19: {  	[sflag:s11] =	ssyncset.done $0x0  }
0x1a: {  	[sflag:s11] =	ssyncadd.s32 $0xFFFFF980  }
0x1b: {  	[tilespmem:s15], [sflag:$0x2] =	stream.linear.gather [hbm4b:s8+s2], $0x680, $0x38;
	[tilespmem:$0xE800] =	vst v63  }
0x1c: {  	_ =	swait.ge [sflag:s11], $0x680  }
0x1d: {  	[sflag:s11] =	ssyncset.done $0x0  }
0x1e: {  	[sflag:s11] =	ssyncadd.s32 $0xFFFFF980  }
0x1f: {  	[spmem:s17], [sflag:s16] =	dma.local [hbm:s5], $0xA00  }
0x20: {  	_ =	swait.ge [sflag:s11], $0xA00  }
0x21: {  	[sflag:s11] =	ssyncset.done $0x0  }
0x22: {  	[sflag:s11] =	ssyncadd.s32 $0xFFFFF600  }
0x23: {  	p0 =	por $0x0, $0x0;
	s20 =	simm.s32 $0x0;
	[bflag:$0x0] =	sbarrier.arrive $0xFFFF  }
.LBB2_2:
0x24: {  	s21 =	simm.s32 $0x1  }
0x25: {  	s23 =	smov.u32 s20;
	s29 =	simm.s32 $0x0;
	s21 =	simm.s32 @!p0 $0x0  }
0x26: {  	_ =	swait.ge [sflag:s18], $0x4000;
	v1 =	vmov s29;
	s22 =	sshll.u32 s21, $0xE;
	s21 =	sshll.u32 s23, $0x7  }
0x27: {  	s24 =	sand.u32 $0x1, s23;
	[sflag:s18] =	ssyncset.done $0x0;
	v1 =	vand.u32 $0x7F, v1;
	v0 =	vmov s21  }
0x28: {  	s20 =	sadd.s32 $0x1, s23;
	p1 =	seq.s32 s23, $0xC;
	[sflag:s18] =	ssyncadd.s32 $0xFFFFC000;
	v1 =	vadd.s32 v0, v1  }
0x29: {  	s23 =	sshll.u32 @!p1 s24, $0xE;
	s25 =	sshll.u32 @!p1 s20, $0x7;
	s26 =	simm.s32 @!p1 $0x80;
	v1 =	vbroadcast v1, $0x0  }
0x2a: {  	s22 =	sor.u32 $0x1840, s22;
	s23 =	sxor.u32 @!p1 $0x5800, s23;
	s25 =	sand.u32 @!p1 $0x3FFFFF80, s25  }
0x2b: {  	[tilespmem:s23], [sflag:$0x1] =	stream.indirect.gather @!p1 [hbm4b:s4+s26], $0x80, s25, s26, $0xb8;
	[tilespmem:$0xE800] =	vst v63  }
0x2c: {  	v5 =	vld [tilespmem:s22+$0x30]  }
0x2d: {  	v8 =	vld [tilespmem:s22+$0x10]  }
0x2e: {  	v6 =	vld [tilespmem:s22+$0xFFFFFFC0]  }
0x2f: {  	v2 =	vld.idx.msk [tilespmem:v1+s15+$0x0], $0xffff  }
0x30: {  	v11 =	vld [tilespmem:s22+$0xFFFFFFE0]  }
0x31: {  	v3 =	vld [tilespmem:s22+$0x20]  }
0x32: {  	v4 =	vld [tilespmem:s22+$0xFFFFFFD0]  }
0x33: {  	v1 =	vld [tilespmem:s22+$0xFFFFFFF0]  }
0x34: {  	v9 =	vmul.f32 v5, v2;
	v5 =	vld [tilespmem:s22+$0x0]  }
0x35: {  	s31 =	simm.s32 $0x1;
	s30 =	sshll.u32 s24, $0xE;
	v7 =	vmul.f32 v6, v2  }
0x36: {  	v10 =	vmov s31;
	s23 =	sor.u32 $0x1800, s30;
	s25 =	simm.s32 $0x2;
	s24 =	smov.u32 s22;
	v6 =	vmul.f32 v11, v2;
	v8 =	vmul.f32 v8, v2  }
.LBB2_3:
0x37: {  	p1 =	sne.s32 s25, $0x7F  }
0x38: {  	v10 =	vand.u32 $0x7F, v10;
	v4 =	vmul.f32 v4, v2;
	v3 =	vmul.f32 v3, v2;
	[tilespmem:s22+$0x30] =	vst v9;
	s24 =	sadd.s32 $0x80, s24;
	s26 =	smov.u32 s25;
	s25 =	sadd.s32 $0x1, s25  }
0x39: {  	v9 =	vadd.s32 v0, v10;
	[tilespmem:s22+$0xFFFFFFC0] =	vst v7;
	v7 =	vmul.f32 v1, v2;
	v2 =	vmul.f32 v5, v2  }
0x3a: {  	v5 =	vbroadcast v9, $0x0;
	[tilespmem:s22+$0x10] =	vst v8  }
0x3b: {  	[tilespmem:s22+$0xFFFFFFE0] =	vst v6  }
0x3c: {  	v1 =	vld [tilespmem:s24+$0xFFFFFFF0];
	[tilespmem:s22+$0xFFFFFFF0] =	vst v7  }
0x3d: {  	v6 =	vld [tilespmem:s24+$0x30];
	[tilespmem:s22+$0x0] =	vst v2  }
0x3e: {  	v8 =	vld [tilespmem:s24+$0x10];
	[tilespmem:s22+$0x20] =	vst v3  }
0x3f: {  	v7 =	vld [tilespmem:s24+$0xFFFFFFC0];
	[tilespmem:s22+$0xFFFFFFD0] =	vst v4;
	s22 =	smov.u32 s24  }
0x40: {  	v2 =	vld.idx.msk [tilespmem:v5+s15+$0x0], $0xffff  }
0x41: {  	v11 =	vld [tilespmem:s24+$0xFFFFFFE0]  }
0x42: {  	v3 =	vld [tilespmem:s24+$0x20]  }
.Ltmp0:
0x43: {  	v4 =	vld [tilespmem:s24+$0xFFFFFFD0];
	(pc) =	sbr.rel @p1 .LBB2_3-.Ltmp0, $3  }
0x44: {  	v5 =	vld [tilespmem:s24+$0x0];
	_ =	sdelay $0x1  }
0x45: {  	v7 =	vmul.f32 v7, v2;
	v9 =	vmul.f32 v6, v2  }
0x46: {  	v10 =	vmov s26;
	v8 =	vmul.f32 v8, v2;
	v6 =	vmul.f32 v11, v2  }
0x47: {  	[tilespmem:s22+$0x30] =	vst v9;
	v53 =	vand.u32 $0x7F, v10  }
0x48: {  	[tilespmem:s22+$0xFFFFFFC0] =	vst v7;
	v0 =	vadd.s32 v0, v53  }
0x49: {  	v1 =	vmul.f32 v1, v2;
	[tilespmem:s22+$0x10] =	vst v8;
	v0 =	vbroadcast v0, $0x0  }
0x4a: {  	s24 =	sadd.s32 $0x80, s24;
	[tilespmem:s22+$0xFFFFFFE0] =	vst v6;
	v5 =	vmul.f32 v5, v2  }
0x4b: {  	v55 =	vmul.f32 v4, v2;
	v6 =	vld [tilespmem:s24+$0xFFFFFFF0];
	[tilespmem:s22+$0xFFFFFFF0] =	vst v1  }
0x4c: {  	v3 =	vmul.f32 v3, v2;
	v54 =	vld [tilespmem:s24+$0x30];
	[tilespmem:s22+$0x0] =	vst v5  }
0x4d: {  	v57 =	vld [tilespmem:s24+$0xFFFFFFC0];
	[tilespmem:s22+$0xFFFFFFD0] =	vst v55  }
0x4e: {  	v56 =	vld [tilespmem:s24+$0x10];
	[tilespmem:s22+$0x20] =	vst v3  }
0x4f: {  	v0 =	vld.idx.msk [tilespmem:v0+s15+$0x0], $0xffff;
	_ =	sdelay $0x2  }
0x50: {  	v2 =	vld [tilespmem:s24+$0xFFFFFFE0];
	_ =	sdelay $0x1  }
0x51: {  	v5 =	vld [tilespmem:s24+$0x0];
	v1 =	vmul.f32 v54, v0  }
0x52: {  	v58 =	vld [tilespmem:s24+$0x20];
	v3 =	vmul.f32 v57, v0  }
0x53: {  	v59 =	vld [tilespmem:s24+$0xFFFFFFD0];
	v4 =	vmul.f32 v56, v0;
	[tilespmem:s24+$0x30] =	vst v1  }
0x54: {  	v60 =	vmul.f32 v2, v0;
	[tilespmem:s24+$0xFFFFFFC0] =	vst v3  }
0x55: {  	v61 =	vmul.f32 v6, v0;
	[tilespmem:s24+$0x10] =	vst v4  }
0x56: {  	v62 =	vmul.f32 v5, v0;
	[tilespmem:s24+$0xFFFFFFE0] =	vst v60  }
0x57: {  	v63 =	vmul.f32 v58, v0;
	[tilespmem:s24+$0xFFFFFFF0] =	vst v61  }
0x58: {  	v0 =	vmul.f32 v59, v0;
	[tilespmem:s24+$0x0] =	vst v62  }
0x59: {  	s21 =	sand.u32 $0x3FFFFF80, s21;
	p1 =	sne.s32 s20, $0xD;
	[tilespmem:s24+$0x20] =	vst v63  }
.Ltmp1:
0x5a: {  	s21 =	sadd.s32 $0x800, s21;
	[tilespmem:s24+$0xFFFFFFD0] =	vst v0;
	(pc) =	sbr.rel @p1 .LBB2_2-.Ltmp1, $4  }
0x5b: {  	[spmem:s1] =	stream.indirect.scatter.add.f32 [tilespmem:s23], [sflag:$0x2], $0x80, s21, s12, $0xb8;
	[tilespmem:$0xE800] =	vst v63  }
0x5c: {  	_ =	swait.ge [sflag:s11], $0x4000  }
0x5d: {  	[sflag:s11] =	ssyncset.done $0x0  }
0x5e: {  	p0 =	por !p0, !p0;
	[sflag:s11] =	ssyncadd.s32 $0xFFFFC000  }
0x5f: {  	s19 =	sadd.s32 $0x1, s19  }
0x60: {  	p0 =	sne.s32 s19, s10  }
.Ltmp2:
0x61: {  	[bflag:$0x0] =	sbarrier.arrive $0xFFFF;
	(pc) =	sbr.rel @p0 .LBB2_1-.Ltmp2, $4  }
0x62: {  	[hbm:s9], [sflag:s16] =	dma.local [spmem:s17], $0xA00  }
0x63: {  	_ =	swait.ge [sflag:s11], $0xA00  }
0x64: {  	[sflag:s11] =	ssyncset.done $0x0  }
0x65: {  	[sflag:s11] =	ssyncadd.s32 $0xFFFFF600  }
0x66: {  	_ =	sfence.sel $0x180000  }
0x67: {  	[bflag:$0x0] =	sbarrier.arrive $0xFFFF  }
0x68: {  	p0 =	sne.s32 s3, $0x0;
	_ =	strace $0x9000004D  }
0x69: {  	s0 =	sadd.s32 @!p0 $0x100000, s0;
	[bflag:$0x2] =	sbarrier.arrive $0xFFFF  }
0x6a: {  	[sflag:s0] =	ssyncadd.tile.s32 @!p0 $0x1;
	_ =	shalt  }
.Lfunc_end2:
_tile_overlayer_lowered:
.L_overlay_start_2:
0x6b: {  	(tag) =	ssettag $0x2  }
0x6c: {  	s0 =	rddreg [dreg:$0x0];
	s2 =	stileid.u32  }
0x6d: {  	s1 =	rddreg [dreg:$0x1];
	p0 =	sne.s32 s2, $0x0  }
0x6e: {  	s3 =	rddreg [dreg:$0x2];
	[bflag:$0x3] =	sbarrier.arrive $0xFFFF;
	s2 =	simm.s32 @!p0 $0x1C02  }
0x6f: {  	[timem:s3], [sflag:s2] =	dma.local @!p0 [hbm:s0], s1  }
0x70: {  	s0 =	simm.s32 @!p0 $0x2  }
0x71: {  	_ =	swait.ge @!p0 [sflag:s0], s1  }
0x72: {  	s1 =	ssub.s32 @!p0 $0x0, s1;
	[sflag:s0] =	ssyncset.done @!p0 $0x0  }
0x73: {  	[sflag:s0] =	ssyncadd.s32 @!p0 s1  }
0x74: {  	[bflag:$0x3] =	sbarrier.arrive $0xFFFF  }
0x75: {  	_ =	shalt  }

// kernel: kernel.25.cloned.1.call-start
scs
__scs_entry_jumppad:
0x0: {  	(pc) =	sbr.rel $0x88, $3  }
0x1: {  	(tag) =	ssettag $0x0;
	lr =	simm.s32 $0x1  }
0x2: {  	[smem:$0x3F96] =	sst lr;
	_ =	strace $0xD0000000  }
0x3: {  	_ = 	snop  }
0x4: {  	_ = 	snop  }
0x5: {  	_ = 	snop  }
0x6: {  	_ = 	snop  }
0x7: {  	_ = 	snop  }
__scs_overlays_trampoline_lowered:
0x8: {  	[smem:$0x3FA5] =	sst s0  }
0x9: {  	[smem:$0x3FA6] =	sst s1  }
0xa: {  	[smem:$0x3FA7] =	sst s2  }
0xb: {  	[smem:$0x3FA8] =	sst s3  }
0xc: {  	[smem:$0x3FA9] =	sst s4  }
0xd: {  	[smem:$0x3FAA] =	sst s5  }
0xe: {  	[smem:$0x3FAB] =	sst s6  }
0xf: {  	[smem:$0x3FAC] =	sst s7  }
0x10: {  	[smem:$0x3FAD] =	sst s8  }
0x11: {  	[smem:$0x3FAE] =	sst s9;
	s0 =	simm.s32 @!p0 $0x0  }
0x12: {  	s1 =	sld [smem:$0x3F94];
	s0 =	simm.s32 @p0 $0x1  }
0x13: {  	[smem:$0x3FAF] =	sst s0;
	s0 =	simm.s32 @!p1 $0x0  }
0x14: {  	s2 =	sld [smem:$0x3F93];
	s0 =	simm.s32 @p1 $0x1  }
0x15: {  	[smem:$0x3FB0] =	sst s0;
	s0 =	simm.s32 @!p2 $0x0  }
0x16: {  	s3 =	sld [smem:$0x3FDB];
	s0 =	simm.s32 @p2 $0x1  }
0x17: {  	s4 =	simm.s32 $0x1BF5;
	[smem:$0x3FB2] =	sst s0  }
0x18: {  	s0 =	sld [smem:$0x3F95];
	_ =	swait.ge [sflag:s4], $0x0  }
0x19: {  	s7 =	sld [smem:$0x3F96]  }
0x1a: {  	s8 =	sadd.s32 $0xFFFFE003, lr  }
0x1b: {  	s9 =	sadd.s32 $0xFFFFFEF7, lr;
	s5 =	simm.s32 $0xFFFFFFFF;
	p2 =	slt.u32 s8, $0xFFFFF086  }
0x1c: {  	p1 =	slt.u32 s9, $0xF7A;
	s5 =	simm.s32 @!p2 $0x0  }
0x1d: {  	s5 =	simm.s32 @p1 $0x1;
	p0 =	seq.s32 s7, s2  }
0x1e: {  	s7 =	smul.u32 @!p0 $0xF7A, s2;
	p2 =	seq.s32 @!p0 s5, $0x0  }
0x1f: {  	s9 =	smul.u32 $0xF7A, s1;
	s8 =	simm.s32 @!p0 $0x1BF5;
	p2 =	por !p2, p0  }
0x20: {  	[sflag:s8] =	ssyncset.s32 @!p0 $0xFFFFF086;
	s6 =	sadd.s32 @!p0 s3, s7;
	s7 =	simm.s32 @!p0 $0x108  }
0x21: {  	s3 =	sadd.s32 s3, s9;
	s6 =	sadd.s32 @!p0 $0x88, s6;
	s7 =	simm.s32 @p2 $0x1082  }
0x22: {  	[simem:s7], [sflag:s8] =	dma.local @!p0 [hbm:s6], $0xF7A  }
0x23: {  	s9 =	sor.u32 $0xD0000000, s2;
	s6 =	simm.s32 $0x108;
	_ =	swait.ge @!p0 [sflag:s8], $0x0  }
0x24: {  	s3 =	sadd.s32 $0x88, s3;
	s6 =	simm.s32 @!p1 $0x1082;
	[sflag:s4] =	ssyncset.s32 $0xFFFFF086  }
0x25: {  	[simem:s6], [sflag:s4] =	dma.local [hbm:s3], $0xF7A  }
0x26: {  	[smem:$0x3F96] =	sst s1;
	(tag) =	ssettag s2;
	_ =	strace s9  }
0x27: {  	s1 =	sld [smem:$0x3FA6]  }
0x28: {  	s2 =	sld [smem:$0x3FA7]  }
0x29: {  	s4 =	sld [smem:$0x3FA9]  }
0x2a: {  	p0 =	seq.s32 s5, $0x0;
	s5 =	sld [smem:$0x3FAA]  }
0x2b: {  	s6 =	sld [smem:$0x3FAB]  }
0x2c: {  	s7 =	sld [smem:$0x3FAC]  }
0x2d: {  	s3 =	simm.s32 $0x108;
	s8 =	sld [smem:$0x3FAD]  }
0x2e: {  	s3 =	simm.s32 @!p0 $0x1082;
	s9 =	sld [smem:$0x3FAE]  }
0x2f: {  	lr =	sadd.s32 s0, s3;
	s0 =	sld [smem:$0x3FA5]  }
0x30: {  	s3 =	sld [smem:$0x3FA8]  }
0x31: {  	[smem:$0x3FB1] =	sst s10  }
0x32: {  	s10 =	sld [smem:$0x3FAF];
	_ =	sdelay $0x3  }
0x33: {  	p0 =	seq.s32 s10, $0x1;
	s10 =	sld [smem:$0x3FB1];
	_ =	sdelay $0x3  }
0x34: {  	[smem:$0x3FB1] =	sst s10  }
0x35: {  	s10 =	sld [smem:$0x3FB0];
	_ =	sdelay $0x3  }
0x36: {  	p1 =	seq.s32 s10, $0x1;
	s10 =	sld [smem:$0x3FB1];
	_ =	sdelay $0x3  }
0x37: {  	[smem:$0x3FB1] =	sst s10  }
0x38: {  	s10 =	sld [smem:$0x3FB2]  }
0x39: {  	_ = 	snop;
	(pc) =	sbr.ind lr, $3  }
0x3a: {  	_ = 	snop  }
0x3b: {  	_ = 	snop  }
0x3c: {  	p2 =	seq.s32 s10, $0x1;
	s10 =	sld [smem:$0x3FB1]  }
0x3d: {  	_ =	shalt  }
0x3e: {  	_ =	shalt  }
0x3f: {  	_ =	shalt  }
0x40: {  	_ =	shalt  }
0x41: {  	_ =	shalt  }
0x42: {  	_ =	shalt  }
0x43: {  	_ =	shalt  }
0x44: {  	_ =	shalt  }
0x45: {  	_ =	shalt  }
0x46: {  	_ =	shalt  }
0x47: {  	_ =	shalt  }
0x48: {  	_ =	shalt  }
0x49: {  	_ =	shalt  }
0x4a: {  	_ =	shalt  }
0x4b: {  	_ =	shalt  }
0x4c: {  	_ =	shalt  }
0x4d: {  	_ =	shalt  }
0x4e: {  	_ =	shalt  }
0x4f: {  	_ =	shalt  }
0x50: {  	_ =	shalt  }
0x51: {  	_ =	shalt  }
0x52: {  	_ =	shalt  }
0x53: {  	_ =	shalt  }
0x54: {  	_ =	shalt  }
0x55: {  	_ =	shalt  }
0x56: {  	_ =	shalt  }
0x57: {  	_ =	shalt  }
0x58: {  	_ =	shalt  }
0x59: {  	_ =	shalt  }
0x5a: {  	_ =	shalt  }
0x5b: {  	_ =	shalt  }
0x5c: {  	_ =	shalt  }
0x5d: {  	_ =	shalt  }
0x5e: {  	_ =	shalt  }
0x5f: {  	_ =	shalt  }
0x60: {  	_ =	shalt  }
0x61: {  	_ =	shalt  }
0x62: {  	_ =	shalt  }
0x63: {  	_ =	shalt  }
0x64: {  	_ =	shalt  }
0x65: {  	_ =	shalt  }
0x66: {  	_ =	shalt  }
0x67: {  	_ =	shalt  }
0x68: {  	_ =	shalt  }
0x69: {  	_ =	shalt  }
0x6a: {  	_ =	shalt  }
0x6b: {  	_ =	shalt  }
0x6c: {  	_ =	shalt  }
0x6d: {  	_ =	shalt  }
0x6e: {  	_ =	shalt  }
0x6f: {  	_ =	shalt  }
0x70: {  	_ =	shalt  }
0x71: {  	_ =	shalt  }
0x72: {  	_ =	shalt  }
0x73: {  	_ =	shalt  }
0x74: {  	_ =	shalt  }
0x75: {  	_ =	shalt  }
0x76: {  	_ =	shalt  }
0x77: {  	_ =	shalt  }
0x78: {  	_ =	shalt  }
0x79: {  	_ =	shalt  }
0x7a: {  	_ =	shalt  }
0x7b: {  	_ =	shalt  }
0x7c: {  	_ =	shalt  }
0x7d: {  	_ =	shalt  }
0x7e: {  	_ =	shalt  }
0x7f: {  	_ =	shalt  }
0x80: {  	_ =	shalt  }
0x81: {  	_ =	shalt  }
0x82: {  	_ =	shalt  }
0x83: {  	_ =	shalt  }
0x84: {  	_ =	shalt  }
0x85: {  	_ =	shalt  }
0x86: {  	_ =	shalt  }
0x87: {  	_ =	shalt  }
.Lfunc_end0:
.L_simem_size_0:
called_computation.3_lowered:
.L_overlay_start_0:
0x88: {  	s2 =	sld [smem:$0x3FD9]  }
0x89: {  	s3 =	sld [smem:$0x3FFE];
	_ =	sdelay $0x1  }
0x8a: {  	s1 =	srdreg.scid  }
0x8b: {  	s0 =	sand.u32 $0x1, s1  }
0x8c: {  	s17 =	sshll.u32 s0, $0xA;
	s2 =	sadd.s32 s3, s2  }
0x8d: {  	s2 =	sadd.s32 s2, s17  }
0x8e: {  	[smem:$0x3FBD] =	sst s2  }
0x8f: {  	_ = 	snop  }
0x90: {  	s2 =	sld [smem:$0x3FD0];
	(tm) =	ssettm $0x1  }
0x91: {  	s18 =	sld [smem:$0x3FFB];
	_ =	sdelay $0x3  }
0x92: {  	_ =	strace s18  }
0x93: {  	s3 =	sld [smem:$0x3FFC];
	_ =	sdelay $0x3  }
0x94: {  	_ =	strace s3  }
0x95: {  	s3 =	sld [smem:$0x3FFD];
	_ =	sdelay $0x3  }
0x96: {  	_ =	strace s3  }
0x97: {  	_ =	strace $0x8FFFFFFF  }
0x98: {  	s19 =	sld [smem:$0x3FDB];
	_ =	sdelay $0x1  }
0x99: {  	s4 =	simm.s32 $_scs_section_size  }
0x9a: {  	s5 =	simm.s32 $_size__tile_overlayer_lowered;
	s6 =	simm.s32 $_tile_overlayer_lowered  }
0x9b: {  	s22 =	simm.s32 $0x1BFF;
	s21 =	sshll.u32 s6, $0x1;
	s3 =	sadd.s32 s4, s19  }
0x9c: {  	s7 =	simm.s32 $0x0;
	s20 =	sshll.u32 s5, $0x1;
	s5 =	sadd.s32 s21, s3  }
0x9d: {  	[timem:s7], [sflag:s22] =	dma.local [hbm:s5], s20  }
0x9e: {  	_ =	swait.ge [sflag:s22], s20  }
0x9f: {  	s4 =	ssub.s32 $0x0, s20;
	[sflag:s22] =	ssyncset.done $0x0  }
0xa0: {  	[sflag:s22] =	ssyncadd.s32 s4;
	_ =	sdelay $0x1  }
0xa1: {  	s23 =	simm.s32 $0x1B8B  }
0xa2: {  	_ =	swait.ge [sflag:s23], $0x1  }
0xa3: {  	[sflag:s23] =	ssyncset.done $0x0  }
0xa4: {  	s25 =	simm.s32 $0x1B8E;
	s24 =	sld [smem:$0x3FFE];
	[sflag:s23] =	ssyncadd.s32 $0xFFFFFFFF  }
0xa5: {  	s26 =	simm.s32 $execute0_lowered;
	[smem:$0x3FD2] =	sst s25  }
0xa6: {  	s5 =	sshll.u32 s26, $0x1;
	_ =	strace $0x8000004F;
	[dreg:$0x1] =	wrdreg $0xFFFFFFFF  }
0xa7: {  	s28 =	simm.s32 $_size_execute0_lowered;
	s3 =	sadd.s32 s3, s5;
	[dreg:$0x0] =	wrdreg $0x0  }
0xa8: {  	s5 =	sshll.u32 s28, $0x1;
	[dreg:$0x2] =	wrdreg s3  }
0xa9: {  	[dreg:$0x3] =	wrdreg s5  }
0xaa: {  	[dreg:$0x4] =	wrdreg $0xC0  }
0xab: {  	_ =	task [dreg:s7], $0x5FFFF  }
0xac: {  	[dreg:$0x1] =	wrdreg $0xFFFFFFFF  }
0xad: {  	[dreg:$0x0] =	wrdreg $0x60  }
0xae: {  	[dreg:$0x2] =	wrdreg s2  }
0xaf: {  	[dreg:$0x3] =	wrdreg s24  }
0xb0: {  	[dreg:$0x4] =	wrdreg $0x98000  }
0xb1: {  	[dreg:$0x5] =	wrdreg $0x9  }
0xb2: {  	_ =	task.clear_ibuf [dreg:s7], $0x6FFFF;
	_ =	strace $0x9000004F  }
0xb3: {  	s29 =	simm.s32 $0x9;
	_ =	strace $0x80000051  }
0xb4: {  	_ =	swait.ge [sflag:s29], $0x1  }
0xb5: {  	[sflag:s29] =	ssyncadd.s32 $0xFFFFFFFF  }
0xb6: {  	_ =	strace $0x90000051  }
0xb7: {  	_ =	sfence  }
0xb8: {  	s30 =	sld [smem:$0x0];
	_ =	sdelay $0x2  }
0xb9: {  	s31 =	sshll.u32 s1, $0xD;
	s1 =	sshrl.u32 s1, $0x2  }
0xba: {  	s3 =	sand.u32 $0x4000, s31;
	s1 =	sadd.s32 s1, s30  }
0xbb: {  	s0 =	sor.u32 s3, s0;
	s1 =	sshll.u32 s1, $0x11  }
0xbc: {  	s0 =	sor.u32 s1, s0  }
0xbd: {  	s0 =	sadd.s32 $0x8F2B, s0  }
0xbe: {  	[sflag:s0] =	ssyncadd.remote.s32 $0x1  }
0xbf: {  	_ =	sfence.sel $0xFFFF  }
0xc0: {  	[dreg:$0x0] =	wrdreg $0xFFFFFFFF;
	(pc) =	sbr.abs _section_cstart, $3  }
0xc1: {  	[dreg:$0x1] =	wrdreg $0xFFFFFFFF  }
0xc2: {  	_ =	task.clear_ibuf [dreg:s7], $0x2FFFF;
	_ =	strace $0x9FFFFFFF  }
0xc3: {  	(tm) =	ssettm $0x7FFFFFFF  }
tec
execute0_lowered:
.L_overlay_start_1:
0x0: {  	(tag) =	ssettag $0x1  }
0x1: {  	s1 =	rddreg [dreg:$0x0]  }
0x2: {  	s6 =	rddreg [dreg:$0x1]  }
0x3: {  	s2 =	rddreg [dreg:$0x2]  }
0x4: {  	s3 =	srdreg.scid;
	s0 =	rddreg [dreg:$0x3]  }
0x5: {  	s4 =	simm.s32 $0x0;
	s13 =	simm.s32 $0x1800;
	s14 =	simm.s32 $0x800  }
0x6: {  	s15 =	simm.s32 $0x1000;
	s18 =	simm.s32 $0x1;
	s19 =	simm.s32 $0x0  }
0x7: {  	s5 =	sand.u32 $0x1, s3;
	s3 =	stileid.u32;
	[smem:$0x7FF] =	sst s4  }
0x8: {  	s7 =	smul.u32 $0x9C000, s5;
	s8 =	sshll.u32 s3, $0x9;
	s9 =	sshll.u32 s5, $0x8  }
0x9: {  	s10 =	smul.u32 $0x9C00, s3;
	_ =	strace $0x80000050;
	s28 =	ssub.s32 $0x2, s5  }
0xa: {  	s29 =	smul.u32 $0x27000, s3;
	s5 =	sadd.s32 $0x22600, s6;
	s16 =	sshll.u32 s3, $0x6  }
0xb: {  	s8 =	sor.u32 s9, s8;
	s30 =	sshrl.u32 s28, $0x1;
	s16 =	sor.u32 $0x1C02, s16  }
0xc: {  	s8 =	sadd.s32 s8, s6;
	s7 =	sadd.s32 s10, s7;
	s31 =	sshrl.u32 s29, $0x2  }
0xd: {  	s12 =	ssub.s32 s28, s30;
	s7 =	sshrl.u32 s7, $0x3;
	s17 =	sadd.s32 s31, s2  }
0xe: {  	s10 =	smax.u32 s12, $0x1;
	s12 =	simm.s32 $0x80;
	s11 =	sadd.s32 s7, s6  }
0xf: {  	s6 =	sadd.s32 $0x1E600, s8;
	s7 =	sadd.s32 $0x20600, s8;
	s8 =	sadd.s32 $0x1C600, s8  }
0x10: {  	s17 =	sshrl.u32 s17, $0x3;
	s9 =	sadd.s32 $0x24600, s11;
	s11 =	simm.s32 $0x2  }
.LBB2_1:
0x11: {  	[tilespmem:s4], [sflag:$0x2] =	stream.linear.gather [hbm4b:s6+s4], $0x680, $0x38;
	[tilespmem:$0x13400] =	vst v63  }
0x12: {  	_ =	swait.ge [sflag:s11], $0x680  }
0x13: {  	[sflag:s11] =	ssyncset.done $0x0  }
0x14: {  	[sflag:s11] =	ssyncadd.s32 $0xFFFFF980  }
0x15: {  	[tilespmem:s13], [sflag:$0x1] =	stream.indirect.gather [hbm4b:s1+s12], $0x80, s4, s12, $0xb8;
	[tilespmem:$0x13400] =	vst v63  }
0x16: {  	_ = 	snop  }
0x17: {  	[tilespmem:s14], [sflag:$0x2] =	stream.linear.gather [hbm4b:s7+s4], $0x680, $0x38;
	[tilespmem:$0x13400] =	vst v63  }
0x18: {  	_ =	swait.ge [sflag:s11], $0x680  }
0x19: {  	[sflag:s11] =	ssyncset.done $0x0  }
0x1a: {  	[sflag:s11] =	ssyncadd.s32 $0xFFFFF980  }
0x1b: {  	[tilespmem:s15], [sflag:$0x2] =	stream.linear.gather [hbm4b:s8+s4], $0x680, $0x38;
	[tilespmem:$0x13400] =	vst v63  }
0x1c: {  	_ =	swait.ge [sflag:s11], $0x680  }
0x1d: {  	[sflag:s11] =	ssyncset.done $0x0  }
0x1e: {  	[sflag:s11] =	ssyncadd.s32 $0xFFFFF980  }
0x1f: {  	[spmem:s17], [sflag:s16] =	dma.local [hbm:s5], $0x1380  }
0x20: {  	_ =	swait.ge [sflag:s11], $0x1380  }
0x21: {  	[sflag:s11] =	ssyncset.done $0x0  }
0x22: {  	[sflag:s11] =	ssyncadd.s32 $0xFFFFEC80  }
0x23: {  	p0 =	por $0x0, $0x0;
	s20 =	simm.s32 $0x0;
	[bflag:$0x0] =	sbarrier.arrive $0xFFFF  }
.LBB2_2:
0x24: {  	s21 =	simm.s32 $0x1  }
0x25: {  	s23 =	smov.u32 s20;
	s29 =	simm.s32 $0x0;
	s21 =	simm.s32 @!p0 $0x0  }
0x26: {  	_ =	swait.ge [sflag:s18], $0x4000;
	v1 =	vmov s29;
	s22 =	sshll.u32 s21, $0xE;
	s21 =	sshll.u32 s23, $0x7  }
0x27: {  	s24 =	sand.u32 $0x1, s23;
	[sflag:s18] =	ssyncset.done $0x0;
	v1 =	vand.u32 $0x7F, v1;
	v0 =	vmov s21  }
0x28: {  	s20 =	sadd.s32 $0x1, s23;
	p1 =	seq.s32 s23, $0xC;
	[sflag:s18] =	ssyncadd.s32 $0xFFFFC000;
	v1 =	vadd.s32 v0, v1  }
0x29: {  	s23 =	sshll.u32 @!p1 s24, $0xE;
	s25 =	sshll.u32 @!p1 s20, $0x7;
	s26 =	simm.s32 @!p1 $0x80;
	v1 =	vbroadcast v1, $0x0  }
0x2a: {  	s22 =	sor.u32 $0x1840, s22;
	s23 =	sxor.u32 @!p1 $0x5800, s23;
	s25 =	sand.u32 @!p1 $0x3FFFFF80, s25  }
0x2b: {  	[tilespmem:s23], [sflag:$0x1] =	stream.indirect.gather @!p1 [hbm4b:s1+s26], $0x80, s25, s26, $0xb8;
	[tilespmem:$0x13400] =	vst v63  }
0x2c: {  	v5 =	vld [tilespmem:s22+$0x30]  }
0x2d: {  	v8 =	vld [tilespmem:s22+$0x10]  }
0x2e: {  	v6 =	vld [tilespmem:s22+$0xFFFFFFC0]  }
0x2f: {  	v2 =	vld.idx.msk [tilespmem:v1+s15+$0x0], $0xffff  }
0x30: {  	v11 =	vld [tilespmem:s22+$0xFFFFFFE0]  }
0x31: {  	v3 =	vld [tilespmem:s22+$0x20]  }
0x32: {  	v4 =	vld [tilespmem:s22+$0xFFFFFFD0]  }
0x33: {  	v1 =	vld [tilespmem:s22+$0xFFFFFFF0]  }
0x34: {  	v9 =	vmul.f32 v5, v2;
	v5 =	vld [tilespmem:s22+$0x0]  }
0x35: {  	s31 =	simm.s32 $0x1;
	s30 =	sshll.u32 s24, $0xE;
	v7 =	vmul.f32 v6, v2  }
0x36: {  	v10 =	vmov s31;
	s23 =	sor.u32 $0x1800, s30;
	s25 =	simm.s32 $0x2;
	s24 =	smov.u32 s22;
	v6 =	vmul.f32 v11, v2;
	v8 =	vmul.f32 v8, v2  }
.LBB2_3:
0x37: {  	p1 =	sne.s32 s25, $0x7F  }
0x38: {  	v10 =	vand.u32 $0x7F, v10;
	v4 =	vmul.f32 v4, v2;
	v3 =	vmul.f32 v3, v2;
	[tilespmem:s22+$0x30] =	vst v9;
	s24 =	sadd.s32 $0x80, s24;
	s26 =	smov.u32 s25;
	s25 =	sadd.s32 $0x1, s25  }
0x39: {  	v9 =	vadd.s32 v0, v10;
	[tilespmem:s22+$0xFFFFFFC0] =	vst v7;
	v7 =	vmul.f32 v1, v2;
	v2 =	vmul.f32 v5, v2  }
0x3a: {  	v5 =	vbroadcast v9, $0x0;
	[tilespmem:s22+$0x10] =	vst v8  }
0x3b: {  	[tilespmem:s22+$0xFFFFFFE0] =	vst v6  }
0x3c: {  	v1 =	vld [tilespmem:s24+$0xFFFFFFF0];
	[tilespmem:s22+$0xFFFFFFF0] =	vst v7  }
0x3d: {  	v6 =	vld [tilespmem:s24+$0x30];
	[tilespmem:s22+$0x0] =	vst v2  }
0x3e: {  	v8 =	vld [tilespmem:s24+$0x10];
	[tilespmem:s22+$0x20] =	vst v3  }
0x3f: {  	v7 =	vld [tilespmem:s24+$0xFFFFFFC0];
	[tilespmem:s22+$0xFFFFFFD0] =	vst v4;
	s22 =	smov.u32 s24  }
0x40: {  	v2 =	vld.idx.msk [tilespmem:v5+s15+$0x0], $0xffff  }
0x41: {  	v11 =	vld [tilespmem:s24+$0xFFFFFFE0]  }
0x42: {  	v3 =	vld [tilespmem:s24+$0x20]  }
.Ltmp0:
0x43: {  	v4 =	vld [tilespmem:s24+$0xFFFFFFD0];
	(pc) =	sbr.rel @p1 .LBB2_3-.Ltmp0, $3  }
0x44: {  	v5 =	vld [tilespmem:s24+$0x0];
	_ =	sdelay $0x1  }
0x45: {  	v7 =	vmul.f32 v7, v2;
	v9 =	vmul.f32 v6, v2  }
0x46: {  	v10 =	vmov s26;
	v8 =	vmul.f32 v8, v2;
	v6 =	vmul.f32 v11, v2  }
0x47: {  	[tilespmem:s22+$0x30] =	vst v9;
	v53 =	vand.u32 $0x7F, v10  }
0x48: {  	[tilespmem:s22+$0xFFFFFFC0] =	vst v7;
	v0 =	vadd.s32 v0, v53  }
0x49: {  	v1 =	vmul.f32 v1, v2;
	[tilespmem:s22+$0x10] =	vst v8;
	v0 =	vbroadcast v0, $0x0  }
0x4a: {  	s24 =	sadd.s32 $0x80, s24;
	[tilespmem:s22+$0xFFFFFFE0] =	vst v6;
	v5 =	vmul.f32 v5, v2  }
0x4b: {  	v55 =	vmul.f32 v4, v2;
	v6 =	vld [tilespmem:s24+$0xFFFFFFF0];
	[tilespmem:s22+$0xFFFFFFF0] =	vst v1  }
0x4c: {  	v3 =	vmul.f32 v3, v2;
	v54 =	vld [tilespmem:s24+$0x30];
	[tilespmem:s22+$0x0] =	vst v5  }
0x4d: {  	v57 =	vld [tilespmem:s24+$0xFFFFFFC0];
	[tilespmem:s22+$0xFFFFFFD0] =	vst v55  }
0x4e: {  	v56 =	vld [tilespmem:s24+$0x10];
	[tilespmem:s22+$0x20] =	vst v3  }
0x4f: {  	v0 =	vld.idx.msk [tilespmem:v0+s15+$0x0], $0xffff;
	_ =	sdelay $0x2  }
0x50: {  	v2 =	vld [tilespmem:s24+$0xFFFFFFE0];
	_ =	sdelay $0x1  }
0x51: {  	v5 =	vld [tilespmem:s24+$0x0];
	v1 =	vmul.f32 v54, v0  }
0x52: {  	v58 =	vld [tilespmem:s24+$0x20];
	v3 =	vmul.f32 v57, v0  }
0x53: {  	v59 =	vld [tilespmem:s24+$0xFFFFFFD0];
	v4 =	vmul.f32 v56, v0;
	[tilespmem:s24+$0x30] =	vst v1  }
0x54: {  	v60 =	vmul.f32 v2, v0;
	[tilespmem:s24+$0xFFFFFFC0] =	vst v3  }
0x55: {  	v61 =	vmul.f32 v6, v0;
	[tilespmem:s24+$0x10] =	vst v4  }
0x56: {  	v62 =	vmul.f32 v5, v0;
	[tilespmem:s24+$0xFFFFFFE0] =	vst v60  }
0x57: {  	v63 =	vmul.f32 v58, v0;
	[tilespmem:s24+$0xFFFFFFF0] =	vst v61  }
0x58: {  	v0 =	vmul.f32 v59, v0;
	[tilespmem:s24+$0x0] =	vst v62  }
0x59: {  	s21 =	sand.u32 $0x3FFFFF80, s21;
	p1 =	sne.s32 s20, $0xD;
	[tilespmem:s24+$0x20] =	vst v63  }
.Ltmp1:
0x5a: {  	s21 =	sadd.s32 $0x800, s21;
	[tilespmem:s24+$0xFFFFFFD0] =	vst v0;
	(pc) =	sbr.rel @p1 .LBB2_2-.Ltmp1, $4  }
0x5b: {  	[spmem:s2] =	stream.indirect.scatter.add.f32 [tilespmem:s23], [sflag:$0x2], $0x80, s21, s12, $0xb8;
	[tilespmem:$0x13400] =	vst v63  }
0x5c: {  	_ =	swait.ge [sflag:s11], $0x4000  }
0x5d: {  	[sflag:s11] =	ssyncset.done $0x0  }
0x5e: {  	p0 =	por !p0, !p0;
	[sflag:s11] =	ssyncadd.s32 $0xFFFFC000  }
0x5f: {  	s19 =	sadd.s32 $0x1, s19  }
0x60: {  	p0 =	sne.s32 s19, s10  }
.Ltmp2:
0x61: {  	[bflag:$0x0] =	sbarrier.arrive $0xFFFF;
	(pc) =	sbr.rel @p0 .LBB2_1-.Ltmp2, $4  }
0x62: {  	[hbm:s9], [sflag:s16] =	dma.local [spmem:s17], $0x1380  }
0x63: {  	_ =	swait.ge [sflag:s11], $0x1380  }
0x64: {  	[sflag:s11] =	ssyncset.done $0x0  }
0x65: {  	[sflag:s11] =	ssyncadd.s32 $0xFFFFEC80  }
0x66: {  	_ =	sfence.sel $0x180000  }
0x67: {  	[bflag:$0x0] =	sbarrier.arrive $0xFFFF  }
0x68: {  	p0 =	sne.s32 s3, $0x0;
	_ =	strace $0x90000050  }
0x69: {  	s0 =	sadd.s32 @!p0 $0x100000, s0;
	[bflag:$0x2] =	sbarrier.arrive $0xFFFF  }
0x6a: {  	[sflag:s0] =	ssyncadd.tile.s32 @!p0 $0x1;
	_ =	shalt  }
.Lfunc_end2:
_tile_overlayer_lowered:
.L_overlay_start_2:
0x6b: {  	(tag) =	ssettag $0x2  }
0x6c: {  	s0 =	rddreg [dreg:$0x0];
	s2 =	stileid.u32  }
0x6d: {  	s1 =	rddreg [dreg:$0x1];
	p0 =	sne.s32 s2, $0x0  }
0x6e: {  	s3 =	rddreg [dreg:$0x2];
	[bflag:$0x3] =	sbarrier.arrive $0xFFFF;
	s2 =	simm.s32 @!p0 $0x1C02  }
0x6f: {  	[timem:s3], [sflag:s2] =	dma.local @!p0 [hbm:s0], s1  }
0x70: {  	s0 =	simm.s32 @!p0 $0x2  }
0x71: {  	_ =	swait.ge @!p0 [sflag:s0], s1  }
0x72: {  	s1 =	ssub.s32 @!p0 $0x0, s1;
	[sflag:s0] =	ssyncset.done @!p0 $0x0  }
0x73: {  	[sflag:s0] =	ssyncadd.s32 @!p0 s1  }
0x74: {  	[bflag:$0x3] =	sbarrier.arrive $0xFFFF  }
0x75: {  	_ =	shalt  }

// kernel: kernel.28.cloned.1.call-start
scs
__scs_entry_jumppad:
0x0: {  	(pc) =	sbr.rel $0x88, $3  }
0x1: {  	(tag) =	ssettag $0x0;
	lr =	simm.s32 $0x1  }
0x2: {  	[smem:$0x3F96] =	sst lr;
	_ =	strace $0xD0000000  }
0x3: {  	_ = 	snop  }
0x4: {  	_ = 	snop  }
0x5: {  	_ = 	snop  }
0x6: {  	_ = 	snop  }
0x7: {  	_ = 	snop  }
__scs_overlays_trampoline_lowered:
0x8: {  	[smem:$0x3FA5] =	sst s0  }
0x9: {  	[smem:$0x3FA6] =	sst s1  }
0xa: {  	[smem:$0x3FA7] =	sst s2  }
0xb: {  	[smem:$0x3FA8] =	sst s3  }
0xc: {  	[smem:$0x3FA9] =	sst s4  }
0xd: {  	[smem:$0x3FAA] =	sst s5  }
0xe: {  	[smem:$0x3FAB] =	sst s6  }
0xf: {  	[smem:$0x3FAC] =	sst s7  }
0x10: {  	[smem:$0x3FAD] =	sst s8  }
0x11: {  	[smem:$0x3FAE] =	sst s9;
	s0 =	simm.s32 @!p0 $0x0  }
0x12: {  	s1 =	sld [smem:$0x3F94];
	s0 =	simm.s32 @p0 $0x1  }
0x13: {  	[smem:$0x3FAF] =	sst s0;
	s0 =	simm.s32 @!p1 $0x0  }
0x14: {  	s2 =	sld [smem:$0x3F93];
	s0 =	simm.s32 @p1 $0x1  }
0x15: {  	[smem:$0x3FB0] =	sst s0;
	s0 =	simm.s32 @!p2 $0x0  }
0x16: {  	s3 =	sld [smem:$0x3FDB];
	s0 =	simm.s32 @p2 $0x1  }
0x17: {  	s4 =	simm.s32 $0x1BF5;
	[smem:$0x3FB2] =	sst s0  }
0x18: {  	s0 =	sld [smem:$0x3F95];
	_ =	swait.ge [sflag:s4], $0x0  }
0x19: {  	s7 =	sld [smem:$0x3F96]  }
0x1a: {  	s8 =	sadd.s32 $0xFFFFE003, lr  }
0x1b: {  	s9 =	sadd.s32 $0xFFFFFEF7, lr;
	s5 =	simm.s32 $0xFFFFFFFF;
	p2 =	slt.u32 s8, $0xFFFFF086  }
0x1c: {  	p1 =	slt.u32 s9, $0xF7A;
	s5 =	simm.s32 @!p2 $0x0  }
0x1d: {  	s5 =	simm.s32 @p1 $0x1;
	p0 =	seq.s32 s7, s2  }
0x1e: {  	s7 =	smul.u32 @!p0 $0xF7A, s2;
	p2 =	seq.s32 @!p0 s5, $0x0  }
0x1f: {  	s9 =	smul.u32 $0xF7A, s1;
	s8 =	simm.s32 @!p0 $0x1BF5;
	p2 =	por !p2, p0  }
0x20: {  	[sflag:s8] =	ssyncset.s32 @!p0 $0xFFFFF086;
	s6 =	sadd.s32 @!p0 s3, s7;
	s7 =	simm.s32 @!p0 $0x108  }
0x21: {  	s3 =	sadd.s32 s3, s9;
	s6 =	sadd.s32 @!p0 $0x88, s6;
	s7 =	simm.s32 @p2 $0x1082  }
0x22: {  	[simem:s7], [sflag:s8] =	dma.local @!p0 [hbm:s6], $0xF7A  }
0x23: {  	s9 =	sor.u32 $0xD0000000, s2;
	s6 =	simm.s32 $0x108;
	_ =	swait.ge @!p0 [sflag:s8], $0x0  }
0x24: {  	s3 =	sadd.s32 $0x88, s3;
	s6 =	simm.s32 @!p1 $0x1082;
	[sflag:s4] =	ssyncset.s32 $0xFFFFF086  }
0x25: {  	[simem:s6], [sflag:s4] =	dma.local [hbm:s3], $0xF7A  }
0x26: {  	[smem:$0x3F96] =	sst s1;
	(tag) =	ssettag s2;
	_ =	strace s9  }
0x27: {  	s1 =	sld [smem:$0x3FA6]  }
0x28: {  	s2 =	sld [smem:$0x3FA7]  }
0x29: {  	s4 =	sld [smem:$0x3FA9]  }
0x2a: {  	p0 =	seq.s32 s5, $0x0;
	s5 =	sld [smem:$0x3FAA]  }
0x2b: {  	s6 =	sld [smem:$0x3FAB]  }
0x2c: {  	s7 =	sld [smem:$0x3FAC]  }
0x2d: {  	s3 =	simm.s32 $0x108;
	s8 =	sld [smem:$0x3FAD]  }
0x2e: {  	s3 =	simm.s32 @!p0 $0x1082;
	s9 =	sld [smem:$0x3FAE]  }
0x2f: {  	lr =	sadd.s32 s0, s3;
	s0 =	sld [smem:$0x3FA5]  }
0x30: {  	s3 =	sld [smem:$0x3FA8]  }
0x31: {  	[smem:$0x3FB1] =	sst s10  }
0x32: {  	s10 =	sld [smem:$0x3FAF];
	_ =	sdelay $0x3  }
0x33: {  	p0 =	seq.s32 s10, $0x1;
	s10 =	sld [smem:$0x3FB1];
	_ =	sdelay $0x3  }
0x34: {  	[smem:$0x3FB1] =	sst s10  }
0x35: {  	s10 =	sld [smem:$0x3FB0];
	_ =	sdelay $0x3  }
0x36: {  	p1 =	seq.s32 s10, $0x1;
	s10 =	sld [smem:$0x3FB1];
	_ =	sdelay $0x3  }
0x37: {  	[smem:$0x3FB1] =	sst s10  }
0x38: {  	s10 =	sld [smem:$0x3FB2]  }
0x39: {  	_ = 	snop;
	(pc) =	sbr.ind lr, $3  }
0x3a: {  	_ = 	snop  }
0x3b: {  	_ = 	snop  }
0x3c: {  	p2 =	seq.s32 s10, $0x1;
	s10 =	sld [smem:$0x3FB1]  }
0x3d: {  	_ =	shalt  }
0x3e: {  	_ =	shalt  }
0x3f: {  	_ =	shalt  }
0x40: {  	_ =	shalt  }
0x41: {  	_ =	shalt  }
0x42: {  	_ =	shalt  }
0x43: {  	_ =	shalt  }
0x44: {  	_ =	shalt  }
0x45: {  	_ =	shalt  }
0x46: {  	_ =	shalt  }
0x47: {  	_ =	shalt  }
0x48: {  	_ =	shalt  }
0x49: {  	_ =	shalt  }
0x4a: {  	_ =	shalt  }
0x4b: {  	_ =	shalt  }
0x4c: {  	_ =	shalt  }
0x4d: {  	_ =	shalt  }
0x4e: {  	_ =	shalt  }
0x4f: {  	_ =	shalt  }
0x50: {  	_ =	shalt  }
0x51: {  	_ =	shalt  }
0x52: {  	_ =	shalt  }
0x53: {  	_ =	shalt  }
0x54: {  	_ =	shalt  }
0x55: {  	_ =	shalt  }
0x56: {  	_ =	shalt  }
0x57: {  	_ =	shalt  }
0x58: {  	_ =	shalt  }
0x59: {  	_ =	shalt  }
0x5a: {  	_ =	shalt  }
0x5b: {  	_ =	shalt  }
0x5c: {  	_ =	shalt  }
0x5d: {  	_ =	shalt  }
0x5e: {  	_ =	shalt  }
0x5f: {  	_ =	shalt  }
0x60: {  	_ =	shalt  }
0x61: {  	_ =	shalt  }
0x62: {  	_ =	shalt  }
0x63: {  	_ =	shalt  }
0x64: {  	_ =	shalt  }
0x65: {  	_ =	shalt  }
0x66: {  	_ =	shalt  }
0x67: {  	_ =	shalt  }
0x68: {  	_ =	shalt  }
0x69: {  	_ =	shalt  }
0x6a: {  	_ =	shalt  }
0x6b: {  	_ =	shalt  }
0x6c: {  	_ =	shalt  }
0x6d: {  	_ =	shalt  }
0x6e: {  	_ =	shalt  }
0x6f: {  	_ =	shalt  }
0x70: {  	_ =	shalt  }
0x71: {  	_ =	shalt  }
0x72: {  	_ =	shalt  }
0x73: {  	_ =	shalt  }
0x74: {  	_ =	shalt  }
0x75: {  	_ =	shalt  }
0x76: {  	_ =	shalt  }
0x77: {  	_ =	shalt  }
0x78: {  	_ =	shalt  }
0x79: {  	_ =	shalt  }
0x7a: {  	_ =	shalt  }
0x7b: {  	_ =	shalt  }
0x7c: {  	_ =	shalt  }
0x7d: {  	_ =	shalt  }
0x7e: {  	_ =	shalt  }
0x7f: {  	_ =	shalt  }
0x80: {  	_ =	shalt  }
0x81: {  	_ =	shalt  }
0x82: {  	_ =	shalt  }
0x83: {  	_ =	shalt  }
0x84: {  	_ =	shalt  }
0x85: {  	_ =	shalt  }
0x86: {  	_ =	shalt  }
0x87: {  	_ =	shalt  }
.Lfunc_end0:
.L_simem_size_0:
called_computation.4_lowered:
.L_overlay_start_0:
0x88: {  	s2 =	sld [smem:$0x3FD9]  }
0x89: {  	s3 =	sld [smem:$0x3FFE];
	_ =	sdelay $0x1  }
0x8a: {  	s1 =	srdreg.scid  }
0x8b: {  	s0 =	sand.u32 $0x1, s1  }
0x8c: {  	s17 =	sshll.u32 s0, $0xA;
	s2 =	sadd.s32 s3, s2  }
0x8d: {  	s2 =	sadd.s32 s2, s17  }
0x8e: {  	[smem:$0x3FBD] =	sst s2  }
0x8f: {  	_ = 	snop  }
0x90: {  	s2 =	sld [smem:$0x3FD0];
	(tm) =	ssettm $0x1  }
0x91: {  	s18 =	sld [smem:$0x3FFB];
	_ =	sdelay $0x3  }
0x92: {  	_ =	strace s18  }
0x93: {  	s3 =	sld [smem:$0x3FFC];
	_ =	sdelay $0x3  }
0x94: {  	_ =	strace s3  }
0x95: {  	s3 =	sld [smem:$0x3FFD];
	_ =	sdelay $0x3  }
0x96: {  	_ =	strace s3  }
0x97: {  	_ =	strace $0x8FFFFFFF  }
0x98: {  	s19 =	sld [smem:$0x3FDB];
	_ =	sdelay $0x1  }
0x99: {  	s4 =	simm.s32 $_scs_section_size  }
0x9a: {  	s5 =	simm.s32 $_size__tile_overlayer_lowered;
	s6 =	simm.s32 $_tile_overlayer_lowered  }
0x9b: {  	s22 =	simm.s32 $0x1BFF;
	s21 =	sshll.u32 s6, $0x1;
	s3 =	sadd.s32 s4, s19  }
0x9c: {  	s7 =	simm.s32 $0x0;
	s20 =	sshll.u32 s5, $0x1;
	s5 =	sadd.s32 s21, s3  }
0x9d: {  	[timem:s7], [sflag:s22] =	dma.local [hbm:s5], s20  }
0x9e: {  	_ =	swait.ge [sflag:s22], s20  }
0x9f: {  	s4 =	ssub.s32 $0x0, s20;
	[sflag:s22] =	ssyncset.done $0x0  }
0xa0: {  	[sflag:s22] =	ssyncadd.s32 s4;
	_ =	sdelay $0x1  }
0xa1: {  	s23 =	simm.s32 $0x1B8B  }
0xa2: {  	_ =	swait.ge [sflag:s23], $0x1  }
0xa3: {  	[sflag:s23] =	ssyncset.done $0x0  }
0xa4: {  	s25 =	simm.s32 $0x1B8E;
	s24 =	sld [smem:$0x3FFE];
	[sflag:s23] =	ssyncadd.s32 $0xFFFFFFFF  }
0xa5: {  	s26 =	simm.s32 $execute0_lowered;
	[smem:$0x3FD2] =	sst s25  }
0xa6: {  	s5 =	sshll.u32 s26, $0x1;
	_ =	strace $0x80000052;
	[dreg:$0x1] =	wrdreg $0xFFFFFFFF  }
0xa7: {  	s28 =	simm.s32 $_size_execute0_lowered;
	s3 =	sadd.s32 s3, s5;
	[dreg:$0x0] =	wrdreg $0x0  }
0xa8: {  	s5 =	sshll.u32 s28, $0x1;
	[dreg:$0x2] =	wrdreg s3  }
0xa9: {  	[dreg:$0x3] =	wrdreg s5  }
0xaa: {  	[dreg:$0x4] =	wrdreg $0xC0  }
0xab: {  	_ =	task [dreg:s7], $0x5FFFF  }
0xac: {  	[dreg:$0x1] =	wrdreg $0xFFFFFFFF  }
0xad: {  	[dreg:$0x0] =	wrdreg $0x60  }
0xae: {  	[dreg:$0x2] =	wrdreg s24  }
0xaf: {  	[dreg:$0x3] =	wrdreg s2  }
0xb0: {  	[dreg:$0x4] =	wrdreg $0x98000  }
0xb1: {  	[dreg:$0x5] =	wrdreg $0x9  }
0xb2: {  	_ =	task.clear_ibuf [dreg:s7], $0x6FFFF;
	_ =	strace $0x90000052  }
0xb3: {  	s29 =	simm.s32 $0x9;
	_ =	strace $0x80000054  }
0xb4: {  	_ =	swait.ge [sflag:s29], $0x1  }
0xb5: {  	[sflag:s29] =	ssyncadd.s32 $0xFFFFFFFF  }
0xb6: {  	_ =	strace $0x90000054  }
0xb7: {  	_ =	sfence  }
0xb8: {  	s30 =	sld [smem:$0x0];
	_ =	sdelay $0x2  }
0xb9: {  	s31 =	sshll.u32 s1, $0xD;
	s1 =	sshrl.u32 s1, $0x2  }
0xba: {  	s3 =	sand.u32 $0x4000, s31;
	s1 =	sadd.s32 s1, s30  }
0xbb: {  	s0 =	sor.u32 s3, s0;
	s1 =	sshll.u32 s1, $0x11  }
0xbc: {  	s0 =	sor.u32 s1, s0  }
0xbd: {  	s0 =	sadd.s32 $0x8F2B, s0  }
0xbe: {  	[sflag:s0] =	ssyncadd.remote.s32 $0x1  }
0xbf: {  	_ =	sfence.sel $0xFFFF  }
0xc0: {  	[dreg:$0x0] =	wrdreg $0xFFFFFFFF;
	(pc) =	sbr.abs _section_cstart, $3  }
0xc1: {  	[dreg:$0x1] =	wrdreg $0xFFFFFFFF  }
0xc2: {  	_ =	task.clear_ibuf [dreg:s7], $0x2FFFF;
	_ =	strace $0x9FFFFFFF  }
0xc3: {  	(tm) =	ssettm $0x7FFFFFFF  }
tec
execute0_lowered:
.L_overlay_start_1:
0x0: {  	(tag) =	ssettag $0x1  }
0x1: {  	s5 =	rddreg [dreg:$0x0]  }
0x2: {  	s9 =	rddreg [dreg:$0x1]  }
0x3: {  	s1 =	rddreg [dreg:$0x2]  }
0x4: {  	s0 =	rddreg [dreg:$0x3];
	s2 =	simm.s32 $0x0  }
0x5: {  	s6 =	srdreg.scid;
	s3 =	stileid.u32;
	s15 =	simm.s32 $0x1000  }
0x6: {  	s18 =	simm.s32 $0x1;
	s19 =	simm.s32 $0x0;
	[smem:$0x7FF] =	sst s2  }
0x7: {  	s4 =	sadd.s32 $0x4600, s5;
	s6 =	sand.u32 $0x1, s6;
	s10 =	smul.u32 $0x14000, s3  }
0x8: {  	s7 =	sshll.u32 s3, $0x9;
	s13 =	smul.u32 $0x5000, s3;
	s16 =	sshll.u32 s3, $0x6  }
0x9: {  	_ =	strace $0x80000053;
	s8 =	sshll.u32 s6, $0x8;
	s29 =	ssub.s32 $0x2, s6  }
0xa: {  	s11 =	smul.u32 $0x50000, s6;
	s16 =	sor.u32 $0x1C02, s16;
	s7 =	sor.u32 s8, s7  }
0xb: {  	s30 =	sshrl.u32 s29, $0x1;
	s10 =	sshrl.u32 s10, $0x2;
	s12 =	sadd.s32 s7, s5  }
0xc: {  	s5 =	sadd.s32 $0x22600, s5;
	s14 =	ssub.s32 s29, s30;
	s11 =	sadd.s32 s13, s11  }
0xd: {  	s17 =	sadd.s32 s10, s1;
	s13 =	simm.s32 $0x1800;
	s6 =	sadd.s32 $0x20600, s12  }
0xe: {  	s7 =	sadd.s32 $0x1E600, s12;
	s8 =	sadd.s32 $0x1C600, s12;
	s31 =	sshrl.u32 s11, $0x3  }
0xf: {  	s10 =	smax.u32 s14, $0x1;
	s11 =	simm.s32 $0x2;
	s12 =	simm.s32 $0x80  }
0x10: {  	s14 =	simm.s32 $0x800;
	s17 =	sshrl.u32 s17, $0x3;
	s9 =	sadd.s32 s9, s31  }
.LBB2_1:
0x11: {  	[tilespmem:s2], [sflag:$0x2] =	stream.linear.gather [hbm4b:s6+s2], $0x680, $0x38;
	[tilespmem:$0xE800] =	vst v63  }
0x12: {  	_ =	swait.ge [sflag:s11], $0x680  }
0x13: {  	[sflag:s11] =	ssyncset.done $0x0  }
0x14: {  	[sflag:s11] =	ssyncadd.s32 $0xFFFFF980  }
0x15: {  	[tilespmem:s13], [sflag:$0x1] =	stream.indirect.gather [hbm4b:s4+s12], $0x80, s2, s12, $0xb8;
	[tilespmem:$0xE800] =	vst v63  }
0x16: {  	_ = 	snop  }
0x17: {  	[tilespmem:s14], [sflag:$0x2] =	stream.linear.gather [hbm4b:s7+s2], $0x680, $0x38;
	[tilespmem:$0xE800] =	vst v63  }
0x18: {  	_ =	swait.ge [sflag:s11], $0x680  }
0x19: {  	[sflag:s11] =	ssyncset.done $0x0  }
0x1a: {  	[sflag:s11] =	ssyncadd.s32 $0xFFFFF980  }
0x1b: {  	[tilespmem:s15], [sflag:$0x2] =	stream.linear.gather [hbm4b:s8+s2], $0x680, $0x38;
	[tilespmem:$0xE800] =	vst v63  }
0x1c: {  	_ =	swait.ge [sflag:s11], $0x680  }
0x1d: {  	[sflag:s11] =	ssyncset.done $0x0  }
0x1e: {  	[sflag:s11] =	ssyncadd.s32 $0xFFFFF980  }
0x1f: {  	[spmem:s17], [sflag:s16] =	dma.local [hbm:s5], $0xA00  }
0x20: {  	_ =	swait.ge [sflag:s11], $0xA00  }
0x21: {  	[sflag:s11] =	ssyncset.done $0x0  }
0x22: {  	[sflag:s11] =	ssyncadd.s32 $0xFFFFF600  }
0x23: {  	p0 =	por $0x0, $0x0;
	s20 =	simm.s32 $0x0;
	[bflag:$0x0] =	sbarrier.arrive $0xFFFF  }
.LBB2_2:
0x24: {  	s21 =	simm.s32 $0x1  }
0x25: {  	s23 =	smov.u32 s20;
	s29 =	simm.s32 $0x0;
	s21 =	simm.s32 @!p0 $0x0  }
0x26: {  	_ =	swait.ge [sflag:s18], $0x4000;
	v1 =	vmov s29;
	s22 =	sshll.u32 s21, $0xE;
	s21 =	sshll.u32 s23, $0x7  }
0x27: {  	s24 =	sand.u32 $0x1, s23;
	[sflag:s18] =	ssyncset.done $0x0;
	v1 =	vand.u32 $0x7F, v1;
	v0 =	vmov s21  }
0x28: {  	s20 =	sadd.s32 $0x1, s23;
	p1 =	seq.s32 s23, $0xC;
	[sflag:s18] =	ssyncadd.s32 $0xFFFFC000;
	v1 =	vadd.s32 v0, v1  }
0x29: {  	s23 =	sshll.u32 @!p1 s24, $0xE;
	s25 =	sshll.u32 @!p1 s20, $0x7;
	s26 =	simm.s32 @!p1 $0x80;
	v1 =	vbroadcast v1, $0x0  }
0x2a: {  	s22 =	sor.u32 $0x1840, s22;
	s23 =	sxor.u32 @!p1 $0x5800, s23;
	s25 =	sand.u32 @!p1 $0x3FFFFF80, s25  }
0x2b: {  	[tilespmem:s23], [sflag:$0x1] =	stream.indirect.gather @!p1 [hbm4b:s4+s26], $0x80, s25, s26, $0xb8;
	[tilespmem:$0xE800] =	vst v63  }
0x2c: {  	v5 =	vld [tilespmem:s22+$0x30]  }
0x2d: {  	v8 =	vld [tilespmem:s22+$0x10]  }
0x2e: {  	v6 =	vld [tilespmem:s22+$0xFFFFFFC0]  }
0x2f: {  	v2 =	vld.idx.msk [tilespmem:v1+s15+$0x0], $0xffff  }
0x30: {  	v11 =	vld [tilespmem:s22+$0xFFFFFFE0]  }
0x31: {  	v3 =	vld [tilespmem:s22+$0x20]  }
0x32: {  	v4 =	vld [tilespmem:s22+$0xFFFFFFD0]  }
0x33: {  	v1 =	vld [tilespmem:s22+$0xFFFFFFF0]  }
0x34: {  	v9 =	vmul.f32 v5, v2;
	v5 =	vld [tilespmem:s22+$0x0]  }
0x35: {  	s31 =	simm.s32 $0x1;
	s30 =	sshll.u32 s24, $0xE;
	v7 =	vmul.f32 v6, v2  }
0x36: {  	v10 =	vmov s31;
	s23 =	sor.u32 $0x1800, s30;
	s25 =	simm.s32 $0x2;
	s24 =	smov.u32 s22;
	v6 =	vmul.f32 v11, v2;
	v8 =	vmul.f32 v8, v2  }
.LBB2_3:
0x37: {  	p1 =	sne.s32 s25, $0x7F  }
0x38: {  	v10 =	vand.u32 $0x7F, v10;
	v4 =	vmul.f32 v4, v2;
	v3 =	vmul.f32 v3, v2;
	[tilespmem:s22+$0x30] =	vst v9;
	s24 =	sadd.s32 $0x80, s24;
	s26 =	smov.u32 s25;
	s25 =	sadd.s32 $0x1, s25  }
0x39: {  	v9 =	vadd.s32 v0, v10;
	[tilespmem:s22+$0xFFFFFFC0] =	vst v7;
	v7 =	vmul.f32 v1, v2;
	v2 =	vmul.f32 v5, v2  }
0x3a: {  	v5 =	vbroadcast v9, $0x0;
	[tilespmem:s22+$0x10] =	vst v8  }
0x3b: {  	[tilespmem:s22+$0xFFFFFFE0] =	vst v6  }
0x3c: {  	v1 =	vld [tilespmem:s24+$0xFFFFFFF0];
	[tilespmem:s22+$0xFFFFFFF0] =	vst v7  }
0x3d: {  	v6 =	vld [tilespmem:s24+$0x30];
	[tilespmem:s22+$0x0] =	vst v2  }
0x3e: {  	v8 =	vld [tilespmem:s24+$0x10];
	[tilespmem:s22+$0x20] =	vst v3  }
0x3f: {  	v7 =	vld [tilespmem:s24+$0xFFFFFFC0];
	[tilespmem:s22+$0xFFFFFFD0] =	vst v4;
	s22 =	smov.u32 s24  }
0x40: {  	v2 =	vld.idx.msk [tilespmem:v5+s15+$0x0], $0xffff  }
0x41: {  	v11 =	vld [tilespmem:s24+$0xFFFFFFE0]  }
0x42: {  	v3 =	vld [tilespmem:s24+$0x20]  }
.Ltmp0:
0x43: {  	v4 =	vld [tilespmem:s24+$0xFFFFFFD0];
	(pc) =	sbr.rel @p1 .LBB2_3-.Ltmp0, $3  }
0x44: {  	v5 =	vld [tilespmem:s24+$0x0];
	_ =	sdelay $0x1  }
0x45: {  	v7 =	vmul.f32 v7, v2;
	v9 =	vmul.f32 v6, v2  }
0x46: {  	v10 =	vmov s26;
	v8 =	vmul.f32 v8, v2;
	v6 =	vmul.f32 v11, v2  }
0x47: {  	[tilespmem:s22+$0x30] =	vst v9;
	v53 =	vand.u32 $0x7F, v10  }
0x48: {  	[tilespmem:s22+$0xFFFFFFC0] =	vst v7;
	v0 =	vadd.s32 v0, v53  }
0x49: {  	v1 =	vmul.f32 v1, v2;
	[tilespmem:s22+$0x10] =	vst v8;
	v0 =	vbroadcast v0, $0x0  }
0x4a: {  	s24 =	sadd.s32 $0x80, s24;
	[tilespmem:s22+$0xFFFFFFE0] =	vst v6;
	v5 =	vmul.f32 v5, v2  }
0x4b: {  	v55 =	vmul.f32 v4, v2;
	v6 =	vld [tilespmem:s24+$0xFFFFFFF0];
	[tilespmem:s22+$0xFFFFFFF0] =	vst v1  }
0x4c: {  	v3 =	vmul.f32 v3, v2;
	v54 =	vld [tilespmem:s24+$0x30];
	[tilespmem:s22+$0x0] =	vst v5  }
0x4d: {  	v57 =	vld [tilespmem:s24+$0xFFFFFFC0];
	[tilespmem:s22+$0xFFFFFFD0] =	vst v55  }
0x4e: {  	v56 =	vld [tilespmem:s24+$0x10];
	[tilespmem:s22+$0x20] =	vst v3  }
0x4f: {  	v0 =	vld.idx.msk [tilespmem:v0+s15+$0x0], $0xffff;
	_ =	sdelay $0x2  }
0x50: {  	v2 =	vld [tilespmem:s24+$0xFFFFFFE0];
	_ =	sdelay $0x1  }
0x51: {  	v5 =	vld [tilespmem:s24+$0x0];
	v1 =	vmul.f32 v54, v0  }
0x52: {  	v58 =	vld [tilespmem:s24+$0x20];
	v3 =	vmul.f32 v57, v0  }
0x53: {  	v59 =	vld [tilespmem:s24+$0xFFFFFFD0];
	v4 =	vmul.f32 v56, v0;
	[tilespmem:s24+$0x30] =	vst v1  }
0x54: {  	v60 =	vmul.f32 v2, v0;
	[tilespmem:s24+$0xFFFFFFC0] =	vst v3  }
0x55: {  	v61 =	vmul.f32 v6, v0;
	[tilespmem:s24+$0x10] =	vst v4  }
0x56: {  	v62 =	vmul.f32 v5, v0;
	[tilespmem:s24+$0xFFFFFFE0] =	vst v60  }
0x57: {  	v63 =	vmul.f32 v58, v0;
	[tilespmem:s24+$0xFFFFFFF0] =	vst v61  }
0x58: {  	v0 =	vmul.f32 v59, v0;
	[tilespmem:s24+$0x0] =	vst v62  }
0x59: {  	s21 =	sand.u32 $0x3FFFFF80, s21;
	p1 =	sne.s32 s20, $0xD;
	[tilespmem:s24+$0x20] =	vst v63  }
.Ltmp1:
0x5a: {  	s21 =	sadd.s32 $0x800, s21;
	[tilespmem:s24+$0xFFFFFFD0] =	vst v0;
	(pc) =	sbr.rel @p1 .LBB2_2-.Ltmp1, $4  }
0x5b: {  	[spmem:s1] =	stream.indirect.scatter.add.f32 [tilespmem:s23], [sflag:$0x2], $0x80, s21, s12, $0xb8;
	[tilespmem:$0xE800] =	vst v63  }
0x5c: {  	_ =	swait.ge [sflag:s11], $0x4000  }
0x5d: {  	[sflag:s11] =	ssyncset.done $0x0  }
0x5e: {  	p0 =	por !p0, !p0;
	[sflag:s11] =	ssyncadd.s32 $0xFFFFC000  }
0x5f: {  	s19 =	sadd.s32 $0x1, s19  }
0x60: {  	p0 =	sne.s32 s19, s10  }
.Ltmp2:
0x61: {  	[bflag:$0x0] =	sbarrier.arrive $0xFFFF;
	(pc) =	sbr.rel @p0 .LBB2_1-.Ltmp2, $4  }
0x62: {  	[hbm:s9], [sflag:s16] =	dma.local [spmem:s17], $0xA00  }
0x63: {  	_ =	swait.ge [sflag:s11], $0xA00  }
0x64: {  	[sflag:s11] =	ssyncset.done $0x0  }
0x65: {  	[sflag:s11] =	ssyncadd.s32 $0xFFFFF600  }
0x66: {  	_ =	sfence.sel $0x180000  }
0x67: {  	[bflag:$0x0] =	sbarrier.arrive $0xFFFF  }
0x68: {  	p0 =	sne.s32 s3, $0x0;
	_ =	strace $0x90000053  }
0x69: {  	s0 =	sadd.s32 @!p0 $0x100000, s0;
	[bflag:$0x2] =	sbarrier.arrive $0xFFFF  }
0x6a: {  	[sflag:s0] =	ssyncadd.tile.s32 @!p0 $0x1;
	_ =	shalt  }
.Lfunc_end2:
_tile_overlayer_lowered:
.L_overlay_start_2:
0x6b: {  	(tag) =	ssettag $0x2  }
0x6c: {  	s0 =	rddreg [dreg:$0x0];
	s2 =	stileid.u32  }
0x6d: {  	s1 =	rddreg [dreg:$0x1];
	p0 =	sne.s32 s2, $0x0  }
0x6e: {  	s3 =	rddreg [dreg:$0x2];
	[bflag:$0x3] =	sbarrier.arrive $0xFFFF;
	s2 =	simm.s32 @!p0 $0x1C02  }
0x6f: {  	[timem:s3], [sflag:s2] =	dma.local @!p0 [hbm:s0], s1  }
0x70: {  	s0 =	simm.s32 @!p0 $0x2  }
0x71: {  	_ =	swait.ge @!p0 [sflag:s0], s1  }
0x72: {  	s1 =	ssub.s32 @!p0 $0x0, s1;
	[sflag:s0] =	ssyncset.done @!p0 $0x0  }
0x73: {  	[sflag:s0] =	ssyncadd.s32 @!p0 s1  }
0x74: {  	[bflag:$0x3] =	sbarrier.arrive $0xFFFF  }
0x75: {  	_ =	shalt  }

// kernel: kernel.31.cloned.1.call-start
scs
__scs_entry_jumppad:
0x0: {  	(pc) =	sbr.rel $0x88, $3  }
0x1: {  	(tag) =	ssettag $0x0;
	lr =	simm.s32 $0x1  }
0x2: {  	[smem:$0x3F96] =	sst lr;
	_ =	strace $0xD0000000  }
0x3: {  	_ = 	snop  }
0x4: {  	_ = 	snop  }
0x5: {  	_ = 	snop  }
0x6: {  	_ = 	snop  }
0x7: {  	_ = 	snop  }
__scs_overlays_trampoline_lowered:
0x8: {  	[smem:$0x3FA5] =	sst s0  }
0x9: {  	[smem:$0x3FA6] =	sst s1  }
0xa: {  	[smem:$0x3FA7] =	sst s2  }
0xb: {  	[smem:$0x3FA8] =	sst s3  }
0xc: {  	[smem:$0x3FA9] =	sst s4  }
0xd: {  	[smem:$0x3FAA] =	sst s5  }
0xe: {  	[smem:$0x3FAB] =	sst s6  }
0xf: {  	[smem:$0x3FAC] =	sst s7  }
0x10: {  	[smem:$0x3FAD] =	sst s8  }
0x11: {  	[smem:$0x3FAE] =	sst s9;
	s0 =	simm.s32 @!p0 $0x0  }
0x12: {  	s1 =	sld [smem:$0x3F94];
	s0 =	simm.s32 @p0 $0x1  }
0x13: {  	[smem:$0x3FAF] =	sst s0;
	s0 =	simm.s32 @!p1 $0x0  }
0x14: {  	s2 =	sld [smem:$0x3F93];
	s0 =	simm.s32 @p1 $0x1  }
0x15: {  	[smem:$0x3FB0] =	sst s0;
	s0 =	simm.s32 @!p2 $0x0  }
0x16: {  	s3 =	sld [smem:$0x3FDB];
	s0 =	simm.s32 @p2 $0x1  }
0x17: {  	s4 =	simm.s32 $0x1BF5;
	[smem:$0x3FB2] =	sst s0  }
0x18: {  	s0 =	sld [smem:$0x3F95];
	_ =	swait.ge [sflag:s4], $0x0  }
0x19: {  	s7 =	sld [smem:$0x3F96]  }
0x1a: {  	s8 =	sadd.s32 $0xFFFFE003, lr  }
0x1b: {  	s9 =	sadd.s32 $0xFFFFFEF7, lr;
	s5 =	simm.s32 $0xFFFFFFFF;
	p2 =	slt.u32 s8, $0xFFFFF086  }
0x1c: {  	p1 =	slt.u32 s9, $0xF7A;
	s5 =	simm.s32 @!p2 $0x0  }
0x1d: {  	s5 =	simm.s32 @p1 $0x1;
	p0 =	seq.s32 s7, s2  }
0x1e: {  	s7 =	smul.u32 @!p0 $0xF7A, s2;
	p2 =	seq.s32 @!p0 s5, $0x0  }
0x1f: {  	s9 =	smul.u32 $0xF7A, s1;
	s8 =	simm.s32 @!p0 $0x1BF5;
	p2 =	por !p2, p0  }
0x20: {  	[sflag:s8] =	ssyncset.s32 @!p0 $0xFFFFF086;
	s6 =	sadd.s32 @!p0 s3, s7;
	s7 =	simm.s32 @!p0 $0x108  }
0x21: {  	s3 =	sadd.s32 s3, s9;
	s6 =	sadd.s32 @!p0 $0x88, s6;
	s7 =	simm.s32 @p2 $0x1082  }
0x22: {  	[simem:s7], [sflag:s8] =	dma.local @!p0 [hbm:s6], $0xF7A  }
0x23: {  	s9 =	sor.u32 $0xD0000000, s2;
	s6 =	simm.s32 $0x108;
	_ =	swait.ge @!p0 [sflag:s8], $0x0  }
0x24: {  	s3 =	sadd.s32 $0x88, s3;
	s6 =	simm.s32 @!p1 $0x1082;
	[sflag:s4] =	ssyncset.s32 $0xFFFFF086  }
0x25: {  	[simem:s6], [sflag:s4] =	dma.local [hbm:s3], $0xF7A  }
0x26: {  	[smem:$0x3F96] =	sst s1;
	(tag) =	ssettag s2;
	_ =	strace s9  }
0x27: {  	s1 =	sld [smem:$0x3FA6]  }
0x28: {  	s2 =	sld [smem:$0x3FA7]  }
0x29: {  	s4 =	sld [smem:$0x3FA9]  }
0x2a: {  	p0 =	seq.s32 s5, $0x0;
	s5 =	sld [smem:$0x3FAA]  }
0x2b: {  	s6 =	sld [smem:$0x3FAB]  }
0x2c: {  	s7 =	sld [smem:$0x3FAC]  }
0x2d: {  	s3 =	simm.s32 $0x108;
	s8 =	sld [smem:$0x3FAD]  }
0x2e: {  	s3 =	simm.s32 @!p0 $0x1082;
	s9 =	sld [smem:$0x3FAE]  }
0x2f: {  	lr =	sadd.s32 s0, s3;
	s0 =	sld [smem:$0x3FA5]  }
0x30: {  	s3 =	sld [smem:$0x3FA8]  }
0x31: {  	[smem:$0x3FB1] =	sst s10  }
0x32: {  	s10 =	sld [smem:$0x3FAF];
	_ =	sdelay $0x3  }
0x33: {  	p0 =	seq.s32 s10, $0x1;
	s10 =	sld [smem:$0x3FB1];
	_ =	sdelay $0x3  }
0x34: {  	[smem:$0x3FB1] =	sst s10  }
0x35: {  	s10 =	sld [smem:$0x3FB0];
	_ =	sdelay $0x3  }
0x36: {  	p1 =	seq.s32 s10, $0x1;
	s10 =	sld [smem:$0x3FB1];
	_ =	sdelay $0x3  }
0x37: {  	[smem:$0x3FB1] =	sst s10  }
0x38: {  	s10 =	sld [smem:$0x3FB2]  }
0x39: {  	_ = 	snop;
	(pc) =	sbr.ind lr, $3  }
0x3a: {  	_ = 	snop  }
0x3b: {  	_ = 	snop  }
0x3c: {  	p2 =	seq.s32 s10, $0x1;
	s10 =	sld [smem:$0x3FB1]  }
0x3d: {  	_ =	shalt  }
0x3e: {  	_ =	shalt  }
0x3f: {  	_ =	shalt  }
0x40: {  	_ =	shalt  }
0x41: {  	_ =	shalt  }
0x42: {  	_ =	shalt  }
0x43: {  	_ =	shalt  }
0x44: {  	_ =	shalt  }
0x45: {  	_ =	shalt  }
0x46: {  	_ =	shalt  }
0x47: {  	_ =	shalt  }
0x48: {  	_ =	shalt  }
0x49: {  	_ =	shalt  }
0x4a: {  	_ =	shalt  }
0x4b: {  	_ =	shalt  }
0x4c: {  	_ =	shalt  }
0x4d: {  	_ =	shalt  }
0x4e: {  	_ =	shalt  }
0x4f: {  	_ =	shalt  }
0x50: {  	_ =	shalt  }
0x51: {  	_ =	shalt  }
0x52: {  	_ =	shalt  }
0x53: {  	_ =	shalt  }
0x54: {  	_ =	shalt  }
0x55: {  	_ =	shalt  }
0x56: {  	_ =	shalt  }
0x57: {  	_ =	shalt  }
0x58: {  	_ =	shalt  }
0x59: {  	_ =	shalt  }
0x5a: {  	_ =	shalt  }
0x5b: {  	_ =	shalt  }
0x5c: {  	_ =	shalt  }
0x5d: {  	_ =	shalt  }
0x5e: {  	_ =	shalt  }
0x5f: {  	_ =	shalt  }
0x60: {  	_ =	shalt  }
0x61: {  	_ =	shalt  }
0x62: {  	_ =	shalt  }
0x63: {  	_ =	shalt  }
0x64: {  	_ =	shalt  }
0x65: {  	_ =	shalt  }
0x66: {  	_ =	shalt  }
0x67: {  	_ =	shalt  }
0x68: {  	_ =	shalt  }
0x69: {  	_ =	shalt  }
0x6a: {  	_ =	shalt  }
0x6b: {  	_ =	shalt  }
0x6c: {  	_ =	shalt  }
0x6d: {  	_ =	shalt  }
0x6e: {  	_ =	shalt  }
0x6f: {  	_ =	shalt  }
0x70: {  	_ =	shalt  }
0x71: {  	_ =	shalt  }
0x72: {  	_ =	shalt  }
0x73: {  	_ =	shalt  }
0x74: {  	_ =	shalt  }
0x75: {  	_ =	shalt  }
0x76: {  	_ =	shalt  }
0x77: {  	_ =	shalt  }
0x78: {  	_ =	shalt  }
0x79: {  	_ =	shalt  }
0x7a: {  	_ =	shalt  }
0x7b: {  	_ =	shalt  }
0x7c: {  	_ =	shalt  }
0x7d: {  	_ =	shalt  }
0x7e: {  	_ =	shalt  }
0x7f: {  	_ =	shalt  }
0x80: {  	_ =	shalt  }
0x81: {  	_ =	shalt  }
0x82: {  	_ =	shalt  }
0x83: {  	_ =	shalt  }
0x84: {  	_ =	shalt  }
0x85: {  	_ =	shalt  }
0x86: {  	_ =	shalt  }
0x87: {  	_ =	shalt  }
.Lfunc_end0:
.L_simem_size_0:
called_computation.5_lowered:
.L_overlay_start_0:
0x88: {  	s2 =	sld [smem:$0x3FD9]  }
0x89: {  	s3 =	sld [smem:$0x3FFE];
	_ =	sdelay $0x1  }
0x8a: {  	s1 =	srdreg.scid  }
0x8b: {  	s0 =	sand.u32 $0x1, s1  }
0x8c: {  	s17 =	sshll.u32 s0, $0xA;
	s2 =	sadd.s32 s3, s2  }
0x8d: {  	s2 =	sadd.s32 s2, s17  }
0x8e: {  	[smem:$0x3FBD] =	sst s2  }
0x8f: {  	_ = 	snop  }
0x90: {  	s2 =	sld [smem:$0x3FD0];
	(tm) =	ssettm $0x1  }
0x91: {  	s18 =	sld [smem:$0x3FFB];
	_ =	sdelay $0x3  }
0x92: {  	_ =	strace s18  }
0x93: {  	s3 =	sld [smem:$0x3FFC];
	_ =	sdelay $0x3  }
0x94: {  	_ =	strace s3  }
0x95: {  	s3 =	sld [smem:$0x3FFD];
	_ =	sdelay $0x3  }
0x96: {  	_ =	strace s3  }
0x97: {  	_ =	strace $0x8FFFFFFF  }
0x98: {  	s19 =	sld [smem:$0x3FDB];
	_ =	sdelay $0x1  }
0x99: {  	s4 =	simm.s32 $_scs_section_size  }
0x9a: {  	s5 =	simm.s32 $_size__tile_overlayer_lowered;
	s6 =	simm.s32 $_tile_overlayer_lowered  }
0x9b: {  	s22 =	simm.s32 $0x1BFF;
	s21 =	sshll.u32 s6, $0x1;
	s3 =	sadd.s32 s4, s19  }
0x9c: {  	s7 =	simm.s32 $0x0;
	s20 =	sshll.u32 s5, $0x1;
	s5 =	sadd.s32 s21, s3  }
0x9d: {  	[timem:s7], [sflag:s22] =	dma.local [hbm:s5], s20  }
0x9e: {  	_ =	swait.ge [sflag:s22], s20  }
0x9f: {  	s4 =	ssub.s32 $0x0, s20;
	[sflag:s22] =	ssyncset.done $0x0  }
0xa0: {  	[sflag:s22] =	ssyncadd.s32 s4;
	_ =	sdelay $0x1  }
0xa1: {  	s23 =	simm.s32 $0x1B8B  }
0xa2: {  	_ =	swait.ge [sflag:s23], $0x1  }
0xa3: {  	[sflag:s23] =	ssyncset.done $0x0  }
0xa4: {  	s25 =	simm.s32 $0x1B8E;
	s24 =	sld [smem:$0x3FFE];
	[sflag:s23] =	ssyncadd.s32 $0xFFFFFFFF  }
0xa5: {  	s26 =	simm.s32 $execute0_lowered;
	[smem:$0x3FD2] =	sst s25  }
0xa6: {  	s5 =	sshll.u32 s26, $0x1;
	_ =	strace $0x80000055;
	[dreg:$0x1] =	wrdreg $0xFFFFFFFF  }
0xa7: {  	s28 =	simm.s32 $_size_execute0_lowered;
	s3 =	sadd.s32 s3, s5;
	[dreg:$0x0] =	wrdreg $0x0  }
0xa8: {  	s5 =	sshll.u32 s28, $0x1;
	[dreg:$0x2] =	wrdreg s3  }
0xa9: {  	[dreg:$0x3] =	wrdreg s5  }
0xaa: {  	[dreg:$0x4] =	wrdreg $0xC0  }
0xab: {  	_ =	task [dreg:s7], $0x5FFFF  }
0xac: {  	[dreg:$0x1] =	wrdreg $0xFFFFFFFF  }
0xad: {  	[dreg:$0x0] =	wrdreg $0x60  }
0xae: {  	[dreg:$0x2] =	wrdreg s2  }
0xaf: {  	[dreg:$0x3] =	wrdreg s24  }
0xb0: {  	[dreg:$0x4] =	wrdreg $0x90000  }
0xb1: {  	[dreg:$0x5] =	wrdreg $0x9  }
0xb2: {  	_ =	task.clear_ibuf [dreg:s7], $0x6FFFF;
	_ =	strace $0x90000055  }
0xb3: {  	s29 =	simm.s32 $0x9;
	_ =	strace $0x80000057  }
0xb4: {  	_ =	swait.ge [sflag:s29], $0x1  }
0xb5: {  	[sflag:s29] =	ssyncadd.s32 $0xFFFFFFFF  }
0xb6: {  	_ =	strace $0x90000057  }
0xb7: {  	_ =	sfence  }
0xb8: {  	s30 =	sld [smem:$0x0];
	_ =	sdelay $0x2  }
0xb9: {  	s31 =	sshll.u32 s1, $0xD;
	s1 =	sshrl.u32 s1, $0x2  }
0xba: {  	s3 =	sand.u32 $0x4000, s31;
	s1 =	sadd.s32 s1, s30  }
0xbb: {  	s0 =	sor.u32 s3, s0;
	s1 =	sshll.u32 s1, $0x11  }
0xbc: {  	s0 =	sor.u32 s1, s0  }
0xbd: {  	s0 =	sadd.s32 $0x8F2B, s0  }
0xbe: {  	[sflag:s0] =	ssyncadd.remote.s32 $0x1  }
0xbf: {  	_ =	sfence.sel $0xFFFF  }
0xc0: {  	[dreg:$0x0] =	wrdreg $0xFFFFFFFF;
	(pc) =	sbr.abs _section_cstart, $3  }
0xc1: {  	[dreg:$0x1] =	wrdreg $0xFFFFFFFF  }
0xc2: {  	_ =	task.clear_ibuf [dreg:s7], $0x2FFFF;
	_ =	strace $0x9FFFFFFF  }
0xc3: {  	(tm) =	ssettm $0x7FFFFFFF  }
tec
execute0_lowered:
.L_overlay_start_1:
0x0: {  	(tag) =	ssettag $0x1  }
0x1: {  	s1 =	rddreg [dreg:$0x0]  }
0x2: {  	s6 =	rddreg [dreg:$0x1]  }
0x3: {  	s2 =	rddreg [dreg:$0x2]  }
0x4: {  	s0 =	rddreg [dreg:$0x3];
	s4 =	simm.s32 $0x0;
	s3 =	srdreg.scid  }
0x5: {  	s14 =	simm.s32 $0x1;
	s15 =	simm.s32 $0x80;
	s16 =	simm.s32 $0xE00  }
0x6: {  	s17 =	simm.s32 $0x0;
	s5 =	sand.u32 $0x1, s3;
	s3 =	stileid.u32  }
0x7: {  	[smem:$0x7FF] =	sst s4;
	s7 =	smul.u32 $0x9C000, s5;
	s8 =	sshll.u32 s3, $0x9  }
0x8: {  	s9 =	sshll.u32 s5, $0x8;
	s10 =	smul.u32 $0x9C00, s3;
	_ =	strace $0x80000056  }
0x9: {  	s28 =	ssub.s32 $0x2, s5;
	s11 =	smul.u32 $0x27000, s3;
	s5 =	sadd.s32 $0x22600, s6  }
0xa: {  	s31 =	sshll.u32 s3, $0x6;
	s8 =	sor.u32 s9, s8;
	s29 =	sshrl.u32 s28, $0x1  }
0xb: {  	s8 =	sadd.s32 s8, s6;
	s7 =	sadd.s32 s10, s7;
	s9 =	ssub.s32 s28, s29  }
0xc: {  	s30 =	sshrl.u32 s11, $0x2;
	s10 =	simm.s32 $0x2;
	s11 =	simm.s32 $0x1000  }
0xd: {  	s7 =	sshrl.u32 s7, $0x3;
	s13 =	sadd.s32 s30, s2;
	s9 =	smax.u32 s9, $0x1  }
0xe: {  	s12 =	sadd.s32 s7, s6;
	s6 =	sadd.s32 $0x1E600, s8;
	s7 =	sadd.s32 $0x17E00, s8  }
0xf: {  	s13 =	sshrl.u32 s13, $0x3;
	s8 =	sadd.s32 $0x24600, s12;
	s12 =	sor.u32 $0x1C02, s31  }
.LBB2_1:
0x10: {  	[tilespmem:s4], [sflag:$0x2] =	stream.linear.gather [hbm4b:s6+s4], $0x680, $0x38;
	[tilespmem:$0x12C00] =	vst v63  }
0x11: {  	_ =	swait.ge [sflag:s10], $0x680  }
0x12: {  	[sflag:s10] =	ssyncset.done $0x0  }
0x13: {  	[sflag:s10] =	ssyncadd.s32 $0xFFFFF980  }
0x14: {  	[tilespmem:s11], [sflag:$0x1] =	stream.indirect.gather [hbm4b:s1+s15], $0x80, s4, s15, $0xb8;
	[tilespmem:$0x12C00] =	vst v63  }
0x15: {  	s18 =	simm.s32 $0x800  }
0x16: {  	[tilespmem:s18], [sflag:$0x2] =	stream.linear.gather [hbm4b:s7+s4], $0x680, $0x38;
	[tilespmem:$0x12C00] =	vst v63  }
0x17: {  	_ =	swait.ge [sflag:s10], $0x680  }
0x18: {  	[sflag:s10] =	ssyncset.done $0x0  }
0x19: {  	[sflag:s10] =	ssyncadd.s32 $0xFFFFF980  }
0x1a: {  	[spmem:s13], [sflag:s12] =	dma.local [hbm:s5], $0x1380  }
0x1b: {  	_ =	swait.ge [sflag:s10], $0x1380  }
0x1c: {  	[sflag:s10] =	ssyncset.done $0x0  }
0x1d: {  	[sflag:s10] =	ssyncadd.s32 $0xFFFFEC80  }
0x1e: {  	[bflag:$0x0] =	sbarrier.arrive $0xFFFF  }
0x1f: {  	s19 =	simm.s32 $0x0;
	_ =	swait.ge [sflag:s14], $0x4000  }
0x20: {  	s19 =	sand.u32 $0x4000, s19;
	[sflag:s14] =	ssyncset.done $0x0  }
0x21: {  	s20 =	sxor.u32 $0x5000, s19;
	[sflag:s14] =	ssyncadd.s32 $0xFFFFC000  }
0x22: {  	[tilespmem:s20], [sflag:$0x1] =	stream.indirect.gather [hbm4b:s1+s15], $0x80, s15, s15, $0xb8;
	[tilespmem:$0x12C00] =	vst v63  }
0x23: {  	s19 =	sor.u32 $0x1000, s19  }
0x24: {  	[spmem:s2] =	stream.indirect.scatter.add.f32 [tilespmem:s19], [sflag:$0x2], $0x80, s18, s15, $0xb8;
	[tilespmem:$0x12C00] =	vst v63  }
0x25: {  	_ =	swait.ge [sflag:s10], $0x4000  }
0x26: {  	s20 =	simm.s32 $0x80;
	s19 =	simm.s32 $0x1;
	[sflag:s10] =	ssyncset.done $0x0  }
.LBB2_2:
0x27: {  	[sflag:s10] =	ssyncadd.s32 $0xFFFFC000  }
0x28: {  	s18 =	sadd.s32 $0x80, s18;
	s20 =	sadd.s32 $0x80, s20;
	s21 =	smov.u32 s19  }
0x29: {  	p0 =	sne.s32 s19, $0xB;
	s19 =	sadd.s32 $0x1, s19;
	_ =	swait.ge [sflag:s14], $0x4000  }
0x2a: {  	s21 =	sshll.u32 s21, $0xE;
	[sflag:s14] =	ssyncset.done $0x0  }
0x2b: {  	s21 =	sand.u32 $0x4000, s21;
	[sflag:s14] =	ssyncadd.s32 $0xFFFFC000  }
0x2c: {  	s22 =	sxor.u32 $0x5000, s21  }
0x2d: {  	[tilespmem:s22], [sflag:$0x1] =	stream.indirect.gather [hbm4b:s1+s15], $0x80, s20, s15, $0xb8;
	[tilespmem:$0x12C00] =	vst v63  }
.Ltmp0:
0x2e: {  	_ = 	snop;
	(pc) =	sbr.rel @p0 .LBB2_2-.Ltmp0, $4  }
0x2f: {  	s21 =	sor.u32 $0x1000, s21  }
0x30: {  	[spmem:s2] =	stream.indirect.scatter.add.f32 [tilespmem:s21], [sflag:$0x2], $0x80, s18, s15, $0xb8;
	[tilespmem:$0x12C00] =	vst v63  }
0x31: {  	_ =	swait.ge [sflag:s10], $0x4000  }
0x32: {  	[sflag:s10] =	ssyncset.done $0x0  }
0x33: {  	[sflag:s10] =	ssyncadd.s32 $0xFFFFC000  }
0x34: {  	_ =	swait.ge [sflag:s14], $0x4000  }
0x35: {  	[sflag:s14] =	ssyncset.done $0x0  }
0x36: {  	[sflag:s14] =	ssyncadd.s32 $0xFFFFC000  }
0x37: {  	[spmem:s2] =	stream.indirect.scatter.add.f32 [tilespmem:s11], [sflag:$0x2], $0x80, s16, s15, $0xb8;
	[tilespmem:$0x12C00] =	vst v63  }
0x38: {  	_ =	swait.ge [sflag:s10], $0x4000  }
0x39: {  	s17 =	sadd.s32 $0x1, s17;
	[sflag:s10] =	ssyncset.done $0x0  }
0x3a: {  	p0 =	sne.s32 s17, s9;
	[sflag:s10] =	ssyncadd.s32 $0xFFFFC000  }
.Ltmp1:
0x3b: {  	[bflag:$0x0] =	sbarrier.arrive $0xFFFF;
	(pc) =	sbr.rel @p0 .LBB2_1-.Ltmp1, $4  }
0x3c: {  	[hbm:s8], [sflag:s12] =	dma.local [spmem:s13], $0x1380  }
0x3d: {  	_ =	swait.ge [sflag:s10], $0x1380  }
0x3e: {  	[sflag:s10] =	ssyncset.done $0x0  }
0x3f: {  	[sflag:s10] =	ssyncadd.s32 $0xFFFFEC80  }
0x40: {  	_ =	sfence.sel $0x180000  }
0x41: {  	[bflag:$0x0] =	sbarrier.arrive $0xFFFF  }
0x42: {  	p0 =	sne.s32 s3, $0x0;
	_ =	strace $0x90000056  }
0x43: {  	s0 =	sadd.s32 @!p0 $0x100000, s0;
	[bflag:$0x2] =	sbarrier.arrive $0xFFFF  }
0x44: {  	[sflag:s0] =	ssyncadd.tile.s32 @!p0 $0x1;
	_ =	shalt  }
.Lfunc_end2:
_tile_overlayer_lowered:
.L_overlay_start_2:
0x45: {  	(tag) =	ssettag $0x2  }
0x46: {  	s0 =	rddreg [dreg:$0x0];
	s2 =	stileid.u32  }
0x47: {  	s1 =	rddreg [dreg:$0x1];
	p0 =	sne.s32 s2, $0x0  }
0x48: {  	s3 =	rddreg [dreg:$0x2];
	[bflag:$0x3] =	sbarrier.arrive $0xFFFF;
	s2 =	simm.s32 @!p0 $0x1C02  }
0x49: {  	[timem:s3], [sflag:s2] =	dma.local @!p0 [hbm:s0], s1  }
0x4a: {  	s0 =	simm.s32 @!p0 $0x2  }
0x4b: {  	_ =	swait.ge @!p0 [sflag:s0], s1  }
0x4c: {  	s1 =	ssub.s32 @!p0 $0x0, s1;
	[sflag:s0] =	ssyncset.done @!p0 $0x0  }
0x4d: {  	[sflag:s0] =	ssyncadd.s32 @!p0 s1  }
0x4e: {  	[bflag:$0x3] =	sbarrier.arrive $0xFFFF  }
0x4f: {  	_ =	shalt  }

// kernel: kernel.34.cloned.1.call-start
scs
__scs_entry_jumppad:
0x0: {  	(pc) =	sbr.rel $0x88, $3  }
0x1: {  	(tag) =	ssettag $0x0;
	lr =	simm.s32 $0x1  }
0x2: {  	[smem:$0x3F96] =	sst lr;
	_ =	strace $0xD0000000  }
0x3: {  	_ = 	snop  }
0x4: {  	_ = 	snop  }
0x5: {  	_ = 	snop  }
0x6: {  	_ = 	snop  }
0x7: {  	_ = 	snop  }
__scs_overlays_trampoline_lowered:
0x8: {  	[smem:$0x3FA5] =	sst s0  }
0x9: {  	[smem:$0x3FA6] =	sst s1  }
0xa: {  	[smem:$0x3FA7] =	sst s2  }
0xb: {  	[smem:$0x3FA8] =	sst s3  }
0xc: {  	[smem:$0x3FA9] =	sst s4  }
0xd: {  	[smem:$0x3FAA] =	sst s5  }
0xe: {  	[smem:$0x3FAB] =	sst s6  }
0xf: {  	[smem:$0x3FAC] =	sst s7  }
0x10: {  	[smem:$0x3FAD] =	sst s8  }
0x11: {  	[smem:$0x3FAE] =	sst s9;
	s0 =	simm.s32 @!p0 $0x0  }
0x12: {  	s1 =	sld [smem:$0x3F94];
	s0 =	simm.s32 @p0 $0x1  }
0x13: {  	[smem:$0x3FAF] =	sst s0;
	s0 =	simm.s32 @!p1 $0x0  }
0x14: {  	s2 =	sld [smem:$0x3F93];
	s0 =	simm.s32 @p1 $0x1  }
0x15: {  	[smem:$0x3FB0] =	sst s0;
	s0 =	simm.s32 @!p2 $0x0  }
0x16: {  	s3 =	sld [smem:$0x3FDB];
	s0 =	simm.s32 @p2 $0x1  }
0x17: {  	s4 =	simm.s32 $0x1BF5;
	[smem:$0x3FB2] =	sst s0  }
0x18: {  	s0 =	sld [smem:$0x3F95];
	_ =	swait.ge [sflag:s4], $0x0  }
0x19: {  	s7 =	sld [smem:$0x3F96]  }
0x1a: {  	s8 =	sadd.s32 $0xFFFFE003, lr  }
0x1b: {  	s9 =	sadd.s32 $0xFFFFFEF7, lr;
	s5 =	simm.s32 $0xFFFFFFFF;
	p2 =	slt.u32 s8, $0xFFFFF086  }
0x1c: {  	p1 =	slt.u32 s9, $0xF7A;
	s5 =	simm.s32 @!p2 $0x0  }
0x1d: {  	s5 =	simm.s32 @p1 $0x1;
	p0 =	seq.s32 s7, s2  }
0x1e: {  	s7 =	smul.u32 @!p0 $0xF7A, s2;
	p2 =	seq.s32 @!p0 s5, $0x0  }
0x1f: {  	s9 =	smul.u32 $0xF7A, s1;
	s8 =	simm.s32 @!p0 $0x1BF5;
	p2 =	por !p2, p0  }
0x20: {  	[sflag:s8] =	ssyncset.s32 @!p0 $0xFFFFF086;
	s6 =	sadd.s32 @!p0 s3, s7;
	s7 =	simm.s32 @!p0 $0x108  }
0x21: {  	s3 =	sadd.s32 s3, s9;
	s6 =	sadd.s32 @!p0 $0x88, s6;
	s7 =	simm.s32 @p2 $0x1082  }
0x22: {  	[simem:s7], [sflag:s8] =	dma.local @!p0 [hbm:s6], $0xF7A  }
0x23: {  	s9 =	sor.u32 $0xD0000000, s2;
	s6 =	simm.s32 $0x108;
	_ =	swait.ge @!p0 [sflag:s8], $0x0  }
0x24: {  	s3 =	sadd.s32 $0x88, s3;
	s6 =	simm.s32 @!p1 $0x1082;
	[sflag:s4] =	ssyncset.s32 $0xFFFFF086  }
0x25: {  	[simem:s6], [sflag:s4] =	dma.local [hbm:s3], $0xF7A  }
0x26: {  	[smem:$0x3F96] =	sst s1;
	(tag) =	ssettag s2;
	_ =	strace s9  }
0x27: {  	s1 =	sld [smem:$0x3FA6]  }
0x28: {  	s2 =	sld [smem:$0x3FA7]  }
0x29: {  	s4 =	sld [smem:$0x3FA9]  }
0x2a: {  	p0 =	seq.s32 s5, $0x0;
	s5 =	sld [smem:$0x3FAA]  }
0x2b: {  	s6 =	sld [smem:$0x3FAB]  }
0x2c: {  	s7 =	sld [smem:$0x3FAC]  }
0x2d: {  	s3 =	simm.s32 $0x108;
	s8 =	sld [smem:$0x3FAD]  }
0x2e: {  	s3 =	simm.s32 @!p0 $0x1082;
	s9 =	sld [smem:$0x3FAE]  }
0x2f: {  	lr =	sadd.s32 s0, s3;
	s0 =	sld [smem:$0x3FA5]  }
0x30: {  	s3 =	sld [smem:$0x3FA8]  }
0x31: {  	[smem:$0x3FB1] =	sst s10  }
0x32: {  	s10 =	sld [smem:$0x3FAF];
	_ =	sdelay $0x3  }
0x33: {  	p0 =	seq.s32 s10, $0x1;
	s10 =	sld [smem:$0x3FB1];
	_ =	sdelay $0x3  }
0x34: {  	[smem:$0x3FB1] =	sst s10  }
0x35: {  	s10 =	sld [smem:$0x3FB0];
	_ =	sdelay $0x3  }
0x36: {  	p1 =	seq.s32 s10, $0x1;
	s10 =	sld [smem:$0x3FB1];
	_ =	sdelay $0x3  }
0x37: {  	[smem:$0x3FB1] =	sst s10  }
0x38: {  	s10 =	sld [smem:$0x3FB2]  }
0x39: {  	_ = 	snop;
	(pc) =	sbr.ind lr, $3  }
0x3a: {  	_ = 	snop  }
0x3b: {  	_ = 	snop  }
0x3c: {  	p2 =	seq.s32 s10, $0x1;
	s10 =	sld [smem:$0x3FB1]  }
0x3d: {  	_ =	shalt  }
0x3e: {  	_ =	shalt  }
0x3f: {  	_ =	shalt  }
0x40: {  	_ =	shalt  }
0x41: {  	_ =	shalt  }
0x42: {  	_ =	shalt  }
0x43: {  	_ =	shalt  }
0x44: {  	_ =	shalt  }
0x45: {  	_ =	shalt  }
0x46: {  	_ =	shalt  }
0x47: {  	_ =	shalt  }
0x48: {  	_ =	shalt  }
0x49: {  	_ =	shalt  }
0x4a: {  	_ =	shalt  }
0x4b: {  	_ =	shalt  }
0x4c: {  	_ =	shalt  }
0x4d: {  	_ =	shalt  }
0x4e: {  	_ =	shalt  }
0x4f: {  	_ =	shalt  }
0x50: {  	_ =	shalt  }
0x51: {  	_ =	shalt  }
0x52: {  	_ =	shalt  }
0x53: {  	_ =	shalt  }
0x54: {  	_ =	shalt  }
0x55: {  	_ =	shalt  }
0x56: {  	_ =	shalt  }
0x57: {  	_ =	shalt  }
0x58: {  	_ =	shalt  }
0x59: {  	_ =	shalt  }
0x5a: {  	_ =	shalt  }
0x5b: {  	_ =	shalt  }
0x5c: {  	_ =	shalt  }
0x5d: {  	_ =	shalt  }
0x5e: {  	_ =	shalt  }
0x5f: {  	_ =	shalt  }
0x60: {  	_ =	shalt  }
0x61: {  	_ =	shalt  }
0x62: {  	_ =	shalt  }
0x63: {  	_ =	shalt  }
0x64: {  	_ =	shalt  }
0x65: {  	_ =	shalt  }
0x66: {  	_ =	shalt  }
0x67: {  	_ =	shalt  }
0x68: {  	_ =	shalt  }
0x69: {  	_ =	shalt  }
0x6a: {  	_ =	shalt  }
0x6b: {  	_ =	shalt  }
0x6c: {  	_ =	shalt  }
0x6d: {  	_ =	shalt  }
0x6e: {  	_ =	shalt  }
0x6f: {  	_ =	shalt  }
0x70: {  	_ =	shalt  }
0x71: {  	_ =	shalt  }
0x72: {  	_ =	shalt  }
0x73: {  	_ =	shalt  }
0x74: {  	_ =	shalt  }
0x75: {  	_ =	shalt  }
0x76: {  	_ =	shalt  }
0x77: {  	_ =	shalt  }
0x78: {  	_ =	shalt  }
0x79: {  	_ =	shalt  }
0x7a: {  	_ =	shalt  }
0x7b: {  	_ =	shalt  }
0x7c: {  	_ =	shalt  }
0x7d: {  	_ =	shalt  }
0x7e: {  	_ =	shalt  }
0x7f: {  	_ =	shalt  }
0x80: {  	_ =	shalt  }
0x81: {  	_ =	shalt  }
0x82: {  	_ =	shalt  }
0x83: {  	_ =	shalt  }
0x84: {  	_ =	shalt  }
0x85: {  	_ =	shalt  }
0x86: {  	_ =	shalt  }
0x87: {  	_ =	shalt  }
.Lfunc_end0:
.L_simem_size_0:
called_computation.6_lowered:
.L_overlay_start_0:
0x88: {  	s2 =	sld [smem:$0x3FD9]  }
0x89: {  	s3 =	sld [smem:$0x3FFE];
	_ =	sdelay $0x1  }
0x8a: {  	s1 =	srdreg.scid  }
0x8b: {  	s0 =	sand.u32 $0x1, s1  }
0x8c: {  	s17 =	sshll.u32 s0, $0xA;
	s2 =	sadd.s32 s3, s2  }
0x8d: {  	s2 =	sadd.s32 s2, s17  }
0x8e: {  	[smem:$0x3FBD] =	sst s2  }
0x8f: {  	_ = 	snop  }
0x90: {  	s2 =	sld [smem:$0x3FD0];
	(tm) =	ssettm $0x1  }
0x91: {  	s18 =	sld [smem:$0x3FFB];
	_ =	sdelay $0x3  }
0x92: {  	_ =	strace s18  }
0x93: {  	s3 =	sld [smem:$0x3FFC];
	_ =	sdelay $0x3  }
0x94: {  	_ =	strace s3  }
0x95: {  	s3 =	sld [smem:$0x3FFD];
	_ =	sdelay $0x3  }
0x96: {  	_ =	strace s3  }
0x97: {  	_ =	strace $0x8FFFFFFF  }
0x98: {  	s19 =	sld [smem:$0x3FDB];
	_ =	sdelay $0x1  }
0x99: {  	s4 =	simm.s32 $_scs_section_size  }
0x9a: {  	s5 =	simm.s32 $_size__tile_overlayer_lowered;
	s6 =	simm.s32 $_tile_overlayer_lowered  }
0x9b: {  	s22 =	simm.s32 $0x1BFF;
	s21 =	sshll.u32 s6, $0x1;
	s3 =	sadd.s32 s4, s19  }
0x9c: {  	s7 =	simm.s32 $0x0;
	s20 =	sshll.u32 s5, $0x1;
	s5 =	sadd.s32 s21, s3  }
0x9d: {  	[timem:s7], [sflag:s22] =	dma.local [hbm:s5], s20  }
0x9e: {  	_ =	swait.ge [sflag:s22], s20  }
0x9f: {  	s4 =	ssub.s32 $0x0, s20;
	[sflag:s22] =	ssyncset.done $0x0  }
0xa0: {  	[sflag:s22] =	ssyncadd.s32 s4;
	_ =	sdelay $0x1  }
0xa1: {  	s23 =	simm.s32 $0x1B8B  }
0xa2: {  	_ =	swait.ge [sflag:s23], $0x1  }
0xa3: {  	[sflag:s23] =	ssyncset.done $0x0  }
0xa4: {  	s25 =	simm.s32 $0x1B8E;
	s24 =	sld [smem:$0x3FFE];
	[sflag:s23] =	ssyncadd.s32 $0xFFFFFFFF  }
0xa5: {  	s26 =	simm.s32 $execute0_lowered;
	[smem:$0x3FD2] =	sst s25  }
0xa6: {  	s5 =	sshll.u32 s26, $0x1;
	_ =	strace $0x80000058;
	[dreg:$0x1] =	wrdreg $0xFFFFFFFF  }
0xa7: {  	s28 =	simm.s32 $_size_execute0_lowered;
	s3 =	sadd.s32 s3, s5;
	[dreg:$0x0] =	wrdreg $0x0  }
0xa8: {  	s5 =	sshll.u32 s28, $0x1;
	[dreg:$0x2] =	wrdreg s3  }
0xa9: {  	[dreg:$0x3] =	wrdreg s5  }
0xaa: {  	[dreg:$0x4] =	wrdreg $0xC0  }
0xab: {  	_ =	task [dreg:s7], $0x5FFFF  }
0xac: {  	[dreg:$0x1] =	wrdreg $0xFFFFFFFF  }
0xad: {  	[dreg:$0x0] =	wrdreg $0x60  }
0xae: {  	[dreg:$0x2] =	wrdreg s2  }
0xaf: {  	[dreg:$0x3] =	wrdreg s24  }
0xb0: {  	[dreg:$0x4] =	wrdreg $0x88000  }
0xb1: {  	[dreg:$0x5] =	wrdreg $0x9  }
0xb2: {  	_ =	task.clear_ibuf [dreg:s7], $0x6FFFF;
	_ =	strace $0x90000058  }
0xb3: {  	s29 =	simm.s32 $0x9;
	_ =	strace $0x8000005A  }
0xb4: {  	_ =	swait.ge [sflag:s29], $0x1  }
0xb5: {  	[sflag:s29] =	ssyncadd.s32 $0xFFFFFFFF  }
0xb6: {  	_ =	strace $0x9000005A  }
0xb7: {  	_ =	sfence  }
0xb8: {  	s30 =	sld [smem:$0x0];
	_ =	sdelay $0x2  }
0xb9: {  	s31 =	sshll.u32 s1, $0xD;
	s1 =	sshrl.u32 s1, $0x2  }
0xba: {  	s3 =	sand.u32 $0x4000, s31;
	s1 =	sadd.s32 s1, s30  }
0xbb: {  	s0 =	sor.u32 s3, s0;
	s1 =	sshll.u32 s1, $0x11  }
0xbc: {  	s0 =	sor.u32 s1, s0  }
0xbd: {  	s0 =	sadd.s32 $0x8F2B, s0  }
0xbe: {  	[sflag:s0] =	ssyncadd.remote.s32 $0x1  }
0xbf: {  	_ =	sfence.sel $0xFFFF  }
0xc0: {  	[dreg:$0x0] =	wrdreg $0xFFFFFFFF;
	(pc) =	sbr.abs _section_cstart, $3  }
0xc1: {  	[dreg:$0x1] =	wrdreg $0xFFFFFFFF  }
0xc2: {  	_ =	task.clear_ibuf [dreg:s7], $0x2FFFF;
	_ =	strace $0x9FFFFFFF  }
0xc3: {  	(tm) =	ssettm $0x7FFFFFFF  }
tec
execute0_lowered:
.L_overlay_start_1:
0x0: {  	(tag) =	ssettag $0x1  }
0x1: {  	s1 =	rddreg [dreg:$0x0];
	s2 =	srdreg.scid  }
0x2: {  	s23 =	rddreg [dreg:$0x1];
	s0 =	stileid.u32;
	s24 =	sand.u32 $0x1, s2  }
0x3: {  	s3 =	rddreg [dreg:$0x2];
	s5 =	sshll.u32 s0, $0x8;
	s6 =	sshll.u32 s24, $0x7  }
0x4: {  	s4 =	simm.s32 $0x0;
	s2 =	rddreg [dreg:$0x3];
	s5 =	sor.u32 s6, s5  }
0x5: {  	[smem:$0x7FF] =	sst s4;
	s9 =	sadd.s32 s5, s23  }
0x6: {  	_ =	strace $0x80000059;
	s5 =	simm.s32 $0x2;
	s6 =	sadd.s32 $0x20600, s9  }
0x7: {  	[tilespmem:s4], [sflag:$0x2] =	stream.linear.gather [hbm4b:s6+s4], $0x280, $0x38;
	[tilespmem:$0x15800] =	vst v63  }
0x8: {  	_ =	swait.ge [sflag:s5], $0x280  }
0x9: {  	[sflag:s5] =	ssyncset.done $0x0  }
0xa: {  	s7 =	simm.s32 $0x80;
	s8 =	simm.s32 $0x800;
	[sflag:s5] =	ssyncadd.s32 $0xFFFFFD80  }
0xb: {  	[tilespmem:s8], [sflag:$0x1] =	stream.indirect.gather [hbm4b:s1+s7], $0x80, s4, s7, $0xb8;
	[tilespmem:$0x15800] =	vst v63  }
0xc: {  	s10 =	simm.s32 $0x400;
	s12 =	smul.u32 $0x34000, s0;
	s9 =	sadd.s32 $0x21600, s9  }
0xd: {  	[tilespmem:s10], [sflag:$0x2] =	stream.linear.gather [hbm4b:s9+s4], $0x280, $0x38;
	[tilespmem:$0x15800] =	vst v63  }
0xe: {  	s11 =	sadd.s32 $0x22600, s23;
	s12 =	sshrl.u32 s12, $0x2;
	_ =	swait.ge [sflag:s5], $0x280  }
0xf: {  	s30 =	sshll.u32 s0, $0x6;
	s13 =	sadd.s32 s12, s3;
	[sflag:s5] =	ssyncset.done $0x0  }
0x10: {  	s12 =	sor.u32 $0x1C02, s30;
	s13 =	sshrl.u32 s13, $0x3;
	[sflag:s5] =	ssyncadd.s32 $0xFFFFFD80  }
0x11: {  	[spmem:s13], [sflag:s12] =	dma.local [hbm:s11], $0x1A00  }
0x12: {  	_ =	swait.ge [sflag:s5], $0x1A00  }
0x13: {  	[sflag:s5] =	ssyncset.done $0x0  }
0x14: {  	[sflag:s5] =	ssyncadd.s32 $0xFFFFE600  }
0x15: {  	s14 =	simm.s32 $0x1;
	[bflag:$0x0] =	sbarrier.arrive $0xFFFF  }
0x16: {  	_ =	swait.ge [sflag:s14], $0x4000  }
0x17: {  	[sflag:s14] =	ssyncset.done $0x0  }
0x18: {  	s15 =	simm.s32 $0x4800;
	[sflag:s14] =	ssyncadd.s32 $0xFFFFC000  }
0x19: {  	[tilespmem:s15], [sflag:$0x1] =	stream.indirect.gather [hbm4b:s1+s7], $0x80, s7, s7, $0xb8;
	[tilespmem:$0x15800] =	vst v63  }
0x1a: {  	_ = 	snop  }
0x1b: {  	[spmem:s3] =	stream.indirect.scatter.add.f32 [tilespmem:s8], [sflag:$0x2], $0x80, s10, s7, $0xb8;
	[tilespmem:$0x15800] =	vst v63  }
0x1c: {  	_ =	swait.ge [sflag:s5], $0x4000  }
0x1d: {  	[sflag:s5] =	ssyncset.done $0x0  }
0x1e: {  	[sflag:s5] =	ssyncadd.s32 $0xFFFFC000  }
0x1f: {  	_ =	swait.ge [sflag:s14], $0x4000  }
0x20: {  	[sflag:s14] =	ssyncset.done $0x0  }
0x21: {  	s16 =	simm.s32 $0x100;
	[sflag:s14] =	ssyncadd.s32 $0xFFFFC000  }
0x22: {  	[tilespmem:s8], [sflag:$0x1] =	stream.indirect.gather [hbm4b:s1+s7], $0x80, s16, s7, $0xb8;
	[tilespmem:$0x15800] =	vst v63  }
0x23: {  	s17 =	simm.s32 $0x480  }
0x24: {  	[spmem:s3] =	stream.indirect.scatter.add.f32 [tilespmem:s15], [sflag:$0x2], $0x80, s17, s7, $0xb8;
	[tilespmem:$0x15800] =	vst v63  }
0x25: {  	_ =	swait.ge [sflag:s5], $0x4000  }
0x26: {  	[sflag:s5] =	ssyncset.done $0x0  }
0x27: {  	[sflag:s5] =	ssyncadd.s32 $0xFFFFC000  }
0x28: {  	_ =	swait.ge [sflag:s14], $0x4000  }
0x29: {  	[sflag:s14] =	ssyncset.done $0x0  }
0x2a: {  	s18 =	simm.s32 $0x180;
	[sflag:s14] =	ssyncadd.s32 $0xFFFFC000  }
0x2b: {  	[tilespmem:s15], [sflag:$0x1] =	stream.indirect.gather [hbm4b:s1+s7], $0x80, s18, s7, $0xb8;
	[tilespmem:$0x15800] =	vst v63  }
0x2c: {  	s19 =	simm.s32 $0x500  }
0x2d: {  	[spmem:s3] =	stream.indirect.scatter.add.f32 [tilespmem:s8], [sflag:$0x2], $0x80, s19, s7, $0xb8;
	[tilespmem:$0x15800] =	vst v63  }
0x2e: {  	_ =	swait.ge [sflag:s5], $0x4000  }
0x2f: {  	[sflag:s5] =	ssyncset.done $0x0  }
0x30: {  	[sflag:s5] =	ssyncadd.s32 $0xFFFFC000  }
0x31: {  	_ =	swait.ge [sflag:s14], $0x4000  }
0x32: {  	[sflag:s14] =	ssyncset.done $0x0  }
0x33: {  	s20 =	simm.s32 $0x200;
	[sflag:s14] =	ssyncadd.s32 $0xFFFFC000  }
0x34: {  	[tilespmem:s8], [sflag:$0x1] =	stream.indirect.gather [hbm4b:s1+s7], $0x80, s20, s7, $0xb8;
	[tilespmem:$0x15800] =	vst v63  }
0x35: {  	s21 =	simm.s32 $0x580  }
0x36: {  	[spmem:s3] =	stream.indirect.scatter.add.f32 [tilespmem:s15], [sflag:$0x2], $0x80, s21, s7, $0xb8;
	[tilespmem:$0x15800] =	vst v63  }
0x37: {  	_ =	swait.ge [sflag:s5], $0x4000  }
0x38: {  	[sflag:s5] =	ssyncset.done $0x0  }
0x39: {  	[sflag:s5] =	ssyncadd.s32 $0xFFFFC000  }
0x3a: {  	s25 =	smul.u32 $0xD0000, s24;
	s24 =	ssub.s32 $0x2, s24;
	_ =	swait.ge [sflag:s14], $0x4000  }
0x3b: {  	s22 =	simm.s32 $0x600;
	s31 =	sshrl.u32 s24, $0x1;
	[sflag:s14] =	ssyncset.done $0x0  }
0x3c: {  	s26 =	smul.u32 $0xD000, s0;
	s24 =	ssub.s32 s24, s31;
	[sflag:s14] =	ssyncadd.s32 $0xFFFFC000  }
0x3d: {  	[spmem:s3] =	stream.indirect.scatter.add.f32 [tilespmem:s8], [sflag:$0x2], $0x80, s22, s7, $0xb8;
	[tilespmem:$0x15800] =	vst v63  }
0x3e: {  	s25 =	sadd.s32 s26, s25;
	s24 =	smax.u32 s24, $0x1;
	_ =	swait.ge [sflag:s5], $0x4000  }
0x3f: {  	s25 =	sshrl.u32 s25, $0x3;
	p0 =	sne.s32 s24, $0x1;
	[sflag:s5] =	ssyncset.done $0x0  }
.Ltmp0:
0x40: {  	s23 =	sadd.s32 s25, s23;
	[sflag:s5] =	ssyncadd.s32 $0xFFFFC000;
	(pc) =	sbr.rel @!p0 .LBB2_2-.Ltmp0, $4  }
0x41: {  	s23 =	sadd.s32 $0x24600, s23;
	[bflag:$0x0] =	sbarrier.arrive $0xFFFF  }
0x42: {  	[hbm:s23], [sflag:s12] =	dma.local [spmem:s13], $0x1A00  }
0x43: {  	_ =	swait.ge [sflag:s5], $0x1A00  }
0x44: {  	s24 =	sadd.s32 $0xFFFFFFFF, s24;
	[sflag:s5] =	ssyncset.done $0x0  }
.LBB2_1:
0x45: {  	p0 =	sne.s32 s24, $0x1;
	s24 =	sadd.s32 $0xFFFFFFFF, s24;
	[sflag:s5] =	ssyncadd.s32 $0xFFFFE600  }
0x46: {  	[tilespmem:s4], [sflag:$0x2] =	stream.linear.gather [hbm4b:s6+s4], $0x280, $0x38;
	[tilespmem:$0x15800] =	vst v63  }
0x47: {  	_ =	swait.ge [sflag:s5], $0x280  }
0x48: {  	[sflag:s5] =	ssyncset.done $0x0  }
0x49: {  	[sflag:s5] =	ssyncadd.s32 $0xFFFFFD80  }
0x4a: {  	[tilespmem:s8], [sflag:$0x1] =	stream.indirect.gather [hbm4b:s1+s7], $0x80, s4, s7, $0xb8;
	[tilespmem:$0x15800] =	vst v63  }
0x4b: {  	_ = 	snop  }
0x4c: {  	[tilespmem:s10], [sflag:$0x2] =	stream.linear.gather [hbm4b:s9+s4], $0x280, $0x38;
	[tilespmem:$0x15800] =	vst v63  }
0x4d: {  	_ =	swait.ge [sflag:s5], $0x280  }
0x4e: {  	[sflag:s5] =	ssyncset.done $0x0  }
0x4f: {  	[sflag:s5] =	ssyncadd.s32 $0xFFFFFD80  }
0x50: {  	[spmem:s13], [sflag:s12] =	dma.local [hbm:s11], $0x1A00  }
0x51: {  	_ =	swait.ge [sflag:s5], $0x1A00  }
0x52: {  	[sflag:s5] =	ssyncset.done $0x0  }
0x53: {  	[sflag:s5] =	ssyncadd.s32 $0xFFFFE600  }
0x54: {  	[bflag:$0x0] =	sbarrier.arrive $0xFFFF  }
0x55: {  	_ =	swait.ge [sflag:s14], $0x4000  }
0x56: {  	[sflag:s14] =	ssyncset.done $0x0  }
0x57: {  	[sflag:s14] =	ssyncadd.s32 $0xFFFFC000  }
0x58: {  	[tilespmem:s15], [sflag:$0x1] =	stream.indirect.gather [hbm4b:s1+s7], $0x80, s7, s7, $0xb8;
	[tilespmem:$0x15800] =	vst v63  }
0x59: {  	_ = 	snop  }
0x5a: {  	[spmem:s3] =	stream.indirect.scatter.add.f32 [tilespmem:s8], [sflag:$0x2], $0x80, s10, s7, $0xb8;
	[tilespmem:$0x15800] =	vst v63  }
0x5b: {  	_ =	swait.ge [sflag:s5], $0x4000  }
0x5c: {  	[sflag:s5] =	ssyncset.done $0x0  }
0x5d: {  	[sflag:s5] =	ssyncadd.s32 $0xFFFFC000  }
0x5e: {  	_ =	swait.ge [sflag:s14], $0x4000  }
0x5f: {  	[sflag:s14] =	ssyncset.done $0x0  }
0x60: {  	[sflag:s14] =	ssyncadd.s32 $0xFFFFC000  }
0x61: {  	[tilespmem:s8], [sflag:$0x1] =	stream.indirect.gather [hbm4b:s1+s7], $0x80, s16, s7, $0xb8;
	[tilespmem:$0x15800] =	vst v63  }
0x62: {  	_ = 	snop  }
0x63: {  	[spmem:s3] =	stream.indirect.scatter.add.f32 [tilespmem:s15], [sflag:$0x2], $0x80, s17, s7, $0xb8;
	[tilespmem:$0x15800] =	vst v63  }
0x64: {  	_ =	swait.ge [sflag:s5], $0x4000  }
0x65: {  	[sflag:s5] =	ssyncset.done $0x0  }
0x66: {  	[sflag:s5] =	ssyncadd.s32 $0xFFFFC000  }
0x67: {  	_ =	swait.ge [sflag:s14], $0x4000  }
0x68: {  	[sflag:s14] =	ssyncset.done $0x0  }
0x69: {  	[sflag:s14] =	ssyncadd.s32 $0xFFFFC000  }
0x6a: {  	[tilespmem:s15], [sflag:$0x1] =	stream.indirect.gather [hbm4b:s1+s7], $0x80, s18, s7, $0xb8;
	[tilespmem:$0x15800] =	vst v63  }
0x6b: {  	_ = 	snop  }
0x6c: {  	[spmem:s3] =	stream.indirect.scatter.add.f32 [tilespmem:s8], [sflag:$0x2], $0x80, s19, s7, $0xb8;
	[tilespmem:$0x15800] =	vst v63  }
0x6d: {  	_ =	swait.ge [sflag:s5], $0x4000  }
0x6e: {  	[sflag:s5] =	ssyncset.done $0x0  }
0x6f: {  	[sflag:s5] =	ssyncadd.s32 $0xFFFFC000  }
0x70: {  	_ =	swait.ge [sflag:s14], $0x4000  }
0x71: {  	[sflag:s14] =	ssyncset.done $0x0  }
0x72: {  	[sflag:s14] =	ssyncadd.s32 $0xFFFFC000  }
0x73: {  	[tilespmem:s8], [sflag:$0x1] =	stream.indirect.gather [hbm4b:s1+s7], $0x80, s20, s7, $0xb8;
	[tilespmem:$0x15800] =	vst v63  }
0x74: {  	_ = 	snop  }
0x75: {  	[spmem:s3] =	stream.indirect.scatter.add.f32 [tilespmem:s15], [sflag:$0x2], $0x80, s21, s7, $0xb8;
	[tilespmem:$0x15800] =	vst v63  }
0x76: {  	_ =	swait.ge [sflag:s5], $0x4000  }
0x77: {  	[sflag:s5] =	ssyncset.done $0x0  }
0x78: {  	[sflag:s5] =	ssyncadd.s32 $0xFFFFC000  }
0x79: {  	_ =	swait.ge [sflag:s14], $0x4000  }
0x7a: {  	[sflag:s14] =	ssyncset.done $0x0  }
0x7b: {  	[sflag:s14] =	ssyncadd.s32 $0xFFFFC000  }
0x7c: {  	[spmem:s3] =	stream.indirect.scatter.add.f32 [tilespmem:s8], [sflag:$0x2], $0x80, s22, s7, $0xb8;
	[tilespmem:$0x15800] =	vst v63  }
0x7d: {  	_ =	swait.ge [sflag:s5], $0x4000  }
0x7e: {  	[sflag:s5] =	ssyncset.done $0x0  }
.Ltmp1:
0x7f: {  	[sflag:s5] =	ssyncadd.s32 $0xFFFFC000;
	(pc) =	sbr.rel @p0 .LBB2_1-.Ltmp1, $4  }
0x80: {  	[bflag:$0x0] =	sbarrier.arrive $0xFFFF  }
0x81: {  	[hbm:s23], [sflag:s12] =	dma.local [spmem:s13], $0x1A00  }
0x82: {  	_ =	swait.ge [sflag:s5], $0x1A00  }
0x83: {  	[sflag:s5] =	ssyncset.done $0x0  }
.LBB2_2:
0x84: {  	[sflag:s5] =	ssyncadd.s32 $0xFFFFE600  }
0x85: {  	_ =	sfence.sel $0x180000  }
0x86: {  	[bflag:$0x0] =	sbarrier.arrive $0xFFFF  }
0x87: {  	p0 =	sne.s32 s0, $0x0;
	_ =	strace $0x90000059  }
0x88: {  	s0 =	sadd.s32 @!p0 $0x100000, s2;
	[bflag:$0x2] =	sbarrier.arrive $0xFFFF  }
0x89: {  	[sflag:s0] =	ssyncadd.tile.s32 @!p0 $0x1;
	_ =	shalt  }
.Lfunc_end2:
_tile_overlayer_lowered:
.L_overlay_start_2:
0x8a: {  	(tag) =	ssettag $0x2  }
0x8b: {  	s0 =	rddreg [dreg:$0x0];
	s2 =	stileid.u32  }
0x8c: {  	s1 =	rddreg [dreg:$0x1];
	p0 =	sne.s32 s2, $0x0  }
0x8d: {  	s3 =	rddreg [dreg:$0x2];
	[bflag:$0x3] =	sbarrier.arrive $0xFFFF;
	s2 =	simm.s32 @!p0 $0x1C02  }
0x8e: {  	[timem:s3], [sflag:s2] =	dma.local @!p0 [hbm:s0], s1  }
0x8f: {  	s0 =	simm.s32 @!p0 $0x2  }
0x90: {  	_ =	swait.ge @!p0 [sflag:s0], s1  }
0x91: {  	s1 =	ssub.s32 @!p0 $0x0, s1;
	[sflag:s0] =	ssyncset.done @!p0 $0x0  }
0x92: {  	[sflag:s0] =	ssyncadd.s32 @!p0 s1  }
0x93: {  	[bflag:$0x3] =	sbarrier.arrive $0xFFFF  }
0x94: {  	_ =	shalt  }

</sc_bundles>
